<compile_context>
chip_gen: v7x
topology: tpu7x:2x2x1
jax: 0.10.2.dev20260603
libtpu: 0.0.44.dev20260713+nightly
codegen_flags: <defaults>
</compile_context>

<pallas_src>
import jax
import jax.numpy as jnp
from jax import lax
from jax.experimental import pallas as pl
from jax.experimental.pallas import tpu as pltpu
from jax.experimental.pallas import tpu_sc as plsc

_NC = 2
_NS = 16
_NW = _NC * _NS

_C = 100
_G = 20

_SC_PARAMS = pltpu.CompilerParams(use_tc_tiling_on_sc=False)


def _scatter_pipeline(edges, wid, n_chunks, idx_bufs, do_chunk, drain):
  n_groups = n_chunks // _G

  def group(g, carry):
    for ref, plane in idx_bufs:
      pltpu.sync_copy(edges.at[plane, wid, pl.ds(g * _G, _G)], ref)
    do_chunk(g)
    drain()
    return carry

  lax.fori_loop(0, n_groups, group, 0)


def _seg_sum_sc(d_model, n_nodes, n_chunks, nbuf):
  rpt = n_nodes // _NS
  mesh = plsc.VectorSubcoreMesh(core_axis_name="c", subcore_axis_name="s")

  scratch = [
      pltpu.VMEM_SHARED((n_nodes, d_model), jnp.float32),
      pltpu.VMEM((_G, _C), jnp.int32),
      pltpu.VMEM((_G, _C), jnp.int32),
  ]
  scratch += [pltpu.VMEM((_C, d_model), jnp.float32) for _ in range(nbuf)]
  scratch += [pltpu.SemaphoreType.DMA for _ in range(2 * nbuf)]

  def body(y, edges, zrow, seg_out, acc, src_v, dst_v, *bufs):
    rows = bufs[:nbuf]
    gsem = bufs[nbuf:2 * nbuf]
    ssem = bufs[2 * nbuf:]
    cid = lax.axis_index("c")
    sid = lax.axis_index("s")
    wid = sid * _NC + cid

    pltpu.sync_copy(zrow, acc.at[pl.ds(sid * rpt, rpt)])
    plsc.subcore_barrier()

    gath = [None] * nbuf
    scat = [None] * nbuf

    def do_chunk(g):
      del g
      for q in range(min(nbuf - 1, _G)):
        gath[q] = pltpu.async_copy(y.at[src_v.at[q]], rows[q], gsem[q])
      for j in range(_G):
        p = j % nbuf
        k = j + nbuf - 1
        if k < _G:
          q = k % nbuf
          if scat[q] is not None:
            scat[q].wait()
            scat[q] = None
          gath[q] = pltpu.async_copy(y.at[src_v.at[k]], rows[q], gsem[q])
        gath[p].wait()
        scat[p] = pltpu.make_async_copy(rows[p], acc.at[dst_v.at[j]],
                                        ssem[p])
        scat[p].start(add=True)

    def drain():
      for q in range(nbuf):
        if scat[q] is not None:
          scat[q].wait()
          scat[q] = None

    _scatter_pipeline(edges, wid, n_chunks,
                      [(src_v, 0), (dst_v, 1)], do_chunk, drain)
    plsc.subcore_barrier()

    wb = (n_nodes // _NS) // 8 * 8
    tail = n_nodes - _NS * wb
    pltpu.sync_copy(acc.at[pl.ds(sid * wb, wb)],
                    seg_out.at[cid, pl.ds(sid * wb, wb)])
    if tail:
      @pl.when(sid == 0)
      def _():
        pltpu.sync_copy(acc.at[pl.ds(_NS * wb, tail)],
                        seg_out.at[cid, pl.ds(_NS * wb, tail)])

  return pl.kernel(
      body,
      out_type=[jax.ShapeDtypeStruct((_NC, n_nodes, d_model), jnp.float32)],
      mesh=mesh, scratch_types=scratch, compiler_params=_SC_PARAMS)


def _cnt_sc(n_nodes, n_chunks):
  rpt = n_nodes // _NS
  mesh = plsc.VectorSubcoreMesh(core_axis_name="c", subcore_axis_name="s")

  scratch = [
      pltpu.VMEM_SHARED((n_nodes, 16), jnp.float32),
      pltpu.VMEM((_G, _C), jnp.int32),
      pltpu.VMEM((_C, 16), jnp.float32),
      pltpu.SemaphoreType.DMA,
      pltpu.SemaphoreType.DMA,
  ]

  def body(edges, ones, zcnt, cnt_out, cnt_sh, dst_v, ones_v, s0, s1):
    sems = (s0, s1)
    cid = lax.axis_index("c")
    sid = lax.axis_index("s")
    wid = sid * _NC + cid

    pltpu.sync_copy(ones, ones_v)
    pltpu.sync_copy(zcnt, cnt_sh.at[pl.ds(sid * rpt, rpt)])
    plsc.subcore_barrier()

    scat = [None, None]

    def do_chunk(g):
      del g
      for j in range(_G):
        p = j % 2
        if scat[p] is not None:
          scat[p].wait()
        scat[p] = pltpu.make_async_copy(ones_v, cnt_sh.at[dst_v.at[j]],
                                        sems[p])
        scat[p].start(add=True)

    def drain():
      for p in range(2):
        if scat[p] is not None:
          scat[p].wait()
          scat[p] = None

    _scatter_pipeline(edges, wid, n_chunks, [(dst_v, 1)], do_chunk, drain)
    plsc.subcore_barrier()

    wb = (n_nodes // _NS) // 8 * 8
    tail = n_nodes - _NS * wb
    pltpu.sync_copy(cnt_sh.at[pl.ds(sid * wb, wb)],
                    cnt_out.at[cid, pl.ds(sid * wb, wb)])
    if tail:
      @pl.when(sid == 0)
      def _():
        pltpu.sync_copy(cnt_sh.at[pl.ds(_NS * wb, tail)],
                        cnt_out.at[cid, pl.ds(_NS * wb, tail)])

  return pl.kernel(
      body,
      out_type=[jax.ShapeDtypeStruct((_NC, n_nodes, 16), jnp.float32)],
      mesh=mesh, scratch_types=scratch, compiler_params=_SC_PARAMS)


def _proj(x, W, b, block_n):
  n, d_in = x.shape
  d_out = W.shape[1]

  def body(x_ref, w_ref, *rest):
    out_ref = rest[-1]
    r = jnp.dot(x_ref[...], w_ref[...], preferred_element_type=jnp.float32)
    if b is not None:
      r = r + rest[0][...]
    out_ref[...] = r

  in_specs = [
      pl.BlockSpec((block_n, d_in), lambda i: (i, 0)),
      pl.BlockSpec((d_in, d_out), lambda i: (0, 0)),
  ]
  args = [x, W]
  if b is not None:
    in_specs.append(pl.BlockSpec((1, d_out), lambda i: (0, 0)))
    args.append(b.reshape(1, -1))
  return pl.pallas_call(
      body,
      grid=(n // block_n,),
      in_specs=in_specs,
      out_specs=pl.BlockSpec((block_n, d_out), lambda i: (i, 0)),
      out_shape=jax.ShapeDtypeStruct((n, d_out), jnp.float32),
  )(*args)


def _mid_layer(seg, cnt, z1, W1l, W2l, W2r, b2, bp):
  _, n, d_in = seg.shape
  d_h = W1l.shape[1]
  d_out = W2l.shape[1]
  half = n // 2
  nb = half // bp

  def body(s_t, c_t, z_t, s_b, c_b, z_b, w1, wl, wr, bb, y2p, z2p):
    def h_of(s_ref, c_ref, z_ref):
      c = jnp.maximum(c_ref[0, :, :1] + c_ref[1, :, :1], 1.0)
      mean = (s_ref[0] + s_ref[1]) / c
      return jnp.maximum(
          jnp.dot(mean, w1[...], preferred_element_type=jnp.float32)
          + z_ref[...], 0.0)

    ht = h_of(s_t, c_t, z_t)
    hb = h_of(s_b, c_b, z_b)
    y2p[...] = jnp.concatenate(
        [jnp.dot(ht, wl[...], preferred_element_type=jnp.float32),
         jnp.dot(hb, wl[...], preferred_element_type=jnp.float32)], axis=1)
    z2p[...] = jnp.concatenate(
        [jnp.dot(ht, wr[...], preferred_element_type=jnp.float32) + bb[...],
         jnp.dot(hb, wr[...], preferred_element_type=jnp.float32) + bb[...]],
        axis=1)

  return pl.pallas_call(
      body,
      grid=(nb,),
      in_specs=[
          pl.BlockSpec((2, bp, d_in), lambda i: (0, i, 0)),
          pl.BlockSpec((2, bp, 16), lambda i: (0, i, 0)),
          pl.BlockSpec((bp, d_h), lambda i: (i, 0)),
          pl.BlockSpec((2, bp, d_in), lambda i, _nb=nb: (0, i + _nb, 0)),
          pl.BlockSpec((2, bp, 16), lambda i, _nb=nb: (0, i + _nb, 0)),
          pl.BlockSpec((bp, d_h), lambda i, _nb=nb: (i + _nb, 0)),
          pl.BlockSpec((d_in, d_h), lambda i: (0, 0)),
          pl.BlockSpec((d_h, d_out), lambda i: (0, 0)),
          pl.BlockSpec((d_h, d_out), lambda i: (0, 0)),
          pl.BlockSpec((1, d_out), lambda i: (0, 0)),
      ],
      out_specs=[
          pl.BlockSpec((bp, 2 * d_out), lambda i: (i, 0)),
          pl.BlockSpec((bp, 2 * d_out), lambda i: (i, 0)),
      ],
      out_shape=[
          jax.ShapeDtypeStruct((half, 2 * d_out), jnp.float32),
          jax.ShapeDtypeStruct((half, 2 * d_out), jnp.float32),
      ],
  )(seg, cnt, z1, seg, cnt, z1, W1l, W2l, W2r, b2.reshape(1, -1))


def _final_layer(segp, cnt, z2p, bp):
  _, half, dd = segp.shape
  d_out = dd // 2
  nb = half // bp

  def body(s_ref, c_t, c_b, z_ref, out_t, out_b):
    def ls(v):
      m = jnp.max(v, axis=1, keepdims=True)
      e = jnp.exp(v - m)
      return v - m - jnp.log(jnp.sum(e, axis=1, keepdims=True))

    st = s_ref[0, :, :d_out] + s_ref[1, :, :d_out]
    sb = s_ref[0, :, d_out:] + s_ref[1, :, d_out:]
    ct = jnp.maximum(c_t[0, :, :1] + c_t[1, :, :1], 1.0)
    cb = jnp.maximum(c_b[0, :, :1] + c_b[1, :, :1], 1.0)
    out_t[...] = ls(st / ct + z_ref[:, :d_out])
    out_b[...] = ls(sb / cb + z_ref[:, d_out:])

  return pl.pallas_call(
      body,
      grid=(nb,),
      in_specs=[
          pl.BlockSpec((2, bp, dd), lambda i: (0, i, 0)),
          pl.BlockSpec((2, bp, 16), lambda i: (0, i, 0)),
          pl.BlockSpec((2, bp, 16), lambda i, _nb=nb: (0, i + _nb, 0)),
          pl.BlockSpec((bp, dd), lambda i: (i, 0)),
      ],
      out_specs=[
          pl.BlockSpec((bp, d_out), lambda i: (i, 0)),
          pl.BlockSpec((bp, d_out), lambda i: (i, 0)),
      ],
      out_shape=[
          jax.ShapeDtypeStruct((half, d_out), jnp.float32),
          jax.ShapeDtypeStruct((half, d_out), jnp.float32),
      ],
  )(segp, cnt, cnt, z2p)


def kernel(x, edge_index, W1l, W1r, b1, W2l, W2r, b2):
  n, d_in = x.shape
  e = edge_index.shape[1]
  d_h = W1l.shape[1]
  d_out = W2l.shape[1]

  n_chunks = e // (_NW * _C)
  block_n = 1000

  e4 = edge_index.reshape(2, _NW, n_chunks, _C)
  ones = jnp.ones((_C, 16), jnp.float32)
  zrow_h = jnp.zeros((n // _NS, d_in), jnp.float32)
  zrow_o = jnp.zeros((n // _NS, d_out), jnp.float32)
  zcnt = jnp.zeros((n // _NS, 16), jnp.float32)

  (cnt,) = _cnt_sc(n, n_chunks)(e4, ones, zcnt)

  (seg1,) = _seg_sum_sc(d_in, n, n_chunks, 3)(x, e4, zrow_h)
  z1 = _proj(x, W1r, b1, block_n)
  y2p, z2p = _mid_layer(seg1, cnt, z1, W1l, W2l, W2r, b2, block_n)

  e4b, z1 = lax.optimization_barrier((e4, z1))
  e4p = (e4b % (n // 2)) * 2 + e4b // (n // 2)
  y2_lin = y2p.reshape(n, d_out)
  (seg2,) = _seg_sum_sc(d_out, n, n_chunks, 6)(y2_lin, e4p, zrow_o)
  segp = seg2.reshape(2, n // 2, 2 * d_out)
  out_t, out_b = _final_layer(segp, cnt, z2p, block_n)
  return jnp.concatenate([out_t, out_b], axis=0)

# --- scband reference (transcript-rebuilt; emitter-appended) ---
"""Pipeline reference for scband-graph-sage-63015760166968 (READ-ONLY COPY).

The authoritative reference and input builder live on the scoring server;
editing this copy changes nothing except your own understanding.
"""

import jax, jax.numpy as jnp
import numpy as np

N = 10000
E = 320000
D_IN = 128
D_H = 128
D_OUT = 64


def setup_inputs(seed: int = 0) -> dict:
    key = jax.random.key(seed)
    ks = jax.random.split(key, 9)
    x = jax.random.normal(ks[0], (N, D_IN), dtype=jnp.float32)
    edge_index = jax.random.randint(ks[1], (2, E), 0, N, dtype=jnp.int32)
    # SAGEConv params: out = lin_l(mean_aggr(x_j)) + lin_r(x) (PyG convention, bias on lin_l)
    W1l = jax.random.normal(ks[2], (D_IN, D_H), dtype=jnp.float32) / np.sqrt(D_IN)
    W1r = jax.random.normal(ks[3], (D_IN, D_H), dtype=jnp.float32) / np.sqrt(D_IN)
    b1 = jnp.zeros((D_H,), dtype=jnp.float32)
    W2l = jax.random.normal(ks[4], (D_H, D_OUT), dtype=jnp.float32) / np.sqrt(D_H)
    W2r = jax.random.normal(ks[5], (D_H, D_OUT), dtype=jnp.float32) / np.sqrt(D_H)
    b2 = jnp.zeros((D_OUT,), dtype=jnp.float32)
    return {"x": x, "edge_index": edge_index, "W1l": W1l, "W1r": W1r, "b1": b1, "W2l": W2l, "W2r": W2r, "b2": b2}


def _sage_conv(x, edge_index, Wl, Wr, b):
    src = edge_index[0]
    dst = edge_index[1]
    msgs = jnp.take(x, src, axis=0)
    agg_sum = jax.ops.segment_sum(msgs, dst, num_segments=N)
    cnt = jax.ops.segment_sum(jnp.ones((msgs.shape[0], 1), x.dtype), dst, num_segments=N)
    agg_mean = agg_sum / jnp.maximum(cnt, 1.0)
    return agg_mean @ Wl + x @ Wr + b


def reference(x, edge_index, W1l, W1r, b1, W2l, W2r, b2):
    h = _sage_conv(x, edge_index, W1l, W1r, b1)
    h = jax.nn.relu(h)
    # F.dropout with training=False (eval mode) is identity
    out = _sage_conv(h, edge_index, W2l, W2r, b2)
    return jax.nn.log_softmax(out, axis=1)

if __name__ == "__main__":
    import jax
    _d = setup_inputs()
    print(jax.jit(kernel)(*tuple(_d.values())))

</pallas_src>

<mosaic_0001>
#map = affine_map<(d0, d1) -> (0, 0)>
#map1 = affine_map<(d0, d1) -> (0, 0, 0, 0)>
#map2 = affine_map<(d0, d1) -> (0, 0, 0)>
module attributes {stable_mosaic.version = 14 : i64} {
  func.func @body(%arg0: i32, %arg1: i32, %arg2: memref<10000x128xf32, #tpu.memory_space<hbm>>, %arg3: memref<2x32x100x100xi32, #tpu.memory_space<hbm>>, %arg4: memref<625x128xf32, #tpu.memory_space<hbm>>, %arg5: memref<2x10000x128xf32, #tpu.memory_space<hbm>>, %arg6: memref<10000x128xf32, #tpu.memory_space<vmem_shared>>, %arg7: memref<20x100xi32, #tpu.memory_space<vmem>>, %arg8: memref<20x100xi32, #tpu.memory_space<vmem>>, %arg9: memref<100x128xf32, #tpu.memory_space<vmem>>, %arg10: memref<100x128xf32, #tpu.memory_space<vmem>>, %arg11: memref<100x128xf32, #tpu.memory_space<vmem>>, %arg12: memref<!tpu.dma_semaphore, #tpu.memory_space<semaphore_mem>>, %arg13: memref<!tpu.dma_semaphore, #tpu.memory_space<semaphore_mem>>, %arg14: memref<!tpu.dma_semaphore, #tpu.memory_space<semaphore_mem>>, %arg15: memref<!tpu.dma_semaphore, #tpu.memory_space<semaphore_mem>>, %arg16: memref<!tpu.dma_semaphore, #tpu.memory_space<semaphore_mem>>, %arg17: memref<!tpu.dma_semaphore, #tpu.memory_space<semaphore_mem>>) attributes {dimension_semantics = [#tpu.dimension_semantics<core_parallel>, #tpu.dimension_semantics<subcore_parallel>], iteration_bounds = array<i64: 2, 16>, scalar_prefetch = 0 : i64, scratch_operands = 12 : i64, tpu.core_type = #tpu.core_type<sc_vector_subcore>, window_params = [{transform_indices = #map}, {transform_indices = #map1}, {transform_indices = #map}, {transform_indices = #map2}]} {
    %mul3A = arith.constant 2 : i32
    %mul3A_0 = arith.muli %arg1, %mul3A : i32
    %add3A = arith.addi %mul3A_0, %arg0 : i32
    %mul3A_1 = arith.constant 625 : i32
    %mul3A_2 = arith.muli %arg1, %mul3A_1 : i32
    "tpu.region"() ({
      %run_scoped3A = tpu.sem_alloc : memref<!tpu.dma_semaphore, #tpu.memory_space<semaphore_mem>>
      %dma_start3A = arith.constant 0 : i32
      %dma_start3A_15 = tpu.memref_slice %arg6[%mul3A_2, %dma_start3A] : memref<10000x128xf32, #tpu.memory_space<vmem_shared>> -> memref<625x128xf32, #tpu.memory_space<vmem_shared>>
      tpu.enqueue_dma source(%arg4 : memref<625x128xf32, #tpu.memory_space<hbm>>) target(%dma_start3A_15 : memref<625x128xf32, #tpu.memory_space<vmem_shared>>) target_semaphore(%run_scoped3A : memref<!tpu.dma_semaphore, #tpu.memory_space<semaphore_mem>>)
      %dma_wait3A = arith.constant 0 : i32
      %dma_wait3A_16 = tpu.memref_slice %arg6[%mul3A_2, %dma_wait3A] : memref<10000x128xf32, #tpu.memory_space<vmem_shared>> -> memref<625x128xf32, #tpu.memory_space<vmem_shared>>
      tpu.wait_dma2 semaphore(%run_scoped3A : memref<!tpu.dma_semaphore, #tpu.memory_space<semaphore_mem>>) src(%arg4 : memref<625x128xf32, #tpu.memory_space<hbm>>) dst(%dma_wait3A_16 : memref<625x128xf32, #tpu.memory_space<vmem_shared>>)
      tpu.yield
    }) : () -> ()
    %barrier3A = arith.constant 0 : index
    tpu.barrier barrier_id(%barrier3A)
    %scan3A = arith.constant 0 : i32
    %scan3A_3 = arith.constant 0 : i32
    %scan3A_4 = arith.constant 5 : i32
    %scan3A_5 = arith.addi %scan3A_3, %scan3A_4 : i32
    %scan3A_6 = arith.constant 1 : i32
    scf.for %scan3A_15 = %scan3A_3 to %scan3A_5 step %scan3A_6  : i32 {
      %mul3A_16 = arith.constant 20 : i32
      %mul3A_17 = arith.muli %scan3A_15, %mul3A_16 : i32
      %run_scoped3A = arith.constant 0 : i32
      "tpu.region"() ({
        %run_scoped3A_579 = tpu.sem_alloc : memref<!tpu.dma_semaphore, #tpu.memory_space<semaphore_mem>>
        %dma_start3A_580 = arith.constant 0 : i32
        %dma_start3A_581 = tpu.memref_slice %arg3[%run_scoped3A, %add3A, %mul3A_17, %dma_start3A_580] : memref<2x32x100x100xi32, #tpu.memory_space<hbm>> -> memref<1x1x20x100xi32, #tpu.memory_space<hbm>>
        %dma_start3A_582 = tpu.memref_squeeze %dma_start3A_581 : memref<1x1x20x100xi32, #tpu.memory_space<hbm>> -> memref<20x100xi32, #tpu.memory_space<hbm>>
        %dma_start3A_583 = arith.constant 0 : i32
        %dma_start3A_584 = tpu.memref_slice %arg3[%run_scoped3A, %add3A, %mul3A_17, %dma_start3A_583] : memref<2x32x100x100xi32, #tpu.memory_space<hbm>> -> memref<1x1x20x100xi32, #tpu.memory_space<hbm>>
        %dma_start3A_585 = tpu.memref_squeeze %dma_start3A_584 : memref<1x1x20x100xi32, #tpu.memory_space<hbm>> -> memref<20x100xi32, #tpu.memory_space<hbm>>
        tpu.enqueue_dma source(%dma_start3A_585 : memref<20x100xi32, #tpu.memory_space<hbm>>) target(%arg7 : memref<20x100xi32, #tpu.memory_space<vmem>>) target_semaphore(%run_scoped3A_579 : memref<!tpu.dma_semaphore, #tpu.memory_space<semaphore_mem>>)
        %dma_wait3A_586 = arith.constant 0 : i32
        %dma_wait3A_587 = tpu.memref_slice %arg3[%run_scoped3A, %add3A, %mul3A_17, %dma_wait3A_586] : memref<2x32x100x100xi32, #tpu.memory_space<hbm>> -> memref<1x1x20x100xi32, #tpu.memory_space<hbm>>
        %dma_wait3A_588 = tpu.memref_squeeze %dma_wait3A_587 : memref<1x1x20x100xi32, #tpu.memory_space<hbm>> -> memref<20x100xi32, #tpu.memory_space<hbm>>
        %dma_wait3A_589 = arith.constant 0 : i32
        %dma_wait3A_590 = tpu.memref_slice %arg3[%run_scoped3A, %add3A, %mul3A_17, %dma_wait3A_589] : memref<2x32x100x100xi32, #tpu.memory_space<hbm>> -> memref<1x1x20x100xi32, #tpu.memory_space<hbm>>
        %dma_wait3A_591 = tpu.memref_squeeze %dma_wait3A_590 : memref<1x1x20x100xi32, #tpu.memory_space<hbm>> -> memref<20x100xi32, #tpu.memory_space<hbm>>
        tpu.wait_dma2 semaphore(%run_scoped3A_579 : memref<!tpu.dma_semaphore, #tpu.memory_space<semaphore_mem>>) src(%dma_wait3A_591 : memref<20x100xi32, #tpu.memory_space<hbm>>) dst(%arg7 : memref<20x100xi32, #tpu.memory_space<vmem>>)
        tpu.yield
      }) : () -> ()
      %mul3A_18 = arith.constant 20 : i32
      %mul3A_19 = arith.muli %scan3A_15, %mul3A_18 : i32
      %run_scoped3A_20 = arith.constant 1 : i32
      "tpu.region"() ({
        %run_scoped3A_579 = tpu.sem_alloc : memref<!tpu.dma_semaphore, #tpu.memory_space<semaphore_mem>>
        %dma_start3A_580 = arith.constant 0 : i32
        %dma_start3A_581 = tpu.memref_slice %arg3[%run_scoped3A_20, %add3A, %mul3A_19, %dma_start3A_580] : memref<2x32x100x100xi32, #tpu.memory_space<hbm>> -> memref<1x1x20x100xi32, #tpu.memory_space<hbm>>
        %dma_start3A_582 = tpu.memref_squeeze %dma_start3A_581 : memref<1x1x20x100xi32, #tpu.memory_space<hbm>> -> memref<20x100xi32, #tpu.memory_space<hbm>>
        %dma_start3A_583 = arith.constant 0 : i32
        %dma_start3A_584 = tpu.memref_slice %arg3[%run_scoped3A_20, %add3A, %mul3A_19, %dma_start3A_583] : memref<2x32x100x100xi32, #tpu.memory_space<hbm>> -> memref<1x1x20x100xi32, #tpu.memory_space<hbm>>
        %dma_start3A_585 = tpu.memref_squeeze %dma_start3A_584 : memref<1x1x20x100xi32, #tpu.memory_space<hbm>> -> memref<20x100xi32, #tpu.memory_space<hbm>>
        tpu.enqueue_dma source(%dma_start3A_585 : memref<20x100xi32, #tpu.memory_space<hbm>>) target(%arg8 : memref<20x100xi32, #tpu.memory_space<vmem>>) target_semaphore(%run_scoped3A_579 : memref<!tpu.dma_semaphore, #tpu.memory_space<semaphore_mem>>)
        %dma_wait3A_586 = arith.constant 0 : i32
        %dma_wait3A_587 = tpu.memref_slice %arg3[%run_scoped3A_20, %add3A, %mul3A_19, %dma_wait3A_586] : memref<2x32x100x100xi32, #tpu.memory_space<hbm>> -> memref<1x1x20x100xi32, #tpu.memory_space<hbm>>
        %dma_wait3A_588 = tpu.memref_squeeze %dma_wait3A_587 : memref<1x1x20x100xi32, #tpu.memory_space<hbm>> -> memref<20x100xi32, #tpu.memory_space<hbm>>
        %dma_wait3A_589 = arith.constant 0 : i32
        %dma_wait3A_590 = tpu.memref_slice %arg3[%run_scoped3A_20, %add3A, %mul3A_19, %dma_wait3A_589] : memref<2x32x100x100xi32, #tpu.memory_space<hbm>> -> memref<1x1x20x100xi32, #tpu.memory_space<hbm>>
        %dma_wait3A_591 = tpu.memref_squeeze %dma_wait3A_590 : memref<1x1x20x100xi32, #tpu.memory_space<hbm>> -> memref<20x100xi32, #tpu.memory_space<hbm>>
        tpu.wait_dma2 semaphore(%run_scoped3A_579 : memref<!tpu.dma_semaphore, #tpu.memory_space<semaphore_mem>>) src(%dma_wait3A_591 : memref<20x100xi32, #tpu.memory_space<hbm>>) dst(%arg8 : memref<20x100xi32, #tpu.memory_space<vmem>>)
        tpu.yield
      }) : () -> ()
      %dma_start3A = arith.constant 0 : i32
      %dma_start3A_21 = arith.constant 0 : i32
      %dma_start3A_22 = tpu.memref_slice %arg7[%dma_start3A, %dma_start3A_21] : memref<20x100xi32, #tpu.memory_space<vmem>> -> memref<1x100xi32, #tpu.memory_space<vmem>>
      %dma_start3A_23 = tpu.memref_squeeze %dma_start3A_22 : memref<1x100xi32, #tpu.memory_space<vmem>> -> memref<100xi32, #tpu.memory_space<vmem>>
      %dma_start3A_24 = arith.constant 0 : i32
      %dma_start3A_25 = arith.constant 0 : i32
      %dma_start3A_26 = tpu.memref_slice %arg2[%dma_start3A_24, %dma_start3A_25] : memref<10000x128xf32, #tpu.memory_space<hbm>> -> memref<10000x128xf32, #tpu.memory_space<hbm>>
      tpu.enqueue_indirect_dma source(%dma_start3A_26 : memref<10000x128xf32, #tpu.memory_space<hbm>>) target(%arg9 : memref<100x128xf32, #tpu.memory_space<vmem>>) offsets(%dma_start3A_23 : memref<100xi32, #tpu.memory_space<vmem>>) semaphore(%arg12 : memref<!tpu.dma_semaphore, #tpu.memory_space<semaphore_mem>>)
      %dma_start3A_27 = arith.constant 1 : i32
      %dma_start3A_28 = arith.constant 0 : i32
      %dma_start3A_29 = tpu.memref_slice %arg7[%dma_start3A_27, %dma_start3A_28] : memref<20x100xi32, #tpu.memory_space<vmem>> -> memref<1x100xi32, #tpu.memory_space<vmem>>
      %dma_start3A_30 = tpu.memref_squeeze %dma_start3A_29 : memref<1x100xi32, #tpu.memory_space<vmem>> -> memref<100xi32, #tpu.memory_space<vmem>>
      %dma_start3A_31 = arith.constant 0 : i32
      %dma_start3A_32 = arith.constant 0 : i32
      %dma_start3A_33 = tpu.memref_slice %arg2[%dma_start3A_31, %dma_start3A_32] : memref<10000x128xf32, #tpu.memory_space<hbm>> -> memref<10000x128xf32, #tpu.memory_space<hbm>>
      tpu.enqueue_indirect_dma source(%dma_start3A_33 : memref<10000x128xf32, #tpu.memory_space<hbm>>) target(%arg10 : memref<100x128xf32, #tpu.memory_space<vmem>>) offsets(%dma_start3A_30 : memref<100xi32, #tpu.memory_space<vmem>>) semaphore(%arg13 : memref<!tpu.dma_semaphore, #tpu.memory_space<semaphore_mem>>)
      %dma_start3A_34 = arith.constant 2 : i32
      %dma_start3A_35 = arith.constant 0 : i32
      %dma_start3A_36 = tpu.memref_slice %arg7[%dma_start3A_34, %dma_start3A_35] : memref<20x100xi32, #tpu.memory_space<vmem>> -> memref<1x100xi32, #tpu.memory_space<vmem>>
      %dma_start3A_37 = tpu.memref_squeeze %dma_start3A_36 : memref<1x100xi32, #tpu.memory_space<vmem>> -> memref<100xi32, #tpu.memory_space<vmem>>
      %dma_start3A_38 = arith.constant 0 : i32
      %dma_start3A_39 = arith.constant 0 : i32
      %dma_start3A_40 = tpu.memref_slice %arg2[%dma_start3A_38, %dma_start3A_39] : memref<10000x128xf32, #tpu.memory_space<hbm>> -> memref<10000x128xf32, #tpu.memory_space<hbm>>
      tpu.enqueue_indirect_dma source(%dma_start3A_40 : memref<10000x128xf32, #tpu.memory_space<hbm>>) target(%arg11 : memref<100x128xf32, #tpu.memory_space<vmem>>) offsets(%dma_start3A_37 : memref<100xi32, #tpu.memory_space<vmem>>) semaphore(%arg14 : memref<!tpu.dma_semaphore, #tpu.memory_space<semaphore_mem>>)
      %dma_wait3A = arith.constant 0 : i32
      %dma_wait3A_41 = arith.constant 0 : i32
      %dma_wait3A_42 = tpu.memref_slice %arg7[%dma_wait3A, %dma_wait3A_41] : memref<20x100xi32, #tpu.memory_space<vmem>> -> memref<1x100xi32, #tpu.memory_space<vmem>>
      %dma_wait3A_43 = tpu.memref_squeeze %dma_wait3A_42 : memref<1x100xi32, #tpu.memory_space<vmem>> -> memref<100xi32, #tpu.memory_space<vmem>>
      %dma_wait3A_44 = arith.constant 0 : i32
      %dma_wait3A_45 = arith.constant 0 : i32
      %dma_wait3A_46 = tpu.memref_slice %arg2[%dma_wait3A_44, %dma_wait3A_45] : memref<10000x128xf32, #tpu.memory_space<hbm>> -> memref<10000x128xf32, #tpu.memory_space<hbm>>
      tpu.wait_indirect_dma semaphore(%arg12 : memref<!tpu.dma_semaphore, #tpu.memory_space<semaphore_mem>>) src(%dma_wait3A_46 : memref<10000x128xf32, #tpu.memory_space<hbm>>) dst(%arg9 : memref<100x128xf32, #tpu.memory_space<vmem>>)
      %dma_start3A_47 = arith.constant 0 : i32
      %dma_start3A_48 = arith.constant 0 : i32
      %dma_start3A_49 = tpu.memref_slice %arg8[%dma_start3A_47, %dma_start3A_48] : memref<20x100xi32, #tpu.memory_space<vmem>> -> memref<1x100xi32, #tpu.memory_space<vmem>>
      %dma_start3A_50 = tpu.memref_squeeze %dma_start3A_49 : memref<1x100xi32, #tpu.memory_space<vmem>> -> memref<100xi32, #tpu.memory_space<vmem>>
      %dma_start3A_51 = arith.constant 0 : i32
      %dma_start3A_52 = arith.constant 0 : i32
      %dma_start3A_53 = tpu.memref_slice %arg6[%dma_start3A_51, %dma_start3A_52] : memref<10000x128xf32, #tpu.memory_space<vmem_shared>> -> memref<10000x128xf32, #tpu.memory_space<vmem_shared>>
      tpu.enqueue_indirect_dma source(%arg9 : memref<100x128xf32, #tpu.memory_space<vmem>>) target(%dma_start3A_53 : memref<10000x128xf32, #tpu.memory_space<vmem_shared>>) offsets(%dma_start3A_50 : memref<100xi32, #tpu.memory_space<vmem>>) semaphore(%arg15 : memref<!tpu.dma_semaphore, #tpu.memory_space<semaphore_mem>>) {add = true}
      %dma_wait3A_54 = arith.constant 0 : i32
      %dma_wait3A_55 = arith.constant 0 : i32
      %dma_wait3A_56 = tpu.memref_slice %arg8[%dma_wait3A_54, %dma_wait3A_55] : memref<20x100xi32, #tpu.memory_space<vmem>> -> memref<1x100xi32, #tpu.memory_space<vmem>>
      %dma_wait3A_57 = tpu.memref_squeeze %dma_wait3A_56 : memref<1x100xi32, #tpu.memory_space<vmem>> -> memref<100xi32, #tpu.memory_space<vmem>>
      %dma_wait3A_58 = arith.constant 0 : i32
      %dma_wait3A_59 = arith.constant 0 : i32
      %dma_wait3A_60 = tpu.memref_slice %arg6[%dma_wait3A_58, %dma_wait3A_59] : memref<10000x128xf32, #tpu.memory_space<vmem_shared>> -> memref<10000x128xf32, #tpu.memory_space<vmem_shared>>
      tpu.wait_indirect_dma semaphore(%arg15 : memref<!tpu.dma_semaphore, #tpu.memory_space<semaphore_mem>>) src(%arg9 : memref<100x128xf32, #tpu.memory_space<vmem>>) dst(%dma_wait3A_60 : memref<10000x128xf32, #tpu.memory_space<vmem_shared>>)
      %dma_start3A_61 = arith.constant 3 : i32
      %dma_start3A_62 = arith.constant 0 : i32
      %dma_start3A_63 = tpu.memref_slice %arg7[%dma_start3A_61, %dma_start3A_62] : memref<20x100xi32, #tpu.memory_space<vmem>> -> memref<1x100xi32, #tpu.memory_space<vmem>>
      %dma_start3A_64 = tpu.memref_squeeze %dma_start3A_63 : memref<1x100xi32, #tpu.memory_space<vmem>> -> memref<100xi32, #tpu.memory_space<vmem>>
      %dma_start3A_65 = arith.constant 0 : i32
      %dma_start3A_66 = arith.constant 0 : i32
      %dma_start3A_67 = tpu.memref_slice %arg2[%dma_start3A_65, %dma_start3A_66] : memref<10000x128xf32, #tpu.memory_space<hbm>> -> memref<10000x128xf32, #tpu.memory_space<hbm>>
      tpu.enqueue_indirect_dma source(%dma_start3A_67 : memref<10000x128xf32, #tpu.memory_space<hbm>>) target(%arg9 : memref<100x128xf32, #tpu.memory_space<vmem>>) offsets(%dma_start3A_64 : memref<100xi32, #tpu.memory_space<vmem>>) semaphore(%arg12 : memref<!tpu.dma_semaphore, #tpu.memory_space<semaphore_mem>>)
      %dma_wait3A_68 = arith.constant 1 : i32
      %dma_wait3A_69 = arith.constant 0 : i32
      %dma_wait3A_70 = tpu.memref_slice %arg7[%dma_wait3A_68, %dma_wait3A_69] : memref<20x100xi32, #tpu.memory_space<vmem>> -> memref<1x100xi32, #tpu.memory_space<vmem>>
      %dma_wait3A_71 = tpu.memref_squeeze %dma_wait3A_70 : memref<1x100xi32, #tpu.memory_space<vmem>> -> memref<100xi32, #tpu.memory_space<vmem>>
      %dma_wait3A_72 = arith.constant 0 : i32
      %dma_wait3A_73 = arith.constant 0 : i32
      %dma_wait3A_74 = tpu.memref_slice %arg2[%dma_wait3A_72, %dma_wait3A_73] : memref<10000x128xf32, #tpu.memory_space<hbm>> -> memref<10000x128xf32, #tpu.memory_space<hbm>>
      tpu.wait_indirect_dma semaphore(%arg13 : memref<!tpu.dma_semaphore, #tpu.memory_space<semaphore_mem>>) src(%dma_wait3A_74 : memref<10000x128xf32, #tpu.memory_space<hbm>>) dst(%arg10 : memref<100x128xf32, #tpu.memory_space<vmem>>)
      %dma_start3A_75 = arith.constant 1 : i32
      %dma_start3A_76 = arith.constant 0 : i32
      %dma_start3A_77 = tpu.memref_slice %arg8[%dma_start3A_75, %dma_start3A_76] : memref<20x100xi32, #tpu.memory_space<vmem>> -> memref<1x100xi32, #tpu.memory_space<vmem>>
      %dma_start3A_78 = tpu.memref_squeeze %dma_start3A_77 : memref<1x100xi32, #tpu.memory_space<vmem>> -> memref<100xi32, #tpu.memory_space<vmem>>
      %dma_start3A_79 = arith.constant 0 : i32
      %dma_start3A_80 = arith.constant 0 : i32
      %dma_start3A_81 = tpu.memref_slice %arg6[%dma_start3A_79, %dma_start3A_80] : memref<10000x128xf32, #tpu.memory_space<vmem_shared>> -> memref<10000x128xf32, #tpu.memory_space<vmem_shared>>
      tpu.enqueue_indirect_dma source(%arg10 : memref<100x128xf32, #tpu.memory_space<vmem>>) target(%dma_start3A_81 : memref<10000x128xf32, #tpu.memory_space<vmem_shared>>) offsets(%dma_start3A_78 : memref<100xi32, #tpu.memory_space<vmem>>) semaphore(%arg16 : memref<!tpu.dma_semaphore, #tpu.memory_space<semaphore_mem>>) {add = true}
      %dma_wait3A_82 = arith.constant 1 : i32
      %dma_wait3A_83 = arith.constant 0 : i32
      %dma_wait3A_84 = tpu.memref_slice %arg8[%dma_wait3A_82, %dma_wait3A_83] : memref<20x100xi32, #tpu.memory_space<vmem>> -> memref<1x100xi32, #tpu.memory_space<vmem>>
      %dma_wait3A_85 = tpu.memref_squeeze %dma_wait3A_84 : memref<1x100xi32, #tpu.memory_space<vmem>> -> memref<100xi32, #tpu.memory_space<vmem>>
      %dma_wait3A_86 = arith.constant 0 : i32
      %dma_wait3A_87 = arith.constant 0 : i32
      %dma_wait3A_88 = tpu.memref_slice %arg6[%dma_wait3A_86, %dma_wait3A_87] : memref<10000x128xf32, #tpu.memory_space<vmem_shared>> -> memref<10000x128xf32, #tpu.memory_space<vmem_shared>>
      tpu.wait_indirect_dma semaphore(%arg16 : memref<!tpu.dma_semaphore, #tpu.memory_space<semaphore_mem>>) src(%arg10 : memref<100x128xf32, #tpu.memory_space<vmem>>) dst(%dma_wait3A_88 : memref<10000x128xf32, #tpu.memory_space<vmem_shared>>)
      %dma_start3A_89 = arith.constant 4 : i32
      %dma_start3A_90 = arith.constant 0 : i32
      %dma_start3A_91 = tpu.memref_slice %arg7[%dma_start3A_89, %dma_start3A_90] : memref<20x100xi32, #tpu.memory_space<vmem>> -> memref<1x100xi32, #tpu.memory_space<vmem>>
      %dma_start3A_92 = tpu.memref_squeeze %dma_start3A_91 : memref<1x100xi32, #tpu.memory_space<vmem>> -> memref<100xi32, #tpu.memory_space<vmem>>
      %dma_start3A_93 = arith.constant 0 : i32
      %dma_start3A_94 = arith.constant 0 : i32
      %dma_start3A_95 = tpu.memref_slice %arg2[%dma_start3A_93, %dma_start3A_94] : memref<10000x128xf32, #tpu.memory_space<hbm>> -> memref<10000x128xf32, #tpu.memory_space<hbm>>
      tpu.enqueue_indirect_dma source(%dma_start3A_95 : memref<10000x128xf32, #tpu.memory_space<hbm>>) target(%arg10 : memref<100x128xf32, #tpu.memory_space<vmem>>) offsets(%dma_start3A_92 : memref<100xi32, #tpu.memory_space<vmem>>) semaphore(%arg13 : memref<!tpu.dma_semaphore, #tpu.memory_space<semaphore_mem>>)
      %dma_wait3A_96 = arith.constant 2 : i32
      %dma_wait3A_97 = arith.constant 0 : i32
      %dma_wait3A_98 = tpu.memref_slice %arg7[%dma_wait3A_96, %dma_wait3A_97] : memref<20x100xi32, #tpu.memory_space<vmem>> -> memref<1x100xi32, #tpu.memory_space<vmem>>
      %dma_wait3A_99 = tpu.memref_squeeze %dma_wait3A_98 : memref<1x100xi32, #tpu.memory_space<vmem>> -> memref<100xi32, #tpu.memory_space<vmem>>
      %dma_wait3A_100 = arith.constant 0 : i32
      %dma_wait3A_101 = arith.constant 0 : i32
      %dma_wait3A_102 = tpu.memref_slice %arg2[%dma_wait3A_100, %dma_wait3A_101] : memref<10000x128xf32, #tpu.memory_space<hbm>> -> memref<10000x128xf32, #tpu.memory_space<hbm>>
      tpu.wait_indirect_dma semaphore(%arg14 : memref<!tpu.dma_semaphore, #tpu.memory_space<semaphore_mem>>) src(%dma_wait3A_102 : memref<10000x128xf32, #tpu.memory_space<hbm>>) dst(%arg11 : memref<100x128xf32, #tpu.memory_space<vmem>>)
      %dma_start3A_103 = arith.constant 2 : i32
      %dma_start3A_104 = arith.constant 0 : i32
      %dma_start3A_105 = tpu.memref_slice %arg8[%dma_start3A_103, %dma_start3A_104] : memref<20x100xi32, #tpu.memory_space<vmem>> -> memref<1x100xi32, #tpu.memory_space<vmem>>
      %dma_start3A_106 = tpu.memref_squeeze %dma_start3A_105 : memref<1x100xi32, #tpu.memory_space<vmem>> -> memref<100xi32, #tpu.memory_space<vmem>>
      %dma_start3A_107 = arith.constant 0 : i32
      %dma_start3A_108 = arith.constant 0 : i32
      %dma_start3A_109 = tpu.memref_slice %arg6[%dma_start3A_107, %dma_start3A_108] : memref<10000x128xf32, #tpu.memory_space<vmem_shared>> -> memref<10000x128xf32, #tpu.memory_space<vmem_shared>>
      tpu.enqueue_indirect_dma source(%arg11 : memref<100x128xf32, #tpu.memory_space<vmem>>) target(%dma_start3A_109 : memref<10000x128xf32, #tpu.memory_space<vmem_shared>>) offsets(%dma_start3A_106 : memref<100xi32, #tpu.memory_space<vmem>>) semaphore(%arg17 : memref<!tpu.dma_semaphore, #tpu.memory_space<semaphore_mem>>) {add = true}
      %dma_wait3A_110 = arith.constant 2 : i32
      %dma_wait3A_111 = arith.constant 0 : i32
      %dma_wait3A_112 = tpu.memref_slice %arg8[%dma_wait3A_110, %dma_wait3A_111] : memref<20x100xi32, #tpu.memory_space<vmem>> -> memref<1x100xi32, #tpu.memory_space<vmem>>
      %dma_wait3A_113 = tpu.memref_squeeze %dma_wait3A_112 : memref<1x100xi32, #tpu.memory_space<vmem>> -> memref<100xi32, #tpu.memory_space<vmem>>
      %dma_wait3A_114 = arith.constant 0 : i32
      %dma_wait3A_115 = arith.constant 0 : i32
      %dma_wait3A_116 = tpu.memref_slice %arg6[%dma_wait3A_114, %dma_wait3A_115] : memref<10000x128xf32, #tpu.memory_space<vmem_shared>> -> memref<10000x128xf32, #tpu.memory_space<vmem_shared>>
      tpu.wait_indirect_dma semaphore(%arg17 : memref<!tpu.dma_semaphore, #tpu.memory_space<semaphore_mem>>) src(%arg11 : memref<100x128xf32, #tpu.memory_space<vmem>>) dst(%dma_wait3A_116 : memref<10000x128xf32, #tpu.memory_space<vmem_shared>>)
      %dma_start3A_117 = arith.constant 5 : i32
      %dma_start3A_118 = arith.constant 0 : i32
      %dma_start3A_119 = tpu.memref_slice %arg7[%dma_start3A_117, %dma_start3A_118] : memref<20x100xi32, #tpu.memory_space<vmem>> -> memref<1x100xi32, #tpu.memory_space<vmem>>
      %dma_start3A_120 = tpu.memref_squeeze %dma_start3A_119 : memref<1x100xi32, #tpu.memory_space<vmem>> -> memref<100xi32, #tpu.memory_space<vmem>>
      %dma_start3A_121 = arith.constant 0 : i32
      %dma_start3A_122 = arith.constant 0 : i32
      %dma_start3A_123 = tpu.memref_slice %arg2[%dma_start3A_121, %dma_start3A_122] : memref<10000x128xf32, #tpu.memory_space<hbm>> -> memref<10000x128xf32, #tpu.memory_space<hbm>>
      tpu.enqueue_indirect_dma source(%dma_start3A_123 : memref<10000x128xf32, #tpu.memory_space<hbm>>) target(%arg11 : memref<100x128xf32, #tpu.memory_space<vmem>>) offsets(%dma_start3A_120 : memref<100xi32, #tpu.memory_space<vmem>>) semaphore(%arg14 : memref<!tpu.dma_semaphore, #tpu.memory_space<semaphore_mem>>)
      %dma_wait3A_124 = arith.constant 3 : i32
      %dma_wait3A_125 = arith.constant 0 : i32
      %dma_wait3A_126 = tpu.memref_slice %arg7[%dma_wait3A_124, %dma_wait3A_125] : memref<20x100xi32, #tpu.memory_space<vmem>> -> memref<1x100xi32, #tpu.memory_space<vmem>>
      %dma_wait3A_127 = tpu.memref_squeeze %dma_wait3A_126 : memref<1x100xi32, #tpu.memory_space<vmem>> -> memref<100xi32, #tpu.memory_space<vmem>>
      %dma_wait3A_128 = arith.constant 0 : i32
      %dma_wait3A_129 = arith.constant 0 : i32
      %dma_wait3A_130 = tpu.memref_slice %arg2[%dma_wait3A_128, %dma_wait3A_129] : memref<10000x128xf32, #tpu.memory_space<hbm>> -> memref<10000x128xf32, #tpu.memory_space<hbm>>
      tpu.wait_indirect_dma semaphore(%arg12 : memref<!tpu.dma_semaphore, #tpu.memory_space<semaphore_mem>>) src(%dma_wait3A_130 : memref<10000x128xf32, #tpu.memory_space<hbm>>) dst(%arg9 : memref<100x128xf32, #tpu.memory_space<vmem>>)
      %dma_start3A_131 = arith.constant 3 : i32
      %dma_start3A_132 = arith.constant 0 : i32
      %dma_start3A_133 = tpu.memref_slice %arg8[%dma_start3A_131, %dma_start3A_132] : memref<20x100xi32, #tpu.memory_space<vmem>> -> memref<1x100xi32, #tpu.memory_space<vmem>>
      %dma_start3A_134 = tpu.memref_squeeze %dma_start3A_133 : memref<1x100xi32, #tpu.memory_space<vmem>> -> memref<100xi32, #tpu.memory_space<vmem>>
      %dma_start3A_135 = arith.constant 0 : i32
      %dma_start3A_136 = arith.constant 0 : i32
      %dma_start3A_137 = tpu.memref_slice %arg6[%dma_start3A_135, %dma_start3A_136] : memref<10000x128xf32, #tpu.memory_space<vmem_shared>> -> memref<10000x128xf32, #tpu.memory_space<vmem_shared>>
      tpu.enqueue_indirect_dma source(%arg9 : memref<100x128xf32, #tpu.memory_space<vmem>>) target(%dma_start3A_137 : memref<10000x128xf32, #tpu.memory_space<vmem_shared>>) offsets(%dma_start3A_134 : memref<100xi32, #tpu.memory_space<vmem>>) semaphore(%arg15 : memref<!tpu.dma_semaphore, #tpu.memory_space<semaphore_mem>>) {add = true}
      %dma_wait3A_138 = arith.constant 3 : i32
      %dma_wait3A_139 = arith.constant 0 : i32
      %dma_wait3A_140 = tpu.memref_slice %arg8[%dma_wait3A_138, %dma_wait3A_139] : memref<20x100xi32, #tpu.memory_space<vmem>> -> memref<1x100xi32, #tpu.memory_space<vmem>>
      %dma_wait3A_141 = tpu.memref_squeeze %dma_wait3A_140 : memref<1x100xi32, #tpu.memory_space<vmem>> -> memref<100xi32, #tpu.memory_space<vmem>>
      %dma_wait3A_142 = arith.constant 0 : i32
      %dma_wait3A_143 = arith.constant 0 : i32
      %dma_wait3A_144 = tpu.memref_slice %arg6[%dma_wait3A_142, %dma_wait3A_143] : memref<10000x128xf32, #tpu.memory_space<vmem_shared>> -> memref<10000x128xf32, #tpu.memory_space<vmem_shared>>
      tpu.wait_indirect_dma semaphore(%arg15 : memref<!tpu.dma_semaphore, #tpu.memory_space<semaphore_mem>>) src(%arg9 : memref<100x128xf32, #tpu.memory_space<vmem>>) dst(%dma_wait3A_144 : memref<10000x128xf32, #tpu.memory_space<vmem_shared>>)
      %dma_start3A_145 = arith.constant 6 : i32
      %dma_start3A_146 = arith.constant 0 : i32
      %dma_start3A_147 = tpu.memref_slice %arg7[%dma_start3A_145, %dma_start3A_146] : memref<20x100xi32, #tpu.memory_space<vmem>> -> memref<1x100xi32, #tpu.memory_space<vmem>>
      %dma_start3A_148 = tpu.memref_squeeze %dma_start3A_147 : memref<1x100xi32, #tpu.memory_space<vmem>> -> memref<100xi32, #tpu.memory_space<vmem>>
      %dma_start3A_149 = arith.constant 0 : i32
      %dma_start3A_150 = arith.constant 0 : i32
      %dma_start3A_151 = tpu.memref_slice %arg2[%dma_start3A_149, %dma_start3A_150] : memref<10000x128xf32, #tpu.memory_space<hbm>> -> memref<10000x128xf32, #tpu.memory_space<hbm>>
      tpu.enqueue_indirect_dma source(%dma_start3A_151 : memref<10000x128xf32, #tpu.memory_space<hbm>>) target(%arg9 : memref<100x128xf32, #tpu.memory_space<vmem>>) offsets(%dma_start3A_148 : memref<100xi32, #tpu.memory_space<vmem>>) semaphore(%arg12 : memref<!tpu.dma_semaphore, #tpu.memory_space<semaphore_mem>>)
      %dma_wait3A_152 = arith.constant 4 : i32
      %dma_wait3A_153 = arith.constant 0 : i32
      %dma_wait3A_154 = tpu.memref_slice %arg7[%dma_wait3A_152, %dma_wait3A_153] : memref<20x100xi32, #tpu.memory_space<vmem>> -> memref<1x100xi32, #tpu.memory_space<vmem>>
      %dma_wait3A_155 = tpu.memref_squeeze %dma_wait3A_154 : memref<1x100xi32, #tpu.memory_space<vmem>> -> memref<100xi32, #tpu.memory_space<vmem>>
      %dma_wait3A_156 = arith.constant 0 : i32
      %dma_wait3A_157 = arith.constant 0 : i32
      %dma_wait3A_158 = tpu.memref_slice %arg2[%dma_wait3A_156, %dma_wait3A_157] : memref<10000x128xf32, #tpu.memory_space<hbm>> -> memref<10000x128xf32, #tpu.memory_space<hbm>>
      tpu.wait_indirect_dma semaphore(%arg13 : memref<!tpu.dma_semaphore, #tpu.memory_space<semaphore_mem>>) src(%dma_wait3A_158 : memref<10000x128xf32, #tpu.memory_space<hbm>>) dst(%arg10 : memref<100x128xf32, #tpu.memory_space<vmem>>)
      %dma_start3A_159 = arith.constant 4 : i32
      %dma_start3A_160 = arith.constant 0 : i32
      %dma_start3A_161 = tpu.memref_slice %arg8[%dma_start3A_159, %dma_start3A_160] : memref<20x100xi32, #tpu.memory_space<vmem>> -> memref<1x100xi32, #tpu.memory_space<vmem>>
      %dma_start3A_162 = tpu.memref_squeeze %dma_start3A_161 : memref<1x100xi32, #tpu.memory_space<vmem>> -> memref<100xi32, #tpu.memory_space<vmem>>
      %dma_start3A_163 = arith.constant 0 : i32
      %dma_start3A_164 = arith.constant 0 : i32
      %dma_start3A_165 = tpu.memref_slice %arg6[%dma_start3A_163, %dma_start3A_164] : memref<10000x128xf32, #tpu.memory_space<vmem_shared>> -> memref<10000x128xf32, #tpu.memory_space<vmem_shared>>
      tpu.enqueue_indirect_dma source(%arg10 : memref<100x128xf32, #tpu.memory_space<vmem>>) target(%dma_start3A_165 : memref<10000x128xf32, #tpu.memory_space<vmem_shared>>) offsets(%dma_start3A_162 : memref<100xi32, #tpu.memory_space<vmem>>) semaphore(%arg16 : memref<!tpu.dma_semaphore, #tpu.memory_space<semaphore_mem>>) {add = true}
      %dma_wait3A_166 = arith.constant 4 : i32
      %dma_wait3A_167 = arith.constant 0 : i32
      %dma_wait3A_168 = tpu.memref_slice %arg8[%dma_wait3A_166, %dma_wait3A_167] : memref<20x100xi32, #tpu.memory_space<vmem>> -> memref<1x100xi32, #tpu.memory_space<vmem>>
      %dma_wait3A_169 = tpu.memref_squeeze %dma_wait3A_168 : memref<1x100xi32, #tpu.memory_space<vmem>> -> memref<100xi32, #tpu.memory_space<vmem>>
      %dma_wait3A_170 = arith.constant 0 : i32
      %dma_wait3A_171 = arith.constant 0 : i32
      %dma_wait3A_172 = tpu.memref_slice %arg6[%dma_wait3A_170, %dma_wait3A_171] : memref<10000x128xf32, #tpu.memory_space<vmem_shared>> -> memref<10000x128xf32, #tpu.memory_space<vmem_shared>>
      tpu.wait_indirect_dma semaphore(%arg16 : memref<!tpu.dma_semaphore, #tpu.memory_space<semaphore_mem>>) src(%arg10 : memref<100x128xf32, #tpu.memory_space<vmem>>) dst(%dma_wait3A_172 : memref<10000x128xf32, #tpu.memory_space<vmem_shared>>)
      %dma_start3A_173 = arith.constant 7 : i32
      %dma_start3A_174 = arith.constant 0 : i32
      %dma_start3A_175 = tpu.memref_slice %arg7[%dma_start3A_173, %dma_start3A_174] : memref<20x100xi32, #tpu.memory_space<vmem>> -> memref<1x100xi32, #tpu.memory_space<vmem>>
      %dma_start3A_176 = tpu.memref_squeeze %dma_start3A_175 : memref<1x100xi32, #tpu.memory_space<vmem>> -> memref<100xi32, #tpu.memory_space<vmem>>
      %dma_start3A_177 = arith.constant 0 : i32
      %dma_start3A_178 = arith.constant 0 : i32
      %dma_start3A_179 = tpu.memref_slice %arg2[%dma_start3A_177, %dma_start3A_178] : memref<10000x128xf32, #tpu.memory_space<hbm>> -> memref<10000x128xf32, #tpu.memory_space<hbm>>
      tpu.enqueue_indirect_dma source(%dma_start3A_179 : memref<10000x128xf32, #tpu.memory_space<hbm>>) target(%arg10 : memref<100x128xf32, #tpu.memory_space<vmem>>) offsets(%dma_start3A_176 : memref<100xi32, #tpu.memory_space<vmem>>) semaphore(%arg13 : memref<!tpu.dma_semaphore, #tpu.memory_space<semaphore_mem>>)
      %dma_wait3A_180 = arith.constant 5 : i32
      %dma_wait3A_181 = arith.constant 0 : i32
      %dma_wait3A_182 = tpu.memref_slice %arg7[%dma_wait3A_180, %dma_wait3A_181] : memref<20x100xi32, #tpu.memory_space<vmem>> -> memref<1x100xi32, #tpu.memory_space<vmem>>
      %dma_wait3A_183 = tpu.memref_squeeze %dma_wait3A_182 : memref<1x100xi32, #tpu.memory_space<vmem>> -> memref<100xi32, #tpu.memory_space<vmem>>
      %dma_wait3A_184 = arith.constant 0 : i32
      %dma_wait3A_185 = arith.constant 0 : i32
      %dma_wait3A_186 = tpu.memref_slice %arg2[%dma_wait3A_184, %dma_wait3A_185] : memref<10000x128xf32, #tpu.memory_space<hbm>> -> memref<10000x128xf32, #tpu.memory_space<hbm>>
      tpu.wait_indirect_dma semaphore(%arg14 : memref<!tpu.dma_semaphore, #tpu.memory_space<semaphore_mem>>) src(%dma_wait3A_186 : memref<10000x128xf32, #tpu.memory_space<hbm>>) dst(%arg11 : memref<100x128xf32, #tpu.memory_space<vmem>>)
      %dma_start3A_187 = arith.constant 5 : i32
      %dma_start3A_188 = arith.constant 0 : i32
      %dma_start3A_189 = tpu.memref_slice %arg8[%dma_start3A_187, %dma_start3A_188] : memref<20x100xi32, #tpu.memory_space<vmem>> -> memref<1x100xi32, #tpu.memory_space<vmem>>
      %dma_start3A_190 = tpu.memref_squeeze %dma_start3A_189 : memref<1x100xi32, #tpu.memory_space<vmem>> -> memref<100xi32, #tpu.memory_space<vmem>>
      %dma_start3A_191 = arith.constant 0 : i32
      %dma_start3A_192 = arith.constant 0 : i32
      %dma_start3A_193 = tpu.memref_slice %arg6[%dma_start3A_191, %dma_start3A_192] : memref<10000x128xf32, #tpu.memory_space<vmem_shared>> -> memref<10000x128xf32, #tpu.memory_space<vmem_shared>>
      tpu.enqueue_indirect_dma source(%arg11 : memref<100x128xf32, #tpu.memory_space<vmem>>) target(%dma_start3A_193 : memref<10000x128xf32, #tpu.memory_space<vmem_shared>>) offsets(%dma_start3A_190 : memref<100xi32, #tpu.memory_space<vmem>>) semaphore(%arg17 : memref<!tpu.dma_semaphore, #tpu.memory_space<semaphore_mem>>) {add = true}
      %dma_wait3A_194 = arith.constant 5 : i32
      %dma_wait3A_195 = arith.constant 0 : i32
      %dma_wait3A_196 = tpu.memref_slice %arg8[%dma_wait3A_194, %dma_wait3A_195] : memref<20x100xi32, #tpu.memory_space<vmem>> -> memref<1x100xi32, #tpu.memory_space<vmem>>
      %dma_wait3A_197 = tpu.memref_squeeze %dma_wait3A_196 : memref<1x100xi32, #tpu.memory_space<vmem>> -> memref<100xi32, #tpu.memory_space<vmem>>
      %dma_wait3A_198 = arith.constant 0 : i32
      %dma_wait3A_199 = arith.constant 0 : i32
      %dma_wait3A_200 = tpu.memref_slice %arg6[%dma_wait3A_198, %dma_wait3A_199] : memref<10000x128xf32, #tpu.memory_space<vmem_shared>> -> memref<10000x128xf32, #tpu.memory_space<vmem_shared>>
      tpu.wait_indirect_dma semaphore(%arg17 : memref<!tpu.dma_semaphore, #tpu.memory_space<semaphore_mem>>) src(%arg11 : memref<100x128xf32, #tpu.memory_space<vmem>>) dst(%dma_wait3A_200 : memref<10000x128xf32, #tpu.memory_space<vmem_shared>>)
      %dma_start3A_201 = arith.constant 8 : i32
      %dma_start3A_202 = arith.constant 0 : i32
      %dma_start3A_203 = tpu.memref_slice %arg7[%dma_start3A_201, %dma_start3A_202] : memref<20x100xi32, #tpu.memory_space<vmem>> -> memref<1x100xi32, #tpu.memory_space<vmem>>
      %dma_start3A_204 = tpu.memref_squeeze %dma_start3A_203 : memref<1x100xi32, #tpu.memory_space<vmem>> -> memref<100xi32, #tpu.memory_space<vmem>>
      %dma_start3A_205 = arith.constant 0 : i32
      %dma_start3A_206 = arith.constant 0 : i32
      %dma_start3A_207 = tpu.memref_slice %arg2[%dma_start3A_205, %dma_start3A_206] : memref<10000x128xf32, #tpu.memory_space<hbm>> -> memref<10000x128xf32, #tpu.memory_space<hbm>>
      tpu.enqueue_indirect_dma source(%dma_start3A_207 : memref<10000x128xf32, #tpu.memory_space<hbm>>) target(%arg11 : memref<100x128xf32, #tpu.memory_space<vmem>>) offsets(%dma_start3A_204 : memref<100xi32, #tpu.memory_space<vmem>>) semaphore(%arg14 : memref<!tpu.dma_semaphore, #tpu.memory_space<semaphore_mem>>)
      %dma_wait3A_208 = arith.constant 6 : i32
      %dma_wait3A_209 = arith.constant 0 : i32
      %dma_wait3A_210 = tpu.memref_slice %arg7[%dma_wait3A_208, %dma_wait3A_209] : memref<20x100xi32, #tpu.memory_space<vmem>> -> memref<1x100xi32, #tpu.memory_space<vmem>>
      %dma_wait3A_211 = tpu.memref_squeeze %dma_wait3A_210 : memref<1x100xi32, #tpu.memory_space<vmem>> -> memref<100xi32, #tpu.memory_space<vmem>>
      %dma_wait3A_212 = arith.constant 0 : i32
      %dma_wait3A_213 = arith.constant 0 : i32
      %dma_wait3A_214 = tpu.memref_slice %arg2[%dma_wait3A_212, %dma_wait3A_213] : memref<10000x128xf32, #tpu.memory_space<hbm>> -> memref<10000x128xf32, #tpu.memory_space<hbm>>
      tpu.wait_indirect_dma semaphore(%arg12 : memref<!tpu.dma_semaphore, #tpu.memory_space<semaphore_mem>>) src(%dma_wait3A_214 : memref<10000x128xf32, #tpu.memory_space<hbm>>) dst(%arg9 : memref<100x128xf32, #tpu.memory_space<vmem>>)
      %dma_start3A_215 = arith.constant 6 : i32
      %dma_start3A_216 = arith.constant 0 : i32
      %dma_start3A_217 = tpu.memref_slice %arg8[%dma_start3A_215, %dma_start3A_216] : memref<20x100xi32, #tpu.memory_space<vmem>> -> memref<1x100xi32, #tpu.memory_space<vmem>>
      %dma_start3A_218 = tpu.memref_squeeze %dma_start3A_217 : memref<1x100xi32, #tpu.memory_space<vmem>> -> memref<100xi32, #tpu.memory_space<vmem>>
      %dma_start3A_219 = arith.constant 0 : i32
      %dma_start3A_220 = arith.constant 0 : i32
      %dma_start3A_221 = tpu.memref_slice %arg6[%dma_start3A_219, %dma_start3A_220] : memref<10000x128xf32, #tpu.memory_space<vmem_shared>> -> memref<10000x128xf32, #tpu.memory_space<vmem_shared>>
      tpu.enqueue_indirect_dma source(%arg9 : memref<100x128xf32, #tpu.memory_space<vmem>>) target(%dma_start3A_221 : memref<10000x128xf32, #tpu.memory_space<vmem_shared>>) offsets(%dma_start3A_218 : memref<100xi32, #tpu.memory_space<vmem>>) semaphore(%arg15 : memref<!tpu.dma_semaphore, #tpu.memory_space<semaphore_mem>>) {add = true}
      %dma_wait3A_222 = arith.constant 6 : i32
      %dma_wait3A_223 = arith.constant 0 : i32
      %dma_wait3A_224 = tpu.memref_slice %arg8[%dma_wait3A_222, %dma_wait3A_223] : memref<20x100xi32, #tpu.memory_space<vmem>> -> memref<1x100xi32, #tpu.memory_space<vmem>>
      %dma_wait3A_225 = tpu.memref_squeeze %dma_wait3A_224 : memref<1x100xi32, #tpu.memory_space<vmem>> -> memref<100xi32, #tpu.memory_space<vmem>>
      %dma_wait3A_226 = arith.constant 0 : i32
      %dma_wait3A_227 = arith.constant 0 : i32
      %dma_wait3A_228 = tpu.memref_slice %arg6[%dma_wait3A_226, %dma_wait3A_227] : memref<10000x128xf32, #tpu.memory_space<vmem_shared>> -> memref<10000x128xf32, #tpu.memory_space<vmem_shared>>
      tpu.wait_indirect_dma semaphore(%arg15 : memref<!tpu.dma_semaphore, #tpu.memory_space<semaphore_mem>>) src(%arg9 : memref<100x128xf32, #tpu.memory_space<vmem>>) dst(%dma_wait3A_228 : memref<10000x128xf32, #tpu.memory_space<vmem_shared>>)
      %dma_start3A_229 = arith.constant 9 : i32
      %dma_start3A_230 = arith.constant 0 : i32
      %dma_start3A_231 = tpu.memref_slice %arg7[%dma_start3A_229, %dma_start3A_230] : memref<20x100xi32, #tpu.memory_space<vmem>> -> memref<1x100xi32, #tpu.memory_space<vmem>>
      %dma_start3A_232 = tpu.memref_squeeze %dma_start3A_231 : memref<1x100xi32, #tpu.memory_space<vmem>> -> memref<100xi32, #tpu.memory_space<vmem>>
      %dma_start3A_233 = arith.constant 0 : i32
      %dma_start3A_234 = arith.constant 0 : i32
      %dma_start3A_235 = tpu.memref_slice %arg2[%dma_start3A_233, %dma_start3A_234] : memref<10000x128xf32, #tpu.memory_space<hbm>> -> memref<10000x128xf32, #tpu.memory_space<hbm>>
      tpu.enqueue_indirect_dma source(%dma_start3A_235 : memref<10000x128xf32, #tpu.memory_space<hbm>>) target(%arg9 : memref<100x128xf32, #tpu.memory_space<vmem>>) offsets(%dma_start3A_232 : memref<100xi32, #tpu.memory_space<vmem>>) semaphore(%arg12 : memref<!tpu.dma_semaphore, #tpu.memory_space<semaphore_mem>>)
      %dma_wait3A_236 = arith.constant 7 : i32
      %dma_wait3A_237 = arith.constant 0 : i32
      %dma_wait3A_238 = tpu.memref_slice %arg7[%dma_wait3A_236, %dma_wait3A_237] : memref<20x100xi32, #tpu.memory_space<vmem>> -> memref<1x100xi32, #tpu.memory_space<vmem>>
      %dma_wait3A_239 = tpu.memref_squeeze %dma_wait3A_238 : memref<1x100xi32, #tpu.memory_space<vmem>> -> memref<100xi32, #tpu.memory_space<vmem>>
      %dma_wait3A_240 = arith.constant 0 : i32
      %dma_wait3A_241 = arith.constant 0 : i32
      %dma_wait3A_242 = tpu.memref_slice %arg2[%dma_wait3A_240, %dma_wait3A_241] : memref<10000x128xf32, #tpu.memory_space<hbm>> -> memref<10000x128xf32, #tpu.memory_space<hbm>>
      tpu.wait_indirect_dma semaphore(%arg13 : memref<!tpu.dma_semaphore, #tpu.memory_space<semaphore_mem>>) src(%dma_wait3A_242 : memref<10000x128xf32, #tpu.memory_space<hbm>>) dst(%arg10 : memref<100x128xf32, #tpu.memory_space<vmem>>)
      %dma_start3A_243 = arith.constant 7 : i32
      %dma_start3A_244 = arith.constant 0 : i32
      %dma_start3A_245 = tpu.memref_slice %arg8[%dma_start3A_243, %dma_start3A_244] : memref<20x100xi32, #tpu.memory_space<vmem>> -> memref<1x100xi32, #tpu.memory_space<vmem>>
      %dma_start3A_246 = tpu.memref_squeeze %dma_start3A_245 : memref<1x100xi32, #tpu.memory_space<vmem>> -> memref<100xi32, #tpu.memory_space<vmem>>
      %dma_start3A_247 = arith.constant 0 : i32
      %dma_start3A_248 = arith.constant 0 : i32
      %dma_start3A_249 = tpu.memref_slice %arg6[%dma_start3A_247, %dma_start3A_248] : memref<10000x128xf32, #tpu.memory_space<vmem_shared>> -> memref<10000x128xf32, #tpu.memory_space<vmem_shared>>
      tpu.enqueue_indirect_dma source(%arg10 : memref<100x128xf32, #tpu.memory_space<vmem>>) target(%dma_start3A_249 : memref<10000x128xf32, #tpu.memory_space<vmem_shared>>) offsets(%dma_start3A_246 : memref<100xi32, #tpu.memory_space<vmem>>) semaphore(%arg16 : memref<!tpu.dma_semaphore, #tpu.memory_space<semaphore_mem>>) {add = true}
      %dma_wait3A_250 = arith.constant 7 : i32
      %dma_wait3A_251 = arith.constant 0 : i32
      %dma_wait3A_252 = tpu.memref_slice %arg8[%dma_wait3A_250, %dma_wait3A_251] : memref<20x100xi32, #tpu.memory_space<vmem>> -> memref<1x100xi32, #tpu.memory_space<vmem>>
      %dma_wait3A_253 = tpu.memref_squeeze %dma_wait3A_252 : memref<1x100xi32, #tpu.memory_space<vmem>> -> memref<100xi32, #tpu.memory_space<vmem>>
      %dma_wait3A_254 = arith.constant 0 : i32
      %dma_wait3A_255 = arith.constant 0 : i32
      %dma_wait3A_256 = tpu.memref_slice %arg6[%dma_wait3A_254, %dma_wait3A_255] : memref<10000x128xf32, #tpu.memory_space<vmem_shared>> -> memref<10000x128xf32, #tpu.memory_space<vmem_shared>>
      tpu.wait_indirect_dma semaphore(%arg16 : memref<!tpu.dma_semaphore, #tpu.memory_space<semaphore_mem>>) src(%arg10 : memref<100x128xf32, #tpu.memory_space<vmem>>) dst(%dma_wait3A_256 : memref<10000x128xf32, #tpu.memory_space<vmem_shared>>)
      %dma_start3A_257 = arith.constant 10 : i32
      %dma_start3A_258 = arith.constant 0 : i32
      %dma_start3A_259 = tpu.memref_slice %arg7[%dma_start3A_257, %dma_start3A_258] : memref<20x100xi32, #tpu.memory_space<vmem>> -> memref<1x100xi32, #tpu.memory_space<vmem>>
      %dma_start3A_260 = tpu.memref_squeeze %dma_start3A_259 : memref<1x100xi32, #tpu.memory_space<vmem>> -> memref<100xi32, #tpu.memory_space<vmem>>
      %dma_start3A_261 = arith.constant 0 : i32
      %dma_start3A_262 = arith.constant 0 : i32
      %dma_start3A_263 = tpu.memref_slice %arg2[%dma_start3A_261, %dma_start3A_262] : memref<10000x128xf32, #tpu.memory_space<hbm>> -> memref<10000x128xf32, #tpu.memory_space<hbm>>
      tpu.enqueue_indirect_dma source(%dma_start3A_263 : memref<10000x128xf32, #tpu.memory_space<hbm>>) target(%arg10 : memref<100x128xf32, #tpu.memory_space<vmem>>) offsets(%dma_start3A_260 : memref<100xi32, #tpu.memory_space<vmem>>) semaphore(%arg13 : memref<!tpu.dma_semaphore, #tpu.memory_space<semaphore_mem>>)
      %dma_wait3A_264 = arith.constant 8 : i32
      %dma_wait3A_265 = arith.constant 0 : i32
      %dma_wait3A_266 = tpu.memref_slice %arg7[%dma_wait3A_264, %dma_wait3A_265] : memref<20x100xi32, #tpu.memory_space<vmem>> -> memref<1x100xi32, #tpu.memory_space<vmem>>
      %dma_wait3A_267 = tpu.memref_squeeze %dma_wait3A_266 : memref<1x100xi32, #tpu.memory_space<vmem>> -> memref<100xi32, #tpu.memory_space<vmem>>
      %dma_wait3A_268 = arith.constant 0 : i32
      %dma_wait3A_269 = arith.constant 0 : i32
      %dma_wait3A_270 = tpu.memref_slice %arg2[%dma_wait3A_268, %dma_wait3A_269] : memref<10000x128xf32, #tpu.memory_space<hbm>> -> memref<10000x128xf32, #tpu.memory_space<hbm>>
      tpu.wait_indirect_dma semaphore(%arg14 : memref<!tpu.dma_semaphore, #tpu.memory_space<semaphore_mem>>) src(%dma_wait3A_270 : memref<10000x128xf32, #tpu.memory_space<hbm>>) dst(%arg11 : memref<100x128xf32, #tpu.memory_space<vmem>>)
      %dma_start3A_271 = arith.constant 8 : i32
      %dma_start3A_272 = arith.constant 0 : i32
      %dma_start3A_273 = tpu.memref_slice %arg8[%dma_start3A_271, %dma_start3A_272] : memref<20x100xi32, #tpu.memory_space<vmem>> -> memref<1x100xi32, #tpu.memory_space<vmem>>
      %dma_start3A_274 = tpu.memref_squeeze %dma_start3A_273 : memref<1x100xi32, #tpu.memory_space<vmem>> -> memref<100xi32, #tpu.memory_space<vmem>>
      %dma_start3A_275 = arith.constant 0 : i32
      %dma_start3A_276 = arith.constant 0 : i32
      %dma_start3A_277 = tpu.memref_slice %arg6[%dma_start3A_275, %dma_start3A_276] : memref<10000x128xf32, #tpu.memory_space<vmem_shared>> -> memref<10000x128xf32, #tpu.memory_space<vmem_shared>>
      tpu.enqueue_indirect_dma source(%arg11 : memref<100x128xf32, #tpu.memory_space<vmem>>) target(%dma_start3A_277 : memref<10000x128xf32, #tpu.memory_space<vmem_shared>>) offsets(%dma_start3A_274 : memref<100xi32, #tpu.memory_space<vmem>>) semaphore(%arg17 : memref<!tpu.dma_semaphore, #tpu.memory_space<semaphore_mem>>) {add = true}
      %dma_wait3A_278 = arith.constant 8 : i32
      %dma_wait3A_279 = arith.constant 0 : i32
      %dma_wait3A_280 = tpu.memref_slice %arg8[%dma_wait3A_278, %dma_wait3A_279] : memref<20x100xi32, #tpu.memory_space<vmem>> -> memref<1x100xi32, #tpu.memory_space<vmem>>
      %dma_wait3A_281 = tpu.memref_squeeze %dma_wait3A_280 : memref<1x100xi32, #tpu.memory_space<vmem>> -> memref<100xi32, #tpu.memory_space<vmem>>
      %dma_wait3A_282 = arith.constant 0 : i32
      %dma_wait3A_283 = arith.constant 0 : i32
      %dma_wait3A_284 = tpu.memref_slice %arg6[%dma_wait3A_282, %dma_wait3A_283] : memref<10000x128xf32, #tpu.memory_space<vmem_shared>> -> memref<10000x128xf32, #tpu.memory_space<vmem_shared>>
      tpu.wait_indirect_dma semaphore(%arg17 : memref<!tpu.dma_semaphore, #tpu.memory_space<semaphore_mem>>) src(%arg11 : memref<100x128xf32, #tpu.memory_space<vmem>>) dst(%dma_wait3A_284 : memref<10000x128xf32, #tpu.memory_space<vmem_shared>>)
      %dma_start3A_285 = arith.constant 11 : i32
      %dma_start3A_286 = arith.constant 0 : i32
      %dma_start3A_287 = tpu.memref_slice %arg7[%dma_start3A_285, %dma_start3A_286] : memref<20x100xi32, #tpu.memory_space<vmem>> -> memref<1x100xi32, #tpu.memory_space<vmem>>
      %dma_start3A_288 = tpu.memref_squeeze %dma_start3A_287 : memref<1x100xi32, #tpu.memory_space<vmem>> -> memref<100xi32, #tpu.memory_space<vmem>>
      %dma_start3A_289 = arith.constant 0 : i32
      %dma_start3A_290 = arith.constant 0 : i32
      %dma_start3A_291 = tpu.memref_slice %arg2[%dma_start3A_289, %dma_start3A_290] : memref<10000x128xf32, #tpu.memory_space<hbm>> -> memref<10000x128xf32, #tpu.memory_space<hbm>>
      tpu.enqueue_indirect_dma source(%dma_start3A_291 : memref<10000x128xf32, #tpu.memory_space<hbm>>) target(%arg11 : memref<100x128xf32, #tpu.memory_space<vmem>>) offsets(%dma_start3A_288 : memref<100xi32, #tpu.memory_space<vmem>>) semaphore(%arg14 : memref<!tpu.dma_semaphore, #tpu.memory_space<semaphore_mem>>)
      %dma_wait3A_292 = arith.constant 9 : i32
      %dma_wait3A_293 = arith.constant 0 : i32
      %dma_wait3A_294 = tpu.memref_slice %arg7[%dma_wait3A_292, %dma_wait3A_293] : memref<20x100xi32, #tpu.memory_space<vmem>> -> memref<1x100xi32, #tpu.memory_space<vmem>>
      %dma_wait3A_295 = tpu.memref_squeeze %dma_wait3A_294 : memref<1x100xi32, #tpu.memory_space<vmem>> -> memref<100xi32, #tpu.memory_space<vmem>>
      %dma_wait3A_296 = arith.constant 0 : i32
      %dma_wait3A_297 = arith.constant 0 : i32
      %dma_wait3A_298 = tpu.memref_slice %arg2[%dma_wait3A_296, %dma_wait3A_297] : memref<10000x128xf32, #tpu.memory_space<hbm>> -> memref<10000x128xf32, #tpu.memory_space<hbm>>
      tpu.wait_indirect_dma semaphore(%arg12 : memref<!tpu.dma_semaphore, #tpu.memory_space<semaphore_mem>>) src(%dma_wait3A_298 : memref<10000x128xf32, #tpu.memory_space<hbm>>) dst(%arg9 : memref<100x128xf32, #tpu.memory_space<vmem>>)
      %dma_start3A_299 = arith.constant 9 : i32
      %dma_start3A_300 = arith.constant 0 : i32
      %dma_start3A_301 = tpu.memref_slice %arg8[%dma_start3A_299, %dma_start3A_300] : memref<20x100xi32, #tpu.memory_space<vmem>> -> memref<1x100xi32, #tpu.memory_space<vmem>>
      %dma_start3A_302 = tpu.memref_squeeze %dma_start3A_301 : memref<1x100xi32, #tpu.memory_space<vmem>> -> memref<100xi32, #tpu.memory_space<vmem>>
      %dma_start3A_303 = arith.constant 0 : i32
      %dma_start3A_304 = arith.constant 0 : i32
      %dma_start3A_305 = tpu.memref_slice %arg6[%dma_start3A_303, %dma_start3A_304] : memref<10000x128xf32, #tpu.memory_space<vmem_shared>> -> memref<10000x128xf32, #tpu.memory_space<vmem_shared>>
      tpu.enqueue_indirect_dma source(%arg9 : memref<100x128xf32, #tpu.memory_space<vmem>>) target(%dma_start3A_305 : memref<10000x128xf32, #tpu.memory_space<vmem_shared>>) offsets(%dma_start3A_302 : memref<100xi32, #tpu.memory_space<vmem>>) semaphore(%arg15 : memref<!tpu.dma_semaphore, #tpu.memory_space<semaphore_mem>>) {add = true}
      %dma_wait3A_306 = arith.constant 9 : i32
      %dma_wait3A_307 = arith.constant 0 : i32
      %dma_wait3A_308 = tpu.memref_slice %arg8[%dma_wait3A_306, %dma_wait3A_307] : memref<20x100xi32, #tpu.memory_space<vmem>> -> memref<1x100xi32, #tpu.memory_space<vmem>>
      %dma_wait3A_309 = tpu.memref_squeeze %dma_wait3A_308 : memref<1x100xi32, #tpu.memory_space<vmem>> -> memref<100xi32, #tpu.memory_space<vmem>>
      %dma_wait3A_310 = arith.constant 0 : i32
      %dma_wait3A_311 = arith.constant 0 : i32
      %dma_wait3A_312 = tpu.memref_slice %arg6[%dma_wait3A_310, %dma_wait3A_311] : memref<10000x128xf32, #tpu.memory_space<vmem_shared>> -> memref<10000x128xf32, #tpu.memory_space<vmem_shared>>
      tpu.wait_indirect_dma semaphore(%arg15 : memref<!tpu.dma_semaphore, #tpu.memory_space<semaphore_mem>>) src(%arg9 : memref<100x128xf32, #tpu.memory_space<vmem>>) dst(%dma_wait3A_312 : memref<10000x128xf32, #tpu.memory_space<vmem_shared>>)
      %dma_start3A_313 = arith.constant 12 : i32
      %dma_start3A_314 = arith.constant 0 : i32
      %dma_start3A_315 = tpu.memref_slice %arg7[%dma_start3A_313, %dma_start3A_314] : memref<20x100xi32, #tpu.memory_space<vmem>> -> memref<1x100xi32, #tpu.memory_space<vmem>>
      %dma_start3A_316 = tpu.memref_squeeze %dma_start3A_315 : memref<1x100xi32, #tpu.memory_space<vmem>> -> memref<100xi32, #tpu.memory_space<vmem>>
      %dma_start3A_317 = arith.constant 0 : i32
      %dma_start3A_318 = arith.constant 0 : i32
      %dma_start3A_319 = tpu.memref_slice %arg2[%dma_start3A_317, %dma_start3A_318] : memref<10000x128xf32, #tpu.memory_space<hbm>> -> memref<10000x128xf32, #tpu.memory_space<hbm>>
      tpu.enqueue_indirect_dma source(%dma_start3A_319 : memref<10000x128xf32, #tpu.memory_space<hbm>>) target(%arg9 : memref<100x128xf32, #tpu.memory_space<vmem>>) offsets(%dma_start3A_316 : memref<100xi32, #tpu.memory_space<vmem>>) semaphore(%arg12 : memref<!tpu.dma_semaphore, #tpu.memory_space<semaphore_mem>>)
      %dma_wait3A_320 = arith.constant 10 : i32
      %dma_wait3A_321 = arith.constant 0 : i32
      %dma_wait3A_322 = tpu.memref_slice %arg7[%dma_wait3A_320, %dma_wait3A_321] : memref<20x100xi32, #tpu.memory_space<vmem>> -> memref<1x100xi32, #tpu.memory_space<vmem>>
      %dma_wait3A_323 = tpu.memref_squeeze %dma_wait3A_322 : memref<1x100xi32, #tpu.memory_space<vmem>> -> memref<100xi32, #tpu.memory_space<vmem>>
      %dma_wait3A_324 = arith.constant 0 : i32
      %dma_wait3A_325 = arith.constant 0 : i32
      %dma_wait3A_326 = tpu.memref_slice %arg2[%dma_wait3A_324, %dma_wait3A_325] : memref<10000x128xf32, #tpu.memory_space<hbm>> -> memref<10000x128xf32, #tpu.memory_space<hbm>>
      tpu.wait_indirect_dma semaphore(%arg13 : memref<!tpu.dma_semaphore, #tpu.memory_space<semaphore_mem>>) src(%dma_wait3A_326 : memref<10000x128xf32, #tpu.memory_space<hbm>>) dst(%arg10 : memref<100x128xf32, #tpu.memory_space<vmem>>)
      %dma_start3A_327 = arith.constant 10 : i32
      %dma_start3A_328 = arith.constant 0 : i32
      %dma_start3A_329 = tpu.memref_slice %arg8[%dma_start3A_327, %dma_start3A_328] : memref<20x100xi32, #tpu.memory_space<vmem>> -> memref<1x100xi32, #tpu.memory_space<vmem>>
      %dma_start3A_330 = tpu.memref_squeeze %dma_start3A_329 : memref<1x100xi32, #tpu.memory_space<vmem>> -> memref<100xi32, #tpu.memory_space<vmem>>
      %dma_start3A_331 = arith.constant 0 : i32
      %dma_start3A_332 = arith.constant 0 : i32
      %dma_start3A_333 = tpu.memref_slice %arg6[%dma_start3A_331, %dma_start3A_332] : memref<10000x128xf32, #tpu.memory_space<vmem_shared>> -> memref<10000x128xf32, #tpu.memory_space<vmem_shared>>
      tpu.enqueue_indirect_dma source(%arg10 : memref<100x128xf32, #tpu.memory_space<vmem>>) target(%dma_start3A_333 : memref<10000x128xf32, #tpu.memory_space<vmem_shared>>) offsets(%dma_start3A_330 : memref<100xi32, #tpu.memory_space<vmem>>) semaphore(%arg16 : memref<!tpu.dma_semaphore, #tpu.memory_space<semaphore_mem>>) {add = true}
      %dma_wait3A_334 = arith.constant 10 : i32
      %dma_wait3A_335 = arith.constant 0 : i32
      %dma_wait3A_336 = tpu.memref_slice %arg8[%dma_wait3A_334, %dma_wait3A_335] : memref<20x100xi32, #tpu.memory_space<vmem>> -> memref<1x100xi32, #tpu.memory_space<vmem>>
      %dma_wait3A_337 = tpu.memref_squeeze %dma_wait3A_336 : memref<1x100xi32, #tpu.memory_space<vmem>> -> memref<100xi32, #tpu.memory_space<vmem>>
      %dma_wait3A_338 = arith.constant 0 : i32
      %dma_wait3A_339 = arith.constant 0 : i32
      %dma_wait3A_340 = tpu.memref_slice %arg6[%dma_wait3A_338, %dma_wait3A_339] : memref<10000x128xf32, #tpu.memory_space<vmem_shared>> -> memref<10000x128xf32, #tpu.memory_space<vmem_shared>>
      tpu.wait_indirect_dma semaphore(%arg16 : memref<!tpu.dma_semaphore, #tpu.memory_space<semaphore_mem>>) src(%arg10 : memref<100x128xf32, #tpu.memory_space<vmem>>) dst(%dma_wait3A_340 : memref<10000x128xf32, #tpu.memory_space<vmem_shared>>)
      %dma_start3A_341 = arith.constant 13 : i32
      %dma_start3A_342 = arith.constant 0 : i32
      %dma_start3A_343 = tpu.memref_slice %arg7[%dma_start3A_341, %dma_start3A_342] : memref<20x100xi32, #tpu.memory_space<vmem>> -> memref<1x100xi32, #tpu.memory_space<vmem>>
      %dma_start3A_344 = tpu.memref_squeeze %dma_start3A_343 : memref<1x100xi32, #tpu.memory_space<vmem>> -> memref<100xi32, #tpu.memory_space<vmem>>
      %dma_start3A_345 = arith.constant 0 : i32
      %dma_start3A_346 = arith.constant 0 : i32
      %dma_start3A_347 = tpu.memref_slice %arg2[%dma_start3A_345, %dma_start3A_346] : memref<10000x128xf32, #tpu.memory_space<hbm>> -> memref<10000x128xf32, #tpu.memory_space<hbm>>
      tpu.enqueue_indirect_dma source(%dma_start3A_347 : memref<10000x128xf32, #tpu.memory_space<hbm>>) target(%arg10 : memref<100x128xf32, #tpu.memory_space<vmem>>) offsets(%dma_start3A_344 : memref<100xi32, #tpu.memory_space<vmem>>) semaphore(%arg13 : memref<!tpu.dma_semaphore, #tpu.memory_space<semaphore_mem>>)
      %dma_wait3A_348 = arith.constant 11 : i32
      %dma_wait3A_349 = arith.constant 0 : i32
      %dma_wait3A_350 = tpu.memref_slice %arg7[%dma_wait3A_348, %dma_wait3A_349] : memref<20x100xi32, #tpu.memory_space<vmem>> -> memref<1x100xi32, #tpu.memory_space<vmem>>
      %dma_wait3A_351 = tpu.memref_squeeze %dma_wait3A_350 : memref<1x100xi32, #tpu.memory_space<vmem>> -> memref<100xi32, #tpu.memory_space<vmem>>
      %dma_wait3A_352 = arith.constant 0 : i32
      %dma_wait3A_353 = arith.constant 0 : i32
      %dma_wait3A_354 = tpu.memref_slice %arg2[%dma_wait3A_352, %dma_wait3A_353] : memref<10000x128xf32, #tpu.memory_space<hbm>> -> memref<10000x128xf32, #tpu.memory_space<hbm>>
      tpu.wait_indirect_dma semaphore(%arg14 : memref<!tpu.dma_semaphore, #tpu.memory_space<semaphore_mem>>) src(%dma_wait3A_354 : memref<10000x128xf32, #tpu.memory_space<hbm>>) dst(%arg11 : memref<100x128xf32, #tpu.memory_space<vmem>>)
      %dma_start3A_355 = arith.constant 11 : i32
      %dma_start3A_356 = arith.constant 0 : i32
      %dma_start3A_357 = tpu.memref_slice %arg8[%dma_start3A_355, %dma_start3A_356] : memref<20x100xi32, #tpu.memory_space<vmem>> -> memref<1x100xi32, #tpu.memory_space<vmem>>
      %dma_start3A_358 = tpu.memref_squeeze %dma_start3A_357 : memref<1x100xi32, #tpu.memory_space<vmem>> -> memref<100xi32, #tpu.memory_space<vmem>>
      %dma_start3A_359 = arith.constant 0 : i32
      %dma_start3A_360 = arith.constant 0 : i32
      %dma_start3A_361 = tpu.memref_slice %arg6[%dma_start3A_359, %dma_start3A_360] : memref<10000x128xf32, #tpu.memory_space<vmem_shared>> -> memref<10000x128xf32, #tpu.memory_space<vmem_shared>>
      tpu.enqueue_indirect_dma source(%arg11 : memref<100x128xf32, #tpu.memory_space<vmem>>) target(%dma_start3A_361 : memref<10000x128xf32, #tpu.memory_space<vmem_shared>>) offsets(%dma_start3A_358 : memref<100xi32, #tpu.memory_space<vmem>>) semaphore(%arg17 : memref<!tpu.dma_semaphore, #tpu.memory_space<semaphore_mem>>) {add = true}
      %dma_wait3A_362 = arith.constant 11 : i32
      %dma_wait3A_363 = arith.constant 0 : i32
      %dma_wait3A_364 = tpu.memref_slice %arg8[%dma_wait3A_362, %dma_wait3A_363] : memref<20x100xi32, #tpu.memory_space<vmem>> -> memref<1x100xi32, #tpu.memory_space<vmem>>
      %dma_wait3A_365 = tpu.memref_squeeze %dma_wait3A_364 : memref<1x100xi32, #tpu.memory_space<vmem>> -> memref<100xi32, #tpu.memory_space<vmem>>
      %dma_wait3A_366 = arith.constant 0 : i32
      %dma_wait3A_367 = arith.constant 0 : i32
      %dma_wait3A_368 = tpu.memref_slice %arg6[%dma_wait3A_366, %dma_wait3A_367] : memref<10000x128xf32, #tpu.memory_space<vmem_shared>> -> memref<10000x128xf32, #tpu.memory_space<vmem_shared>>
      tpu.wait_indirect_dma semaphore(%arg17 : memref<!tpu.dma_semaphore, #tpu.memory_space<semaphore_mem>>) src(%arg11 : memref<100x128xf32, #tpu.memory_space<vmem>>) dst(%dma_wait3A_368 : memref<10000x128xf32, #tpu.memory_space<vmem_shared>>)
      %dma_start3A_369 = arith.constant 14 : i32
      %dma_start3A_370 = arith.constant 0 : i32
      %dma_start3A_371 = tpu.memref_slice %arg7[%dma_start3A_369, %dma_start3A_370] : memref<20x100xi32, #tpu.memory_space<vmem>> -> memref<1x100xi32, #tpu.memory_space<vmem>>
      %dma_start3A_372 = tpu.memref_squeeze %dma_start3A_371 : memref<1x100xi32, #tpu.memory_space<vmem>> -> memref<100xi32, #tpu.memory_space<vmem>>
      %dma_start3A_373 = arith.constant 0 : i32
      %dma_start3A_374 = arith.constant 0 : i32
      %dma_start3A_375 = tpu.memref_slice %arg2[%dma_start3A_373, %dma_start3A_374] : memref<10000x128xf32, #tpu.memory_space<hbm>> -> memref<10000x128xf32, #tpu.memory_space<hbm>>
      tpu.enqueue_indirect_dma source(%dma_start3A_375 : memref<10000x128xf32, #tpu.memory_space<hbm>>) target(%arg11 : memref<100x128xf32, #tpu.memory_space<vmem>>) offsets(%dma_start3A_372 : memref<100xi32, #tpu.memory_space<vmem>>) semaphore(%arg14 : memref<!tpu.dma_semaphore, #tpu.memory_space<semaphore_mem>>)
      %dma_wait3A_376 = arith.constant 12 : i32
      %dma_wait3A_377 = arith.constant 0 : i32
      %dma_wait3A_378 = tpu.memref_slice %arg7[%dma_wait3A_376, %dma_wait3A_377] : memref<20x100xi32, #tpu.memory_space<vmem>> -> memref<1x100xi32, #tpu.memory_space<vmem>>
      %dma_wait3A_379 = tpu.memref_squeeze %dma_wait3A_378 : memref<1x100xi32, #tpu.memory_space<vmem>> -> memref<100xi32, #tpu.memory_space<vmem>>
      %dma_wait3A_380 = arith.constant 0 : i32
      %dma_wait3A_381 = arith.constant 0 : i32
      %dma_wait3A_382 = tpu.memref_slice %arg2[%dma_wait3A_380, %dma_wait3A_381] : memref<10000x128xf32, #tpu.memory_space<hbm>> -> memref<10000x128xf32, #tpu.memory_space<hbm>>
      tpu.wait_indirect_dma semaphore(%arg12 : memref<!tpu.dma_semaphore, #tpu.memory_space<semaphore_mem>>) src(%dma_wait3A_382 : memref<10000x128xf32, #tpu.memory_space<hbm>>) dst(%arg9 : memref<100x128xf32, #tpu.memory_space<vmem>>)
      %dma_start3A_383 = arith.constant 12 : i32
      %dma_start3A_384 = arith.constant 0 : i32
      %dma_start3A_385 = tpu.memref_slice %arg8[%dma_start3A_383, %dma_start3A_384] : memref<20x100xi32, #tpu.memory_space<vmem>> -> memref<1x100xi32, #tpu.memory_space<vmem>>
      %dma_start3A_386 = tpu.memref_squeeze %dma_start3A_385 : memref<1x100xi32, #tpu.memory_space<vmem>> -> memref<100xi32, #tpu.memory_space<vmem>>
      %dma_start3A_387 = arith.constant 0 : i32
      %dma_start3A_388 = arith.constant 0 : i32
      %dma_start3A_389 = tpu.memref_slice %arg6[%dma_start3A_387, %dma_start3A_388] : memref<10000x128xf32, #tpu.memory_space<vmem_shared>> -> memref<10000x128xf32, #tpu.memory_space<vmem_shared>>
      tpu.enqueue_indirect_dma source(%arg9 : memref<100x128xf32, #tpu.memory_space<vmem>>) target(%dma_start3A_389 : memref<10000x128xf32, #tpu.memory_space<vmem_shared>>) offsets(%dma_start3A_386 : memref<100xi32, #tpu.memory_space<vmem>>) semaphore(%arg15 : memref<!tpu.dma_semaphore, #tpu.memory_space<semaphore_mem>>) {add = true}
      %dma_wait3A_390 = arith.constant 12 : i32
      %dma_wait3A_391 = arith.constant 0 : i32
      %dma_wait3A_392 = tpu.memref_slice %arg8[%dma_wait3A_390, %dma_wait3A_391] : memref<20x100xi32, #tpu.memory_space<vmem>> -> memref<1x100xi32, #tpu.memory_space<vmem>>
      %dma_wait3A_393 = tpu.memref_squeeze %dma_wait3A_392 : memref<1x100xi32, #tpu.memory_space<vmem>> -> memref<100xi32, #tpu.memory_space<vmem>>
      %dma_wait3A_394 = arith.constant 0 : i32
      %dma_wait3A_395 = arith.constant 0 : i32
      %dma_wait3A_396 = tpu.memref_slice %arg6[%dma_wait3A_394, %dma_wait3A_395] : memref<10000x128xf32, #tpu.memory_space<vmem_shared>> -> memref<10000x128xf32, #tpu.memory_space<vmem_shared>>
      tpu.wait_indirect_dma semaphore(%arg15 : memref<!tpu.dma_semaphore, #tpu.memory_space<semaphore_mem>>) src(%arg9 : memref<100x128xf32, #tpu.memory_space<vmem>>) dst(%dma_wait3A_396 : memref<10000x128xf32, #tpu.memory_space<vmem_shared>>)
      %dma_start3A_397 = arith.constant 15 : i32
      %dma_start3A_398 = arith.constant 0 : i32
      %dma_start3A_399 = tpu.memref_slice %arg7[%dma_start3A_397, %dma_start3A_398] : memref<20x100xi32, #tpu.memory_space<vmem>> -> memref<1x100xi32, #tpu.memory_space<vmem>>
      %dma_start3A_400 = tpu.memref_squeeze %dma_start3A_399 : memref<1x100xi32, #tpu.memory_space<vmem>> -> memref<100xi32, #tpu.memory_space<vmem>>
      %dma_start3A_401 = arith.constant 0 : i32
      %dma_start3A_402 = arith.constant 0 : i32
      %dma_start3A_403 = tpu.memref_slice %arg2[%dma_start3A_401, %dma_start3A_402] : memref<10000x128xf32, #tpu.memory_space<hbm>> -> memref<10000x128xf32, #tpu.memory_space<hbm>>
      tpu.enqueue_indirect_dma source(%dma_start3A_403 : memref<10000x128xf32, #tpu.memory_space<hbm>>) target(%arg9 : memref<100x128xf32, #tpu.memory_space<vmem>>) offsets(%dma_start3A_400 : memref<100xi32, #tpu.memory_space<vmem>>) semaphore(%arg12 : memref<!tpu.dma_semaphore, #tpu.memory_space<semaphore_mem>>)
      %dma_wait3A_404 = arith.constant 13 : i32
      %dma_wait3A_405 = arith.constant 0 : i32
      %dma_wait3A_406 = tpu.memref_slice %arg7[%dma_wait3A_404, %dma_wait3A_405] : memref<20x100xi32, #tpu.memory_space<vmem>> -> memref<1x100xi32, #tpu.memory_space<vmem>>
      %dma_wait3A_407 = tpu.memref_squeeze %dma_wait3A_406 : memref<1x100xi32, #tpu.memory_space<vmem>> -> memref<100xi32, #tpu.memory_space<vmem>>
      %dma_wait3A_408 = arith.constant 0 : i32
      %dma_wait3A_409 = arith.constant 0 : i32
      %dma_wait3A_410 = tpu.memref_slice %arg2[%dma_wait3A_408, %dma_wait3A_409] : memref<10000x128xf32, #tpu.memory_space<hbm>> -> memref<10000x128xf32, #tpu.memory_space<hbm>>
      tpu.wait_indirect_dma semaphore(%arg13 : memref<!tpu.dma_semaphore, #tpu.memory_space<semaphore_mem>>) src(%dma_wait3A_410 : memref<10000x128xf32, #tpu.memory_space<hbm>>) dst(%arg10 : memref<100x128xf32, #tpu.memory_space<vmem>>)
      %dma_start3A_411 = arith.constant 13 : i32
      %dma_start3A_412 = arith.constant 0 : i32
      %dma_start3A_413 = tpu.memref_slice %arg8[%dma_start3A_411, %dma_start3A_412] : memref<20x100xi32, #tpu.memory_space<vmem>> -> memref<1x100xi32, #tpu.memory_space<vmem>>
      %dma_start3A_414 = tpu.memref_squeeze %dma_start3A_413 : memref<1x100xi32, #tpu.memory_space<vmem>> -> memref<100xi32, #tpu.memory_space<vmem>>
      %dma_start3A_415 = arith.constant 0 : i32
      %dma_start3A_416 = arith.constant 0 : i32
      %dma_start3A_417 = tpu.memref_slice %arg6[%dma_start3A_415, %dma_start3A_416] : memref<10000x128xf32, #tpu.memory_space<vmem_shared>> -> memref<10000x128xf32, #tpu.memory_space<vmem_shared>>
      tpu.enqueue_indirect_dma source(%arg10 : memref<100x128xf32, #tpu.memory_space<vmem>>) target(%dma_start3A_417 : memref<10000x128xf32, #tpu.memory_space<vmem_shared>>) offsets(%dma_start3A_414 : memref<100xi32, #tpu.memory_space<vmem>>) semaphore(%arg16 : memref<!tpu.dma_semaphore, #tpu.memory_space<semaphore_mem>>) {add = true}
      %dma_wait3A_418 = arith.constant 13 : i32
      %dma_wait3A_419 = arith.constant 0 : i32
      %dma_wait3A_420 = tpu.memref_slice %arg8[%dma_wait3A_418, %dma_wait3A_419] : memref<20x100xi32, #tpu.memory_space<vmem>> -> memref<1x100xi32, #tpu.memory_space<vmem>>
      %dma_wait3A_421 = tpu.memref_squeeze %dma_wait3A_420 : memref<1x100xi32, #tpu.memory_space<vmem>> -> memref<100xi32, #tpu.memory_space<vmem>>
      %dma_wait3A_422 = arith.constant 0 : i32
      %dma_wait3A_423 = arith.constant 0 : i32
      %dma_wait3A_424 = tpu.memref_slice %arg6[%dma_wait3A_422, %dma_wait3A_423] : memref<10000x128xf32, #tpu.memory_space<vmem_shared>> -> memref<10000x128xf32, #tpu.memory_space<vmem_shared>>
      tpu.wait_indirect_dma semaphore(%arg16 : memref<!tpu.dma_semaphore, #tpu.memory_space<semaphore_mem>>) src(%arg10 : memref<100x128xf32, #tpu.memory_space<vmem>>) dst(%dma_wait3A_424 : memref<10000x128xf32, #tpu.memory_space<vmem_shared>>)
      %dma_start3A_425 = arith.constant 16 : i32
      %dma_start3A_426 = arith.constant 0 : i32
      %dma_start3A_427 = tpu.memref_slice %arg7[%dma_start3A_425, %dma_start3A_426] : memref<20x100xi32, #tpu.memory_space<vmem>> -> memref<1x100xi32, #tpu.memory_space<vmem>>
      %dma_start3A_428 = tpu.memref_squeeze %dma_start3A_427 : memref<1x100xi32, #tpu.memory_space<vmem>> -> memref<100xi32, #tpu.memory_space<vmem>>
      %dma_start3A_429 = arith.constant 0 : i32
      %dma_start3A_430 = arith.constant 0 : i32
      %dma_start3A_431 = tpu.memref_slice %arg2[%dma_start3A_429, %dma_start3A_430] : memref<10000x128xf32, #tpu.memory_space<hbm>> -> memref<10000x128xf32, #tpu.memory_space<hbm>>
      tpu.enqueue_indirect_dma source(%dma_start3A_431 : memref<10000x128xf32, #tpu.memory_space<hbm>>) target(%arg10 : memref<100x128xf32, #tpu.memory_space<vmem>>) offsets(%dma_start3A_428 : memref<100xi32, #tpu.memory_space<vmem>>) semaphore(%arg13 : memref<!tpu.dma_semaphore, #tpu.memory_space<semaphore_mem>>)
      %dma_wait3A_432 = arith.constant 14 : i32
      %dma_wait3A_433 = arith.constant 0 : i32
      %dma_wait3A_434 = tpu.memref_slice %arg7[%dma_wait3A_432, %dma_wait3A_433] : memref<20x100xi32, #tpu.memory_space<vmem>> -> memref<1x100xi32, #tpu.memory_space<vmem>>
      %dma_wait3A_435 = tpu.memref_squeeze %dma_wait3A_434 : memref<1x100xi32, #tpu.memory_space<vmem>> -> memref<100xi32, #tpu.memory_space<vmem>>
      %dma_wait3A_436 = arith.constant 0 : i32
      %dma_wait3A_437 = arith.constant 0 : i32
      %dma_wait3A_438 = tpu.memref_slice %arg2[%dma_wait3A_436, %dma_wait3A_437] : memref<10000x128xf32, #tpu.memory_space<hbm>> -> memref<10000x128xf32, #tpu.memory_space<hbm>>
      tpu.wait_indirect_dma semaphore(%arg14 : memref<!tpu.dma_semaphore, #tpu.memory_space<semaphore_mem>>) src(%dma_wait3A_438 : memref<10000x128xf32, #tpu.memory_space<hbm>>) dst(%arg11 : memref<100x128xf32, #tpu.memory_space<vmem>>)
      %dma_start3A_439 = arith.constant 14 : i32
      %dma_start3A_440 = arith.constant 0 : i32
      %dma_start3A_441 = tpu.memref_slice %arg8[%dma_start3A_439, %dma_start3A_440] : memref<20x100xi32, #tpu.memory_space<vmem>> -> memref<1x100xi32, #tpu.memory_space<vmem>>
      %dma_start3A_442 = tpu.memref_squeeze %dma_start3A_441 : memref<1x100xi32, #tpu.memory_space<vmem>> -> memref<100xi32, #tpu.memory_space<vmem>>
      %dma_start3A_443 = arith.constant 0 : i32
      %dma_start3A_444 = arith.constant 0 : i32
      %dma_start3A_445 = tpu.memref_slice %arg6[%dma_start3A_443, %dma_start3A_444] : memref<10000x128xf32, #tpu.memory_space<vmem_shared>> -> memref<10000x128xf32, #tpu.memory_space<vmem_shared>>
      tpu.enqueue_indirect_dma source(%arg11 : memref<100x128xf32, #tpu.memory_space<vmem>>) target(%dma_start3A_445 : memref<10000x128xf32, #tpu.memory_space<vmem_shared>>) offsets(%dma_start3A_442 : memref<100xi32, #tpu.memory_space<vmem>>) semaphore(%arg17 : memref<!tpu.dma_semaphore, #tpu.memory_space<semaphore_mem>>) {add = true}
      %dma_wait3A_446 = arith.constant 14 : i32
      %dma_wait3A_447 = arith.constant 0 : i32
      %dma_wait3A_448 = tpu.memref_slice %arg8[%dma_wait3A_446, %dma_wait3A_447] : memref<20x100xi32, #tpu.memory_space<vmem>> -> memref<1x100xi32, #tpu.memory_space<vmem>>
      %dma_wait3A_449 = tpu.memref_squeeze %dma_wait3A_448 : memref<1x100xi32, #tpu.memory_space<vmem>> -> memref<100xi32, #tpu.memory_space<vmem>>
      %dma_wait3A_450 = arith.constant 0 : i32
      %dma_wait3A_451 = arith.constant 0 : i32
      %dma_wait3A_452 = tpu.memref_slice %arg6[%dma_wait3A_450, %dma_wait3A_451] : memref<10000x128xf32, #tpu.memory_space<vmem_shared>> -> memref<10000x128xf32, #tpu.memory_space<vmem_shared>>
      tpu.wait_indirect_dma semaphore(%arg17 : memref<!tpu.dma_semaphore, #tpu.memory_space<semaphore_mem>>) src(%arg11 : memref<100x128xf32, #tpu.memory_space<vmem>>) dst(%dma_wait3A_452 : memref<10000x128xf32, #tpu.memory_space<vmem_shared>>)
      %dma_start3A_453 = arith.constant 17 : i32
      %dma_start3A_454 = arith.constant 0 : i32
      %dma_start3A_455 = tpu.memref_slice %arg7[%dma_start3A_453, %dma_start3A_454] : memref<20x100xi32, #tpu.memory_space<vmem>> -> memref<1x100xi32, #tpu.memory_space<vmem>>
      %dma_start3A_456 = tpu.memref_squeeze %dma_start3A_455 : memref<1x100xi32, #tpu.memory_space<vmem>> -> memref<100xi32, #tpu.memory_space<vmem>>
      %dma_start3A_457 = arith.constant 0 : i32
      %dma_start3A_458 = arith.constant 0 : i32
      %dma_start3A_459 = tpu.memref_slice %arg2[%dma_start3A_457, %dma_start3A_458] : memref<10000x128xf32, #tpu.memory_space<hbm>> -> memref<10000x128xf32, #tpu.memory_space<hbm>>
      tpu.enqueue_indirect_dma source(%dma_start3A_459 : memref<10000x128xf32, #tpu.memory_space<hbm>>) target(%arg11 : memref<100x128xf32, #tpu.memory_space<vmem>>) offsets(%dma_start3A_456 : memref<100xi32, #tpu.memory_space<vmem>>) semaphore(%arg14 : memref<!tpu.dma_semaphore, #tpu.memory_space<semaphore_mem>>)
      %dma_wait3A_460 = arith.constant 15 : i32
      %dma_wait3A_461 = arith.constant 0 : i32
      %dma_wait3A_462 = tpu.memref_slice %arg7[%dma_wait3A_460, %dma_wait3A_461] : memref<20x100xi32, #tpu.memory_space<vmem>> -> memref<1x100xi32, #tpu.memory_space<vmem>>
      %dma_wait3A_463 = tpu.memref_squeeze %dma_wait3A_462 : memref<1x100xi32, #tpu.memory_space<vmem>> -> memref<100xi32, #tpu.memory_space<vmem>>
      %dma_wait3A_464 = arith.constant 0 : i32
      %dma_wait3A_465 = arith.constant 0 : i32
      %dma_wait3A_466 = tpu.memref_slice %arg2[%dma_wait3A_464, %dma_wait3A_465] : memref<10000x128xf32, #tpu.memory_space<hbm>> -> memref<10000x128xf32, #tpu.memory_space<hbm>>
      tpu.wait_indirect_dma semaphore(%arg12 : memref<!tpu.dma_semaphore, #tpu.memory_space<semaphore_mem>>) src(%dma_wait3A_466 : memref<10000x128xf32, #tpu.memory_space<hbm>>) dst(%arg9 : memref<100x128xf32, #tpu.memory_space<vmem>>)
      %dma_start3A_467 = arith.constant 15 : i32
      %dma_start3A_468 = arith.constant 0 : i32
      %dma_start3A_469 = tpu.memref_slice %arg8[%dma_start3A_467, %dma_start3A_468] : memref<20x100xi32, #tpu.memory_space<vmem>> -> memref<1x100xi32, #tpu.memory_space<vmem>>
      %dma_start3A_470 = tpu.memref_squeeze %dma_start3A_469 : memref<1x100xi32, #tpu.memory_space<vmem>> -> memref<100xi32, #tpu.memory_space<vmem>>
      %dma_start3A_471 = arith.constant 0 : i32
      %dma_start3A_472 = arith.constant 0 : i32
      %dma_start3A_473 = tpu.memref_slice %arg6[%dma_start3A_471, %dma_start3A_472] : memref<10000x128xf32, #tpu.memory_space<vmem_shared>> -> memref<10000x128xf32, #tpu.memory_space<vmem_shared>>
      tpu.enqueue_indirect_dma source(%arg9 : memref<100x128xf32, #tpu.memory_space<vmem>>) target(%dma_start3A_473 : memref<10000x128xf32, #tpu.memory_space<vmem_shared>>) offsets(%dma_start3A_470 : memref<100xi32, #tpu.memory_space<vmem>>) semaphore(%arg15 : memref<!tpu.dma_semaphore, #tpu.memory_space<semaphore_mem>>) {add = true}
      %dma_wait3A_474 = arith.constant 15 : i32
      %dma_wait3A_475 = arith.constant 0 : i32
      %dma_wait3A_476 = tpu.memref_slice %arg8[%dma_wait3A_474, %dma_wait3A_475] : memref<20x100xi32, #tpu.memory_space<vmem>> -> memref<1x100xi32, #tpu.memory_space<vmem>>
      %dma_wait3A_477 = tpu.memref_squeeze %dma_wait3A_476 : memref<1x100xi32, #tpu.memory_space<vmem>> -> memref<100xi32, #tpu.memory_space<vmem>>
      %dma_wait3A_478 = arith.constant 0 : i32
      %dma_wait3A_479 = arith.constant 0 : i32
      %dma_wait3A_480 = tpu.memref_slice %arg6[%dma_wait3A_478, %dma_wait3A_479] : memref<10000x128xf32, #tpu.memory_space<vmem_shared>> -> memref<10000x128xf32, #tpu.memory_space<vmem_shared>>
      tpu.wait_indirect_dma semaphore(%arg15 : memref<!tpu.dma_semaphore, #tpu.memory_space<semaphore_mem>>) src(%arg9 : memref<100x128xf32, #tpu.memory_space<vmem>>) dst(%dma_wait3A_480 : memref<10000x128xf32, #tpu.memory_space<vmem_shared>>)
      %dma_start3A_481 = arith.constant 18 : i32
      %dma_start3A_482 = arith.constant 0 : i32
      %dma_start3A_483 = tpu.memref_slice %arg7[%dma_start3A_481, %dma_start3A_482] : memref<20x100xi32, #tpu.memory_space<vmem>> -> memref<1x100xi32, #tpu.memory_space<vmem>>
      %dma_start3A_484 = tpu.memref_squeeze %dma_start3A_483 : memref<1x100xi32, #tpu.memory_space<vmem>> -> memref<100xi32, #tpu.memory_space<vmem>>
      %dma_start3A_485 = arith.constant 0 : i32
      %dma_start3A_486 = arith.constant 0 : i32
      %dma_start3A_487 = tpu.memref_slice %arg2[%dma_start3A_485, %dma_start3A_486] : memref<10000x128xf32, #tpu.memory_space<hbm>> -> memref<10000x128xf32, #tpu.memory_space<hbm>>
      tpu.enqueue_indirect_dma source(%dma_start3A_487 : memref<10000x128xf32, #tpu.memory_space<hbm>>) target(%arg9 : memref<100x128xf32, #tpu.memory_space<vmem>>) offsets(%dma_start3A_484 : memref<100xi32, #tpu.memory_space<vmem>>) semaphore(%arg12 : memref<!tpu.dma_semaphore, #tpu.memory_space<semaphore_mem>>)
      %dma_wait3A_488 = arith.constant 16 : i32
      %dma_wait3A_489 = arith.constant 0 : i32
      %dma_wait3A_490 = tpu.memref_slice %arg7[%dma_wait3A_488, %dma_wait3A_489] : memref<20x100xi32, #tpu.memory_space<vmem>> -> memref<1x100xi32, #tpu.memory_space<vmem>>
      %dma_wait3A_491 = tpu.memref_squeeze %dma_wait3A_490 : memref<1x100xi32, #tpu.memory_space<vmem>> -> memref<100xi32, #tpu.memory_space<vmem>>
      %dma_wait3A_492 = arith.constant 0 : i32
      %dma_wait3A_493 = arith.constant 0 : i32
      %dma_wait3A_494 = tpu.memref_slice %arg2[%dma_wait3A_492, %dma_wait3A_493] : memref<10000x128xf32, #tpu.memory_space<hbm>> -> memref<10000x128xf32, #tpu.memory_space<hbm>>
      tpu.wait_indirect_dma semaphore(%arg13 : memref<!tpu.dma_semaphore, #tpu.memory_space<semaphore_mem>>) src(%dma_wait3A_494 : memref<10000x128xf32, #tpu.memory_space<hbm>>) dst(%arg10 : memref<100x128xf32, #tpu.memory_space<vmem>>)
      %dma_start3A_495 = arith.constant 16 : i32
      %dma_start3A_496 = arith.constant 0 : i32
      %dma_start3A_497 = tpu.memref_slice %arg8[%dma_start3A_495, %dma_start3A_496] : memref<20x100xi32, #tpu.memory_space<vmem>> -> memref<1x100xi32, #tpu.memory_space<vmem>>
      %dma_start3A_498 = tpu.memref_squeeze %dma_start3A_497 : memref<1x100xi32, #tpu.memory_space<vmem>> -> memref<100xi32, #tpu.memory_space<vmem>>
      %dma_start3A_499 = arith.constant 0 : i32
      %dma_start3A_500 = arith.constant 0 : i32
      %dma_start3A_501 = tpu.memref_slice %arg6[%dma_start3A_499, %dma_start3A_500] : memref<10000x128xf32, #tpu.memory_space<vmem_shared>> -> memref<10000x128xf32, #tpu.memory_space<vmem_shared>>
      tpu.enqueue_indirect_dma source(%arg10 : memref<100x128xf32, #tpu.memory_space<vmem>>) target(%dma_start3A_501 : memref<10000x128xf32, #tpu.memory_space<vmem_shared>>) offsets(%dma_start3A_498 : memref<100xi32, #tpu.memory_space<vmem>>) semaphore(%arg16 : memref<!tpu.dma_semaphore, #tpu.memory_space<semaphore_mem>>) {add = true}
      %dma_wait3A_502 = arith.constant 16 : i32
      %dma_wait3A_503 = arith.constant 0 : i32
      %dma_wait3A_504 = tpu.memref_slice %arg8[%dma_wait3A_502, %dma_wait3A_503] : memref<20x100xi32, #tpu.memory_space<vmem>> -> memref<1x100xi32, #tpu.memory_space<vmem>>
      %dma_wait3A_505 = tpu.memref_squeeze %dma_wait3A_504 : memref<1x100xi32, #tpu.memory_space<vmem>> -> memref<100xi32, #tpu.memory_space<vmem>>
      %dma_wait3A_506 = arith.constant 0 : i32
      %dma_wait3A_507 = arith.constant 0 : i32
      %dma_wait3A_508 = tpu.memref_slice %arg6[%dma_wait3A_506, %dma_wait3A_507] : memref<10000x128xf32, #tpu.memory_space<vmem_shared>> -> memref<10000x128xf32, #tpu.memory_space<vmem_shared>>
      tpu.wait_indirect_dma semaphore(%arg16 : memref<!tpu.dma_semaphore, #tpu.memory_space<semaphore_mem>>) src(%arg10 : memref<100x128xf32, #tpu.memory_space<vmem>>) dst(%dma_wait3A_508 : memref<10000x128xf32, #tpu.memory_space<vmem_shared>>)
      %dma_start3A_509 = arith.constant 19 : i32
      %dma_start3A_510 = arith.constant 0 : i32
      %dma_start3A_511 = tpu.memref_slice %arg7[%dma_start3A_509, %dma_start3A_510] : memref<20x100xi32, #tpu.memory_space<vmem>> -> memref<1x100xi32, #tpu.memory_space<vmem>>
      %dma_start3A_512 = tpu.memref_squeeze %dma_start3A_511 : memref<1x100xi32, #tpu.memory_space<vmem>> -> memref<100xi32, #tpu.memory_space<vmem>>
      %dma_start3A_513 = arith.constant 0 : i32
      %dma_start3A_514 = arith.constant 0 : i32
      %dma_start3A_515 = tpu.memref_slice %arg2[%dma_start3A_513, %dma_start3A_514] : memref<10000x128xf32, #tpu.memory_space<hbm>> -> memref<10000x128xf32, #tpu.memory_space<hbm>>
      tpu.enqueue_indirect_dma source(%dma_start3A_515 : memref<10000x128xf32, #tpu.memory_space<hbm>>) target(%arg10 : memref<100x128xf32, #tpu.memory_space<vmem>>) offsets(%dma_start3A_512 : memref<100xi32, #tpu.memory_space<vmem>>) semaphore(%arg13 : memref<!tpu.dma_semaphore, #tpu.memory_space<semaphore_mem>>)
      %dma_wait3A_516 = arith.constant 17 : i32
      %dma_wait3A_517 = arith.constant 0 : i32
      %dma_wait3A_518 = tpu.memref_slice %arg7[%dma_wait3A_516, %dma_wait3A_517] : memref<20x100xi32, #tpu.memory_space<vmem>> -> memref<1x100xi32, #tpu.memory_space<vmem>>
      %dma_wait3A_519 = tpu.memref_squeeze %dma_wait3A_518 : memref<1x100xi32, #tpu.memory_space<vmem>> -> memref<100xi32, #tpu.memory_space<vmem>>
      %dma_wait3A_520 = arith.constant 0 : i32
      %dma_wait3A_521 = arith.constant 0 : i32
      %dma_wait3A_522 = tpu.memref_slice %arg2[%dma_wait3A_520, %dma_wait3A_521] : memref<10000x128xf32, #tpu.memory_space<hbm>> -> memref<10000x128xf32, #tpu.memory_space<hbm>>
      tpu.wait_indirect_dma semaphore(%arg14 : memref<!tpu.dma_semaphore, #tpu.memory_space<semaphore_mem>>) src(%dma_wait3A_522 : memref<10000x128xf32, #tpu.memory_space<hbm>>) dst(%arg11 : memref<100x128xf32, #tpu.memory_space<vmem>>)
      %dma_start3A_523 = arith.constant 17 : i32
      %dma_start3A_524 = arith.constant 0 : i32
      %dma_start3A_525 = tpu.memref_slice %arg8[%dma_start3A_523, %dma_start3A_524] : memref<20x100xi32, #tpu.memory_space<vmem>> -> memref<1x100xi32, #tpu.memory_space<vmem>>
      %dma_start3A_526 = tpu.memref_squeeze %dma_start3A_525 : memref<1x100xi32, #tpu.memory_space<vmem>> -> memref<100xi32, #tpu.memory_space<vmem>>
      %dma_start3A_527 = arith.constant 0 : i32
      %dma_start3A_528 = arith.constant 0 : i32
      %dma_start3A_529 = tpu.memref_slice %arg6[%dma_start3A_527, %dma_start3A_528] : memref<10000x128xf32, #tpu.memory_space<vmem_shared>> -> memref<10000x128xf32, #tpu.memory_space<vmem_shared>>
      tpu.enqueue_indirect_dma source(%arg11 : memref<100x128xf32, #tpu.memory_space<vmem>>) target(%dma_start3A_529 : memref<10000x128xf32, #tpu.memory_space<vmem_shared>>) offsets(%dma_start3A_526 : memref<100xi32, #tpu.memory_space<vmem>>) semaphore(%arg17 : memref<!tpu.dma_semaphore, #tpu.memory_space<semaphore_mem>>) {add = true}
      %dma_wait3A_530 = arith.constant 18 : i32
      %dma_wait3A_531 = arith.constant 0 : i32
      %dma_wait3A_532 = tpu.memref_slice %arg7[%dma_wait3A_530, %dma_wait3A_531] : memref<20x100xi32, #tpu.memory_space<vmem>> -> memref<1x100xi32, #tpu.memory_space<vmem>>
      %dma_wait3A_533 = tpu.memref_squeeze %dma_wait3A_532 : memref<1x100xi32, #tpu.memory_space<vmem>> -> memref<100xi32, #tpu.memory_space<vmem>>
      %dma_wait3A_534 = arith.constant 0 : i32
      %dma_wait3A_535 = arith.constant 0 : i32
      %dma_wait3A_536 = tpu.memref_slice %arg2[%dma_wait3A_534, %dma_wait3A_535] : memref<10000x128xf32, #tpu.memory_space<hbm>> -> memref<10000x128xf32, #tpu.memory_space<hbm>>
      tpu.wait_indirect_dma semaphore(%arg12 : memref<!tpu.dma_semaphore, #tpu.memory_space<semaphore_mem>>) src(%dma_wait3A_536 : memref<10000x128xf32, #tpu.memory_space<hbm>>) dst(%arg9 : memref<100x128xf32, #tpu.memory_space<vmem>>)
      %dma_start3A_537 = arith.constant 18 : i32
      %dma_start3A_538 = arith.constant 0 : i32
      %dma_start3A_539 = tpu.memref_slice %arg8[%dma_start3A_537, %dma_start3A_538] : memref<20x100xi32, #tpu.memory_space<vmem>> -> memref<1x100xi32, #tpu.memory_space<vmem>>
      %dma_start3A_540 = tpu.memref_squeeze %dma_start3A_539 : memref<1x100xi32, #tpu.memory_space<vmem>> -> memref<100xi32, #tpu.memory_space<vmem>>
      %dma_start3A_541 = arith.constant 0 : i32
      %dma_start3A_542 = arith.constant 0 : i32
      %dma_start3A_543 = tpu.memref_slice %arg6[%dma_start3A_541, %dma_start3A_542] : memref<10000x128xf32, #tpu.memory_space<vmem_shared>> -> memref<10000x128xf32, #tpu.memory_space<vmem_shared>>
      tpu.enqueue_indirect_dma source(%arg9 : memref<100x128xf32, #tpu.memory_space<vmem>>) target(%dma_start3A_543 : memref<10000x128xf32, #tpu.memory_space<vmem_shared>>) offsets(%dma_start3A_540 : memref<100xi32, #tpu.memory_space<vmem>>) semaphore(%arg15 : memref<!tpu.dma_semaphore, #tpu.memory_space<semaphore_mem>>) {add = true}
      %dma_wait3A_544 = arith.constant 19 : i32
      %dma_wait3A_545 = arith.constant 0 : i32
      %dma_wait3A_546 = tpu.memref_slice %arg7[%dma_wait3A_544, %dma_wait3A_545] : memref<20x100xi32, #tpu.memory_space<vmem>> -> memref<1x100xi32, #tpu.memory_space<vmem>>
      %dma_wait3A_547 = tpu.memref_squeeze %dma_wait3A_546 : memref<1x100xi32, #tpu.memory_space<vmem>> -> memref<100xi32, #tpu.memory_space<vmem>>
      %dma_wait3A_548 = arith.constant 0 : i32
      %dma_wait3A_549 = arith.constant 0 : i32
      %dma_wait3A_550 = tpu.memref_slice %arg2[%dma_wait3A_548, %dma_wait3A_549] : memref<10000x128xf32, #tpu.memory_space<hbm>> -> memref<10000x128xf32, #tpu.memory_space<hbm>>
      tpu.wait_indirect_dma semaphore(%arg13 : memref<!tpu.dma_semaphore, #tpu.memory_space<semaphore_mem>>) src(%dma_wait3A_550 : memref<10000x128xf32, #tpu.memory_space<hbm>>) dst(%arg10 : memref<100x128xf32, #tpu.memory_space<vmem>>)
      %dma_start3A_551 = arith.constant 19 : i32
      %dma_start3A_552 = arith.constant 0 : i32
      %dma_start3A_553 = tpu.memref_slice %arg8[%dma_start3A_551, %dma_start3A_552] : memref<20x100xi32, #tpu.memory_space<vmem>> -> memref<1x100xi32, #tpu.memory_space<vmem>>
      %dma_start3A_554 = tpu.memref_squeeze %dma_start3A_553 : memref<1x100xi32, #tpu.memory_space<vmem>> -> memref<100xi32, #tpu.memory_space<vmem>>
      %dma_start3A_555 = arith.constant 0 : i32
      %dma_start3A_556 = arith.constant 0 : i32
      %dma_start3A_557 = tpu.memref_slice %arg6[%dma_start3A_555, %dma_start3A_556] : memref<10000x128xf32, #tpu.memory_space<vmem_shared>> -> memref<10000x128xf32, #tpu.memory_space<vmem_shared>>
      tpu.enqueue_indirect_dma source(%arg10 : memref<100x128xf32, #tpu.memory_space<vmem>>) target(%dma_start3A_557 : memref<10000x128xf32, #tpu.memory_space<vmem_shared>>) offsets(%dma_start3A_554 : memref<100xi32, #tpu.memory_space<vmem>>) semaphore(%arg16 : memref<!tpu.dma_semaphore, #tpu.memory_space<semaphore_mem>>) {add = true}
      %dma_wait3A_558 = arith.constant 18 : i32
      %dma_wait3A_559 = arith.constant 0 : i32
      %dma_wait3A_560 = tpu.memref_slice %arg8[%dma_wait3A_558, %dma_wait3A_559] : memref<20x100xi32, #tpu.memory_space<vmem>> -> memref<1x100xi32, #tpu.memory_space<vmem>>
      %dma_wait3A_561 = tpu.memref_squeeze %dma_wait3A_560 : memref<1x100xi32, #tpu.memory_space<vmem>> -> memref<100xi32, #tpu.memory_space<vmem>>
      %dma_wait3A_562 = arith.constant 0 : i32
      %dma_wait3A_563 = arith.constant 0 : i32
      %dma_wait3A_564 = tpu.memref_slice %arg6[%dma_wait3A_562, %dma_wait3A_563] : memref<10000x128xf32, #tpu.memory_space<vmem_shared>> -> memref<10000x128xf32, #tpu.memory_space<vmem_shared>>
      tpu.wait_indirect_dma semaphore(%arg15 : memref<!tpu.dma_semaphore, #tpu.memory_space<semaphore_mem>>) src(%arg9 : memref<100x128xf32, #tpu.memory_space<vmem>>) dst(%dma_wait3A_564 : memref<10000x128xf32, #tpu.memory_space<vmem_shared>>)
      %dma_wait3A_565 = arith.constant 19 : i32
      %dma_wait3A_566 = arith.constant 0 : i32
      %dma_wait3A_567 = tpu.memref_slice %arg8[%dma_wait3A_565, %dma_wait3A_566] : memref<20x100xi32, #tpu.memory_space<vmem>> -> memref<1x100xi32, #tpu.memory_space<vmem>>
      %dma_wait3A_568 = tpu.memref_squeeze %dma_wait3A_567 : memref<1x100xi32, #tpu.memory_space<vmem>> -> memref<100xi32, #tpu.memory_space<vmem>>
      %dma_wait3A_569 = arith.constant 0 : i32
      %dma_wait3A_570 = arith.constant 0 : i32
      %dma_wait3A_571 = tpu.memref_slice %arg6[%dma_wait3A_569, %dma_wait3A_570] : memref<10000x128xf32, #tpu.memory_space<vmem_shared>> -> memref<10000x128xf32, #tpu.memory_space<vmem_shared>>
      tpu.wait_indirect_dma semaphore(%arg16 : memref<!tpu.dma_semaphore, #tpu.memory_space<semaphore_mem>>) src(%arg10 : memref<100x128xf32, #tpu.memory_space<vmem>>) dst(%dma_wait3A_571 : memref<10000x128xf32, #tpu.memory_space<vmem_shared>>)
      %dma_wait3A_572 = arith.constant 17 : i32
      %dma_wait3A_573 = arith.constant 0 : i32
      %dma_wait3A_574 = tpu.memref_slice %arg8[%dma_wait3A_572, %dma_wait3A_573] : memref<20x100xi32, #tpu.memory_space<vmem>> -> memref<1x100xi32, #tpu.memory_space<vmem>>
      %dma_wait3A_575 = tpu.memref_squeeze %dma_wait3A_574 : memref<1x100xi32, #tpu.memory_space<vmem>> -> memref<100xi32, #tpu.memory_space<vmem>>
      %dma_wait3A_576 = arith.constant 0 : i32
      %dma_wait3A_577 = arith.constant 0 : i32
      %dma_wait3A_578 = tpu.memref_slice %arg6[%dma_wait3A_576, %dma_wait3A_577] : memref<10000x128xf32, #tpu.memory_space<vmem_shared>> -> memref<10000x128xf32, #tpu.memory_space<vmem_shared>>
      tpu.wait_indirect_dma semaphore(%arg17 : memref<!tpu.dma_semaphore, #tpu.memory_space<semaphore_mem>>) src(%arg11 : memref<100x128xf32, #tpu.memory_space<vmem>>) dst(%dma_wait3A_578 : memref<10000x128xf32, #tpu.memory_space<vmem_shared>>)
    }
    %scan3A_7 = arith.constant 5 : i32
    %barrier3A_8 = arith.constant 0 : index
    tpu.barrier barrier_id(%barrier3A_8)
    %mul3A_9 = arith.constant 624 : i32
    %mul3A_10 = arith.muli %arg1, %mul3A_9 : i32
    %mul3A_11 = arith.constant 624 : i32
    %mul3A_12 = arith.muli %arg1, %mul3A_11 : i32
    "tpu.region"() ({
      %run_scoped3A = tpu.sem_alloc : memref<!tpu.dma_semaphore, #tpu.memory_space<semaphore_mem>>
      %dma_start3A = arith.constant 0 : i32
      %dma_start3A_15 = tpu.memref_slice %arg5[%arg0, %mul3A_12, %dma_start3A] : memref<2x10000x128xf32, #tpu.memory_space<hbm>> -> memref<1x624x128xf32, #tpu.memory_space<hbm>>
      %dma_start3A_16 = tpu.memref_squeeze %dma_start3A_15 : memref<1x624x128xf32, #tpu.memory_space<hbm>> -> memref<624x128xf32, #tpu.memory_space<hbm>>
      %dma_start3A_17 = arith.constant 0 : i32
      %dma_start3A_18 = tpu.memref_slice %arg6[%mul3A_10, %dma_start3A_17] : memref<10000x128xf32, #tpu.memory_space<vmem_shared>> -> memref<624x128xf32, #tpu.memory_space<vmem_shared>>
      tpu.enqueue_dma source(%dma_start3A_18 : memref<624x128xf32, #tpu.memory_space<vmem_shared>>) target(%dma_start3A_16 : memref<624x128xf32, #tpu.memory_space<hbm>>) target_semaphore(%run_scoped3A : memref<!tpu.dma_semaphore, #tpu.memory_space<semaphore_mem>>)
      %dma_wait3A = arith.constant 0 : i32
      %dma_wait3A_19 = tpu.memref_slice %arg5[%arg0, %mul3A_12, %dma_wait3A] : memref<2x10000x128xf32, #tpu.memory_space<hbm>> -> memref<1x624x128xf32, #tpu.memory_space<hbm>>
      %dma_wait3A_20 = tpu.memref_squeeze %dma_wait3A_19 : memref<1x624x128xf32, #tpu.memory_space<hbm>> -> memref<624x128xf32, #tpu.memory_space<hbm>>
      %dma_wait3A_21 = arith.constant 0 : i32
      %dma_wait3A_22 = tpu.memref_slice %arg6[%mul3A_10, %dma_wait3A_21] : memref<10000x128xf32, #tpu.memory_space<vmem_shared>> -> memref<624x128xf32, #tpu.memory_space<vmem_shared>>
      tpu.wait_dma2 semaphore(%run_scoped3A : memref<!tpu.dma_semaphore, #tpu.memory_space<semaphore_mem>>) src(%dma_wait3A_22 : memref<624x128xf32, #tpu.memory_space<vmem_shared>>) dst(%dma_wait3A_20 : memref<624x128xf32, #tpu.memory_space<hbm>>)
      tpu.yield
    }) : () -> ()
    %eq3A = arith.constant 0 : i32
    %eq3A_13 = arith.cmpi eq, %arg1, %eq3A : i32
    %convert_element_type3A = arith.extui %eq3A_13 : i1 to i32
    %cond3A = arith.constant 0 : i32
    %cond3A_14 = arith.cmpi ne, %convert_element_type3A, %cond3A : i32
    scf.if %cond3A_14 {
      "tpu.region"() ({
        %run_scoped3A = tpu.sem_alloc : memref<!tpu.dma_semaphore, #tpu.memory_space<semaphore_mem>>
        %dma_start3A = arith.constant 9984 : i32
        %dma_start3A_15 = arith.constant 0 : i32
        %dma_start3A_16 = tpu.memref_slice %arg5[%arg0, %dma_start3A, %dma_start3A_15] : memref<2x10000x128xf32, #tpu.memory_space<hbm>> -> memref<1x16x128xf32, #tpu.memory_space<hbm>>
        %dma_start3A_17 = tpu.memref_squeeze %dma_start3A_16 : memref<1x16x128xf32, #tpu.memory_space<hbm>> -> memref<16x128xf32, #tpu.memory_space<hbm>>
        %dma_start3A_18 = arith.constant 9984 : i32
        %dma_start3A_19 = arith.constant 0 : i32
        %dma_start3A_20 = tpu.memref_slice %arg6[%dma_start3A_18, %dma_start3A_19] : memref<10000x128xf32, #tpu.memory_space<vmem_shared>> -> memref<16x128xf32, #tpu.memory_space<vmem_shared>>
        tpu.enqueue_dma source(%dma_start3A_20 : memref<16x128xf32, #tpu.memory_space<vmem_shared>>) target(%dma_start3A_17 : memref<16x128xf32, #tpu.memory_space<hbm>>) target_semaphore(%run_scoped3A : memref<!tpu.dma_semaphore, #tpu.memory_space<semaphore_mem>>)
        %dma_wait3A = arith.constant 9984 : i32
        %dma_wait3A_21 = arith.constant 0 : i32
        %dma_wait3A_22 = tpu.memref_slice %arg5[%arg0, %dma_wait3A, %dma_wait3A_21] : memref<2x10000x128xf32, #tpu.memory_space<hbm>> -> memref<1x16x128xf32, #tpu.memory_space<hbm>>
        %dma_wait3A_23 = tpu.memref_squeeze %dma_wait3A_22 : memref<1x16x128xf32, #tpu.memory_space<hbm>> -> memref<16x128xf32, #tpu.memory_space<hbm>>
        %dma_wait3A_24 = arith.constant 9984 : i32
        %dma_wait3A_25 = arith.constant 0 : i32
        %dma_wait3A_26 = tpu.memref_slice %arg6[%dma_wait3A_24, %dma_wait3A_25] : memref<10000x128xf32, #tpu.memory_space<vmem_shared>> -> memref<16x128xf32, #tpu.memory_space<vmem_shared>>
        tpu.wait_dma2 semaphore(%run_scoped3A : memref<!tpu.dma_semaphore, #tpu.memory_space<semaphore_mem>>) src(%dma_wait3A_26 : memref<16x128xf32, #tpu.memory_space<vmem_shared>>) dst(%dma_wait3A_23 : memref<16x128xf32, #tpu.memory_space<hbm>>)
        tpu.yield
      }) : () -> ()
    } else {
    }
    return
  }
}

#map = affine_map<(d0, d1) -> (0, 0, 0, 0)>
#map1 = affine_map<(d0, d1) -> (0, 0)>
#map2 = affine_map<(d0, d1) -> (0, 0, 0)>
module attributes {stable_mosaic.version = 14 : i64} {
  func.func @body(%arg0: i32, %arg1: i32, %arg2: memref<2x32x100x100xi32, #tpu.memory_space<hbm>>, %arg3: memref<100x16xf32, #tpu.memory_space<hbm>>, %arg4: memref<625x16xf32, #tpu.memory_space<hbm>>, %arg5: memref<2x10000x16xf32, #tpu.memory_space<hbm>>, %arg6: memref<10000x16xf32, #tpu.memory_space<vmem_shared>>, %arg7: memref<20x100xi32, #tpu.memory_space<vmem>>, %arg8: memref<100x16xf32, #tpu.memory_space<vmem>>, %arg9: memref<!tpu.dma_semaphore, #tpu.memory_space<semaphore_mem>>, %arg10: memref<!tpu.dma_semaphore, #tpu.memory_space<semaphore_mem>>) attributes {dimension_semantics = [#tpu.dimension_semantics<core_parallel>, #tpu.dimension_semantics<subcore_parallel>], iteration_bounds = array<i64: 2, 16>, scalar_prefetch = 0 : i64, scratch_operands = 5 : i64, tpu.core_type = #tpu.core_type<sc_vector_subcore>, window_params = [{transform_indices = #map}, {transform_indices = #map1}, {transform_indices = #map1}, {transform_indices = #map2}]} {
    %mul3A = arith.constant 2 : i32
    %mul3A_0 = arith.muli %arg1, %mul3A : i32
    %add3A = arith.addi %mul3A_0, %arg0 : i32
    "tpu.region"() ({
      %run_scoped3A = tpu.sem_alloc : memref<!tpu.dma_semaphore, #tpu.memory_space<semaphore_mem>>
      tpu.enqueue_dma source(%arg3 : memref<100x16xf32, #tpu.memory_space<hbm>>) target(%arg8 : memref<100x16xf32, #tpu.memory_space<vmem>>) target_semaphore(%run_scoped3A : memref<!tpu.dma_semaphore, #tpu.memory_space<semaphore_mem>>)
      tpu.wait_dma2 semaphore(%run_scoped3A : memref<!tpu.dma_semaphore, #tpu.memory_space<semaphore_mem>>) src(%arg3 : memref<100x16xf32, #tpu.memory_space<hbm>>) dst(%arg8 : memref<100x16xf32, #tpu.memory_space<vmem>>)
      tpu.yield
    }) : () -> ()
    %mul3A_1 = arith.constant 625 : i32
    %mul3A_2 = arith.muli %arg1, %mul3A_1 : i32
    "tpu.region"() ({
      %run_scoped3A = tpu.sem_alloc : memref<!tpu.dma_semaphore, #tpu.memory_space<semaphore_mem>>
      %dma_start3A = arith.constant 0 : i32
      %dma_start3A_15 = tpu.memref_slice %arg6[%mul3A_2, %dma_start3A] : memref<10000x16xf32, #tpu.memory_space<vmem_shared>> -> memref<625x16xf32, #tpu.memory_space<vmem_shared>>
      tpu.enqueue_dma source(%arg4 : memref<625x16xf32, #tpu.memory_space<hbm>>) target(%dma_start3A_15 : memref<625x16xf32, #tpu.memory_space<vmem_shared>>) target_semaphore(%run_scoped3A : memref<!tpu.dma_semaphore, #tpu.memory_space<semaphore_mem>>)
      %dma_wait3A = arith.constant 0 : i32
      %dma_wait3A_16 = tpu.memref_slice %arg6[%mul3A_2, %dma_wait3A] : memref<10000x16xf32, #tpu.memory_space<vmem_shared>> -> memref<625x16xf32, #tpu.memory_space<vmem_shared>>
      tpu.wait_dma2 semaphore(%run_scoped3A : memref<!tpu.dma_semaphore, #tpu.memory_space<semaphore_mem>>) src(%arg4 : memref<625x16xf32, #tpu.memory_space<hbm>>) dst(%dma_wait3A_16 : memref<625x16xf32, #tpu.memory_space<vmem_shared>>)
      tpu.yield
    }) : () -> ()
    %barrier3A = arith.constant 0 : index
    tpu.barrier barrier_id(%barrier3A)
    %scan3A = arith.constant 0 : i32
    %scan3A_3 = arith.constant 0 : i32
    %scan3A_4 = arith.constant 5 : i32
    %scan3A_5 = arith.addi %scan3A_3, %scan3A_4 : i32
    %scan3A_6 = arith.constant 1 : i32
    scf.for %scan3A_15 = %scan3A_3 to %scan3A_5 step %scan3A_6  : i32 {
      %mul3A_16 = arith.constant 20 : i32
      %mul3A_17 = arith.muli %scan3A_15, %mul3A_16 : i32
      %run_scoped3A = arith.constant 1 : i32
      "tpu.region"() ({
        %run_scoped3A_296 = tpu.sem_alloc : memref<!tpu.dma_semaphore, #tpu.memory_space<semaphore_mem>>
        %dma_start3A_297 = arith.constant 0 : i32
        %dma_start3A_298 = tpu.memref_slice %arg2[%run_scoped3A, %add3A, %mul3A_17, %dma_start3A_297] : memref<2x32x100x100xi32, #tpu.memory_space<hbm>> -> memref<1x1x20x100xi32, #tpu.memory_space<hbm>>
        %dma_start3A_299 = tpu.memref_squeeze %dma_start3A_298 : memref<1x1x20x100xi32, #tpu.memory_space<hbm>> -> memref<20x100xi32, #tpu.memory_space<hbm>>
        %dma_start3A_300 = arith.constant 0 : i32
        %dma_start3A_301 = tpu.memref_slice %arg2[%run_scoped3A, %add3A, %mul3A_17, %dma_start3A_300] : memref<2x32x100x100xi32, #tpu.memory_space<hbm>> -> memref<1x1x20x100xi32, #tpu.memory_space<hbm>>
        %dma_start3A_302 = tpu.memref_squeeze %dma_start3A_301 : memref<1x1x20x100xi32, #tpu.memory_space<hbm>> -> memref<20x100xi32, #tpu.memory_space<hbm>>
        tpu.enqueue_dma source(%dma_start3A_302 : memref<20x100xi32, #tpu.memory_space<hbm>>) target(%arg7 : memref<20x100xi32, #tpu.memory_space<vmem>>) target_semaphore(%run_scoped3A_296 : memref<!tpu.dma_semaphore, #tpu.memory_space<semaphore_mem>>)
        %dma_wait3A_303 = arith.constant 0 : i32
        %dma_wait3A_304 = tpu.memref_slice %arg2[%run_scoped3A, %add3A, %mul3A_17, %dma_wait3A_303] : memref<2x32x100x100xi32, #tpu.memory_space<hbm>> -> memref<1x1x20x100xi32, #tpu.memory_space<hbm>>
        %dma_wait3A_305 = tpu.memref_squeeze %dma_wait3A_304 : memref<1x1x20x100xi32, #tpu.memory_space<hbm>> -> memref<20x100xi32, #tpu.memory_space<hbm>>
        %dma_wait3A_306 = arith.constant 0 : i32
        %dma_wait3A_307 = tpu.memref_slice %arg2[%run_scoped3A, %add3A, %mul3A_17, %dma_wait3A_306] : memref<2x32x100x100xi32, #tpu.memory_space<hbm>> -> memref<1x1x20x100xi32, #tpu.memory_space<hbm>>
        %dma_wait3A_308 = tpu.memref_squeeze %dma_wait3A_307 : memref<1x1x20x100xi32, #tpu.memory_space<hbm>> -> memref<20x100xi32, #tpu.memory_space<hbm>>
        tpu.wait_dma2 semaphore(%run_scoped3A_296 : memref<!tpu.dma_semaphore, #tpu.memory_space<semaphore_mem>>) src(%dma_wait3A_308 : memref<20x100xi32, #tpu.memory_space<hbm>>) dst(%arg7 : memref<20x100xi32, #tpu.memory_space<vmem>>)
        tpu.yield
      }) : () -> ()
      %dma_start3A = arith.constant 0 : i32
      %dma_start3A_18 = arith.constant 0 : i32
      %dma_start3A_19 = tpu.memref_slice %arg7[%dma_start3A, %dma_start3A_18] : memref<20x100xi32, #tpu.memory_space<vmem>> -> memref<1x100xi32, #tpu.memory_space<vmem>>
      %dma_start3A_20 = tpu.memref_squeeze %dma_start3A_19 : memref<1x100xi32, #tpu.memory_space<vmem>> -> memref<100xi32, #tpu.memory_space<vmem>>
      %dma_start3A_21 = arith.constant 0 : i32
      %dma_start3A_22 = arith.constant 0 : i32
      %dma_start3A_23 = tpu.memref_slice %arg6[%dma_start3A_21, %dma_start3A_22] : memref<10000x16xf32, #tpu.memory_space<vmem_shared>> -> memref<10000x16xf32, #tpu.memory_space<vmem_shared>>
      tpu.enqueue_indirect_dma source(%arg8 : memref<100x16xf32, #tpu.memory_space<vmem>>) target(%dma_start3A_23 : memref<10000x16xf32, #tpu.memory_space<vmem_shared>>) offsets(%dma_start3A_20 : memref<100xi32, #tpu.memory_space<vmem>>) semaphore(%arg9 : memref<!tpu.dma_semaphore, #tpu.memory_space<semaphore_mem>>) {add = true}
      %dma_start3A_24 = arith.constant 1 : i32
      %dma_start3A_25 = arith.constant 0 : i32
      %dma_start3A_26 = tpu.memref_slice %arg7[%dma_start3A_24, %dma_start3A_25] : memref<20x100xi32, #tpu.memory_space<vmem>> -> memref<1x100xi32, #tpu.memory_space<vmem>>
      %dma_start3A_27 = tpu.memref_squeeze %dma_start3A_26 : memref<1x100xi32, #tpu.memory_space<vmem>> -> memref<100xi32, #tpu.memory_space<vmem>>
      %dma_start3A_28 = arith.constant 0 : i32
      %dma_start3A_29 = arith.constant 0 : i32
      %dma_start3A_30 = tpu.memref_slice %arg6[%dma_start3A_28, %dma_start3A_29] : memref<10000x16xf32, #tpu.memory_space<vmem_shared>> -> memref<10000x16xf32, #tpu.memory_space<vmem_shared>>
      tpu.enqueue_indirect_dma source(%arg8 : memref<100x16xf32, #tpu.memory_space<vmem>>) target(%dma_start3A_30 : memref<10000x16xf32, #tpu.memory_space<vmem_shared>>) offsets(%dma_start3A_27 : memref<100xi32, #tpu.memory_space<vmem>>) semaphore(%arg10 : memref<!tpu.dma_semaphore, #tpu.memory_space<semaphore_mem>>) {add = true}
      %dma_wait3A = arith.constant 0 : i32
      %dma_wait3A_31 = arith.constant 0 : i32
      %dma_wait3A_32 = tpu.memref_slice %arg7[%dma_wait3A, %dma_wait3A_31] : memref<20x100xi32, #tpu.memory_space<vmem>> -> memref<1x100xi32, #tpu.memory_space<vmem>>
      %dma_wait3A_33 = tpu.memref_squeeze %dma_wait3A_32 : memref<1x100xi32, #tpu.memory_space<vmem>> -> memref<100xi32, #tpu.memory_space<vmem>>
      %dma_wait3A_34 = arith.constant 0 : i32
      %dma_wait3A_35 = arith.constant 0 : i32
      %dma_wait3A_36 = tpu.memref_slice %arg6[%dma_wait3A_34, %dma_wait3A_35] : memref<10000x16xf32, #tpu.memory_space<vmem_shared>> -> memref<10000x16xf32, #tpu.memory_space<vmem_shared>>
      tpu.wait_indirect_dma semaphore(%arg9 : memref<!tpu.dma_semaphore, #tpu.memory_space<semaphore_mem>>) src(%arg8 : memref<100x16xf32, #tpu.memory_space<vmem>>) dst(%dma_wait3A_36 : memref<10000x16xf32, #tpu.memory_space<vmem_shared>>)
      %dma_start3A_37 = arith.constant 2 : i32
      %dma_start3A_38 = arith.constant 0 : i32
      %dma_start3A_39 = tpu.memref_slice %arg7[%dma_start3A_37, %dma_start3A_38] : memref<20x100xi32, #tpu.memory_space<vmem>> -> memref<1x100xi32, #tpu.memory_space<vmem>>
      %dma_start3A_40 = tpu.memref_squeeze %dma_start3A_39 : memref<1x100xi32, #tpu.memory_space<vmem>> -> memref<100xi32, #tpu.memory_space<vmem>>
      %dma_start3A_41 = arith.constant 0 : i32
      %dma_start3A_42 = arith.constant 0 : i32
      %dma_start3A_43 = tpu.memref_slice %arg6[%dma_start3A_41, %dma_start3A_42] : memref<10000x16xf32, #tpu.memory_space<vmem_shared>> -> memref<10000x16xf32, #tpu.memory_space<vmem_shared>>
      tpu.enqueue_indirect_dma source(%arg8 : memref<100x16xf32, #tpu.memory_space<vmem>>) target(%dma_start3A_43 : memref<10000x16xf32, #tpu.memory_space<vmem_shared>>) offsets(%dma_start3A_40 : memref<100xi32, #tpu.memory_space<vmem>>) semaphore(%arg9 : memref<!tpu.dma_semaphore, #tpu.memory_space<semaphore_mem>>) {add = true}
      %dma_wait3A_44 = arith.constant 1 : i32
      %dma_wait3A_45 = arith.constant 0 : i32
      %dma_wait3A_46 = tpu.memref_slice %arg7[%dma_wait3A_44, %dma_wait3A_45] : memref<20x100xi32, #tpu.memory_space<vmem>> -> memref<1x100xi32, #tpu.memory_space<vmem>>
      %dma_wait3A_47 = tpu.memref_squeeze %dma_wait3A_46 : memref<1x100xi32, #tpu.memory_space<vmem>> -> memref<100xi32, #tpu.memory_space<vmem>>
      %dma_wait3A_48 = arith.constant 0 : i32
      %dma_wait3A_49 = arith.constant 0 : i32
      %dma_wait3A_50 = tpu.memref_slice %arg6[%dma_wait3A_48, %dma_wait3A_49] : memref<10000x16xf32, #tpu.memory_space<vmem_shared>> -> memref<10000x16xf32, #tpu.memory_space<vmem_shared>>
      tpu.wait_indirect_dma semaphore(%arg10 : memref<!tpu.dma_semaphore, #tpu.memory_space<semaphore_mem>>) src(%arg8 : memref<100x16xf32, #tpu.memory_space<vmem>>) dst(%dma_wait3A_50 : memref<10000x16xf32, #tpu.memory_space<vmem_shared>>)
      %dma_start3A_51 = arith.constant 3 : i32
      %dma_start3A_52 = arith.constant 0 : i32
      %dma_start3A_53 = tpu.memref_slice %arg7[%dma_start3A_51, %dma_start3A_52] : memref<20x100xi32, #tpu.memory_space<vmem>> -> memref<1x100xi32, #tpu.memory_space<vmem>>
      %dma_start3A_54 = tpu.memref_squeeze %dma_start3A_53 : memref<1x100xi32, #tpu.memory_space<vmem>> -> memref<100xi32, #tpu.memory_space<vmem>>
      %dma_start3A_55 = arith.constant 0 : i32
      %dma_start3A_56 = arith.constant 0 : i32
      %dma_start3A_57 = tpu.memref_slice %arg6[%dma_start3A_55, %dma_start3A_56] : memref<10000x16xf32, #tpu.memory_space<vmem_shared>> -> memref<10000x16xf32, #tpu.memory_space<vmem_shared>>
      tpu.enqueue_indirect_dma source(%arg8 : memref<100x16xf32, #tpu.memory_space<vmem>>) target(%dma_start3A_57 : memref<10000x16xf32, #tpu.memory_space<vmem_shared>>) offsets(%dma_start3A_54 : memref<100xi32, #tpu.memory_space<vmem>>) semaphore(%arg10 : memref<!tpu.dma_semaphore, #tpu.memory_space<semaphore_mem>>) {add = true}
      %dma_wait3A_58 = arith.constant 2 : i32
      %dma_wait3A_59 = arith.constant 0 : i32
      %dma_wait3A_60 = tpu.memref_slice %arg7[%dma_wait3A_58, %dma_wait3A_59] : memref<20x100xi32, #tpu.memory_space<vmem>> -> memref<1x100xi32, #tpu.memory_space<vmem>>
      %dma_wait3A_61 = tpu.memref_squeeze %dma_wait3A_60 : memref<1x100xi32, #tpu.memory_space<vmem>> -> memref<100xi32, #tpu.memory_space<vmem>>
      %dma_wait3A_62 = arith.constant 0 : i32
      %dma_wait3A_63 = arith.constant 0 : i32
      %dma_wait3A_64 = tpu.memref_slice %arg6[%dma_wait3A_62, %dma_wait3A_63] : memref<10000x16xf32, #tpu.memory_space<vmem_shared>> -> memref<10000x16xf32, #tpu.memory_space<vmem_shared>>
      tpu.wait_indirect_dma semaphore(%arg9 : memref<!tpu.dma_semaphore, #tpu.memory_space<semaphore_mem>>) src(%arg8 : memref<100x16xf32, #tpu.memory_space<vmem>>) dst(%dma_wait3A_64 : memref<10000x16xf32, #tpu.memory_space<vmem_shared>>)
      %dma_start3A_65 = arith.constant 4 : i32
      %dma_start3A_66 = arith.constant 0 : i32
      %dma_start3A_67 = tpu.memref_slice %arg7[%dma_start3A_65, %dma_start3A_66] : memref<20x100xi32, #tpu.memory_space<vmem>> -> memref<1x100xi32, #tpu.memory_space<vmem>>
      %dma_start3A_68 = tpu.memref_squeeze %dma_start3A_67 : memref<1x100xi32, #tpu.memory_space<vmem>> -> memref<100xi32, #tpu.memory_space<vmem>>
      %dma_start3A_69 = arith.constant 0 : i32
      %dma_start3A_70 = arith.constant 0 : i32
      %dma_start3A_71 = tpu.memref_slice %arg6[%dma_start3A_69, %dma_start3A_70] : memref<10000x16xf32, #tpu.memory_space<vmem_shared>> -> memref<10000x16xf32, #tpu.memory_space<vmem_shared>>
      tpu.enqueue_indirect_dma source(%arg8 : memref<100x16xf32, #tpu.memory_space<vmem>>) target(%dma_start3A_71 : memref<10000x16xf32, #tpu.memory_space<vmem_shared>>) offsets(%dma_start3A_68 : memref<100xi32, #tpu.memory_space<vmem>>) semaphore(%arg9 : memref<!tpu.dma_semaphore, #tpu.memory_space<semaphore_mem>>) {add = true}
      %dma_wait3A_72 = arith.constant 3 : i32
      %dma_wait3A_73 = arith.constant 0 : i32
      %dma_wait3A_74 = tpu.memref_slice %arg7[%dma_wait3A_72, %dma_wait3A_73] : memref<20x100xi32, #tpu.memory_space<vmem>> -> memref<1x100xi32, #tpu.memory_space<vmem>>
      %dma_wait3A_75 = tpu.memref_squeeze %dma_wait3A_74 : memref<1x100xi32, #tpu.memory_space<vmem>> -> memref<100xi32, #tpu.memory_space<vmem>>
      %dma_wait3A_76 = arith.constant 0 : i32
      %dma_wait3A_77 = arith.constant 0 : i32
      %dma_wait3A_78 = tpu.memref_slice %arg6[%dma_wait3A_76, %dma_wait3A_77] : memref<10000x16xf32, #tpu.memory_space<vmem_shared>> -> memref<10000x16xf32, #tpu.memory_space<vmem_shared>>
      tpu.wait_indirect_dma semaphore(%arg10 : memref<!tpu.dma_semaphore, #tpu.memory_space<semaphore_mem>>) src(%arg8 : memref<100x16xf32, #tpu.memory_space<vmem>>) dst(%dma_wait3A_78 : memref<10000x16xf32, #tpu.memory_space<vmem_shared>>)
      %dma_start3A_79 = arith.constant 5 : i32
      %dma_start3A_80 = arith.constant 0 : i32
      %dma_start3A_81 = tpu.memref_slice %arg7[%dma_start3A_79, %dma_start3A_80] : memref<20x100xi32, #tpu.memory_space<vmem>> -> memref<1x100xi32, #tpu.memory_space<vmem>>
      %dma_start3A_82 = tpu.memref_squeeze %dma_start3A_81 : memref<1x100xi32, #tpu.memory_space<vmem>> -> memref<100xi32, #tpu.memory_space<vmem>>
      %dma_start3A_83 = arith.constant 0 : i32
      %dma_start3A_84 = arith.constant 0 : i32
      %dma_start3A_85 = tpu.memref_slice %arg6[%dma_start3A_83, %dma_start3A_84] : memref<10000x16xf32, #tpu.memory_space<vmem_shared>> -> memref<10000x16xf32, #tpu.memory_space<vmem_shared>>
      tpu.enqueue_indirect_dma source(%arg8 : memref<100x16xf32, #tpu.memory_space<vmem>>) target(%dma_start3A_85 : memref<10000x16xf32, #tpu.memory_space<vmem_shared>>) offsets(%dma_start3A_82 : memref<100xi32, #tpu.memory_space<vmem>>) semaphore(%arg10 : memref<!tpu.dma_semaphore, #tpu.memory_space<semaphore_mem>>) {add = true}
      %dma_wait3A_86 = arith.constant 4 : i32
      %dma_wait3A_87 = arith.constant 0 : i32
      %dma_wait3A_88 = tpu.memref_slice %arg7[%dma_wait3A_86, %dma_wait3A_87] : memref<20x100xi32, #tpu.memory_space<vmem>> -> memref<1x100xi32, #tpu.memory_space<vmem>>
      %dma_wait3A_89 = tpu.memref_squeeze %dma_wait3A_88 : memref<1x100xi32, #tpu.memory_space<vmem>> -> memref<100xi32, #tpu.memory_space<vmem>>
      %dma_wait3A_90 = arith.constant 0 : i32
      %dma_wait3A_91 = arith.constant 0 : i32
      %dma_wait3A_92 = tpu.memref_slice %arg6[%dma_wait3A_90, %dma_wait3A_91] : memref<10000x16xf32, #tpu.memory_space<vmem_shared>> -> memref<10000x16xf32, #tpu.memory_space<vmem_shared>>
      tpu.wait_indirect_dma semaphore(%arg9 : memref<!tpu.dma_semaphore, #tpu.memory_space<semaphore_mem>>) src(%arg8 : memref<100x16xf32, #tpu.memory_space<vmem>>) dst(%dma_wait3A_92 : memref<10000x16xf32, #tpu.memory_space<vmem_shared>>)
      %dma_start3A_93 = arith.constant 6 : i32
      %dma_start3A_94 = arith.constant 0 : i32
      %dma_start3A_95 = tpu.memref_slice %arg7[%dma_start3A_93, %dma_start3A_94] : memref<20x100xi32, #tpu.memory_space<vmem>> -> memref<1x100xi32, #tpu.memory_space<vmem>>
      %dma_start3A_96 = tpu.memref_squeeze %dma_start3A_95 : memref<1x100xi32, #tpu.memory_space<vmem>> -> memref<100xi32, #tpu.memory_space<vmem>>
      %dma_start3A_97 = arith.constant 0 : i32
      %dma_start3A_98 = arith.constant 0 : i32
      %dma_start3A_99 = tpu.memref_slice %arg6[%dma_start3A_97, %dma_start3A_98] : memref<10000x16xf32, #tpu.memory_space<vmem_shared>> -> memref<10000x16xf32, #tpu.memory_space<vmem_shared>>
      tpu.enqueue_indirect_dma source(%arg8 : memref<100x16xf32, #tpu.memory_space<vmem>>) target(%dma_start3A_99 : memref<10000x16xf32, #tpu.memory_space<vmem_shared>>) offsets(%dma_start3A_96 : memref<100xi32, #tpu.memory_space<vmem>>) semaphore(%arg9 : memref<!tpu.dma_semaphore, #tpu.memory_space<semaphore_mem>>) {add = true}
      %dma_wait3A_100 = arith.constant 5 : i32
      %dma_wait3A_101 = arith.constant 0 : i32
      %dma_wait3A_102 = tpu.memref_slice %arg7[%dma_wait3A_100, %dma_wait3A_101] : memref<20x100xi32, #tpu.memory_space<vmem>> -> memref<1x100xi32, #tpu.memory_space<vmem>>
      %dma_wait3A_103 = tpu.memref_squeeze %dma_wait3A_102 : memref<1x100xi32, #tpu.memory_space<vmem>> -> memref<100xi32, #tpu.memory_space<vmem>>
      %dma_wait3A_104 = arith.constant 0 : i32
      %dma_wait3A_105 = arith.constant 0 : i32
      %dma_wait3A_106 = tpu.memref_slice %arg6[%dma_wait3A_104, %dma_wait3A_105] : memref<10000x16xf32, #tpu.memory_space<vmem_shared>> -> memref<10000x16xf32, #tpu.memory_space<vmem_shared>>
      tpu.wait_indirect_dma semaphore(%arg10 : memref<!tpu.dma_semaphore, #tpu.memory_space<semaphore_mem>>) src(%arg8 : memref<100x16xf32, #tpu.memory_space<vmem>>) dst(%dma_wait3A_106 : memref<10000x16xf32, #tpu.memory_space<vmem_shared>>)
      %dma_start3A_107 = arith.constant 7 : i32
      %dma_start3A_108 = arith.constant 0 : i32
      %dma_start3A_109 = tpu.memref_slice %arg7[%dma_start3A_107, %dma_start3A_108] : memref<20x100xi32, #tpu.memory_space<vmem>> -> memref<1x100xi32, #tpu.memory_space<vmem>>
      %dma_start3A_110 = tpu.memref_squeeze %dma_start3A_109 : memref<1x100xi32, #tpu.memory_space<vmem>> -> memref<100xi32, #tpu.memory_space<vmem>>
      %dma_start3A_111 = arith.constant 0 : i32
      %dma_start3A_112 = arith.constant 0 : i32
      %dma_start3A_113 = tpu.memref_slice %arg6[%dma_start3A_111, %dma_start3A_112] : memref<10000x16xf32, #tpu.memory_space<vmem_shared>> -> memref<10000x16xf32, #tpu.memory_space<vmem_shared>>
      tpu.enqueue_indirect_dma source(%arg8 : memref<100x16xf32, #tpu.memory_space<vmem>>) target(%dma_start3A_113 : memref<10000x16xf32, #tpu.memory_space<vmem_shared>>) offsets(%dma_start3A_110 : memref<100xi32, #tpu.memory_space<vmem>>) semaphore(%arg10 : memref<!tpu.dma_semaphore, #tpu.memory_space<semaphore_mem>>) {add = true}
      %dma_wait3A_114 = arith.constant 6 : i32
      %dma_wait3A_115 = arith.constant 0 : i32
      %dma_wait3A_116 = tpu.memref_slice %arg7[%dma_wait3A_114, %dma_wait3A_115] : memref<20x100xi32, #tpu.memory_space<vmem>> -> memref<1x100xi32, #tpu.memory_space<vmem>>
      %dma_wait3A_117 = tpu.memref_squeeze %dma_wait3A_116 : memref<1x100xi32, #tpu.memory_space<vmem>> -> memref<100xi32, #tpu.memory_space<vmem>>
      %dma_wait3A_118 = arith.constant 0 : i32
      %dma_wait3A_119 = arith.constant 0 : i32
      %dma_wait3A_120 = tpu.memref_slice %arg6[%dma_wait3A_118, %dma_wait3A_119] : memref<10000x16xf32, #tpu.memory_space<vmem_shared>> -> memref<10000x16xf32, #tpu.memory_space<vmem_shared>>
      tpu.wait_indirect_dma semaphore(%arg9 : memref<!tpu.dma_semaphore, #tpu.memory_space<semaphore_mem>>) src(%arg8 : memref<100x16xf32, #tpu.memory_space<vmem>>) dst(%dma_wait3A_120 : memref<10000x16xf32, #tpu.memory_space<vmem_shared>>)
      %dma_start3A_121 = arith.constant 8 : i32
      %dma_start3A_122 = arith.constant 0 : i32
      %dma_start3A_123 = tpu.memref_slice %arg7[%dma_start3A_121, %dma_start3A_122] : memref<20x100xi32, #tpu.memory_space<vmem>> -> memref<1x100xi32, #tpu.memory_space<vmem>>
      %dma_start3A_124 = tpu.memref_squeeze %dma_start3A_123 : memref<1x100xi32, #tpu.memory_space<vmem>> -> memref<100xi32, #tpu.memory_space<vmem>>
      %dma_start3A_125 = arith.constant 0 : i32
      %dma_start3A_126 = arith.constant 0 : i32
      %dma_start3A_127 = tpu.memref_slice %arg6[%dma_start3A_125, %dma_start3A_126] : memref<10000x16xf32, #tpu.memory_space<vmem_shared>> -> memref<10000x16xf32, #tpu.memory_space<vmem_shared>>
      tpu.enqueue_indirect_dma source(%arg8 : memref<100x16xf32, #tpu.memory_space<vmem>>) target(%dma_start3A_127 : memref<10000x16xf32, #tpu.memory_space<vmem_shared>>) offsets(%dma_start3A_124 : memref<100xi32, #tpu.memory_space<vmem>>) semaphore(%arg9 : memref<!tpu.dma_semaphore, #tpu.memory_space<semaphore_mem>>) {add = true}
      %dma_wait3A_128 = arith.constant 7 : i32
      %dma_wait3A_129 = arith.constant 0 : i32
      %dma_wait3A_130 = tpu.memref_slice %arg7[%dma_wait3A_128, %dma_wait3A_129] : memref<20x100xi32, #tpu.memory_space<vmem>> -> memref<1x100xi32, #tpu.memory_space<vmem>>
      %dma_wait3A_131 = tpu.memref_squeeze %dma_wait3A_130 : memref<1x100xi32, #tpu.memory_space<vmem>> -> memref<100xi32, #tpu.memory_space<vmem>>
      %dma_wait3A_132 = arith.constant 0 : i32
      %dma_wait3A_133 = arith.constant 0 : i32
      %dma_wait3A_134 = tpu.memref_slice %arg6[%dma_wait3A_132, %dma_wait3A_133] : memref<10000x16xf32, #tpu.memory_space<vmem_shared>> -> memref<10000x16xf32, #tpu.memory_space<vmem_shared>>
      tpu.wait_indirect_dma semaphore(%arg10 : memref<!tpu.dma_semaphore, #tpu.memory_space<semaphore_mem>>) src(%arg8 : memref<100x16xf32, #tpu.memory_space<vmem>>) dst(%dma_wait3A_134 : memref<10000x16xf32, #tpu.memory_space<vmem_shared>>)
      %dma_start3A_135 = arith.constant 9 : i32
      %dma_start3A_136 = arith.constant 0 : i32
      %dma_start3A_137 = tpu.memref_slice %arg7[%dma_start3A_135, %dma_start3A_136] : memref<20x100xi32, #tpu.memory_space<vmem>> -> memref<1x100xi32, #tpu.memory_space<vmem>>
      %dma_start3A_138 = tpu.memref_squeeze %dma_start3A_137 : memref<1x100xi32, #tpu.memory_space<vmem>> -> memref<100xi32, #tpu.memory_space<vmem>>
      %dma_start3A_139 = arith.constant 0 : i32
      %dma_start3A_140 = arith.constant 0 : i32
      %dma_start3A_141 = tpu.memref_slice %arg6[%dma_start3A_139, %dma_start3A_140] : memref<10000x16xf32, #tpu.memory_space<vmem_shared>> -> memref<10000x16xf32, #tpu.memory_space<vmem_shared>>
      tpu.enqueue_indirect_dma source(%arg8 : memref<100x16xf32, #tpu.memory_space<vmem>>) target(%dma_start3A_141 : memref<10000x16xf32, #tpu.memory_space<vmem_shared>>) offsets(%dma_start3A_138 : memref<100xi32, #tpu.memory_space<vmem>>) semaphore(%arg10 : memref<!tpu.dma_semaphore, #tpu.memory_space<semaphore_mem>>) {add = true}
      %dma_wait3A_142 = arith.constant 8 : i32
      %dma_wait3A_143 = arith.constant 0 : i32
      %dma_wait3A_144 = tpu.memref_slice %arg7[%dma_wait3A_142, %dma_wait3A_143] : memref<20x100xi32, #tpu.memory_space<vmem>> -> memref<1x100xi32, #tpu.memory_space<vmem>>
      %dma_wait3A_145 = tpu.memref_squeeze %dma_wait3A_144 : memref<1x100xi32, #tpu.memory_space<vmem>> -> memref<100xi32, #tpu.memory_space<vmem>>
      %dma_wait3A_146 = arith.constant 0 : i32
      %dma_wait3A_147 = arith.constant 0 : i32
      %dma_wait3A_148 = tpu.memref_slice %arg6[%dma_wait3A_146, %dma_wait3A_147] : memref<10000x16xf32, #tpu.memory_space<vmem_shared>> -> memref<10000x16xf32, #tpu.memory_space<vmem_shared>>
      tpu.wait_indirect_dma semaphore(%arg9 : memref<!tpu.dma_semaphore, #tpu.memory_space<semaphore_mem>>) src(%arg8 : memref<100x16xf32, #tpu.memory_space<vmem>>) dst(%dma_wait3A_148 : memref<10000x16xf32, #tpu.memory_space<vmem_shared>>)
      %dma_start3A_149 = arith.constant 10 : i32
      %dma_start3A_150 = arith.constant 0 : i32
      %dma_start3A_151 = tpu.memref_slice %arg7[%dma_start3A_149, %dma_start3A_150] : memref<20x100xi32, #tpu.memory_space<vmem>> -> memref<1x100xi32, #tpu.memory_space<vmem>>
      %dma_start3A_152 = tpu.memref_squeeze %dma_start3A_151 : memref<1x100xi32, #tpu.memory_space<vmem>> -> memref<100xi32, #tpu.memory_space<vmem>>
      %dma_start3A_153 = arith.constant 0 : i32
      %dma_start3A_154 = arith.constant 0 : i32
      %dma_start3A_155 = tpu.memref_slice %arg6[%dma_start3A_153, %dma_start3A_154] : memref<10000x16xf32, #tpu.memory_space<vmem_shared>> -> memref<10000x16xf32, #tpu.memory_space<vmem_shared>>
      tpu.enqueue_indirect_dma source(%arg8 : memref<100x16xf32, #tpu.memory_space<vmem>>) target(%dma_start3A_155 : memref<10000x16xf32, #tpu.memory_space<vmem_shared>>) offsets(%dma_start3A_152 : memref<100xi32, #tpu.memory_space<vmem>>) semaphore(%arg9 : memref<!tpu.dma_semaphore, #tpu.memory_space<semaphore_mem>>) {add = true}
      %dma_wait3A_156 = arith.constant 9 : i32
      %dma_wait3A_157 = arith.constant 0 : i32
      %dma_wait3A_158 = tpu.memref_slice %arg7[%dma_wait3A_156, %dma_wait3A_157] : memref<20x100xi32, #tpu.memory_space<vmem>> -> memref<1x100xi32, #tpu.memory_space<vmem>>
      %dma_wait3A_159 = tpu.memref_squeeze %dma_wait3A_158 : memref<1x100xi32, #tpu.memory_space<vmem>> -> memref<100xi32, #tpu.memory_space<vmem>>
      %dma_wait3A_160 = arith.constant 0 : i32
      %dma_wait3A_161 = arith.constant 0 : i32
      %dma_wait3A_162 = tpu.memref_slice %arg6[%dma_wait3A_160, %dma_wait3A_161] : memref<10000x16xf32, #tpu.memory_space<vmem_shared>> -> memref<10000x16xf32, #tpu.memory_space<vmem_shared>>
      tpu.wait_indirect_dma semaphore(%arg10 : memref<!tpu.dma_semaphore, #tpu.memory_space<semaphore_mem>>) src(%arg8 : memref<100x16xf32, #tpu.memory_space<vmem>>) dst(%dma_wait3A_162 : memref<10000x16xf32, #tpu.memory_space<vmem_shared>>)
      %dma_start3A_163 = arith.constant 11 : i32
      %dma_start3A_164 = arith.constant 0 : i32
      %dma_start3A_165 = tpu.memref_slice %arg7[%dma_start3A_163, %dma_start3A_164] : memref<20x100xi32, #tpu.memory_space<vmem>> -> memref<1x100xi32, #tpu.memory_space<vmem>>
      %dma_start3A_166 = tpu.memref_squeeze %dma_start3A_165 : memref<1x100xi32, #tpu.memory_space<vmem>> -> memref<100xi32, #tpu.memory_space<vmem>>
      %dma_start3A_167 = arith.constant 0 : i32
      %dma_start3A_168 = arith.constant 0 : i32
      %dma_start3A_169 = tpu.memref_slice %arg6[%dma_start3A_167, %dma_start3A_168] : memref<10000x16xf32, #tpu.memory_space<vmem_shared>> -> memref<10000x16xf32, #tpu.memory_space<vmem_shared>>
      tpu.enqueue_indirect_dma source(%arg8 : memref<100x16xf32, #tpu.memory_space<vmem>>) target(%dma_start3A_169 : memref<10000x16xf32, #tpu.memory_space<vmem_shared>>) offsets(%dma_start3A_166 : memref<100xi32, #tpu.memory_space<vmem>>) semaphore(%arg10 : memref<!tpu.dma_semaphore, #tpu.memory_space<semaphore_mem>>) {add = true}
      %dma_wait3A_170 = arith.constant 10 : i32
      %dma_wait3A_171 = arith.constant 0 : i32
      %dma_wait3A_172 = tpu.memref_slice %arg7[%dma_wait3A_170, %dma_wait3A_171] : memref<20x100xi32, #tpu.memory_space<vmem>> -> memref<1x100xi32, #tpu.memory_space<vmem>>
      %dma_wait3A_173 = tpu.memref_squeeze %dma_wait3A_172 : memref<1x100xi32, #tpu.memory_space<vmem>> -> memref<100xi32, #tpu.memory_space<vmem>>
      %dma_wait3A_174 = arith.constant 0 : i32
      %dma_wait3A_175 = arith.constant 0 : i32
      %dma_wait3A_176 = tpu.memref_slice %arg6[%dma_wait3A_174, %dma_wait3A_175] : memref<10000x16xf32, #tpu.memory_space<vmem_shared>> -> memref<10000x16xf32, #tpu.memory_space<vmem_shared>>
      tpu.wait_indirect_dma semaphore(%arg9 : memref<!tpu.dma_semaphore, #tpu.memory_space<semaphore_mem>>) src(%arg8 : memref<100x16xf32, #tpu.memory_space<vmem>>) dst(%dma_wait3A_176 : memref<10000x16xf32, #tpu.memory_space<vmem_shared>>)
      %dma_start3A_177 = arith.constant 12 : i32
      %dma_start3A_178 = arith.constant 0 : i32
      %dma_start3A_179 = tpu.memref_slice %arg7[%dma_start3A_177, %dma_start3A_178] : memref<20x100xi32, #tpu.memory_space<vmem>> -> memref<1x100xi32, #tpu.memory_space<vmem>>
      %dma_start3A_180 = tpu.memref_squeeze %dma_start3A_179 : memref<1x100xi32, #tpu.memory_space<vmem>> -> memref<100xi32, #tpu.memory_space<vmem>>
      %dma_start3A_181 = arith.constant 0 : i32
      %dma_start3A_182 = arith.constant 0 : i32
      %dma_start3A_183 = tpu.memref_slice %arg6[%dma_start3A_181, %dma_start3A_182] : memref<10000x16xf32, #tpu.memory_space<vmem_shared>> -> memref<10000x16xf32, #tpu.memory_space<vmem_shared>>
      tpu.enqueue_indirect_dma source(%arg8 : memref<100x16xf32, #tpu.memory_space<vmem>>) target(%dma_start3A_183 : memref<10000x16xf32, #tpu.memory_space<vmem_shared>>) offsets(%dma_start3A_180 : memref<100xi32, #tpu.memory_space<vmem>>) semaphore(%arg9 : memref<!tpu.dma_semaphore, #tpu.memory_space<semaphore_mem>>) {add = true}
      %dma_wait3A_184 = arith.constant 11 : i32
      %dma_wait3A_185 = arith.constant 0 : i32
      %dma_wait3A_186 = tpu.memref_slice %arg7[%dma_wait3A_184, %dma_wait3A_185] : memref<20x100xi32, #tpu.memory_space<vmem>> -> memref<1x100xi32, #tpu.memory_space<vmem>>
      %dma_wait3A_187 = tpu.memref_squeeze %dma_wait3A_186 : memref<1x100xi32, #tpu.memory_space<vmem>> -> memref<100xi32, #tpu.memory_space<vmem>>
      %dma_wait3A_188 = arith.constant 0 : i32
      %dma_wait3A_189 = arith.constant 0 : i32
      %dma_wait3A_190 = tpu.memref_slice %arg6[%dma_wait3A_188, %dma_wait3A_189] : memref<10000x16xf32, #tpu.memory_space<vmem_shared>> -> memref<10000x16xf32, #tpu.memory_space<vmem_shared>>
      tpu.wait_indirect_dma semaphore(%arg10 : memref<!tpu.dma_semaphore, #tpu.memory_space<semaphore_mem>>) src(%arg8 : memref<100x16xf32, #tpu.memory_space<vmem>>) dst(%dma_wait3A_190 : memref<10000x16xf32, #tpu.memory_space<vmem_shared>>)
      %dma_start3A_191 = arith.constant 13 : i32
      %dma_start3A_192 = arith.constant 0 : i32
      %dma_start3A_193 = tpu.memref_slice %arg7[%dma_start3A_191, %dma_start3A_192] : memref<20x100xi32, #tpu.memory_space<vmem>> -> memref<1x100xi32, #tpu.memory_space<vmem>>
      %dma_start3A_194 = tpu.memref_squeeze %dma_start3A_193 : memref<1x100xi32, #tpu.memory_space<vmem>> -> memref<100xi32, #tpu.memory_space<vmem>>
      %dma_start3A_195 = arith.constant 0 : i32
      %dma_start3A_196 = arith.constant 0 : i32
      %dma_start3A_197 = tpu.memref_slice %arg6[%dma_start3A_195, %dma_start3A_196] : memref<10000x16xf32, #tpu.memory_space<vmem_shared>> -> memref<10000x16xf32, #tpu.memory_space<vmem_shared>>
      tpu.enqueue_indirect_dma source(%arg8 : memref<100x16xf32, #tpu.memory_space<vmem>>) target(%dma_start3A_197 : memref<10000x16xf32, #tpu.memory_space<vmem_shared>>) offsets(%dma_start3A_194 : memref<100xi32, #tpu.memory_space<vmem>>) semaphore(%arg10 : memref<!tpu.dma_semaphore, #tpu.memory_space<semaphore_mem>>) {add = true}
      %dma_wait3A_198 = arith.constant 12 : i32
      %dma_wait3A_199 = arith.constant 0 : i32
      %dma_wait3A_200 = tpu.memref_slice %arg7[%dma_wait3A_198, %dma_wait3A_199] : memref<20x100xi32, #tpu.memory_space<vmem>> -> memref<1x100xi32, #tpu.memory_space<vmem>>
      %dma_wait3A_201 = tpu.memref_squeeze %dma_wait3A_200 : memref<1x100xi32, #tpu.memory_space<vmem>> -> memref<100xi32, #tpu.memory_space<vmem>>
      %dma_wait3A_202 = arith.constant 0 : i32
      %dma_wait3A_203 = arith.constant 0 : i32
      %dma_wait3A_204 = tpu.memref_slice %arg6[%dma_wait3A_202, %dma_wait3A_203] : memref<10000x16xf32, #tpu.memory_space<vmem_shared>> -> memref<10000x16xf32, #tpu.memory_space<vmem_shared>>
      tpu.wait_indirect_dma semaphore(%arg9 : memref<!tpu.dma_semaphore, #tpu.memory_space<semaphore_mem>>) src(%arg8 : memref<100x16xf32, #tpu.memory_space<vmem>>) dst(%dma_wait3A_204 : memref<10000x16xf32, #tpu.memory_space<vmem_shared>>)
      %dma_start3A_205 = arith.constant 14 : i32
      %dma_start3A_206 = arith.constant 0 : i32
      %dma_start3A_207 = tpu.memref_slice %arg7[%dma_start3A_205, %dma_start3A_206] : memref<20x100xi32, #tpu.memory_space<vmem>> -> memref<1x100xi32, #tpu.memory_space<vmem>>
      %dma_start3A_208 = tpu.memref_squeeze %dma_start3A_207 : memref<1x100xi32, #tpu.memory_space<vmem>> -> memref<100xi32, #tpu.memory_space<vmem>>
      %dma_start3A_209 = arith.constant 0 : i32
      %dma_start3A_210 = arith.constant 0 : i32
      %dma_start3A_211 = tpu.memref_slice %arg6[%dma_start3A_209, %dma_start3A_210] : memref<10000x16xf32, #tpu.memory_space<vmem_shared>> -> memref<10000x16xf32, #tpu.memory_space<vmem_shared>>
      tpu.enqueue_indirect_dma source(%arg8 : memref<100x16xf32, #tpu.memory_space<vmem>>) target(%dma_start3A_211 : memref<10000x16xf32, #tpu.memory_space<vmem_shared>>) offsets(%dma_start3A_208 : memref<100xi32, #tpu.memory_space<vmem>>) semaphore(%arg9 : memref<!tpu.dma_semaphore, #tpu.memory_space<semaphore_mem>>) {add = true}
      %dma_wait3A_212 = arith.constant 13 : i32
      %dma_wait3A_213 = arith.constant 0 : i32
      %dma_wait3A_214 = tpu.memref_slice %arg7[%dma_wait3A_212, %dma_wait3A_213] : memref<20x100xi32, #tpu.memory_space<vmem>> -> memref<1x100xi32, #tpu.memory_space<vmem>>
      %dma_wait3A_215 = tpu.memref_squeeze %dma_wait3A_214 : memref<1x100xi32, #tpu.memory_space<vmem>> -> memref<100xi32, #tpu.memory_space<vmem>>
      %dma_wait3A_216 = arith.constant 0 : i32
      %dma_wait3A_217 = arith.constant 0 : i32
      %dma_wait3A_218 = tpu.memref_slice %arg6[%dma_wait3A_216, %dma_wait3A_217] : memref<10000x16xf32, #tpu.memory_space<vmem_shared>> -> memref<10000x16xf32, #tpu.memory_space<vmem_shared>>
      tpu.wait_indirect_dma semaphore(%arg10 : memref<!tpu.dma_semaphore, #tpu.memory_space<semaphore_mem>>) src(%arg8 : memref<100x16xf32, #tpu.memory_space<vmem>>) dst(%dma_wait3A_218 : memref<10000x16xf32, #tpu.memory_space<vmem_shared>>)
      %dma_start3A_219 = arith.constant 15 : i32
      %dma_start3A_220 = arith.constant 0 : i32
      %dma_start3A_221 = tpu.memref_slice %arg7[%dma_start3A_219, %dma_start3A_220] : memref<20x100xi32, #tpu.memory_space<vmem>> -> memref<1x100xi32, #tpu.memory_space<vmem>>
      %dma_start3A_222 = tpu.memref_squeeze %dma_start3A_221 : memref<1x100xi32, #tpu.memory_space<vmem>> -> memref<100xi32, #tpu.memory_space<vmem>>
      %dma_start3A_223 = arith.constant 0 : i32
      %dma_start3A_224 = arith.constant 0 : i32
      %dma_start3A_225 = tpu.memref_slice %arg6[%dma_start3A_223, %dma_start3A_224] : memref<10000x16xf32, #tpu.memory_space<vmem_shared>> -> memref<10000x16xf32, #tpu.memory_space<vmem_shared>>
      tpu.enqueue_indirect_dma source(%arg8 : memref<100x16xf32, #tpu.memory_space<vmem>>) target(%dma_start3A_225 : memref<10000x16xf32, #tpu.memory_space<vmem_shared>>) offsets(%dma_start3A_222 : memref<100xi32, #tpu.memory_space<vmem>>) semaphore(%arg10 : memref<!tpu.dma_semaphore, #tpu.memory_space<semaphore_mem>>) {add = true}
      %dma_wait3A_226 = arith.constant 14 : i32
      %dma_wait3A_227 = arith.constant 0 : i32
      %dma_wait3A_228 = tpu.memref_slice %arg7[%dma_wait3A_226, %dma_wait3A_227] : memref<20x100xi32, #tpu.memory_space<vmem>> -> memref<1x100xi32, #tpu.memory_space<vmem>>
      %dma_wait3A_229 = tpu.memref_squeeze %dma_wait3A_228 : memref<1x100xi32, #tpu.memory_space<vmem>> -> memref<100xi32, #tpu.memory_space<vmem>>
      %dma_wait3A_230 = arith.constant 0 : i32
      %dma_wait3A_231 = arith.constant 0 : i32
      %dma_wait3A_232 = tpu.memref_slice %arg6[%dma_wait3A_230, %dma_wait3A_231] : memref<10000x16xf32, #tpu.memory_space<vmem_shared>> -> memref<10000x16xf32, #tpu.memory_space<vmem_shared>>
      tpu.wait_indirect_dma semaphore(%arg9 : memref<!tpu.dma_semaphore, #tpu.memory_space<semaphore_mem>>) src(%arg8 : memref<100x16xf32, #tpu.memory_space<vmem>>) dst(%dma_wait3A_232 : memref<10000x16xf32, #tpu.memory_space<vmem_shared>>)
      %dma_start3A_233 = arith.constant 16 : i32
      %dma_start3A_234 = arith.constant 0 : i32
      %dma_start3A_235 = tpu.memref_slice %arg7[%dma_start3A_233, %dma_start3A_234] : memref<20x100xi32, #tpu.memory_space<vmem>> -> memref<1x100xi32, #tpu.memory_space<vmem>>
      %dma_start3A_236 = tpu.memref_squeeze %dma_start3A_235 : memref<1x100xi32, #tpu.memory_space<vmem>> -> memref<100xi32, #tpu.memory_space<vmem>>
      %dma_start3A_237 = arith.constant 0 : i32
      %dma_start3A_238 = arith.constant 0 : i32
      %dma_start3A_239 = tpu.memref_slice %arg6[%dma_start3A_237, %dma_start3A_238] : memref<10000x16xf32, #tpu.memory_space<vmem_shared>> -> memref<10000x16xf32, #tpu.memory_space<vmem_shared>>
      tpu.enqueue_indirect_dma source(%arg8 : memref<100x16xf32, #tpu.memory_space<vmem>>) target(%dma_start3A_239 : memref<10000x16xf32, #tpu.memory_space<vmem_shared>>) offsets(%dma_start3A_236 : memref<100xi32, #tpu.memory_space<vmem>>) semaphore(%arg9 : memref<!tpu.dma_semaphore, #tpu.memory_space<semaphore_mem>>) {add = true}
      %dma_wait3A_240 = arith.constant 15 : i32
      %dma_wait3A_241 = arith.constant 0 : i32
      %dma_wait3A_242 = tpu.memref_slice %arg7[%dma_wait3A_240, %dma_wait3A_241] : memref<20x100xi32, #tpu.memory_space<vmem>> -> memref<1x100xi32, #tpu.memory_space<vmem>>
      %dma_wait3A_243 = tpu.memref_squeeze %dma_wait3A_242 : memref<1x100xi32, #tpu.memory_space<vmem>> -> memref<100xi32, #tpu.memory_space<vmem>>
      %dma_wait3A_244 = arith.constant 0 : i32
      %dma_wait3A_245 = arith.constant 0 : i32
      %dma_wait3A_246 = tpu.memref_slice %arg6[%dma_wait3A_244, %dma_wait3A_245] : memref<10000x16xf32, #tpu.memory_space<vmem_shared>> -> memref<10000x16xf32, #tpu.memory_space<vmem_shared>>
      tpu.wait_indirect_dma semaphore(%arg10 : memref<!tpu.dma_semaphore, #tpu.memory_space<semaphore_mem>>) src(%arg8 : memref<100x16xf32, #tpu.memory_space<vmem>>) dst(%dma_wait3A_246 : memref<10000x16xf32, #tpu.memory_space<vmem_shared>>)
      %dma_start3A_247 = arith.constant 17 : i32
      %dma_start3A_248 = arith.constant 0 : i32
      %dma_start3A_249 = tpu.memref_slice %arg7[%dma_start3A_247, %dma_start3A_248] : memref<20x100xi32, #tpu.memory_space<vmem>> -> memref<1x100xi32, #tpu.memory_space<vmem>>
      %dma_start3A_250 = tpu.memref_squeeze %dma_start3A_249 : memref<1x100xi32, #tpu.memory_space<vmem>> -> memref<100xi32, #tpu.memory_space<vmem>>
      %dma_start3A_251 = arith.constant 0 : i32
      %dma_start3A_252 = arith.constant 0 : i32
      %dma_start3A_253 = tpu.memref_slice %arg6[%dma_start3A_251, %dma_start3A_252] : memref<10000x16xf32, #tpu.memory_space<vmem_shared>> -> memref<10000x16xf32, #tpu.memory_space<vmem_shared>>
      tpu.enqueue_indirect_dma source(%arg8 : memref<100x16xf32, #tpu.memory_space<vmem>>) target(%dma_start3A_253 : memref<10000x16xf32, #tpu.memory_space<vmem_shared>>) offsets(%dma_start3A_250 : memref<100xi32, #tpu.memory_space<vmem>>) semaphore(%arg10 : memref<!tpu.dma_semaphore, #tpu.memory_space<semaphore_mem>>) {add = true}
      %dma_wait3A_254 = arith.constant 16 : i32
      %dma_wait3A_255 = arith.constant 0 : i32
      %dma_wait3A_256 = tpu.memref_slice %arg7[%dma_wait3A_254, %dma_wait3A_255] : memref<20x100xi32, #tpu.memory_space<vmem>> -> memref<1x100xi32, #tpu.memory_space<vmem>>
      %dma_wait3A_257 = tpu.memref_squeeze %dma_wait3A_256 : memref<1x100xi32, #tpu.memory_space<vmem>> -> memref<100xi32, #tpu.memory_space<vmem>>
      %dma_wait3A_258 = arith.constant 0 : i32
      %dma_wait3A_259 = arith.constant 0 : i32
      %dma_wait3A_260 = tpu.memref_slice %arg6[%dma_wait3A_258, %dma_wait3A_259] : memref<10000x16xf32, #tpu.memory_space<vmem_shared>> -> memref<10000x16xf32, #tpu.memory_space<vmem_shared>>
      tpu.wait_indirect_dma semaphore(%arg9 : memref<!tpu.dma_semaphore, #tpu.memory_space<semaphore_mem>>) src(%arg8 : memref<100x16xf32, #tpu.memory_space<vmem>>) dst(%dma_wait3A_260 : memref<10000x16xf32, #tpu.memory_space<vmem_shared>>)
      %dma_start3A_261 = arith.constant 18 : i32
      %dma_start3A_262 = arith.constant 0 : i32
      %dma_start3A_263 = tpu.memref_slice %arg7[%dma_start3A_261, %dma_start3A_262] : memref<20x100xi32, #tpu.memory_space<vmem>> -> memref<1x100xi32, #tpu.memory_space<vmem>>
      %dma_start3A_264 = tpu.memref_squeeze %dma_start3A_263 : memref<1x100xi32, #tpu.memory_space<vmem>> -> memref<100xi32, #tpu.memory_space<vmem>>
      %dma_start3A_265 = arith.constant 0 : i32
      %dma_start3A_266 = arith.constant 0 : i32
      %dma_start3A_267 = tpu.memref_slice %arg6[%dma_start3A_265, %dma_start3A_266] : memref<10000x16xf32, #tpu.memory_space<vmem_shared>> -> memref<10000x16xf32, #tpu.memory_space<vmem_shared>>
      tpu.enqueue_indirect_dma source(%arg8 : memref<100x16xf32, #tpu.memory_space<vmem>>) target(%dma_start3A_267 : memref<10000x16xf32, #tpu.memory_space<vmem_shared>>) offsets(%dma_start3A_264 : memref<100xi32, #tpu.memory_space<vmem>>) semaphore(%arg9 : memref<!tpu.dma_semaphore, #tpu.memory_space<semaphore_mem>>) {add = true}
      %dma_wait3A_268 = arith.constant 17 : i32
      %dma_wait3A_269 = arith.constant 0 : i32
      %dma_wait3A_270 = tpu.memref_slice %arg7[%dma_wait3A_268, %dma_wait3A_269] : memref<20x100xi32, #tpu.memory_space<vmem>> -> memref<1x100xi32, #tpu.memory_space<vmem>>
      %dma_wait3A_271 = tpu.memref_squeeze %dma_wait3A_270 : memref<1x100xi32, #tpu.memory_space<vmem>> -> memref<100xi32, #tpu.memory_space<vmem>>
      %dma_wait3A_272 = arith.constant 0 : i32
      %dma_wait3A_273 = arith.constant 0 : i32
      %dma_wait3A_274 = tpu.memref_slice %arg6[%dma_wait3A_272, %dma_wait3A_273] : memref<10000x16xf32, #tpu.memory_space<vmem_shared>> -> memref<10000x16xf32, #tpu.memory_space<vmem_shared>>
      tpu.wait_indirect_dma semaphore(%arg10 : memref<!tpu.dma_semaphore, #tpu.memory_space<semaphore_mem>>) src(%arg8 : memref<100x16xf32, #tpu.memory_space<vmem>>) dst(%dma_wait3A_274 : memref<10000x16xf32, #tpu.memory_space<vmem_shared>>)
      %dma_start3A_275 = arith.constant 19 : i32
      %dma_start3A_276 = arith.constant 0 : i32
      %dma_start3A_277 = tpu.memref_slice %arg7[%dma_start3A_275, %dma_start3A_276] : memref<20x100xi32, #tpu.memory_space<vmem>> -> memref<1x100xi32, #tpu.memory_space<vmem>>
      %dma_start3A_278 = tpu.memref_squeeze %dma_start3A_277 : memref<1x100xi32, #tpu.memory_space<vmem>> -> memref<100xi32, #tpu.memory_space<vmem>>
      %dma_start3A_279 = arith.constant 0 : i32
      %dma_start3A_280 = arith.constant 0 : i32
      %dma_start3A_281 = tpu.memref_slice %arg6[%dma_start3A_279, %dma_start3A_280] : memref<10000x16xf32, #tpu.memory_space<vmem_shared>> -> memref<10000x16xf32, #tpu.memory_space<vmem_shared>>
      tpu.enqueue_indirect_dma source(%arg8 : memref<100x16xf32, #tpu.memory_space<vmem>>) target(%dma_start3A_281 : memref<10000x16xf32, #tpu.memory_space<vmem_shared>>) offsets(%dma_start3A_278 : memref<100xi32, #tpu.memory_space<vmem>>) semaphore(%arg10 : memref<!tpu.dma_semaphore, #tpu.memory_space<semaphore_mem>>) {add = true}
      %dma_wait3A_282 = arith.constant 18 : i32
      %dma_wait3A_283 = arith.constant 0 : i32
      %dma_wait3A_284 = tpu.memref_slice %arg7[%dma_wait3A_282, %dma_wait3A_283] : memref<20x100xi32, #tpu.memory_space<vmem>> -> memref<1x100xi32, #tpu.memory_space<vmem>>
      %dma_wait3A_285 = tpu.memref_squeeze %dma_wait3A_284 : memref<1x100xi32, #tpu.memory_space<vmem>> -> memref<100xi32, #tpu.memory_space<vmem>>
      %dma_wait3A_286 = arith.constant 0 : i32
      %dma_wait3A_287 = arith.constant 0 : i32
      %dma_wait3A_288 = tpu.memref_slice %arg6[%dma_wait3A_286, %dma_wait3A_287] : memref<10000x16xf32, #tpu.memory_space<vmem_shared>> -> memref<10000x16xf32, #tpu.memory_space<vmem_shared>>
      tpu.wait_indirect_dma semaphore(%arg9 : memref<!tpu.dma_semaphore, #tpu.memory_space<semaphore_mem>>) src(%arg8 : memref<100x16xf32, #tpu.memory_space<vmem>>) dst(%dma_wait3A_288 : memref<10000x16xf32, #tpu.memory_space<vmem_shared>>)
      %dma_wait3A_289 = arith.constant 19 : i32
      %dma_wait3A_290 = arith.constant 0 : i32
      %dma_wait3A_291 = tpu.memref_slice %arg7[%dma_wait3A_289, %dma_wait3A_290] : memref<20x100xi32, #tpu.memory_space<vmem>> -> memref<1x100xi32, #tpu.memory_space<vmem>>
      %dma_wait3A_292 = tpu.memref_squeeze %dma_wait3A_291 : memref<1x100xi32, #tpu.memory_space<vmem>> -> memref<100xi32, #tpu.memory_space<vmem>>
      %dma_wait3A_293 = arith.constant 0 : i32
      %dma_wait3A_294 = arith.constant 0 : i32
      %dma_wait3A_295 = tpu.memref_slice %arg6[%dma_wait3A_293, %dma_wait3A_294] : memref<10000x16xf32, #tpu.memory_space<vmem_shared>> -> memref<10000x16xf32, #tpu.memory_space<vmem_shared>>
      tpu.wait_indirect_dma semaphore(%arg10 : memref<!tpu.dma_semaphore, #tpu.memory_space<semaphore_mem>>) src(%arg8 : memref<100x16xf32, #tpu.memory_space<vmem>>) dst(%dma_wait3A_295 : memref<10000x16xf32, #tpu.memory_space<vmem_shared>>)
    }
    %scan3A_7 = arith.constant 5 : i32
    %barrier3A_8 = arith.constant 0 : index
    tpu.barrier barrier_id(%barrier3A_8)
    %mul3A_9 = arith.constant 624 : i32
    %mul3A_10 = arith.muli %arg1, %mul3A_9 : i32
    %mul3A_11 = arith.constant 624 : i32
    %mul3A_12 = arith.muli %arg1, %mul3A_11 : i32
    "tpu.region"() ({
      %run_scoped3A = tpu.sem_alloc : memref<!tpu.dma_semaphore, #tpu.memory_space<semaphore_mem>>
      %dma_start3A = arith.constant 0 : i32
      %dma_start3A_15 = tpu.memref_slice %arg5[%arg0, %mul3A_12, %dma_start3A] : memref<2x10000x16xf32, #tpu.memory_space<hbm>> -> memref<1x624x16xf32, #tpu.memory_space<hbm>>
      %dma_start3A_16 = tpu.memref_squeeze %dma_start3A_15 : memref<1x624x16xf32, #tpu.memory_space<hbm>> -> memref<624x16xf32, #tpu.memory_space<hbm>>
      %dma_start3A_17 = arith.constant 0 : i32
      %dma_start3A_18 = tpu.memref_slice %arg6[%mul3A_10, %dma_start3A_17] : memref<10000x16xf32, #tpu.memory_space<vmem_shared>> -> memref<624x16xf32, #tpu.memory_space<vmem_shared>>
      tpu.enqueue_dma source(%dma_start3A_18 : memref<624x16xf32, #tpu.memory_space<vmem_shared>>) target(%dma_start3A_16 : memref<624x16xf32, #tpu.memory_space<hbm>>) target_semaphore(%run_scoped3A : memref<!tpu.dma_semaphore, #tpu.memory_space<semaphore_mem>>)
      %dma_wait3A = arith.constant 0 : i32
      %dma_wait3A_19 = tpu.memref_slice %arg5[%arg0, %mul3A_12, %dma_wait3A] : memref<2x10000x16xf32, #tpu.memory_space<hbm>> -> memref<1x624x16xf32, #tpu.memory_space<hbm>>
      %dma_wait3A_20 = tpu.memref_squeeze %dma_wait3A_19 : memref<1x624x16xf32, #tpu.memory_space<hbm>> -> memref<624x16xf32, #tpu.memory_space<hbm>>
      %dma_wait3A_21 = arith.constant 0 : i32
      %dma_wait3A_22 = tpu.memref_slice %arg6[%mul3A_10, %dma_wait3A_21] : memref<10000x16xf32, #tpu.memory_space<vmem_shared>> -> memref<624x16xf32, #tpu.memory_space<vmem_shared>>
      tpu.wait_dma2 semaphore(%run_scoped3A : memref<!tpu.dma_semaphore, #tpu.memory_space<semaphore_mem>>) src(%dma_wait3A_22 : memref<624x16xf32, #tpu.memory_space<vmem_shared>>) dst(%dma_wait3A_20 : memref<624x16xf32, #tpu.memory_space<hbm>>)
      tpu.yield
    }) : () -> ()
    %eq3A = arith.constant 0 : i32
    %eq3A_13 = arith.cmpi eq, %arg1, %eq3A : i32
    %convert_element_type3A = arith.extui %eq3A_13 : i1 to i32
    %cond3A = arith.constant 0 : i32
    %cond3A_14 = arith.cmpi ne, %convert_element_type3A, %cond3A : i32
    scf.if %cond3A_14 {
      "tpu.region"() ({
        %run_scoped3A = tpu.sem_alloc : memref<!tpu.dma_semaphore, #tpu.memory_space<semaphore_mem>>
        %dma_start3A = arith.constant 9984 : i32
        %dma_start3A_15 = arith.constant 0 : i32
        %dma_start3A_16 = tpu.memref_slice %arg5[%arg0, %dma_start3A, %dma_start3A_15] : memref<2x10000x16xf32, #tpu.memory_space<hbm>> -> memref<1x16x16xf32, #tpu.memory_space<hbm>>
        %dma_start3A_17 = tpu.memref_squeeze %dma_start3A_16 : memref<1x16x16xf32, #tpu.memory_space<hbm>> -> memref<16x16xf32, #tpu.memory_space<hbm>>
        %dma_start3A_18 = arith.constant 9984 : i32
        %dma_start3A_19 = arith.constant 0 : i32
        %dma_start3A_20 = tpu.memref_slice %arg6[%dma_start3A_18, %dma_start3A_19] : memref<10000x16xf32, #tpu.memory_space<vmem_shared>> -> memref<16x16xf32, #tpu.memory_space<vmem_shared>>
        tpu.enqueue_dma source(%dma_start3A_20 : memref<16x16xf32, #tpu.memory_space<vmem_shared>>) target(%dma_start3A_17 : memref<16x16xf32, #tpu.memory_space<hbm>>) target_semaphore(%run_scoped3A : memref<!tpu.dma_semaphore, #tpu.memory_space<semaphore_mem>>)
        %dma_wait3A = arith.constant 9984 : i32
        %dma_wait3A_21 = arith.constant 0 : i32
        %dma_wait3A_22 = tpu.memref_slice %arg5[%arg0, %dma_wait3A, %dma_wait3A_21] : memref<2x10000x16xf32, #tpu.memory_space<hbm>> -> memref<1x16x16xf32, #tpu.memory_space<hbm>>
        %dma_wait3A_23 = tpu.memref_squeeze %dma_wait3A_22 : memref<1x16x16xf32, #tpu.memory_space<hbm>> -> memref<16x16xf32, #tpu.memory_space<hbm>>
        %dma_wait3A_24 = arith.constant 9984 : i32
        %dma_wait3A_25 = arith.constant 0 : i32
        %dma_wait3A_26 = tpu.memref_slice %arg6[%dma_wait3A_24, %dma_wait3A_25] : memref<10000x16xf32, #tpu.memory_space<vmem_shared>> -> memref<16x16xf32, #tpu.memory_space<vmem_shared>>
        tpu.wait_dma2 semaphore(%run_scoped3A : memref<!tpu.dma_semaphore, #tpu.memory_space<semaphore_mem>>) src(%dma_wait3A_26 : memref<16x16xf32, #tpu.memory_space<vmem_shared>>) dst(%dma_wait3A_23 : memref<16x16xf32, #tpu.memory_space<hbm>>)
        tpu.yield
      }) : () -> ()
    } else {
    }
    return
  }
}

#map = affine_map<(d0, d1) -> (0, 0)>
#map1 = affine_map<(d0, d1) -> (0, 0, 0, 0)>
#map2 = affine_map<(d0, d1) -> (0, 0, 0)>
module attributes {stable_mosaic.version = 14 : i64} {
  func.func @body(%arg0: i32, %arg1: i32, %arg2: memref<10000x64xf32, #tpu.memory_space<hbm>>, %arg3: memref<2x32x100x100xi32, #tpu.memory_space<hbm>>, %arg4: memref<625x64xf32, #tpu.memory_space<hbm>>, %arg5: memref<2x10000x64xf32, #tpu.memory_space<hbm>>, %arg6: memref<10000x64xf32, #tpu.memory_space<vmem_shared>>, %arg7: memref<20x100xi32, #tpu.memory_space<vmem>>, %arg8: memref<20x100xi32, #tpu.memory_space<vmem>>, %arg9: memref<100x64xf32, #tpu.memory_space<vmem>>, %arg10: memref<100x64xf32, #tpu.memory_space<vmem>>, %arg11: memref<100x64xf32, #tpu.memory_space<vmem>>, %arg12: memref<100x64xf32, #tpu.memory_space<vmem>>, %arg13: memref<100x64xf32, #tpu.memory_space<vmem>>, %arg14: memref<100x64xf32, #tpu.memory_space<vmem>>, %arg15: memref<!tpu.dma_semaphore, #tpu.memory_space<semaphore_mem>>, %arg16: memref<!tpu.dma_semaphore, #tpu.memory_space<semaphore_mem>>, %arg17: memref<!tpu.dma_semaphore, #tpu.memory_space<semaphore_mem>>, %arg18: memref<!tpu.dma_semaphore, #tpu.memory_space<semaphore_mem>>, %arg19: memref<!tpu.dma_semaphore, #tpu.memory_space<semaphore_mem>>, %arg20: memref<!tpu.dma_semaphore, #tpu.memory_space<semaphore_mem>>, %arg21: memref<!tpu.dma_semaphore, #tpu.memory_space<semaphore_mem>>, %arg22: memref<!tpu.dma_semaphore, #tpu.memory_space<semaphore_mem>>, %arg23: memref<!tpu.dma_semaphore, #tpu.memory_space<semaphore_mem>>, %arg24: memref<!tpu.dma_semaphore, #tpu.memory_space<semaphore_mem>>, %arg25: memref<!tpu.dma_semaphore, #tpu.memory_space<semaphore_mem>>, %arg26: memref<!tpu.dma_semaphore, #tpu.memory_space<semaphore_mem>>) attributes {dimension_semantics = [#tpu.dimension_semantics<core_parallel>, #tpu.dimension_semantics<subcore_parallel>], iteration_bounds = array<i64: 2, 16>, scalar_prefetch = 0 : i64, scratch_operands = 21 : i64, tpu.core_type = #tpu.core_type<sc_vector_subcore>, window_params = [{transform_indices = #map}, {transform_indices = #map1}, {transform_indices = #map}, {transform_indices = #map2}]} {
    %mul3A = arith.constant 2 : i32
    %mul3A_0 = arith.muli %arg1, %mul3A : i32
    %add3A = arith.addi %mul3A_0, %arg0 : i32
    %mul3A_1 = arith.constant 625 : i32
    %mul3A_2 = arith.muli %arg1, %mul3A_1 : i32
    "tpu.region"() ({
      %run_scoped3A = tpu.sem_alloc : memref<!tpu.dma_semaphore, #tpu.memory_space<semaphore_mem>>
      %dma_start3A = arith.constant 0 : i32
      %dma_start3A_15 = tpu.memref_slice %arg6[%mul3A_2, %dma_start3A] : memref<10000x64xf32, #tpu.memory_space<vmem_shared>> -> memref<625x64xf32, #tpu.memory_space<vmem_shared>>
      tpu.enqueue_dma source(%arg4 : memref<625x64xf32, #tpu.memory_space<hbm>>) target(%dma_start3A_15 : memref<625x64xf32, #tpu.memory_space<vmem_shared>>) target_semaphore(%run_scoped3A : memref<!tpu.dma_semaphore, #tpu.memory_space<semaphore_mem>>)
      %dma_wait3A = arith.constant 0 : i32
      %dma_wait3A_16 = tpu.memref_slice %arg6[%mul3A_2, %dma_wait3A] : memref<10000x64xf32, #tpu.memory_space<vmem_shared>> -> memref<625x64xf32, #tpu.memory_space<vmem_shared>>
      tpu.wait_dma2 semaphore(%run_scoped3A : memref<!tpu.dma_semaphore, #tpu.memory_space<semaphore_mem>>) src(%arg4 : memref<625x64xf32, #tpu.memory_space<hbm>>) dst(%dma_wait3A_16 : memref<625x64xf32, #tpu.memory_space<vmem_shared>>)
      tpu.yield
    }) : () -> ()
    %barrier3A = arith.constant 0 : index
    tpu.barrier barrier_id(%barrier3A)
    %scan3A = arith.constant 0 : i32
    %scan3A_3 = arith.constant 0 : i32
    %scan3A_4 = arith.constant 5 : i32
    %scan3A_5 = arith.addi %scan3A_3, %scan3A_4 : i32
    %scan3A_6 = arith.constant 1 : i32
    scf.for %scan3A_15 = %scan3A_3 to %scan3A_5 step %scan3A_6  : i32 {
      %mul3A_16 = arith.constant 20 : i32
      %mul3A_17 = arith.muli %scan3A_15, %mul3A_16 : i32
      %run_scoped3A = arith.constant 0 : i32
      "tpu.region"() ({
        %run_scoped3A_579 = tpu.sem_alloc : memref<!tpu.dma_semaphore, #tpu.memory_space<semaphore_mem>>
        %dma_start3A_580 = arith.constant 0 : i32
        %dma_start3A_581 = tpu.memref_slice %arg3[%run_scoped3A, %add3A, %mul3A_17, %dma_start3A_580] : memref<2x32x100x100xi32, #tpu.memory_space<hbm>> -> memref<1x1x20x100xi32, #tpu.memory_space<hbm>>
        %dma_start3A_582 = tpu.memref_squeeze %dma_start3A_581 : memref<1x1x20x100xi32, #tpu.memory_space<hbm>> -> memref<20x100xi32, #tpu.memory_space<hbm>>
        %dma_start3A_583 = arith.constant 0 : i32
        %dma_start3A_584 = tpu.memref_slice %arg3[%run_scoped3A, %add3A, %mul3A_17, %dma_start3A_583] : memref<2x32x100x100xi32, #tpu.memory_space<hbm>> -> memref<1x1x20x100xi32, #tpu.memory_space<hbm>>
        %dma_start3A_585 = tpu.memref_squeeze %dma_start3A_584 : memref<1x1x20x100xi32, #tpu.memory_space<hbm>> -> memref<20x100xi32, #tpu.memory_space<hbm>>
        tpu.enqueue_dma source(%dma_start3A_585 : memref<20x100xi32, #tpu.memory_space<hbm>>) target(%arg7 : memref<20x100xi32, #tpu.memory_space<vmem>>) target_semaphore(%run_scoped3A_579 : memref<!tpu.dma_semaphore, #tpu.memory_space<semaphore_mem>>)
        %dma_wait3A_586 = arith.constant 0 : i32
        %dma_wait3A_587 = tpu.memref_slice %arg3[%run_scoped3A, %add3A, %mul3A_17, %dma_wait3A_586] : memref<2x32x100x100xi32, #tpu.memory_space<hbm>> -> memref<1x1x20x100xi32, #tpu.memory_space<hbm>>
        %dma_wait3A_588 = tpu.memref_squeeze %dma_wait3A_587 : memref<1x1x20x100xi32, #tpu.memory_space<hbm>> -> memref<20x100xi32, #tpu.memory_space<hbm>>
        %dma_wait3A_589 = arith.constant 0 : i32
        %dma_wait3A_590 = tpu.memref_slice %arg3[%run_scoped3A, %add3A, %mul3A_17, %dma_wait3A_589] : memref<2x32x100x100xi32, #tpu.memory_space<hbm>> -> memref<1x1x20x100xi32, #tpu.memory_space<hbm>>
        %dma_wait3A_591 = tpu.memref_squeeze %dma_wait3A_590 : memref<1x1x20x100xi32, #tpu.memory_space<hbm>> -> memref<20x100xi32, #tpu.memory_space<hbm>>
        tpu.wait_dma2 semaphore(%run_scoped3A_579 : memref<!tpu.dma_semaphore, #tpu.memory_space<semaphore_mem>>) src(%dma_wait3A_591 : memref<20x100xi32, #tpu.memory_space<hbm>>) dst(%arg7 : memref<20x100xi32, #tpu.memory_space<vmem>>)
        tpu.yield
      }) : () -> ()
      %mul3A_18 = arith.constant 20 : i32
      %mul3A_19 = arith.muli %scan3A_15, %mul3A_18 : i32
      %run_scoped3A_20 = arith.constant 1 : i32
      "tpu.region"() ({
        %run_scoped3A_579 = tpu.sem_alloc : memref<!tpu.dma_semaphore, #tpu.memory_space<semaphore_mem>>
        %dma_start3A_580 = arith.constant 0 : i32
        %dma_start3A_581 = tpu.memref_slice %arg3[%run_scoped3A_20, %add3A, %mul3A_19, %dma_start3A_580] : memref<2x32x100x100xi32, #tpu.memory_space<hbm>> -> memref<1x1x20x100xi32, #tpu.memory_space<hbm>>
        %dma_start3A_582 = tpu.memref_squeeze %dma_start3A_581 : memref<1x1x20x100xi32, #tpu.memory_space<hbm>> -> memref<20x100xi32, #tpu.memory_space<hbm>>
        %dma_start3A_583 = arith.constant 0 : i32
        %dma_start3A_584 = tpu.memref_slice %arg3[%run_scoped3A_20, %add3A, %mul3A_19, %dma_start3A_583] : memref<2x32x100x100xi32, #tpu.memory_space<hbm>> -> memref<1x1x20x100xi32, #tpu.memory_space<hbm>>
        %dma_start3A_585 = tpu.memref_squeeze %dma_start3A_584 : memref<1x1x20x100xi32, #tpu.memory_space<hbm>> -> memref<20x100xi32, #tpu.memory_space<hbm>>
        tpu.enqueue_dma source(%dma_start3A_585 : memref<20x100xi32, #tpu.memory_space<hbm>>) target(%arg8 : memref<20x100xi32, #tpu.memory_space<vmem>>) target_semaphore(%run_scoped3A_579 : memref<!tpu.dma_semaphore, #tpu.memory_space<semaphore_mem>>)
        %dma_wait3A_586 = arith.constant 0 : i32
        %dma_wait3A_587 = tpu.memref_slice %arg3[%run_scoped3A_20, %add3A, %mul3A_19, %dma_wait3A_586] : memref<2x32x100x100xi32, #tpu.memory_space<hbm>> -> memref<1x1x20x100xi32, #tpu.memory_space<hbm>>
        %dma_wait3A_588 = tpu.memref_squeeze %dma_wait3A_587 : memref<1x1x20x100xi32, #tpu.memory_space<hbm>> -> memref<20x100xi32, #tpu.memory_space<hbm>>
        %dma_wait3A_589 = arith.constant 0 : i32
        %dma_wait3A_590 = tpu.memref_slice %arg3[%run_scoped3A_20, %add3A, %mul3A_19, %dma_wait3A_589] : memref<2x32x100x100xi32, #tpu.memory_space<hbm>> -> memref<1x1x20x100xi32, #tpu.memory_space<hbm>>
        %dma_wait3A_591 = tpu.memref_squeeze %dma_wait3A_590 : memref<1x1x20x100xi32, #tpu.memory_space<hbm>> -> memref<20x100xi32, #tpu.memory_space<hbm>>
        tpu.wait_dma2 semaphore(%run_scoped3A_579 : memref<!tpu.dma_semaphore, #tpu.memory_space<semaphore_mem>>) src(%dma_wait3A_591 : memref<20x100xi32, #tpu.memory_space<hbm>>) dst(%arg8 : memref<20x100xi32, #tpu.memory_space<vmem>>)
        tpu.yield
      }) : () -> ()
      %dma_start3A = arith.constant 0 : i32
      %dma_start3A_21 = arith.constant 0 : i32
      %dma_start3A_22 = tpu.memref_slice %arg7[%dma_start3A, %dma_start3A_21] : memref<20x100xi32, #tpu.memory_space<vmem>> -> memref<1x100xi32, #tpu.memory_space<vmem>>
      %dma_start3A_23 = tpu.memref_squeeze %dma_start3A_22 : memref<1x100xi32, #tpu.memory_space<vmem>> -> memref<100xi32, #tpu.memory_space<vmem>>
      %dma_start3A_24 = arith.constant 0 : i32
      %dma_start3A_25 = arith.constant 0 : i32
      %dma_start3A_26 = tpu.memref_slice %arg2[%dma_start3A_24, %dma_start3A_25] : memref<10000x64xf32, #tpu.memory_space<hbm>> -> memref<10000x64xf32, #tpu.memory_space<hbm>>
      tpu.enqueue_indirect_dma source(%dma_start3A_26 : memref<10000x64xf32, #tpu.memory_space<hbm>>) target(%arg9 : memref<100x64xf32, #tpu.memory_space<vmem>>) offsets(%dma_start3A_23 : memref<100xi32, #tpu.memory_space<vmem>>) semaphore(%arg15 : memref<!tpu.dma_semaphore, #tpu.memory_space<semaphore_mem>>)
      %dma_start3A_27 = arith.constant 1 : i32
      %dma_start3A_28 = arith.constant 0 : i32
      %dma_start3A_29 = tpu.memref_slice %arg7[%dma_start3A_27, %dma_start3A_28] : memref<20x100xi32, #tpu.memory_space<vmem>> -> memref<1x100xi32, #tpu.memory_space<vmem>>
      %dma_start3A_30 = tpu.memref_squeeze %dma_start3A_29 : memref<1x100xi32, #tpu.memory_space<vmem>> -> memref<100xi32, #tpu.memory_space<vmem>>
      %dma_start3A_31 = arith.constant 0 : i32
      %dma_start3A_32 = arith.constant 0 : i32
      %dma_start3A_33 = tpu.memref_slice %arg2[%dma_start3A_31, %dma_start3A_32] : memref<10000x64xf32, #tpu.memory_space<hbm>> -> memref<10000x64xf32, #tpu.memory_space<hbm>>
      tpu.enqueue_indirect_dma source(%dma_start3A_33 : memref<10000x64xf32, #tpu.memory_space<hbm>>) target(%arg10 : memref<100x64xf32, #tpu.memory_space<vmem>>) offsets(%dma_start3A_30 : memref<100xi32, #tpu.memory_space<vmem>>) semaphore(%arg16 : memref<!tpu.dma_semaphore, #tpu.memory_space<semaphore_mem>>)
      %dma_start3A_34 = arith.constant 2 : i32
      %dma_start3A_35 = arith.constant 0 : i32
      %dma_start3A_36 = tpu.memref_slice %arg7[%dma_start3A_34, %dma_start3A_35] : memref<20x100xi32, #tpu.memory_space<vmem>> -> memref<1x100xi32, #tpu.memory_space<vmem>>
      %dma_start3A_37 = tpu.memref_squeeze %dma_start3A_36 : memref<1x100xi32, #tpu.memory_space<vmem>> -> memref<100xi32, #tpu.memory_space<vmem>>
      %dma_start3A_38 = arith.constant 0 : i32
      %dma_start3A_39 = arith.constant 0 : i32
      %dma_start3A_40 = tpu.memref_slice %arg2[%dma_start3A_38, %dma_start3A_39] : memref<10000x64xf32, #tpu.memory_space<hbm>> -> memref<10000x64xf32, #tpu.memory_space<hbm>>
      tpu.enqueue_indirect_dma source(%dma_start3A_40 : memref<10000x64xf32, #tpu.memory_space<hbm>>) target(%arg11 : memref<100x64xf32, #tpu.memory_space<vmem>>) offsets(%dma_start3A_37 : memref<100xi32, #tpu.memory_space<vmem>>) semaphore(%arg17 : memref<!tpu.dma_semaphore, #tpu.memory_space<semaphore_mem>>)
      %dma_start3A_41 = arith.constant 3 : i32
      %dma_start3A_42 = arith.constant 0 : i32
      %dma_start3A_43 = tpu.memref_slice %arg7[%dma_start3A_41, %dma_start3A_42] : memref<20x100xi32, #tpu.memory_space<vmem>> -> memref<1x100xi32, #tpu.memory_space<vmem>>
      %dma_start3A_44 = tpu.memref_squeeze %dma_start3A_43 : memref<1x100xi32, #tpu.memory_space<vmem>> -> memref<100xi32, #tpu.memory_space<vmem>>
      %dma_start3A_45 = arith.constant 0 : i32
      %dma_start3A_46 = arith.constant 0 : i32
      %dma_start3A_47 = tpu.memref_slice %arg2[%dma_start3A_45, %dma_start3A_46] : memref<10000x64xf32, #tpu.memory_space<hbm>> -> memref<10000x64xf32, #tpu.memory_space<hbm>>
      tpu.enqueue_indirect_dma source(%dma_start3A_47 : memref<10000x64xf32, #tpu.memory_space<hbm>>) target(%arg12 : memref<100x64xf32, #tpu.memory_space<vmem>>) offsets(%dma_start3A_44 : memref<100xi32, #tpu.memory_space<vmem>>) semaphore(%arg18 : memref<!tpu.dma_semaphore, #tpu.memory_space<semaphore_mem>>)
      %dma_start3A_48 = arith.constant 4 : i32
      %dma_start3A_49 = arith.constant 0 : i32
      %dma_start3A_50 = tpu.memref_slice %arg7[%dma_start3A_48, %dma_start3A_49] : memref<20x100xi32, #tpu.memory_space<vmem>> -> memref<1x100xi32, #tpu.memory_space<vmem>>
      %dma_start3A_51 = tpu.memref_squeeze %dma_start3A_50 : memref<1x100xi32, #tpu.memory_space<vmem>> -> memref<100xi32, #tpu.memory_space<vmem>>
      %dma_start3A_52 = arith.constant 0 : i32
      %dma_start3A_53 = arith.constant 0 : i32
      %dma_start3A_54 = tpu.memref_slice %arg2[%dma_start3A_52, %dma_start3A_53] : memref<10000x64xf32, #tpu.memory_space<hbm>> -> memref<10000x64xf32, #tpu.memory_space<hbm>>
      tpu.enqueue_indirect_dma source(%dma_start3A_54 : memref<10000x64xf32, #tpu.memory_space<hbm>>) target(%arg13 : memref<100x64xf32, #tpu.memory_space<vmem>>) offsets(%dma_start3A_51 : memref<100xi32, #tpu.memory_space<vmem>>) semaphore(%arg19 : memref<!tpu.dma_semaphore, #tpu.memory_space<semaphore_mem>>)
      %dma_start3A_55 = arith.constant 5 : i32
      %dma_start3A_56 = arith.constant 0 : i32
      %dma_start3A_57 = tpu.memref_slice %arg7[%dma_start3A_55, %dma_start3A_56] : memref<20x100xi32, #tpu.memory_space<vmem>> -> memref<1x100xi32, #tpu.memory_space<vmem>>
      %dma_start3A_58 = tpu.memref_squeeze %dma_start3A_57 : memref<1x100xi32, #tpu.memory_space<vmem>> -> memref<100xi32, #tpu.memory_space<vmem>>
      %dma_start3A_59 = arith.constant 0 : i32
      %dma_start3A_60 = arith.constant 0 : i32
      %dma_start3A_61 = tpu.memref_slice %arg2[%dma_start3A_59, %dma_start3A_60] : memref<10000x64xf32, #tpu.memory_space<hbm>> -> memref<10000x64xf32, #tpu.memory_space<hbm>>
      tpu.enqueue_indirect_dma source(%dma_start3A_61 : memref<10000x64xf32, #tpu.memory_space<hbm>>) target(%arg14 : memref<100x64xf32, #tpu.memory_space<vmem>>) offsets(%dma_start3A_58 : memref<100xi32, #tpu.memory_space<vmem>>) semaphore(%arg20 : memref<!tpu.dma_semaphore, #tpu.memory_space<semaphore_mem>>)
      %dma_wait3A = arith.constant 0 : i32
      %dma_wait3A_62 = arith.constant 0 : i32
      %dma_wait3A_63 = tpu.memref_slice %arg7[%dma_wait3A, %dma_wait3A_62] : memref<20x100xi32, #tpu.memory_space<vmem>> -> memref<1x100xi32, #tpu.memory_space<vmem>>
      %dma_wait3A_64 = tpu.memref_squeeze %dma_wait3A_63 : memref<1x100xi32, #tpu.memory_space<vmem>> -> memref<100xi32, #tpu.memory_space<vmem>>
      %dma_wait3A_65 = arith.constant 0 : i32
      %dma_wait3A_66 = arith.constant 0 : i32
      %dma_wait3A_67 = tpu.memref_slice %arg2[%dma_wait3A_65, %dma_wait3A_66] : memref<10000x64xf32, #tpu.memory_space<hbm>> -> memref<10000x64xf32, #tpu.memory_space<hbm>>
      tpu.wait_indirect_dma semaphore(%arg15 : memref<!tpu.dma_semaphore, #tpu.memory_space<semaphore_mem>>) src(%dma_wait3A_67 : memref<10000x64xf32, #tpu.memory_space<hbm>>) dst(%arg9 : memref<100x64xf32, #tpu.memory_space<vmem>>)
      %dma_start3A_68 = arith.constant 0 : i32
      %dma_start3A_69 = arith.constant 0 : i32
      %dma_start3A_70 = tpu.memref_slice %arg8[%dma_start3A_68, %dma_start3A_69] : memref<20x100xi32, #tpu.memory_space<vmem>> -> memref<1x100xi32, #tpu.memory_space<vmem>>
      %dma_start3A_71 = tpu.memref_squeeze %dma_start3A_70 : memref<1x100xi32, #tpu.memory_space<vmem>> -> memref<100xi32, #tpu.memory_space<vmem>>
      %dma_start3A_72 = arith.constant 0 : i32
      %dma_start3A_73 = arith.constant 0 : i32
      %dma_start3A_74 = tpu.memref_slice %arg6[%dma_start3A_72, %dma_start3A_73] : memref<10000x64xf32, #tpu.memory_space<vmem_shared>> -> memref<10000x64xf32, #tpu.memory_space<vmem_shared>>
      tpu.enqueue_indirect_dma source(%arg9 : memref<100x64xf32, #tpu.memory_space<vmem>>) target(%dma_start3A_74 : memref<10000x64xf32, #tpu.memory_space<vmem_shared>>) offsets(%dma_start3A_71 : memref<100xi32, #tpu.memory_space<vmem>>) semaphore(%arg21 : memref<!tpu.dma_semaphore, #tpu.memory_space<semaphore_mem>>) {add = true}
      %dma_wait3A_75 = arith.constant 0 : i32
      %dma_wait3A_76 = arith.constant 0 : i32
      %dma_wait3A_77 = tpu.memref_slice %arg8[%dma_wait3A_75, %dma_wait3A_76] : memref<20x100xi32, #tpu.memory_space<vmem>> -> memref<1x100xi32, #tpu.memory_space<vmem>>
      %dma_wait3A_78 = tpu.memref_squeeze %dma_wait3A_77 : memref<1x100xi32, #tpu.memory_space<vmem>> -> memref<100xi32, #tpu.memory_space<vmem>>
      %dma_wait3A_79 = arith.constant 0 : i32
      %dma_wait3A_80 = arith.constant 0 : i32
      %dma_wait3A_81 = tpu.memref_slice %arg6[%dma_wait3A_79, %dma_wait3A_80] : memref<10000x64xf32, #tpu.memory_space<vmem_shared>> -> memref<10000x64xf32, #tpu.memory_space<vmem_shared>>
      tpu.wait_indirect_dma semaphore(%arg21 : memref<!tpu.dma_semaphore, #tpu.memory_space<semaphore_mem>>) src(%arg9 : memref<100x64xf32, #tpu.memory_space<vmem>>) dst(%dma_wait3A_81 : memref<10000x64xf32, #tpu.memory_space<vmem_shared>>)
      %dma_start3A_82 = arith.constant 6 : i32
      %dma_start3A_83 = arith.constant 0 : i32
      %dma_start3A_84 = tpu.memref_slice %arg7[%dma_start3A_82, %dma_start3A_83] : memref<20x100xi32, #tpu.memory_space<vmem>> -> memref<1x100xi32, #tpu.memory_space<vmem>>
      %dma_start3A_85 = tpu.memref_squeeze %dma_start3A_84 : memref<1x100xi32, #tpu.memory_space<vmem>> -> memref<100xi32, #tpu.memory_space<vmem>>
      %dma_start3A_86 = arith.constant 0 : i32
      %dma_start3A_87 = arith.constant 0 : i32
      %dma_start3A_88 = tpu.memref_slice %arg2[%dma_start3A_86, %dma_start3A_87] : memref<10000x64xf32, #tpu.memory_space<hbm>> -> memref<10000x64xf32, #tpu.memory_space<hbm>>
      tpu.enqueue_indirect_dma source(%dma_start3A_88 : memref<10000x64xf32, #tpu.memory_space<hbm>>) target(%arg9 : memref<100x64xf32, #tpu.memory_space<vmem>>) offsets(%dma_start3A_85 : memref<100xi32, #tpu.memory_space<vmem>>) semaphore(%arg15 : memref<!tpu.dma_semaphore, #tpu.memory_space<semaphore_mem>>)
      %dma_wait3A_89 = arith.constant 1 : i32
      %dma_wait3A_90 = arith.constant 0 : i32
      %dma_wait3A_91 = tpu.memref_slice %arg7[%dma_wait3A_89, %dma_wait3A_90] : memref<20x100xi32, #tpu.memory_space<vmem>> -> memref<1x100xi32, #tpu.memory_space<vmem>>
      %dma_wait3A_92 = tpu.memref_squeeze %dma_wait3A_91 : memref<1x100xi32, #tpu.memory_space<vmem>> -> memref<100xi32, #tpu.memory_space<vmem>>
      %dma_wait3A_93 = arith.constant 0 : i32
      %dma_wait3A_94 = arith.constant 0 : i32
      %dma_wait3A_95 = tpu.memref_slice %arg2[%dma_wait3A_93, %dma_wait3A_94] : memref<10000x64xf32, #tpu.memory_space<hbm>> -> memref<10000x64xf32, #tpu.memory_space<hbm>>
      tpu.wait_indirect_dma semaphore(%arg16 : memref<!tpu.dma_semaphore, #tpu.memory_space<semaphore_mem>>) src(%dma_wait3A_95 : memref<10000x64xf32, #tpu.memory_space<hbm>>) dst(%arg10 : memref<100x64xf32, #tpu.memory_space<vmem>>)
      %dma_start3A_96 = arith.constant 1 : i32
      %dma_start3A_97 = arith.constant 0 : i32
      %dma_start3A_98 = tpu.memref_slice %arg8[%dma_start3A_96, %dma_start3A_97] : memref<20x100xi32, #tpu.memory_space<vmem>> -> memref<1x100xi32, #tpu.memory_space<vmem>>
      %dma_start3A_99 = tpu.memref_squeeze %dma_start3A_98 : memref<1x100xi32, #tpu.memory_space<vmem>> -> memref<100xi32, #tpu.memory_space<vmem>>
      %dma_start3A_100 = arith.constant 0 : i32
      %dma_start3A_101 = arith.constant 0 : i32
      %dma_start3A_102 = tpu.memref_slice %arg6[%dma_start3A_100, %dma_start3A_101] : memref<10000x64xf32, #tpu.memory_space<vmem_shared>> -> memref<10000x64xf32, #tpu.memory_space<vmem_shared>>
      tpu.enqueue_indirect_dma source(%arg10 : memref<100x64xf32, #tpu.memory_space<vmem>>) target(%dma_start3A_102 : memref<10000x64xf32, #tpu.memory_space<vmem_shared>>) offsets(%dma_start3A_99 : memref<100xi32, #tpu.memory_space<vmem>>) semaphore(%arg22 : memref<!tpu.dma_semaphore, #tpu.memory_space<semaphore_mem>>) {add = true}
      %dma_wait3A_103 = arith.constant 1 : i32
      %dma_wait3A_104 = arith.constant 0 : i32
      %dma_wait3A_105 = tpu.memref_slice %arg8[%dma_wait3A_103, %dma_wait3A_104] : memref<20x100xi32, #tpu.memory_space<vmem>> -> memref<1x100xi32, #tpu.memory_space<vmem>>
      %dma_wait3A_106 = tpu.memref_squeeze %dma_wait3A_105 : memref<1x100xi32, #tpu.memory_space<vmem>> -> memref<100xi32, #tpu.memory_space<vmem>>
      %dma_wait3A_107 = arith.constant 0 : i32
      %dma_wait3A_108 = arith.constant 0 : i32
      %dma_wait3A_109 = tpu.memref_slice %arg6[%dma_wait3A_107, %dma_wait3A_108] : memref<10000x64xf32, #tpu.memory_space<vmem_shared>> -> memref<10000x64xf32, #tpu.memory_space<vmem_shared>>
      tpu.wait_indirect_dma semaphore(%arg22 : memref<!tpu.dma_semaphore, #tpu.memory_space<semaphore_mem>>) src(%arg10 : memref<100x64xf32, #tpu.memory_space<vmem>>) dst(%dma_wait3A_109 : memref<10000x64xf32, #tpu.memory_space<vmem_shared>>)
      %dma_start3A_110 = arith.constant 7 : i32
      %dma_start3A_111 = arith.constant 0 : i32
      %dma_start3A_112 = tpu.memref_slice %arg7[%dma_start3A_110, %dma_start3A_111] : memref<20x100xi32, #tpu.memory_space<vmem>> -> memref<1x100xi32, #tpu.memory_space<vmem>>
      %dma_start3A_113 = tpu.memref_squeeze %dma_start3A_112 : memref<1x100xi32, #tpu.memory_space<vmem>> -> memref<100xi32, #tpu.memory_space<vmem>>
      %dma_start3A_114 = arith.constant 0 : i32
      %dma_start3A_115 = arith.constant 0 : i32
      %dma_start3A_116 = tpu.memref_slice %arg2[%dma_start3A_114, %dma_start3A_115] : memref<10000x64xf32, #tpu.memory_space<hbm>> -> memref<10000x64xf32, #tpu.memory_space<hbm>>
      tpu.enqueue_indirect_dma source(%dma_start3A_116 : memref<10000x64xf32, #tpu.memory_space<hbm>>) target(%arg10 : memref<100x64xf32, #tpu.memory_space<vmem>>) offsets(%dma_start3A_113 : memref<100xi32, #tpu.memory_space<vmem>>) semaphore(%arg16 : memref<!tpu.dma_semaphore, #tpu.memory_space<semaphore_mem>>)
      %dma_wait3A_117 = arith.constant 2 : i32
      %dma_wait3A_118 = arith.constant 0 : i32
      %dma_wait3A_119 = tpu.memref_slice %arg7[%dma_wait3A_117, %dma_wait3A_118] : memref<20x100xi32, #tpu.memory_space<vmem>> -> memref<1x100xi32, #tpu.memory_space<vmem>>
      %dma_wait3A_120 = tpu.memref_squeeze %dma_wait3A_119 : memref<1x100xi32, #tpu.memory_space<vmem>> -> memref<100xi32, #tpu.memory_space<vmem>>
      %dma_wait3A_121 = arith.constant 0 : i32
      %dma_wait3A_122 = arith.constant 0 : i32
      %dma_wait3A_123 = tpu.memref_slice %arg2[%dma_wait3A_121, %dma_wait3A_122] : memref<10000x64xf32, #tpu.memory_space<hbm>> -> memref<10000x64xf32, #tpu.memory_space<hbm>>
      tpu.wait_indirect_dma semaphore(%arg17 : memref<!tpu.dma_semaphore, #tpu.memory_space<semaphore_mem>>) src(%dma_wait3A_123 : memref<10000x64xf32, #tpu.memory_space<hbm>>) dst(%arg11 : memref<100x64xf32, #tpu.memory_space<vmem>>)
      %dma_start3A_124 = arith.constant 2 : i32
      %dma_start3A_125 = arith.constant 0 : i32
      %dma_start3A_126 = tpu.memref_slice %arg8[%dma_start3A_124, %dma_start3A_125] : memref<20x100xi32, #tpu.memory_space<vmem>> -> memref<1x100xi32, #tpu.memory_space<vmem>>
      %dma_start3A_127 = tpu.memref_squeeze %dma_start3A_126 : memref<1x100xi32, #tpu.memory_space<vmem>> -> memref<100xi32, #tpu.memory_space<vmem>>
      %dma_start3A_128 = arith.constant 0 : i32
      %dma_start3A_129 = arith.constant 0 : i32
      %dma_start3A_130 = tpu.memref_slice %arg6[%dma_start3A_128, %dma_start3A_129] : memref<10000x64xf32, #tpu.memory_space<vmem_shared>> -> memref<10000x64xf32, #tpu.memory_space<vmem_shared>>
      tpu.enqueue_indirect_dma source(%arg11 : memref<100x64xf32, #tpu.memory_space<vmem>>) target(%dma_start3A_130 : memref<10000x64xf32, #tpu.memory_space<vmem_shared>>) offsets(%dma_start3A_127 : memref<100xi32, #tpu.memory_space<vmem>>) semaphore(%arg23 : memref<!tpu.dma_semaphore, #tpu.memory_space<semaphore_mem>>) {add = true}
      %dma_wait3A_131 = arith.constant 2 : i32
      %dma_wait3A_132 = arith.constant 0 : i32
      %dma_wait3A_133 = tpu.memref_slice %arg8[%dma_wait3A_131, %dma_wait3A_132] : memref<20x100xi32, #tpu.memory_space<vmem>> -> memref<1x100xi32, #tpu.memory_space<vmem>>
      %dma_wait3A_134 = tpu.memref_squeeze %dma_wait3A_133 : memref<1x100xi32, #tpu.memory_space<vmem>> -> memref<100xi32, #tpu.memory_space<vmem>>
      %dma_wait3A_135 = arith.constant 0 : i32
      %dma_wait3A_136 = arith.constant 0 : i32
      %dma_wait3A_137 = tpu.memref_slice %arg6[%dma_wait3A_135, %dma_wait3A_136] : memref<10000x64xf32, #tpu.memory_space<vmem_shared>> -> memref<10000x64xf32, #tpu.memory_space<vmem_shared>>
      tpu.wait_indirect_dma semaphore(%arg23 : memref<!tpu.dma_semaphore, #tpu.memory_space<semaphore_mem>>) src(%arg11 : memref<100x64xf32, #tpu.memory_space<vmem>>) dst(%dma_wait3A_137 : memref<10000x64xf32, #tpu.memory_space<vmem_shared>>)
      %dma_start3A_138 = arith.constant 8 : i32
      %dma_start3A_139 = arith.constant 0 : i32
      %dma_start3A_140 = tpu.memref_slice %arg7[%dma_start3A_138, %dma_start3A_139] : memref<20x100xi32, #tpu.memory_space<vmem>> -> memref<1x100xi32, #tpu.memory_space<vmem>>
      %dma_start3A_141 = tpu.memref_squeeze %dma_start3A_140 : memref<1x100xi32, #tpu.memory_space<vmem>> -> memref<100xi32, #tpu.memory_space<vmem>>
      %dma_start3A_142 = arith.constant 0 : i32
      %dma_start3A_143 = arith.constant 0 : i32
      %dma_start3A_144 = tpu.memref_slice %arg2[%dma_start3A_142, %dma_start3A_143] : memref<10000x64xf32, #tpu.memory_space<hbm>> -> memref<10000x64xf32, #tpu.memory_space<hbm>>
      tpu.enqueue_indirect_dma source(%dma_start3A_144 : memref<10000x64xf32, #tpu.memory_space<hbm>>) target(%arg11 : memref<100x64xf32, #tpu.memory_space<vmem>>) offsets(%dma_start3A_141 : memref<100xi32, #tpu.memory_space<vmem>>) semaphore(%arg17 : memref<!tpu.dma_semaphore, #tpu.memory_space<semaphore_mem>>)
      %dma_wait3A_145 = arith.constant 3 : i32
      %dma_wait3A_146 = arith.constant 0 : i32
      %dma_wait3A_147 = tpu.memref_slice %arg7[%dma_wait3A_145, %dma_wait3A_146] : memref<20x100xi32, #tpu.memory_space<vmem>> -> memref<1x100xi32, #tpu.memory_space<vmem>>
      %dma_wait3A_148 = tpu.memref_squeeze %dma_wait3A_147 : memref<1x100xi32, #tpu.memory_space<vmem>> -> memref<100xi32, #tpu.memory_space<vmem>>
      %dma_wait3A_149 = arith.constant 0 : i32
      %dma_wait3A_150 = arith.constant 0 : i32
      %dma_wait3A_151 = tpu.memref_slice %arg2[%dma_wait3A_149, %dma_wait3A_150] : memref<10000x64xf32, #tpu.memory_space<hbm>> -> memref<10000x64xf32, #tpu.memory_space<hbm>>
      tpu.wait_indirect_dma semaphore(%arg18 : memref<!tpu.dma_semaphore, #tpu.memory_space<semaphore_mem>>) src(%dma_wait3A_151 : memref<10000x64xf32, #tpu.memory_space<hbm>>) dst(%arg12 : memref<100x64xf32, #tpu.memory_space<vmem>>)
      %dma_start3A_152 = arith.constant 3 : i32
      %dma_start3A_153 = arith.constant 0 : i32
      %dma_start3A_154 = tpu.memref_slice %arg8[%dma_start3A_152, %dma_start3A_153] : memref<20x100xi32, #tpu.memory_space<vmem>> -> memref<1x100xi32, #tpu.memory_space<vmem>>
      %dma_start3A_155 = tpu.memref_squeeze %dma_start3A_154 : memref<1x100xi32, #tpu.memory_space<vmem>> -> memref<100xi32, #tpu.memory_space<vmem>>
      %dma_start3A_156 = arith.constant 0 : i32
      %dma_start3A_157 = arith.constant 0 : i32
      %dma_start3A_158 = tpu.memref_slice %arg6[%dma_start3A_156, %dma_start3A_157] : memref<10000x64xf32, #tpu.memory_space<vmem_shared>> -> memref<10000x64xf32, #tpu.memory_space<vmem_shared>>
      tpu.enqueue_indirect_dma source(%arg12 : memref<100x64xf32, #tpu.memory_space<vmem>>) target(%dma_start3A_158 : memref<10000x64xf32, #tpu.memory_space<vmem_shared>>) offsets(%dma_start3A_155 : memref<100xi32, #tpu.memory_space<vmem>>) semaphore(%arg24 : memref<!tpu.dma_semaphore, #tpu.memory_space<semaphore_mem>>) {add = true}
      %dma_wait3A_159 = arith.constant 3 : i32
      %dma_wait3A_160 = arith.constant 0 : i32
      %dma_wait3A_161 = tpu.memref_slice %arg8[%dma_wait3A_159, %dma_wait3A_160] : memref<20x100xi32, #tpu.memory_space<vmem>> -> memref<1x100xi32, #tpu.memory_space<vmem>>
      %dma_wait3A_162 = tpu.memref_squeeze %dma_wait3A_161 : memref<1x100xi32, #tpu.memory_space<vmem>> -> memref<100xi32, #tpu.memory_space<vmem>>
      %dma_wait3A_163 = arith.constant 0 : i32
      %dma_wait3A_164 = arith.constant 0 : i32
      %dma_wait3A_165 = tpu.memref_slice %arg6[%dma_wait3A_163, %dma_wait3A_164] : memref<10000x64xf32, #tpu.memory_space<vmem_shared>> -> memref<10000x64xf32, #tpu.memory_space<vmem_shared>>
      tpu.wait_indirect_dma semaphore(%arg24 : memref<!tpu.dma_semaphore, #tpu.memory_space<semaphore_mem>>) src(%arg12 : memref<100x64xf32, #tpu.memory_space<vmem>>) dst(%dma_wait3A_165 : memref<10000x64xf32, #tpu.memory_space<vmem_shared>>)
      %dma_start3A_166 = arith.constant 9 : i32
      %dma_start3A_167 = arith.constant 0 : i32
      %dma_start3A_168 = tpu.memref_slice %arg7[%dma_start3A_166, %dma_start3A_167] : memref<20x100xi32, #tpu.memory_space<vmem>> -> memref<1x100xi32, #tpu.memory_space<vmem>>
      %dma_start3A_169 = tpu.memref_squeeze %dma_start3A_168 : memref<1x100xi32, #tpu.memory_space<vmem>> -> memref<100xi32, #tpu.memory_space<vmem>>
      %dma_start3A_170 = arith.constant 0 : i32
      %dma_start3A_171 = arith.constant 0 : i32
      %dma_start3A_172 = tpu.memref_slice %arg2[%dma_start3A_170, %dma_start3A_171] : memref<10000x64xf32, #tpu.memory_space<hbm>> -> memref<10000x64xf32, #tpu.memory_space<hbm>>
      tpu.enqueue_indirect_dma source(%dma_start3A_172 : memref<10000x64xf32, #tpu.memory_space<hbm>>) target(%arg12 : memref<100x64xf32, #tpu.memory_space<vmem>>) offsets(%dma_start3A_169 : memref<100xi32, #tpu.memory_space<vmem>>) semaphore(%arg18 : memref<!tpu.dma_semaphore, #tpu.memory_space<semaphore_mem>>)
      %dma_wait3A_173 = arith.constant 4 : i32
      %dma_wait3A_174 = arith.constant 0 : i32
      %dma_wait3A_175 = tpu.memref_slice %arg7[%dma_wait3A_173, %dma_wait3A_174] : memref<20x100xi32, #tpu.memory_space<vmem>> -> memref<1x100xi32, #tpu.memory_space<vmem>>
      %dma_wait3A_176 = tpu.memref_squeeze %dma_wait3A_175 : memref<1x100xi32, #tpu.memory_space<vmem>> -> memref<100xi32, #tpu.memory_space<vmem>>
      %dma_wait3A_177 = arith.constant 0 : i32
      %dma_wait3A_178 = arith.constant 0 : i32
      %dma_wait3A_179 = tpu.memref_slice %arg2[%dma_wait3A_177, %dma_wait3A_178] : memref<10000x64xf32, #tpu.memory_space<hbm>> -> memref<10000x64xf32, #tpu.memory_space<hbm>>
      tpu.wait_indirect_dma semaphore(%arg19 : memref<!tpu.dma_semaphore, #tpu.memory_space<semaphore_mem>>) src(%dma_wait3A_179 : memref<10000x64xf32, #tpu.memory_space<hbm>>) dst(%arg13 : memref<100x64xf32, #tpu.memory_space<vmem>>)
      %dma_start3A_180 = arith.constant 4 : i32
      %dma_start3A_181 = arith.constant 0 : i32
      %dma_start3A_182 = tpu.memref_slice %arg8[%dma_start3A_180, %dma_start3A_181] : memref<20x100xi32, #tpu.memory_space<vmem>> -> memref<1x100xi32, #tpu.memory_space<vmem>>
      %dma_start3A_183 = tpu.memref_squeeze %dma_start3A_182 : memref<1x100xi32, #tpu.memory_space<vmem>> -> memref<100xi32, #tpu.memory_space<vmem>>
      %dma_start3A_184 = arith.constant 0 : i32
      %dma_start3A_185 = arith.constant 0 : i32
      %dma_start3A_186 = tpu.memref_slice %arg6[%dma_start3A_184, %dma_start3A_185] : memref<10000x64xf32, #tpu.memory_space<vmem_shared>> -> memref<10000x64xf32, #tpu.memory_space<vmem_shared>>
      tpu.enqueue_indirect_dma source(%arg13 : memref<100x64xf32, #tpu.memory_space<vmem>>) target(%dma_start3A_186 : memref<10000x64xf32, #tpu.memory_space<vmem_shared>>) offsets(%dma_start3A_183 : memref<100xi32, #tpu.memory_space<vmem>>) semaphore(%arg25 : memref<!tpu.dma_semaphore, #tpu.memory_space<semaphore_mem>>) {add = true}
      %dma_wait3A_187 = arith.constant 4 : i32
      %dma_wait3A_188 = arith.constant 0 : i32
      %dma_wait3A_189 = tpu.memref_slice %arg8[%dma_wait3A_187, %dma_wait3A_188] : memref<20x100xi32, #tpu.memory_space<vmem>> -> memref<1x100xi32, #tpu.memory_space<vmem>>
      %dma_wait3A_190 = tpu.memref_squeeze %dma_wait3A_189 : memref<1x100xi32, #tpu.memory_space<vmem>> -> memref<100xi32, #tpu.memory_space<vmem>>
      %dma_wait3A_191 = arith.constant 0 : i32
      %dma_wait3A_192 = arith.constant 0 : i32
      %dma_wait3A_193 = tpu.memref_slice %arg6[%dma_wait3A_191, %dma_wait3A_192] : memref<10000x64xf32, #tpu.memory_space<vmem_shared>> -> memref<10000x64xf32, #tpu.memory_space<vmem_shared>>
      tpu.wait_indirect_dma semaphore(%arg25 : memref<!tpu.dma_semaphore, #tpu.memory_space<semaphore_mem>>) src(%arg13 : memref<100x64xf32, #tpu.memory_space<vmem>>) dst(%dma_wait3A_193 : memref<10000x64xf32, #tpu.memory_space<vmem_shared>>)
      %dma_start3A_194 = arith.constant 10 : i32
      %dma_start3A_195 = arith.constant 0 : i32
      %dma_start3A_196 = tpu.memref_slice %arg7[%dma_start3A_194, %dma_start3A_195] : memref<20x100xi32, #tpu.memory_space<vmem>> -> memref<1x100xi32, #tpu.memory_space<vmem>>
      %dma_start3A_197 = tpu.memref_squeeze %dma_start3A_196 : memref<1x100xi32, #tpu.memory_space<vmem>> -> memref<100xi32, #tpu.memory_space<vmem>>
      %dma_start3A_198 = arith.constant 0 : i32
      %dma_start3A_199 = arith.constant 0 : i32
      %dma_start3A_200 = tpu.memref_slice %arg2[%dma_start3A_198, %dma_start3A_199] : memref<10000x64xf32, #tpu.memory_space<hbm>> -> memref<10000x64xf32, #tpu.memory_space<hbm>>
      tpu.enqueue_indirect_dma source(%dma_start3A_200 : memref<10000x64xf32, #tpu.memory_space<hbm>>) target(%arg13 : memref<100x64xf32, #tpu.memory_space<vmem>>) offsets(%dma_start3A_197 : memref<100xi32, #tpu.memory_space<vmem>>) semaphore(%arg19 : memref<!tpu.dma_semaphore, #tpu.memory_space<semaphore_mem>>)
      %dma_wait3A_201 = arith.constant 5 : i32
      %dma_wait3A_202 = arith.constant 0 : i32
      %dma_wait3A_203 = tpu.memref_slice %arg7[%dma_wait3A_201, %dma_wait3A_202] : memref<20x100xi32, #tpu.memory_space<vmem>> -> memref<1x100xi32, #tpu.memory_space<vmem>>
      %dma_wait3A_204 = tpu.memref_squeeze %dma_wait3A_203 : memref<1x100xi32, #tpu.memory_space<vmem>> -> memref<100xi32, #tpu.memory_space<vmem>>
      %dma_wait3A_205 = arith.constant 0 : i32
      %dma_wait3A_206 = arith.constant 0 : i32
      %dma_wait3A_207 = tpu.memref_slice %arg2[%dma_wait3A_205, %dma_wait3A_206] : memref<10000x64xf32, #tpu.memory_space<hbm>> -> memref<10000x64xf32, #tpu.memory_space<hbm>>
      tpu.wait_indirect_dma semaphore(%arg20 : memref<!tpu.dma_semaphore, #tpu.memory_space<semaphore_mem>>) src(%dma_wait3A_207 : memref<10000x64xf32, #tpu.memory_space<hbm>>) dst(%arg14 : memref<100x64xf32, #tpu.memory_space<vmem>>)
      %dma_start3A_208 = arith.constant 5 : i32
      %dma_start3A_209 = arith.constant 0 : i32
      %dma_start3A_210 = tpu.memref_slice %arg8[%dma_start3A_208, %dma_start3A_209] : memref<20x100xi32, #tpu.memory_space<vmem>> -> memref<1x100xi32, #tpu.memory_space<vmem>>
      %dma_start3A_211 = tpu.memref_squeeze %dma_start3A_210 : memref<1x100xi32, #tpu.memory_space<vmem>> -> memref<100xi32, #tpu.memory_space<vmem>>
      %dma_start3A_212 = arith.constant 0 : i32
      %dma_start3A_213 = arith.constant 0 : i32
      %dma_start3A_214 = tpu.memref_slice %arg6[%dma_start3A_212, %dma_start3A_213] : memref<10000x64xf32, #tpu.memory_space<vmem_shared>> -> memref<10000x64xf32, #tpu.memory_space<vmem_shared>>
      tpu.enqueue_indirect_dma source(%arg14 : memref<100x64xf32, #tpu.memory_space<vmem>>) target(%dma_start3A_214 : memref<10000x64xf32, #tpu.memory_space<vmem_shared>>) offsets(%dma_start3A_211 : memref<100xi32, #tpu.memory_space<vmem>>) semaphore(%arg26 : memref<!tpu.dma_semaphore, #tpu.memory_space<semaphore_mem>>) {add = true}
      %dma_wait3A_215 = arith.constant 5 : i32
      %dma_wait3A_216 = arith.constant 0 : i32
      %dma_wait3A_217 = tpu.memref_slice %arg8[%dma_wait3A_215, %dma_wait3A_216] : memref<20x100xi32, #tpu.memory_space<vmem>> -> memref<1x100xi32, #tpu.memory_space<vmem>>
      %dma_wait3A_218 = tpu.memref_squeeze %dma_wait3A_217 : memref<1x100xi32, #tpu.memory_space<vmem>> -> memref<100xi32, #tpu.memory_space<vmem>>
      %dma_wait3A_219 = arith.constant 0 : i32
      %dma_wait3A_220 = arith.constant 0 : i32
      %dma_wait3A_221 = tpu.memref_slice %arg6[%dma_wait3A_219, %dma_wait3A_220] : memref<10000x64xf32, #tpu.memory_space<vmem_shared>> -> memref<10000x64xf32, #tpu.memory_space<vmem_shared>>
      tpu.wait_indirect_dma semaphore(%arg26 : memref<!tpu.dma_semaphore, #tpu.memory_space<semaphore_mem>>) src(%arg14 : memref<100x64xf32, #tpu.memory_space<vmem>>) dst(%dma_wait3A_221 : memref<10000x64xf32, #tpu.memory_space<vmem_shared>>)
      %dma_start3A_222 = arith.constant 11 : i32
      %dma_start3A_223 = arith.constant 0 : i32
      %dma_start3A_224 = tpu.memref_slice %arg7[%dma_start3A_222, %dma_start3A_223] : memref<20x100xi32, #tpu.memory_space<vmem>> -> memref<1x100xi32, #tpu.memory_space<vmem>>
      %dma_start3A_225 = tpu.memref_squeeze %dma_start3A_224 : memref<1x100xi32, #tpu.memory_space<vmem>> -> memref<100xi32, #tpu.memory_space<vmem>>
      %dma_start3A_226 = arith.constant 0 : i32
      %dma_start3A_227 = arith.constant 0 : i32
      %dma_start3A_228 = tpu.memref_slice %arg2[%dma_start3A_226, %dma_start3A_227] : memref<10000x64xf32, #tpu.memory_space<hbm>> -> memref<10000x64xf32, #tpu.memory_space<hbm>>
      tpu.enqueue_indirect_dma source(%dma_start3A_228 : memref<10000x64xf32, #tpu.memory_space<hbm>>) target(%arg14 : memref<100x64xf32, #tpu.memory_space<vmem>>) offsets(%dma_start3A_225 : memref<100xi32, #tpu.memory_space<vmem>>) semaphore(%arg20 : memref<!tpu.dma_semaphore, #tpu.memory_space<semaphore_mem>>)
      %dma_wait3A_229 = arith.constant 6 : i32
      %dma_wait3A_230 = arith.constant 0 : i32
      %dma_wait3A_231 = tpu.memref_slice %arg7[%dma_wait3A_229, %dma_wait3A_230] : memref<20x100xi32, #tpu.memory_space<vmem>> -> memref<1x100xi32, #tpu.memory_space<vmem>>
      %dma_wait3A_232 = tpu.memref_squeeze %dma_wait3A_231 : memref<1x100xi32, #tpu.memory_space<vmem>> -> memref<100xi32, #tpu.memory_space<vmem>>
      %dma_wait3A_233 = arith.constant 0 : i32
      %dma_wait3A_234 = arith.constant 0 : i32
      %dma_wait3A_235 = tpu.memref_slice %arg2[%dma_wait3A_233, %dma_wait3A_234] : memref<10000x64xf32, #tpu.memory_space<hbm>> -> memref<10000x64xf32, #tpu.memory_space<hbm>>
      tpu.wait_indirect_dma semaphore(%arg15 : memref<!tpu.dma_semaphore, #tpu.memory_space<semaphore_mem>>) src(%dma_wait3A_235 : memref<10000x64xf32, #tpu.memory_space<hbm>>) dst(%arg9 : memref<100x64xf32, #tpu.memory_space<vmem>>)
      %dma_start3A_236 = arith.constant 6 : i32
      %dma_start3A_237 = arith.constant 0 : i32
      %dma_start3A_238 = tpu.memref_slice %arg8[%dma_start3A_236, %dma_start3A_237] : memref<20x100xi32, #tpu.memory_space<vmem>> -> memref<1x100xi32, #tpu.memory_space<vmem>>
      %dma_start3A_239 = tpu.memref_squeeze %dma_start3A_238 : memref<1x100xi32, #tpu.memory_space<vmem>> -> memref<100xi32, #tpu.memory_space<vmem>>
      %dma_start3A_240 = arith.constant 0 : i32
      %dma_start3A_241 = arith.constant 0 : i32
      %dma_start3A_242 = tpu.memref_slice %arg6[%dma_start3A_240, %dma_start3A_241] : memref<10000x64xf32, #tpu.memory_space<vmem_shared>> -> memref<10000x64xf32, #tpu.memory_space<vmem_shared>>
      tpu.enqueue_indirect_dma source(%arg9 : memref<100x64xf32, #tpu.memory_space<vmem>>) target(%dma_start3A_242 : memref<10000x64xf32, #tpu.memory_space<vmem_shared>>) offsets(%dma_start3A_239 : memref<100xi32, #tpu.memory_space<vmem>>) semaphore(%arg21 : memref<!tpu.dma_semaphore, #tpu.memory_space<semaphore_mem>>) {add = true}
      %dma_wait3A_243 = arith.constant 6 : i32
      %dma_wait3A_244 = arith.constant 0 : i32
      %dma_wait3A_245 = tpu.memref_slice %arg8[%dma_wait3A_243, %dma_wait3A_244] : memref<20x100xi32, #tpu.memory_space<vmem>> -> memref<1x100xi32, #tpu.memory_space<vmem>>
      %dma_wait3A_246 = tpu.memref_squeeze %dma_wait3A_245 : memref<1x100xi32, #tpu.memory_space<vmem>> -> memref<100xi32, #tpu.memory_space<vmem>>
      %dma_wait3A_247 = arith.constant 0 : i32
      %dma_wait3A_248 = arith.constant 0 : i32
      %dma_wait3A_249 = tpu.memref_slice %arg6[%dma_wait3A_247, %dma_wait3A_248] : memref<10000x64xf32, #tpu.memory_space<vmem_shared>> -> memref<10000x64xf32, #tpu.memory_space<vmem_shared>>
      tpu.wait_indirect_dma semaphore(%arg21 : memref<!tpu.dma_semaphore, #tpu.memory_space<semaphore_mem>>) src(%arg9 : memref<100x64xf32, #tpu.memory_space<vmem>>) dst(%dma_wait3A_249 : memref<10000x64xf32, #tpu.memory_space<vmem_shared>>)
      %dma_start3A_250 = arith.constant 12 : i32
      %dma_start3A_251 = arith.constant 0 : i32
      %dma_start3A_252 = tpu.memref_slice %arg7[%dma_start3A_250, %dma_start3A_251] : memref<20x100xi32, #tpu.memory_space<vmem>> -> memref<1x100xi32, #tpu.memory_space<vmem>>
      %dma_start3A_253 = tpu.memref_squeeze %dma_start3A_252 : memref<1x100xi32, #tpu.memory_space<vmem>> -> memref<100xi32, #tpu.memory_space<vmem>>
      %dma_start3A_254 = arith.constant 0 : i32
      %dma_start3A_255 = arith.constant 0 : i32
      %dma_start3A_256 = tpu.memref_slice %arg2[%dma_start3A_254, %dma_start3A_255] : memref<10000x64xf32, #tpu.memory_space<hbm>> -> memref<10000x64xf32, #tpu.memory_space<hbm>>
      tpu.enqueue_indirect_dma source(%dma_start3A_256 : memref<10000x64xf32, #tpu.memory_space<hbm>>) target(%arg9 : memref<100x64xf32, #tpu.memory_space<vmem>>) offsets(%dma_start3A_253 : memref<100xi32, #tpu.memory_space<vmem>>) semaphore(%arg15 : memref<!tpu.dma_semaphore, #tpu.memory_space<semaphore_mem>>)
      %dma_wait3A_257 = arith.constant 7 : i32
      %dma_wait3A_258 = arith.constant 0 : i32
      %dma_wait3A_259 = tpu.memref_slice %arg7[%dma_wait3A_257, %dma_wait3A_258] : memref<20x100xi32, #tpu.memory_space<vmem>> -> memref<1x100xi32, #tpu.memory_space<vmem>>
      %dma_wait3A_260 = tpu.memref_squeeze %dma_wait3A_259 : memref<1x100xi32, #tpu.memory_space<vmem>> -> memref<100xi32, #tpu.memory_space<vmem>>
      %dma_wait3A_261 = arith.constant 0 : i32
      %dma_wait3A_262 = arith.constant 0 : i32
      %dma_wait3A_263 = tpu.memref_slice %arg2[%dma_wait3A_261, %dma_wait3A_262] : memref<10000x64xf32, #tpu.memory_space<hbm>> -> memref<10000x64xf32, #tpu.memory_space<hbm>>
      tpu.wait_indirect_dma semaphore(%arg16 : memref<!tpu.dma_semaphore, #tpu.memory_space<semaphore_mem>>) src(%dma_wait3A_263 : memref<10000x64xf32, #tpu.memory_space<hbm>>) dst(%arg10 : memref<100x64xf32, #tpu.memory_space<vmem>>)
      %dma_start3A_264 = arith.constant 7 : i32
      %dma_start3A_265 = arith.constant 0 : i32
      %dma_start3A_266 = tpu.memref_slice %arg8[%dma_start3A_264, %dma_start3A_265] : memref<20x100xi32, #tpu.memory_space<vmem>> -> memref<1x100xi32, #tpu.memory_space<vmem>>
      %dma_start3A_267 = tpu.memref_squeeze %dma_start3A_266 : memref<1x100xi32, #tpu.memory_space<vmem>> -> memref<100xi32, #tpu.memory_space<vmem>>
      %dma_start3A_268 = arith.constant 0 : i32
      %dma_start3A_269 = arith.constant 0 : i32
      %dma_start3A_270 = tpu.memref_slice %arg6[%dma_start3A_268, %dma_start3A_269] : memref<10000x64xf32, #tpu.memory_space<vmem_shared>> -> memref<10000x64xf32, #tpu.memory_space<vmem_shared>>
      tpu.enqueue_indirect_dma source(%arg10 : memref<100x64xf32, #tpu.memory_space<vmem>>) target(%dma_start3A_270 : memref<10000x64xf32, #tpu.memory_space<vmem_shared>>) offsets(%dma_start3A_267 : memref<100xi32, #tpu.memory_space<vmem>>) semaphore(%arg22 : memref<!tpu.dma_semaphore, #tpu.memory_space<semaphore_mem>>) {add = true}
      %dma_wait3A_271 = arith.constant 7 : i32
      %dma_wait3A_272 = arith.constant 0 : i32
      %dma_wait3A_273 = tpu.memref_slice %arg8[%dma_wait3A_271, %dma_wait3A_272] : memref<20x100xi32, #tpu.memory_space<vmem>> -> memref<1x100xi32, #tpu.memory_space<vmem>>
      %dma_wait3A_274 = tpu.memref_squeeze %dma_wait3A_273 : memref<1x100xi32, #tpu.memory_space<vmem>> -> memref<100xi32, #tpu.memory_space<vmem>>
      %dma_wait3A_275 = arith.constant 0 : i32
      %dma_wait3A_276 = arith.constant 0 : i32
      %dma_wait3A_277 = tpu.memref_slice %arg6[%dma_wait3A_275, %dma_wait3A_276] : memref<10000x64xf32, #tpu.memory_space<vmem_shared>> -> memref<10000x64xf32, #tpu.memory_space<vmem_shared>>
      tpu.wait_indirect_dma semaphore(%arg22 : memref<!tpu.dma_semaphore, #tpu.memory_space<semaphore_mem>>) src(%arg10 : memref<100x64xf32, #tpu.memory_space<vmem>>) dst(%dma_wait3A_277 : memref<10000x64xf32, #tpu.memory_space<vmem_shared>>)
      %dma_start3A_278 = arith.constant 13 : i32
      %dma_start3A_279 = arith.constant 0 : i32
      %dma_start3A_280 = tpu.memref_slice %arg7[%dma_start3A_278, %dma_start3A_279] : memref<20x100xi32, #tpu.memory_space<vmem>> -> memref<1x100xi32, #tpu.memory_space<vmem>>
      %dma_start3A_281 = tpu.memref_squeeze %dma_start3A_280 : memref<1x100xi32, #tpu.memory_space<vmem>> -> memref<100xi32, #tpu.memory_space<vmem>>
      %dma_start3A_282 = arith.constant 0 : i32
      %dma_start3A_283 = arith.constant 0 : i32
      %dma_start3A_284 = tpu.memref_slice %arg2[%dma_start3A_282, %dma_start3A_283] : memref<10000x64xf32, #tpu.memory_space<hbm>> -> memref<10000x64xf32, #tpu.memory_space<hbm>>
      tpu.enqueue_indirect_dma source(%dma_start3A_284 : memref<10000x64xf32, #tpu.memory_space<hbm>>) target(%arg10 : memref<100x64xf32, #tpu.memory_space<vmem>>) offsets(%dma_start3A_281 : memref<100xi32, #tpu.memory_space<vmem>>) semaphore(%arg16 : memref<!tpu.dma_semaphore, #tpu.memory_space<semaphore_mem>>)
      %dma_wait3A_285 = arith.constant 8 : i32
      %dma_wait3A_286 = arith.constant 0 : i32
      %dma_wait3A_287 = tpu.memref_slice %arg7[%dma_wait3A_285, %dma_wait3A_286] : memref<20x100xi32, #tpu.memory_space<vmem>> -> memref<1x100xi32, #tpu.memory_space<vmem>>
      %dma_wait3A_288 = tpu.memref_squeeze %dma_wait3A_287 : memref<1x100xi32, #tpu.memory_space<vmem>> -> memref<100xi32, #tpu.memory_space<vmem>>
      %dma_wait3A_289 = arith.constant 0 : i32
      %dma_wait3A_290 = arith.constant 0 : i32
      %dma_wait3A_291 = tpu.memref_slice %arg2[%dma_wait3A_289, %dma_wait3A_290] : memref<10000x64xf32, #tpu.memory_space<hbm>> -> memref<10000x64xf32, #tpu.memory_space<hbm>>
      tpu.wait_indirect_dma semaphore(%arg17 : memref<!tpu.dma_semaphore, #tpu.memory_space<semaphore_mem>>) src(%dma_wait3A_291 : memref<10000x64xf32, #tpu.memory_space<hbm>>) dst(%arg11 : memref<100x64xf32, #tpu.memory_space<vmem>>)
      %dma_start3A_292 = arith.constant 8 : i32
      %dma_start3A_293 = arith.constant 0 : i32
      %dma_start3A_294 = tpu.memref_slice %arg8[%dma_start3A_292, %dma_start3A_293] : memref<20x100xi32, #tpu.memory_space<vmem>> -> memref<1x100xi32, #tpu.memory_space<vmem>>
      %dma_start3A_295 = tpu.memref_squeeze %dma_start3A_294 : memref<1x100xi32, #tpu.memory_space<vmem>> -> memref<100xi32, #tpu.memory_space<vmem>>
      %dma_start3A_296 = arith.constant 0 : i32
      %dma_start3A_297 = arith.constant 0 : i32
      %dma_start3A_298 = tpu.memref_slice %arg6[%dma_start3A_296, %dma_start3A_297] : memref<10000x64xf32, #tpu.memory_space<vmem_shared>> -> memref<10000x64xf32, #tpu.memory_space<vmem_shared>>
      tpu.enqueue_indirect_dma source(%arg11 : memref<100x64xf32, #tpu.memory_space<vmem>>) target(%dma_start3A_298 : memref<10000x64xf32, #tpu.memory_space<vmem_shared>>) offsets(%dma_start3A_295 : memref<100xi32, #tpu.memory_space<vmem>>) semaphore(%arg23 : memref<!tpu.dma_semaphore, #tpu.memory_space<semaphore_mem>>) {add = true}
      %dma_wait3A_299 = arith.constant 8 : i32
      %dma_wait3A_300 = arith.constant 0 : i32
      %dma_wait3A_301 = tpu.memref_slice %arg8[%dma_wait3A_299, %dma_wait3A_300] : memref<20x100xi32, #tpu.memory_space<vmem>> -> memref<1x100xi32, #tpu.memory_space<vmem>>
      %dma_wait3A_302 = tpu.memref_squeeze %dma_wait3A_301 : memref<1x100xi32, #tpu.memory_space<vmem>> -> memref<100xi32, #tpu.memory_space<vmem>>
      %dma_wait3A_303 = arith.constant 0 : i32
      %dma_wait3A_304 = arith.constant 0 : i32
      %dma_wait3A_305 = tpu.memref_slice %arg6[%dma_wait3A_303, %dma_wait3A_304] : memref<10000x64xf32, #tpu.memory_space<vmem_shared>> -> memref<10000x64xf32, #tpu.memory_space<vmem_shared>>
      tpu.wait_indirect_dma semaphore(%arg23 : memref<!tpu.dma_semaphore, #tpu.memory_space<semaphore_mem>>) src(%arg11 : memref<100x64xf32, #tpu.memory_space<vmem>>) dst(%dma_wait3A_305 : memref<10000x64xf32, #tpu.memory_space<vmem_shared>>)
      %dma_start3A_306 = arith.constant 14 : i32
      %dma_start3A_307 = arith.constant 0 : i32
      %dma_start3A_308 = tpu.memref_slice %arg7[%dma_start3A_306, %dma_start3A_307] : memref<20x100xi32, #tpu.memory_space<vmem>> -> memref<1x100xi32, #tpu.memory_space<vmem>>
      %dma_start3A_309 = tpu.memref_squeeze %dma_start3A_308 : memref<1x100xi32, #tpu.memory_space<vmem>> -> memref<100xi32, #tpu.memory_space<vmem>>
      %dma_start3A_310 = arith.constant 0 : i32
      %dma_start3A_311 = arith.constant 0 : i32
      %dma_start3A_312 = tpu.memref_slice %arg2[%dma_start3A_310, %dma_start3A_311] : memref<10000x64xf32, #tpu.memory_space<hbm>> -> memref<10000x64xf32, #tpu.memory_space<hbm>>
      tpu.enqueue_indirect_dma source(%dma_start3A_312 : memref<10000x64xf32, #tpu.memory_space<hbm>>) target(%arg11 : memref<100x64xf32, #tpu.memory_space<vmem>>) offsets(%dma_start3A_309 : memref<100xi32, #tpu.memory_space<vmem>>) semaphore(%arg17 : memref<!tpu.dma_semaphore, #tpu.memory_space<semaphore_mem>>)
      %dma_wait3A_313 = arith.constant 9 : i32
      %dma_wait3A_314 = arith.constant 0 : i32
      %dma_wait3A_315 = tpu.memref_slice %arg7[%dma_wait3A_313, %dma_wait3A_314] : memref<20x100xi32, #tpu.memory_space<vmem>> -> memref<1x100xi32, #tpu.memory_space<vmem>>
      %dma_wait3A_316 = tpu.memref_squeeze %dma_wait3A_315 : memref<1x100xi32, #tpu.memory_space<vmem>> -> memref<100xi32, #tpu.memory_space<vmem>>
      %dma_wait3A_317 = arith.constant 0 : i32
      %dma_wait3A_318 = arith.constant 0 : i32
      %dma_wait3A_319 = tpu.memref_slice %arg2[%dma_wait3A_317, %dma_wait3A_318] : memref<10000x64xf32, #tpu.memory_space<hbm>> -> memref<10000x64xf32, #tpu.memory_space<hbm>>
      tpu.wait_indirect_dma semaphore(%arg18 : memref<!tpu.dma_semaphore, #tpu.memory_space<semaphore_mem>>) src(%dma_wait3A_319 : memref<10000x64xf32, #tpu.memory_space<hbm>>) dst(%arg12 : memref<100x64xf32, #tpu.memory_space<vmem>>)
      %dma_start3A_320 = arith.constant 9 : i32
      %dma_start3A_321 = arith.constant 0 : i32
      %dma_start3A_322 = tpu.memref_slice %arg8[%dma_start3A_320, %dma_start3A_321] : memref<20x100xi32, #tpu.memory_space<vmem>> -> memref<1x100xi32, #tpu.memory_space<vmem>>
      %dma_start3A_323 = tpu.memref_squeeze %dma_start3A_322 : memref<1x100xi32, #tpu.memory_space<vmem>> -> memref<100xi32, #tpu.memory_space<vmem>>
      %dma_start3A_324 = arith.constant 0 : i32
      %dma_start3A_325 = arith.constant 0 : i32
      %dma_start3A_326 = tpu.memref_slice %arg6[%dma_start3A_324, %dma_start3A_325] : memref<10000x64xf32, #tpu.memory_space<vmem_shared>> -> memref<10000x64xf32, #tpu.memory_space<vmem_shared>>
      tpu.enqueue_indirect_dma source(%arg12 : memref<100x64xf32, #tpu.memory_space<vmem>>) target(%dma_start3A_326 : memref<10000x64xf32, #tpu.memory_space<vmem_shared>>) offsets(%dma_start3A_323 : memref<100xi32, #tpu.memory_space<vmem>>) semaphore(%arg24 : memref<!tpu.dma_semaphore, #tpu.memory_space<semaphore_mem>>) {add = true}
      %dma_wait3A_327 = arith.constant 9 : i32
      %dma_wait3A_328 = arith.constant 0 : i32
      %dma_wait3A_329 = tpu.memref_slice %arg8[%dma_wait3A_327, %dma_wait3A_328] : memref<20x100xi32, #tpu.memory_space<vmem>> -> memref<1x100xi32, #tpu.memory_space<vmem>>
      %dma_wait3A_330 = tpu.memref_squeeze %dma_wait3A_329 : memref<1x100xi32, #tpu.memory_space<vmem>> -> memref<100xi32, #tpu.memory_space<vmem>>
      %dma_wait3A_331 = arith.constant 0 : i32
      %dma_wait3A_332 = arith.constant 0 : i32
      %dma_wait3A_333 = tpu.memref_slice %arg6[%dma_wait3A_331, %dma_wait3A_332] : memref<10000x64xf32, #tpu.memory_space<vmem_shared>> -> memref<10000x64xf32, #tpu.memory_space<vmem_shared>>
      tpu.wait_indirect_dma semaphore(%arg24 : memref<!tpu.dma_semaphore, #tpu.memory_space<semaphore_mem>>) src(%arg12 : memref<100x64xf32, #tpu.memory_space<vmem>>) dst(%dma_wait3A_333 : memref<10000x64xf32, #tpu.memory_space<vmem_shared>>)
      %dma_start3A_334 = arith.constant 15 : i32
      %dma_start3A_335 = arith.constant 0 : i32
      %dma_start3A_336 = tpu.memref_slice %arg7[%dma_start3A_334, %dma_start3A_335] : memref<20x100xi32, #tpu.memory_space<vmem>> -> memref<1x100xi32, #tpu.memory_space<vmem>>
      %dma_start3A_337 = tpu.memref_squeeze %dma_start3A_336 : memref<1x100xi32, #tpu.memory_space<vmem>> -> memref<100xi32, #tpu.memory_space<vmem>>
      %dma_start3A_338 = arith.constant 0 : i32
      %dma_start3A_339 = arith.constant 0 : i32
      %dma_start3A_340 = tpu.memref_slice %arg2[%dma_start3A_338, %dma_start3A_339] : memref<10000x64xf32, #tpu.memory_space<hbm>> -> memref<10000x64xf32, #tpu.memory_space<hbm>>
      tpu.enqueue_indirect_dma source(%dma_start3A_340 : memref<10000x64xf32, #tpu.memory_space<hbm>>) target(%arg12 : memref<100x64xf32, #tpu.memory_space<vmem>>) offsets(%dma_start3A_337 : memref<100xi32, #tpu.memory_space<vmem>>) semaphore(%arg18 : memref<!tpu.dma_semaphore, #tpu.memory_space<semaphore_mem>>)
      %dma_wait3A_341 = arith.constant 10 : i32
      %dma_wait3A_342 = arith.constant 0 : i32
      %dma_wait3A_343 = tpu.memref_slice %arg7[%dma_wait3A_341, %dma_wait3A_342] : memref<20x100xi32, #tpu.memory_space<vmem>> -> memref<1x100xi32, #tpu.memory_space<vmem>>
      %dma_wait3A_344 = tpu.memref_squeeze %dma_wait3A_343 : memref<1x100xi32, #tpu.memory_space<vmem>> -> memref<100xi32, #tpu.memory_space<vmem>>
      %dma_wait3A_345 = arith.constant 0 : i32
      %dma_wait3A_346 = arith.constant 0 : i32
      %dma_wait3A_347 = tpu.memref_slice %arg2[%dma_wait3A_345, %dma_wait3A_346] : memref<10000x64xf32, #tpu.memory_space<hbm>> -> memref<10000x64xf32, #tpu.memory_space<hbm>>
      tpu.wait_indirect_dma semaphore(%arg19 : memref<!tpu.dma_semaphore, #tpu.memory_space<semaphore_mem>>) src(%dma_wait3A_347 : memref<10000x64xf32, #tpu.memory_space<hbm>>) dst(%arg13 : memref<100x64xf32, #tpu.memory_space<vmem>>)
      %dma_start3A_348 = arith.constant 10 : i32
      %dma_start3A_349 = arith.constant 0 : i32
      %dma_start3A_350 = tpu.memref_slice %arg8[%dma_start3A_348, %dma_start3A_349] : memref<20x100xi32, #tpu.memory_space<vmem>> -> memref<1x100xi32, #tpu.memory_space<vmem>>
      %dma_start3A_351 = tpu.memref_squeeze %dma_start3A_350 : memref<1x100xi32, #tpu.memory_space<vmem>> -> memref<100xi32, #tpu.memory_space<vmem>>
      %dma_start3A_352 = arith.constant 0 : i32
      %dma_start3A_353 = arith.constant 0 : i32
      %dma_start3A_354 = tpu.memref_slice %arg6[%dma_start3A_352, %dma_start3A_353] : memref<10000x64xf32, #tpu.memory_space<vmem_shared>> -> memref<10000x64xf32, #tpu.memory_space<vmem_shared>>
      tpu.enqueue_indirect_dma source(%arg13 : memref<100x64xf32, #tpu.memory_space<vmem>>) target(%dma_start3A_354 : memref<10000x64xf32, #tpu.memory_space<vmem_shared>>) offsets(%dma_start3A_351 : memref<100xi32, #tpu.memory_space<vmem>>) semaphore(%arg25 : memref<!tpu.dma_semaphore, #tpu.memory_space<semaphore_mem>>) {add = true}
      %dma_wait3A_355 = arith.constant 10 : i32
      %dma_wait3A_356 = arith.constant 0 : i32
      %dma_wait3A_357 = tpu.memref_slice %arg8[%dma_wait3A_355, %dma_wait3A_356] : memref<20x100xi32, #tpu.memory_space<vmem>> -> memref<1x100xi32, #tpu.memory_space<vmem>>
      %dma_wait3A_358 = tpu.memref_squeeze %dma_wait3A_357 : memref<1x100xi32, #tpu.memory_space<vmem>> -> memref<100xi32, #tpu.memory_space<vmem>>
      %dma_wait3A_359 = arith.constant 0 : i32
      %dma_wait3A_360 = arith.constant 0 : i32
      %dma_wait3A_361 = tpu.memref_slice %arg6[%dma_wait3A_359, %dma_wait3A_360] : memref<10000x64xf32, #tpu.memory_space<vmem_shared>> -> memref<10000x64xf32, #tpu.memory_space<vmem_shared>>
      tpu.wait_indirect_dma semaphore(%arg25 : memref<!tpu.dma_semaphore, #tpu.memory_space<semaphore_mem>>) src(%arg13 : memref<100x64xf32, #tpu.memory_space<vmem>>) dst(%dma_wait3A_361 : memref<10000x64xf32, #tpu.memory_space<vmem_shared>>)
      %dma_start3A_362 = arith.constant 16 : i32
      %dma_start3A_363 = arith.constant 0 : i32
      %dma_start3A_364 = tpu.memref_slice %arg7[%dma_start3A_362, %dma_start3A_363] : memref<20x100xi32, #tpu.memory_space<vmem>> -> memref<1x100xi32, #tpu.memory_space<vmem>>
      %dma_start3A_365 = tpu.memref_squeeze %dma_start3A_364 : memref<1x100xi32, #tpu.memory_space<vmem>> -> memref<100xi32, #tpu.memory_space<vmem>>
      %dma_start3A_366 = arith.constant 0 : i32
      %dma_start3A_367 = arith.constant 0 : i32
      %dma_start3A_368 = tpu.memref_slice %arg2[%dma_start3A_366, %dma_start3A_367] : memref<10000x64xf32, #tpu.memory_space<hbm>> -> memref<10000x64xf32, #tpu.memory_space<hbm>>
      tpu.enqueue_indirect_dma source(%dma_start3A_368 : memref<10000x64xf32, #tpu.memory_space<hbm>>) target(%arg13 : memref<100x64xf32, #tpu.memory_space<vmem>>) offsets(%dma_start3A_365 : memref<100xi32, #tpu.memory_space<vmem>>) semaphore(%arg19 : memref<!tpu.dma_semaphore, #tpu.memory_space<semaphore_mem>>)
      %dma_wait3A_369 = arith.constant 11 : i32
      %dma_wait3A_370 = arith.constant 0 : i32
      %dma_wait3A_371 = tpu.memref_slice %arg7[%dma_wait3A_369, %dma_wait3A_370] : memref<20x100xi32, #tpu.memory_space<vmem>> -> memref<1x100xi32, #tpu.memory_space<vmem>>
      %dma_wait3A_372 = tpu.memref_squeeze %dma_wait3A_371 : memref<1x100xi32, #tpu.memory_space<vmem>> -> memref<100xi32, #tpu.memory_space<vmem>>
      %dma_wait3A_373 = arith.constant 0 : i32
      %dma_wait3A_374 = arith.constant 0 : i32
      %dma_wait3A_375 = tpu.memref_slice %arg2[%dma_wait3A_373, %dma_wait3A_374] : memref<10000x64xf32, #tpu.memory_space<hbm>> -> memref<10000x64xf32, #tpu.memory_space<hbm>>
      tpu.wait_indirect_dma semaphore(%arg20 : memref<!tpu.dma_semaphore, #tpu.memory_space<semaphore_mem>>) src(%dma_wait3A_375 : memref<10000x64xf32, #tpu.memory_space<hbm>>) dst(%arg14 : memref<100x64xf32, #tpu.memory_space<vmem>>)
      %dma_start3A_376 = arith.constant 11 : i32
      %dma_start3A_377 = arith.constant 0 : i32
      %dma_start3A_378 = tpu.memref_slice %arg8[%dma_start3A_376, %dma_start3A_377] : memref<20x100xi32, #tpu.memory_space<vmem>> -> memref<1x100xi32, #tpu.memory_space<vmem>>
      %dma_start3A_379 = tpu.memref_squeeze %dma_start3A_378 : memref<1x100xi32, #tpu.memory_space<vmem>> -> memref<100xi32, #tpu.memory_space<vmem>>
      %dma_start3A_380 = arith.constant 0 : i32
      %dma_start3A_381 = arith.constant 0 : i32
      %dma_start3A_382 = tpu.memref_slice %arg6[%dma_start3A_380, %dma_start3A_381] : memref<10000x64xf32, #tpu.memory_space<vmem_shared>> -> memref<10000x64xf32, #tpu.memory_space<vmem_shared>>
      tpu.enqueue_indirect_dma source(%arg14 : memref<100x64xf32, #tpu.memory_space<vmem>>) target(%dma_start3A_382 : memref<10000x64xf32, #tpu.memory_space<vmem_shared>>) offsets(%dma_start3A_379 : memref<100xi32, #tpu.memory_space<vmem>>) semaphore(%arg26 : memref<!tpu.dma_semaphore, #tpu.memory_space<semaphore_mem>>) {add = true}
      %dma_wait3A_383 = arith.constant 11 : i32
      %dma_wait3A_384 = arith.constant 0 : i32
      %dma_wait3A_385 = tpu.memref_slice %arg8[%dma_wait3A_383, %dma_wait3A_384] : memref<20x100xi32, #tpu.memory_space<vmem>> -> memref<1x100xi32, #tpu.memory_space<vmem>>
      %dma_wait3A_386 = tpu.memref_squeeze %dma_wait3A_385 : memref<1x100xi32, #tpu.memory_space<vmem>> -> memref<100xi32, #tpu.memory_space<vmem>>
      %dma_wait3A_387 = arith.constant 0 : i32
      %dma_wait3A_388 = arith.constant 0 : i32
      %dma_wait3A_389 = tpu.memref_slice %arg6[%dma_wait3A_387, %dma_wait3A_388] : memref<10000x64xf32, #tpu.memory_space<vmem_shared>> -> memref<10000x64xf32, #tpu.memory_space<vmem_shared>>
      tpu.wait_indirect_dma semaphore(%arg26 : memref<!tpu.dma_semaphore, #tpu.memory_space<semaphore_mem>>) src(%arg14 : memref<100x64xf32, #tpu.memory_space<vmem>>) dst(%dma_wait3A_389 : memref<10000x64xf32, #tpu.memory_space<vmem_shared>>)
      %dma_start3A_390 = arith.constant 17 : i32
      %dma_start3A_391 = arith.constant 0 : i32
      %dma_start3A_392 = tpu.memref_slice %arg7[%dma_start3A_390, %dma_start3A_391] : memref<20x100xi32, #tpu.memory_space<vmem>> -> memref<1x100xi32, #tpu.memory_space<vmem>>
      %dma_start3A_393 = tpu.memref_squeeze %dma_start3A_392 : memref<1x100xi32, #tpu.memory_space<vmem>> -> memref<100xi32, #tpu.memory_space<vmem>>
      %dma_start3A_394 = arith.constant 0 : i32
      %dma_start3A_395 = arith.constant 0 : i32
      %dma_start3A_396 = tpu.memref_slice %arg2[%dma_start3A_394, %dma_start3A_395] : memref<10000x64xf32, #tpu.memory_space<hbm>> -> memref<10000x64xf32, #tpu.memory_space<hbm>>
      tpu.enqueue_indirect_dma source(%dma_start3A_396 : memref<10000x64xf32, #tpu.memory_space<hbm>>) target(%arg14 : memref<100x64xf32, #tpu.memory_space<vmem>>) offsets(%dma_start3A_393 : memref<100xi32, #tpu.memory_space<vmem>>) semaphore(%arg20 : memref<!tpu.dma_semaphore, #tpu.memory_space<semaphore_mem>>)
      %dma_wait3A_397 = arith.constant 12 : i32
      %dma_wait3A_398 = arith.constant 0 : i32
      %dma_wait3A_399 = tpu.memref_slice %arg7[%dma_wait3A_397, %dma_wait3A_398] : memref<20x100xi32, #tpu.memory_space<vmem>> -> memref<1x100xi32, #tpu.memory_space<vmem>>
      %dma_wait3A_400 = tpu.memref_squeeze %dma_wait3A_399 : memref<1x100xi32, #tpu.memory_space<vmem>> -> memref<100xi32, #tpu.memory_space<vmem>>
      %dma_wait3A_401 = arith.constant 0 : i32
      %dma_wait3A_402 = arith.constant 0 : i32
      %dma_wait3A_403 = tpu.memref_slice %arg2[%dma_wait3A_401, %dma_wait3A_402] : memref<10000x64xf32, #tpu.memory_space<hbm>> -> memref<10000x64xf32, #tpu.memory_space<hbm>>
      tpu.wait_indirect_dma semaphore(%arg15 : memref<!tpu.dma_semaphore, #tpu.memory_space<semaphore_mem>>) src(%dma_wait3A_403 : memref<10000x64xf32, #tpu.memory_space<hbm>>) dst(%arg9 : memref<100x64xf32, #tpu.memory_space<vmem>>)
      %dma_start3A_404 = arith.constant 12 : i32
      %dma_start3A_405 = arith.constant 0 : i32
      %dma_start3A_406 = tpu.memref_slice %arg8[%dma_start3A_404, %dma_start3A_405] : memref<20x100xi32, #tpu.memory_space<vmem>> -> memref<1x100xi32, #tpu.memory_space<vmem>>
      %dma_start3A_407 = tpu.memref_squeeze %dma_start3A_406 : memref<1x100xi32, #tpu.memory_space<vmem>> -> memref<100xi32, #tpu.memory_space<vmem>>
      %dma_start3A_408 = arith.constant 0 : i32
      %dma_start3A_409 = arith.constant 0 : i32
      %dma_start3A_410 = tpu.memref_slice %arg6[%dma_start3A_408, %dma_start3A_409] : memref<10000x64xf32, #tpu.memory_space<vmem_shared>> -> memref<10000x64xf32, #tpu.memory_space<vmem_shared>>
      tpu.enqueue_indirect_dma source(%arg9 : memref<100x64xf32, #tpu.memory_space<vmem>>) target(%dma_start3A_410 : memref<10000x64xf32, #tpu.memory_space<vmem_shared>>) offsets(%dma_start3A_407 : memref<100xi32, #tpu.memory_space<vmem>>) semaphore(%arg21 : memref<!tpu.dma_semaphore, #tpu.memory_space<semaphore_mem>>) {add = true}
      %dma_wait3A_411 = arith.constant 12 : i32
      %dma_wait3A_412 = arith.constant 0 : i32
      %dma_wait3A_413 = tpu.memref_slice %arg8[%dma_wait3A_411, %dma_wait3A_412] : memref<20x100xi32, #tpu.memory_space<vmem>> -> memref<1x100xi32, #tpu.memory_space<vmem>>
      %dma_wait3A_414 = tpu.memref_squeeze %dma_wait3A_413 : memref<1x100xi32, #tpu.memory_space<vmem>> -> memref<100xi32, #tpu.memory_space<vmem>>
      %dma_wait3A_415 = arith.constant 0 : i32
      %dma_wait3A_416 = arith.constant 0 : i32
      %dma_wait3A_417 = tpu.memref_slice %arg6[%dma_wait3A_415, %dma_wait3A_416] : memref<10000x64xf32, #tpu.memory_space<vmem_shared>> -> memref<10000x64xf32, #tpu.memory_space<vmem_shared>>
      tpu.wait_indirect_dma semaphore(%arg21 : memref<!tpu.dma_semaphore, #tpu.memory_space<semaphore_mem>>) src(%arg9 : memref<100x64xf32, #tpu.memory_space<vmem>>) dst(%dma_wait3A_417 : memref<10000x64xf32, #tpu.memory_space<vmem_shared>>)
      %dma_start3A_418 = arith.constant 18 : i32
      %dma_start3A_419 = arith.constant 0 : i32
      %dma_start3A_420 = tpu.memref_slice %arg7[%dma_start3A_418, %dma_start3A_419] : memref<20x100xi32, #tpu.memory_space<vmem>> -> memref<1x100xi32, #tpu.memory_space<vmem>>
      %dma_start3A_421 = tpu.memref_squeeze %dma_start3A_420 : memref<1x100xi32, #tpu.memory_space<vmem>> -> memref<100xi32, #tpu.memory_space<vmem>>
      %dma_start3A_422 = arith.constant 0 : i32
      %dma_start3A_423 = arith.constant 0 : i32
      %dma_start3A_424 = tpu.memref_slice %arg2[%dma_start3A_422, %dma_start3A_423] : memref<10000x64xf32, #tpu.memory_space<hbm>> -> memref<10000x64xf32, #tpu.memory_space<hbm>>
      tpu.enqueue_indirect_dma source(%dma_start3A_424 : memref<10000x64xf32, #tpu.memory_space<hbm>>) target(%arg9 : memref<100x64xf32, #tpu.memory_space<vmem>>) offsets(%dma_start3A_421 : memref<100xi32, #tpu.memory_space<vmem>>) semaphore(%arg15 : memref<!tpu.dma_semaphore, #tpu.memory_space<semaphore_mem>>)
      %dma_wait3A_425 = arith.constant 13 : i32
      %dma_wait3A_426 = arith.constant 0 : i32
      %dma_wait3A_427 = tpu.memref_slice %arg7[%dma_wait3A_425, %dma_wait3A_426] : memref<20x100xi32, #tpu.memory_space<vmem>> -> memref<1x100xi32, #tpu.memory_space<vmem>>
      %dma_wait3A_428 = tpu.memref_squeeze %dma_wait3A_427 : memref<1x100xi32, #tpu.memory_space<vmem>> -> memref<100xi32, #tpu.memory_space<vmem>>
      %dma_wait3A_429 = arith.constant 0 : i32
      %dma_wait3A_430 = arith.constant 0 : i32
      %dma_wait3A_431 = tpu.memref_slice %arg2[%dma_wait3A_429, %dma_wait3A_430] : memref<10000x64xf32, #tpu.memory_space<hbm>> -> memref<10000x64xf32, #tpu.memory_space<hbm>>
      tpu.wait_indirect_dma semaphore(%arg16 : memref<!tpu.dma_semaphore, #tpu.memory_space<semaphore_mem>>) src(%dma_wait3A_431 : memref<10000x64xf32, #tpu.memory_space<hbm>>) dst(%arg10 : memref<100x64xf32, #tpu.memory_space<vmem>>)
      %dma_start3A_432 = arith.constant 13 : i32
      %dma_start3A_433 = arith.constant 0 : i32
      %dma_start3A_434 = tpu.memref_slice %arg8[%dma_start3A_432, %dma_start3A_433] : memref<20x100xi32, #tpu.memory_space<vmem>> -> memref<1x100xi32, #tpu.memory_space<vmem>>
      %dma_start3A_435 = tpu.memref_squeeze %dma_start3A_434 : memref<1x100xi32, #tpu.memory_space<vmem>> -> memref<100xi32, #tpu.memory_space<vmem>>
      %dma_start3A_436 = arith.constant 0 : i32
      %dma_start3A_437 = arith.constant 0 : i32
      %dma_start3A_438 = tpu.memref_slice %arg6[%dma_start3A_436, %dma_start3A_437] : memref<10000x64xf32, #tpu.memory_space<vmem_shared>> -> memref<10000x64xf32, #tpu.memory_space<vmem_shared>>
      tpu.enqueue_indirect_dma source(%arg10 : memref<100x64xf32, #tpu.memory_space<vmem>>) target(%dma_start3A_438 : memref<10000x64xf32, #tpu.memory_space<vmem_shared>>) offsets(%dma_start3A_435 : memref<100xi32, #tpu.memory_space<vmem>>) semaphore(%arg22 : memref<!tpu.dma_semaphore, #tpu.memory_space<semaphore_mem>>) {add = true}
      %dma_wait3A_439 = arith.constant 13 : i32
      %dma_wait3A_440 = arith.constant 0 : i32
      %dma_wait3A_441 = tpu.memref_slice %arg8[%dma_wait3A_439, %dma_wait3A_440] : memref<20x100xi32, #tpu.memory_space<vmem>> -> memref<1x100xi32, #tpu.memory_space<vmem>>
      %dma_wait3A_442 = tpu.memref_squeeze %dma_wait3A_441 : memref<1x100xi32, #tpu.memory_space<vmem>> -> memref<100xi32, #tpu.memory_space<vmem>>
      %dma_wait3A_443 = arith.constant 0 : i32
      %dma_wait3A_444 = arith.constant 0 : i32
      %dma_wait3A_445 = tpu.memref_slice %arg6[%dma_wait3A_443, %dma_wait3A_444] : memref<10000x64xf32, #tpu.memory_space<vmem_shared>> -> memref<10000x64xf32, #tpu.memory_space<vmem_shared>>
      tpu.wait_indirect_dma semaphore(%arg22 : memref<!tpu.dma_semaphore, #tpu.memory_space<semaphore_mem>>) src(%arg10 : memref<100x64xf32, #tpu.memory_space<vmem>>) dst(%dma_wait3A_445 : memref<10000x64xf32, #tpu.memory_space<vmem_shared>>)
      %dma_start3A_446 = arith.constant 19 : i32
      %dma_start3A_447 = arith.constant 0 : i32
      %dma_start3A_448 = tpu.memref_slice %arg7[%dma_start3A_446, %dma_start3A_447] : memref<20x100xi32, #tpu.memory_space<vmem>> -> memref<1x100xi32, #tpu.memory_space<vmem>>
      %dma_start3A_449 = tpu.memref_squeeze %dma_start3A_448 : memref<1x100xi32, #tpu.memory_space<vmem>> -> memref<100xi32, #tpu.memory_space<vmem>>
      %dma_start3A_450 = arith.constant 0 : i32
      %dma_start3A_451 = arith.constant 0 : i32
      %dma_start3A_452 = tpu.memref_slice %arg2[%dma_start3A_450, %dma_start3A_451] : memref<10000x64xf32, #tpu.memory_space<hbm>> -> memref<10000x64xf32, #tpu.memory_space<hbm>>
      tpu.enqueue_indirect_dma source(%dma_start3A_452 : memref<10000x64xf32, #tpu.memory_space<hbm>>) target(%arg10 : memref<100x64xf32, #tpu.memory_space<vmem>>) offsets(%dma_start3A_449 : memref<100xi32, #tpu.memory_space<vmem>>) semaphore(%arg16 : memref<!tpu.dma_semaphore, #tpu.memory_space<semaphore_mem>>)
      %dma_wait3A_453 = arith.constant 14 : i32
      %dma_wait3A_454 = arith.constant 0 : i32
      %dma_wait3A_455 = tpu.memref_slice %arg7[%dma_wait3A_453, %dma_wait3A_454] : memref<20x100xi32, #tpu.memory_space<vmem>> -> memref<1x100xi32, #tpu.memory_space<vmem>>
      %dma_wait3A_456 = tpu.memref_squeeze %dma_wait3A_455 : memref<1x100xi32, #tpu.memory_space<vmem>> -> memref<100xi32, #tpu.memory_space<vmem>>
      %dma_wait3A_457 = arith.constant 0 : i32
      %dma_wait3A_458 = arith.constant 0 : i32
      %dma_wait3A_459 = tpu.memref_slice %arg2[%dma_wait3A_457, %dma_wait3A_458] : memref<10000x64xf32, #tpu.memory_space<hbm>> -> memref<10000x64xf32, #tpu.memory_space<hbm>>
      tpu.wait_indirect_dma semaphore(%arg17 : memref<!tpu.dma_semaphore, #tpu.memory_space<semaphore_mem>>) src(%dma_wait3A_459 : memref<10000x64xf32, #tpu.memory_space<hbm>>) dst(%arg11 : memref<100x64xf32, #tpu.memory_space<vmem>>)
      %dma_start3A_460 = arith.constant 14 : i32
      %dma_start3A_461 = arith.constant 0 : i32
      %dma_start3A_462 = tpu.memref_slice %arg8[%dma_start3A_460, %dma_start3A_461] : memref<20x100xi32, #tpu.memory_space<vmem>> -> memref<1x100xi32, #tpu.memory_space<vmem>>
      %dma_start3A_463 = tpu.memref_squeeze %dma_start3A_462 : memref<1x100xi32, #tpu.memory_space<vmem>> -> memref<100xi32, #tpu.memory_space<vmem>>
      %dma_start3A_464 = arith.constant 0 : i32
      %dma_start3A_465 = arith.constant 0 : i32
      %dma_start3A_466 = tpu.memref_slice %arg6[%dma_start3A_464, %dma_start3A_465] : memref<10000x64xf32, #tpu.memory_space<vmem_shared>> -> memref<10000x64xf32, #tpu.memory_space<vmem_shared>>
      tpu.enqueue_indirect_dma source(%arg11 : memref<100x64xf32, #tpu.memory_space<vmem>>) target(%dma_start3A_466 : memref<10000x64xf32, #tpu.memory_space<vmem_shared>>) offsets(%dma_start3A_463 : memref<100xi32, #tpu.memory_space<vmem>>) semaphore(%arg23 : memref<!tpu.dma_semaphore, #tpu.memory_space<semaphore_mem>>) {add = true}
      %dma_wait3A_467 = arith.constant 15 : i32
      %dma_wait3A_468 = arith.constant 0 : i32
      %dma_wait3A_469 = tpu.memref_slice %arg7[%dma_wait3A_467, %dma_wait3A_468] : memref<20x100xi32, #tpu.memory_space<vmem>> -> memref<1x100xi32, #tpu.memory_space<vmem>>
      %dma_wait3A_470 = tpu.memref_squeeze %dma_wait3A_469 : memref<1x100xi32, #tpu.memory_space<vmem>> -> memref<100xi32, #tpu.memory_space<vmem>>
      %dma_wait3A_471 = arith.constant 0 : i32
      %dma_wait3A_472 = arith.constant 0 : i32
      %dma_wait3A_473 = tpu.memref_slice %arg2[%dma_wait3A_471, %dma_wait3A_472] : memref<10000x64xf32, #tpu.memory_space<hbm>> -> memref<10000x64xf32, #tpu.memory_space<hbm>>
      tpu.wait_indirect_dma semaphore(%arg18 : memref<!tpu.dma_semaphore, #tpu.memory_space<semaphore_mem>>) src(%dma_wait3A_473 : memref<10000x64xf32, #tpu.memory_space<hbm>>) dst(%arg12 : memref<100x64xf32, #tpu.memory_space<vmem>>)
      %dma_start3A_474 = arith.constant 15 : i32
      %dma_start3A_475 = arith.constant 0 : i32
      %dma_start3A_476 = tpu.memref_slice %arg8[%dma_start3A_474, %dma_start3A_475] : memref<20x100xi32, #tpu.memory_space<vmem>> -> memref<1x100xi32, #tpu.memory_space<vmem>>
      %dma_start3A_477 = tpu.memref_squeeze %dma_start3A_476 : memref<1x100xi32, #tpu.memory_space<vmem>> -> memref<100xi32, #tpu.memory_space<vmem>>
      %dma_start3A_478 = arith.constant 0 : i32
      %dma_start3A_479 = arith.constant 0 : i32
      %dma_start3A_480 = tpu.memref_slice %arg6[%dma_start3A_478, %dma_start3A_479] : memref<10000x64xf32, #tpu.memory_space<vmem_shared>> -> memref<10000x64xf32, #tpu.memory_space<vmem_shared>>
      tpu.enqueue_indirect_dma source(%arg12 : memref<100x64xf32, #tpu.memory_space<vmem>>) target(%dma_start3A_480 : memref<10000x64xf32, #tpu.memory_space<vmem_shared>>) offsets(%dma_start3A_477 : memref<100xi32, #tpu.memory_space<vmem>>) semaphore(%arg24 : memref<!tpu.dma_semaphore, #tpu.memory_space<semaphore_mem>>) {add = true}
      %dma_wait3A_481 = arith.constant 16 : i32
      %dma_wait3A_482 = arith.constant 0 : i32
      %dma_wait3A_483 = tpu.memref_slice %arg7[%dma_wait3A_481, %dma_wait3A_482] : memref<20x100xi32, #tpu.memory_space<vmem>> -> memref<1x100xi32, #tpu.memory_space<vmem>>
      %dma_wait3A_484 = tpu.memref_squeeze %dma_wait3A_483 : memref<1x100xi32, #tpu.memory_space<vmem>> -> memref<100xi32, #tpu.memory_space<vmem>>
      %dma_wait3A_485 = arith.constant 0 : i32
      %dma_wait3A_486 = arith.constant 0 : i32
      %dma_wait3A_487 = tpu.memref_slice %arg2[%dma_wait3A_485, %dma_wait3A_486] : memref<10000x64xf32, #tpu.memory_space<hbm>> -> memref<10000x64xf32, #tpu.memory_space<hbm>>
      tpu.wait_indirect_dma semaphore(%arg19 : memref<!tpu.dma_semaphore, #tpu.memory_space<semaphore_mem>>) src(%dma_wait3A_487 : memref<10000x64xf32, #tpu.memory_space<hbm>>) dst(%arg13 : memref<100x64xf32, #tpu.memory_space<vmem>>)
      %dma_start3A_488 = arith.constant 16 : i32
      %dma_start3A_489 = arith.constant 0 : i32
      %dma_start3A_490 = tpu.memref_slice %arg8[%dma_start3A_488, %dma_start3A_489] : memref<20x100xi32, #tpu.memory_space<vmem>> -> memref<1x100xi32, #tpu.memory_space<vmem>>
      %dma_start3A_491 = tpu.memref_squeeze %dma_start3A_490 : memref<1x100xi32, #tpu.memory_space<vmem>> -> memref<100xi32, #tpu.memory_space<vmem>>
      %dma_start3A_492 = arith.constant 0 : i32
      %dma_start3A_493 = arith.constant 0 : i32
      %dma_start3A_494 = tpu.memref_slice %arg6[%dma_start3A_492, %dma_start3A_493] : memref<10000x64xf32, #tpu.memory_space<vmem_shared>> -> memref<10000x64xf32, #tpu.memory_space<vmem_shared>>
      tpu.enqueue_indirect_dma source(%arg13 : memref<100x64xf32, #tpu.memory_space<vmem>>) target(%dma_start3A_494 : memref<10000x64xf32, #tpu.memory_space<vmem_shared>>) offsets(%dma_start3A_491 : memref<100xi32, #tpu.memory_space<vmem>>) semaphore(%arg25 : memref<!tpu.dma_semaphore, #tpu.memory_space<semaphore_mem>>) {add = true}
      %dma_wait3A_495 = arith.constant 17 : i32
      %dma_wait3A_496 = arith.constant 0 : i32
      %dma_wait3A_497 = tpu.memref_slice %arg7[%dma_wait3A_495, %dma_wait3A_496] : memref<20x100xi32, #tpu.memory_space<vmem>> -> memref<1x100xi32, #tpu.memory_space<vmem>>
      %dma_wait3A_498 = tpu.memref_squeeze %dma_wait3A_497 : memref<1x100xi32, #tpu.memory_space<vmem>> -> memref<100xi32, #tpu.memory_space<vmem>>
      %dma_wait3A_499 = arith.constant 0 : i32
      %dma_wait3A_500 = arith.constant 0 : i32
      %dma_wait3A_501 = tpu.memref_slice %arg2[%dma_wait3A_499, %dma_wait3A_500] : memref<10000x64xf32, #tpu.memory_space<hbm>> -> memref<10000x64xf32, #tpu.memory_space<hbm>>
      tpu.wait_indirect_dma semaphore(%arg20 : memref<!tpu.dma_semaphore, #tpu.memory_space<semaphore_mem>>) src(%dma_wait3A_501 : memref<10000x64xf32, #tpu.memory_space<hbm>>) dst(%arg14 : memref<100x64xf32, #tpu.memory_space<vmem>>)
      %dma_start3A_502 = arith.constant 17 : i32
      %dma_start3A_503 = arith.constant 0 : i32
      %dma_start3A_504 = tpu.memref_slice %arg8[%dma_start3A_502, %dma_start3A_503] : memref<20x100xi32, #tpu.memory_space<vmem>> -> memref<1x100xi32, #tpu.memory_space<vmem>>
      %dma_start3A_505 = tpu.memref_squeeze %dma_start3A_504 : memref<1x100xi32, #tpu.memory_space<vmem>> -> memref<100xi32, #tpu.memory_space<vmem>>
      %dma_start3A_506 = arith.constant 0 : i32
      %dma_start3A_507 = arith.constant 0 : i32
      %dma_start3A_508 = tpu.memref_slice %arg6[%dma_start3A_506, %dma_start3A_507] : memref<10000x64xf32, #tpu.memory_space<vmem_shared>> -> memref<10000x64xf32, #tpu.memory_space<vmem_shared>>
      tpu.enqueue_indirect_dma source(%arg14 : memref<100x64xf32, #tpu.memory_space<vmem>>) target(%dma_start3A_508 : memref<10000x64xf32, #tpu.memory_space<vmem_shared>>) offsets(%dma_start3A_505 : memref<100xi32, #tpu.memory_space<vmem>>) semaphore(%arg26 : memref<!tpu.dma_semaphore, #tpu.memory_space<semaphore_mem>>) {add = true}
      %dma_wait3A_509 = arith.constant 18 : i32
      %dma_wait3A_510 = arith.constant 0 : i32
      %dma_wait3A_511 = tpu.memref_slice %arg7[%dma_wait3A_509, %dma_wait3A_510] : memref<20x100xi32, #tpu.memory_space<vmem>> -> memref<1x100xi32, #tpu.memory_space<vmem>>
      %dma_wait3A_512 = tpu.memref_squeeze %dma_wait3A_511 : memref<1x100xi32, #tpu.memory_space<vmem>> -> memref<100xi32, #tpu.memory_space<vmem>>
      %dma_wait3A_513 = arith.constant 0 : i32
      %dma_wait3A_514 = arith.constant 0 : i32
      %dma_wait3A_515 = tpu.memref_slice %arg2[%dma_wait3A_513, %dma_wait3A_514] : memref<10000x64xf32, #tpu.memory_space<hbm>> -> memref<10000x64xf32, #tpu.memory_space<hbm>>
      tpu.wait_indirect_dma semaphore(%arg15 : memref<!tpu.dma_semaphore, #tpu.memory_space<semaphore_mem>>) src(%dma_wait3A_515 : memref<10000x64xf32, #tpu.memory_space<hbm>>) dst(%arg9 : memref<100x64xf32, #tpu.memory_space<vmem>>)
      %dma_start3A_516 = arith.constant 18 : i32
      %dma_start3A_517 = arith.constant 0 : i32
      %dma_start3A_518 = tpu.memref_slice %arg8[%dma_start3A_516, %dma_start3A_517] : memref<20x100xi32, #tpu.memory_space<vmem>> -> memref<1x100xi32, #tpu.memory_space<vmem>>
      %dma_start3A_519 = tpu.memref_squeeze %dma_start3A_518 : memref<1x100xi32, #tpu.memory_space<vmem>> -> memref<100xi32, #tpu.memory_space<vmem>>
      %dma_start3A_520 = arith.constant 0 : i32
      %dma_start3A_521 = arith.constant 0 : i32
      %dma_start3A_522 = tpu.memref_slice %arg6[%dma_start3A_520, %dma_start3A_521] : memref<10000x64xf32, #tpu.memory_space<vmem_shared>> -> memref<10000x64xf32, #tpu.memory_space<vmem_shared>>
      tpu.enqueue_indirect_dma source(%arg9 : memref<100x64xf32, #tpu.memory_space<vmem>>) target(%dma_start3A_522 : memref<10000x64xf32, #tpu.memory_space<vmem_shared>>) offsets(%dma_start3A_519 : memref<100xi32, #tpu.memory_space<vmem>>) semaphore(%arg21 : memref<!tpu.dma_semaphore, #tpu.memory_space<semaphore_mem>>) {add = true}
      %dma_wait3A_523 = arith.constant 19 : i32
      %dma_wait3A_524 = arith.constant 0 : i32
      %dma_wait3A_525 = tpu.memref_slice %arg7[%dma_wait3A_523, %dma_wait3A_524] : memref<20x100xi32, #tpu.memory_space<vmem>> -> memref<1x100xi32, #tpu.memory_space<vmem>>
      %dma_wait3A_526 = tpu.memref_squeeze %dma_wait3A_525 : memref<1x100xi32, #tpu.memory_space<vmem>> -> memref<100xi32, #tpu.memory_space<vmem>>
      %dma_wait3A_527 = arith.constant 0 : i32
      %dma_wait3A_528 = arith.constant 0 : i32
      %dma_wait3A_529 = tpu.memref_slice %arg2[%dma_wait3A_527, %dma_wait3A_528] : memref<10000x64xf32, #tpu.memory_space<hbm>> -> memref<10000x64xf32, #tpu.memory_space<hbm>>
      tpu.wait_indirect_dma semaphore(%arg16 : memref<!tpu.dma_semaphore, #tpu.memory_space<semaphore_mem>>) src(%dma_wait3A_529 : memref<10000x64xf32, #tpu.memory_space<hbm>>) dst(%arg10 : memref<100x64xf32, #tpu.memory_space<vmem>>)
      %dma_start3A_530 = arith.constant 19 : i32
      %dma_start3A_531 = arith.constant 0 : i32
      %dma_start3A_532 = tpu.memref_slice %arg8[%dma_start3A_530, %dma_start3A_531] : memref<20x100xi32, #tpu.memory_space<vmem>> -> memref<1x100xi32, #tpu.memory_space<vmem>>
      %dma_start3A_533 = tpu.memref_squeeze %dma_start3A_532 : memref<1x100xi32, #tpu.memory_space<vmem>> -> memref<100xi32, #tpu.memory_space<vmem>>
      %dma_start3A_534 = arith.constant 0 : i32
      %dma_start3A_535 = arith.constant 0 : i32
      %dma_start3A_536 = tpu.memref_slice %arg6[%dma_start3A_534, %dma_start3A_535] : memref<10000x64xf32, #tpu.memory_space<vmem_shared>> -> memref<10000x64xf32, #tpu.memory_space<vmem_shared>>
      tpu.enqueue_indirect_dma source(%arg10 : memref<100x64xf32, #tpu.memory_space<vmem>>) target(%dma_start3A_536 : memref<10000x64xf32, #tpu.memory_space<vmem_shared>>) offsets(%dma_start3A_533 : memref<100xi32, #tpu.memory_space<vmem>>) semaphore(%arg22 : memref<!tpu.dma_semaphore, #tpu.memory_space<semaphore_mem>>) {add = true}
      %dma_wait3A_537 = arith.constant 18 : i32
      %dma_wait3A_538 = arith.constant 0 : i32
      %dma_wait3A_539 = tpu.memref_slice %arg8[%dma_wait3A_537, %dma_wait3A_538] : memref<20x100xi32, #tpu.memory_space<vmem>> -> memref<1x100xi32, #tpu.memory_space<vmem>>
      %dma_wait3A_540 = tpu.memref_squeeze %dma_wait3A_539 : memref<1x100xi32, #tpu.memory_space<vmem>> -> memref<100xi32, #tpu.memory_space<vmem>>
      %dma_wait3A_541 = arith.constant 0 : i32
      %dma_wait3A_542 = arith.constant 0 : i32
      %dma_wait3A_543 = tpu.memref_slice %arg6[%dma_wait3A_541, %dma_wait3A_542] : memref<10000x64xf32, #tpu.memory_space<vmem_shared>> -> memref<10000x64xf32, #tpu.memory_space<vmem_shared>>
      tpu.wait_indirect_dma semaphore(%arg21 : memref<!tpu.dma_semaphore, #tpu.memory_space<semaphore_mem>>) src(%arg9 : memref<100x64xf32, #tpu.memory_space<vmem>>) dst(%dma_wait3A_543 : memref<10000x64xf32, #tpu.memory_space<vmem_shared>>)
      %dma_wait3A_544 = arith.constant 19 : i32
      %dma_wait3A_545 = arith.constant 0 : i32
      %dma_wait3A_546 = tpu.memref_slice %arg8[%dma_wait3A_544, %dma_wait3A_545] : memref<20x100xi32, #tpu.memory_space<vmem>> -> memref<1x100xi32, #tpu.memory_space<vmem>>
      %dma_wait3A_547 = tpu.memref_squeeze %dma_wait3A_546 : memref<1x100xi32, #tpu.memory_space<vmem>> -> memref<100xi32, #tpu.memory_space<vmem>>
      %dma_wait3A_548 = arith.constant 0 : i32
      %dma_wait3A_549 = arith.constant 0 : i32
      %dma_wait3A_550 = tpu.memref_slice %arg6[%dma_wait3A_548, %dma_wait3A_549] : memref<10000x64xf32, #tpu.memory_space<vmem_shared>> -> memref<10000x64xf32, #tpu.memory_space<vmem_shared>>
      tpu.wait_indirect_dma semaphore(%arg22 : memref<!tpu.dma_semaphore, #tpu.memory_space<semaphore_mem>>) src(%arg10 : memref<100x64xf32, #tpu.memory_space<vmem>>) dst(%dma_wait3A_550 : memref<10000x64xf32, #tpu.memory_space<vmem_shared>>)
      %dma_wait3A_551 = arith.constant 14 : i32
      %dma_wait3A_552 = arith.constant 0 : i32
      %dma_wait3A_553 = tpu.memref_slice %arg8[%dma_wait3A_551, %dma_wait3A_552] : memref<20x100xi32, #tpu.memory_space<vmem>> -> memref<1x100xi32, #tpu.memory_space<vmem>>
      %dma_wait3A_554 = tpu.memref_squeeze %dma_wait3A_553 : memref<1x100xi32, #tpu.memory_space<vmem>> -> memref<100xi32, #tpu.memory_space<vmem>>
      %dma_wait3A_555 = arith.constant 0 : i32
      %dma_wait3A_556 = arith.constant 0 : i32
      %dma_wait3A_557 = tpu.memref_slice %arg6[%dma_wait3A_555, %dma_wait3A_556] : memref<10000x64xf32, #tpu.memory_space<vmem_shared>> -> memref<10000x64xf32, #tpu.memory_space<vmem_shared>>
      tpu.wait_indirect_dma semaphore(%arg23 : memref<!tpu.dma_semaphore, #tpu.memory_space<semaphore_mem>>) src(%arg11 : memref<100x64xf32, #tpu.memory_space<vmem>>) dst(%dma_wait3A_557 : memref<10000x64xf32, #tpu.memory_space<vmem_shared>>)
      %dma_wait3A_558 = arith.constant 15 : i32
      %dma_wait3A_559 = arith.constant 0 : i32
      %dma_wait3A_560 = tpu.memref_slice %arg8[%dma_wait3A_558, %dma_wait3A_559] : memref<20x100xi32, #tpu.memory_space<vmem>> -> memref<1x100xi32, #tpu.memory_space<vmem>>
      %dma_wait3A_561 = tpu.memref_squeeze %dma_wait3A_560 : memref<1x100xi32, #tpu.memory_space<vmem>> -> memref<100xi32, #tpu.memory_space<vmem>>
      %dma_wait3A_562 = arith.constant 0 : i32
      %dma_wait3A_563 = arith.constant 0 : i32
      %dma_wait3A_564 = tpu.memref_slice %arg6[%dma_wait3A_562, %dma_wait3A_563] : memref<10000x64xf32, #tpu.memory_space<vmem_shared>> -> memref<10000x64xf32, #tpu.memory_space<vmem_shared>>
      tpu.wait_indirect_dma semaphore(%arg24 : memref<!tpu.dma_semaphore, #tpu.memory_space<semaphore_mem>>) src(%arg12 : memref<100x64xf32, #tpu.memory_space<vmem>>) dst(%dma_wait3A_564 : memref<10000x64xf32, #tpu.memory_space<vmem_shared>>)
      %dma_wait3A_565 = arith.constant 16 : i32
      %dma_wait3A_566 = arith.constant 0 : i32
      %dma_wait3A_567 = tpu.memref_slice %arg8[%dma_wait3A_565, %dma_wait3A_566] : memref<20x100xi32, #tpu.memory_space<vmem>> -> memref<1x100xi32, #tpu.memory_space<vmem>>
      %dma_wait3A_568 = tpu.memref_squeeze %dma_wait3A_567 : memref<1x100xi32, #tpu.memory_space<vmem>> -> memref<100xi32, #tpu.memory_space<vmem>>
      %dma_wait3A_569 = arith.constant 0 : i32
      %dma_wait3A_570 = arith.constant 0 : i32
      %dma_wait3A_571 = tpu.memref_slice %arg6[%dma_wait3A_569, %dma_wait3A_570] : memref<10000x64xf32, #tpu.memory_space<vmem_shared>> -> memref<10000x64xf32, #tpu.memory_space<vmem_shared>>
      tpu.wait_indirect_dma semaphore(%arg25 : memref<!tpu.dma_semaphore, #tpu.memory_space<semaphore_mem>>) src(%arg13 : memref<100x64xf32, #tpu.memory_space<vmem>>) dst(%dma_wait3A_571 : memref<10000x64xf32, #tpu.memory_space<vmem_shared>>)
      %dma_wait3A_572 = arith.constant 17 : i32
      %dma_wait3A_573 = arith.constant 0 : i32
      %dma_wait3A_574 = tpu.memref_slice %arg8[%dma_wait3A_572, %dma_wait3A_573] : memref<20x100xi32, #tpu.memory_space<vmem>> -> memref<1x100xi32, #tpu.memory_space<vmem>>
      %dma_wait3A_575 = tpu.memref_squeeze %dma_wait3A_574 : memref<1x100xi32, #tpu.memory_space<vmem>> -> memref<100xi32, #tpu.memory_space<vmem>>
      %dma_wait3A_576 = arith.constant 0 : i32
      %dma_wait3A_577 = arith.constant 0 : i32
      %dma_wait3A_578 = tpu.memref_slice %arg6[%dma_wait3A_576, %dma_wait3A_577] : memref<10000x64xf32, #tpu.memory_space<vmem_shared>> -> memref<10000x64xf32, #tpu.memory_space<vmem_shared>>
      tpu.wait_indirect_dma semaphore(%arg26 : memref<!tpu.dma_semaphore, #tpu.memory_space<semaphore_mem>>) src(%arg14 : memref<100x64xf32, #tpu.memory_space<vmem>>) dst(%dma_wait3A_578 : memref<10000x64xf32, #tpu.memory_space<vmem_shared>>)
    }
    %scan3A_7 = arith.constant 5 : i32
    %barrier3A_8 = arith.constant 0 : index
    tpu.barrier barrier_id(%barrier3A_8)
    %mul3A_9 = arith.constant 624 : i32
    %mul3A_10 = arith.muli %arg1, %mul3A_9 : i32
    %mul3A_11 = arith.constant 624 : i32
    %mul3A_12 = arith.muli %arg1, %mul3A_11 : i32
    "tpu.region"() ({
      %run_scoped3A = tpu.sem_alloc : memref<!tpu.dma_semaphore, #tpu.memory_space<semaphore_mem>>
      %dma_start3A = arith.constant 0 : i32
      %dma_start3A_15 = tpu.memref_slice %arg5[%arg0, %mul3A_12, %dma_start3A] : memref<2x10000x64xf32, #tpu.memory_space<hbm>> -> memref<1x624x64xf32, #tpu.memory_space<hbm>>
      %dma_start3A_16 = tpu.memref_squeeze %dma_start3A_15 : memref<1x624x64xf32, #tpu.memory_space<hbm>> -> memref<624x64xf32, #tpu.memory_space<hbm>>
      %dma_start3A_17 = arith.constant 0 : i32
      %dma_start3A_18 = tpu.memref_slice %arg6[%mul3A_10, %dma_start3A_17] : memref<10000x64xf32, #tpu.memory_space<vmem_shared>> -> memref<624x64xf32, #tpu.memory_space<vmem_shared>>
      tpu.enqueue_dma source(%dma_start3A_18 : memref<624x64xf32, #tpu.memory_space<vmem_shared>>) target(%dma_start3A_16 : memref<624x64xf32, #tpu.memory_space<hbm>>) target_semaphore(%run_scoped3A : memref<!tpu.dma_semaphore, #tpu.memory_space<semaphore_mem>>)
      %dma_wait3A = arith.constant 0 : i32
      %dma_wait3A_19 = tpu.memref_slice %arg5[%arg0, %mul3A_12, %dma_wait3A] : memref<2x10000x64xf32, #tpu.memory_space<hbm>> -> memref<1x624x64xf32, #tpu.memory_space<hbm>>
      %dma_wait3A_20 = tpu.memref_squeeze %dma_wait3A_19 : memref<1x624x64xf32, #tpu.memory_space<hbm>> -> memref<624x64xf32, #tpu.memory_space<hbm>>
      %dma_wait3A_21 = arith.constant 0 : i32
      %dma_wait3A_22 = tpu.memref_slice %arg6[%mul3A_10, %dma_wait3A_21] : memref<10000x64xf32, #tpu.memory_space<vmem_shared>> -> memref<624x64xf32, #tpu.memory_space<vmem_shared>>
      tpu.wait_dma2 semaphore(%run_scoped3A : memref<!tpu.dma_semaphore, #tpu.memory_space<semaphore_mem>>) src(%dma_wait3A_22 : memref<624x64xf32, #tpu.memory_space<vmem_shared>>) dst(%dma_wait3A_20 : memref<624x64xf32, #tpu.memory_space<hbm>>)
      tpu.yield
    }) : () -> ()
    %eq3A = arith.constant 0 : i32
    %eq3A_13 = arith.cmpi eq, %arg1, %eq3A : i32
    %convert_element_type3A = arith.extui %eq3A_13 : i1 to i32
    %cond3A = arith.constant 0 : i32
    %cond3A_14 = arith.cmpi ne, %convert_element_type3A, %cond3A : i32
    scf.if %cond3A_14 {
      "tpu.region"() ({
        %run_scoped3A = tpu.sem_alloc : memref<!tpu.dma_semaphore, #tpu.memory_space<semaphore_mem>>
        %dma_start3A = arith.constant 9984 : i32
        %dma_start3A_15 = arith.constant 0 : i32
        %dma_start3A_16 = tpu.memref_slice %arg5[%arg0, %dma_start3A, %dma_start3A_15] : memref<2x10000x64xf32, #tpu.memory_space<hbm>> -> memref<1x16x64xf32, #tpu.memory_space<hbm>>
        %dma_start3A_17 = tpu.memref_squeeze %dma_start3A_16 : memref<1x16x64xf32, #tpu.memory_space<hbm>> -> memref<16x64xf32, #tpu.memory_space<hbm>>
        %dma_start3A_18 = arith.constant 9984 : i32
        %dma_start3A_19 = arith.constant 0 : i32
        %dma_start3A_20 = tpu.memref_slice %arg6[%dma_start3A_18, %dma_start3A_19] : memref<10000x64xf32, #tpu.memory_space<vmem_shared>> -> memref<16x64xf32, #tpu.memory_space<vmem_shared>>
        tpu.enqueue_dma source(%dma_start3A_20 : memref<16x64xf32, #tpu.memory_space<vmem_shared>>) target(%dma_start3A_17 : memref<16x64xf32, #tpu.memory_space<hbm>>) target_semaphore(%run_scoped3A : memref<!tpu.dma_semaphore, #tpu.memory_space<semaphore_mem>>)
        %dma_wait3A = arith.constant 9984 : i32
        %dma_wait3A_21 = arith.constant 0 : i32
        %dma_wait3A_22 = tpu.memref_slice %arg5[%arg0, %dma_wait3A, %dma_wait3A_21] : memref<2x10000x64xf32, #tpu.memory_space<hbm>> -> memref<1x16x64xf32, #tpu.memory_space<hbm>>
        %dma_wait3A_23 = tpu.memref_squeeze %dma_wait3A_22 : memref<1x16x64xf32, #tpu.memory_space<hbm>> -> memref<16x64xf32, #tpu.memory_space<hbm>>
        %dma_wait3A_24 = arith.constant 9984 : i32
        %dma_wait3A_25 = arith.constant 0 : i32
        %dma_wait3A_26 = tpu.memref_slice %arg6[%dma_wait3A_24, %dma_wait3A_25] : memref<10000x64xf32, #tpu.memory_space<vmem_shared>> -> memref<16x64xf32, #tpu.memory_space<vmem_shared>>
        tpu.wait_dma2 semaphore(%run_scoped3A : memref<!tpu.dma_semaphore, #tpu.memory_space<semaphore_mem>>) src(%dma_wait3A_26 : memref<16x64xf32, #tpu.memory_space<vmem_shared>>) dst(%dma_wait3A_23 : memref<16x64xf32, #tpu.memory_space<hbm>>)
        tpu.yield
      }) : () -> ()
    } else {
    }
    return
  }
}

module attributes {stable_mosaic.version = 14 : i64} {
  func.func @body(%arg0: i32, %arg1: memref<1000x128xf32, #tpu.memory_space<vmem>>, %arg2: memref<128x128xf32, #tpu.memory_space<vmem>>, %arg3: memref<1x128xf32, #tpu.memory_space<vmem>>, %arg4: memref<1000x128xf32, #tpu.memory_space<vmem>>) attributes {dimension_semantics = [#tpu.dimension_semantics<arbitrary>], iteration_bounds = array<i64: 10>, scalar_prefetch = 0 : i64, scratch_operands = 0 : i64, tpu.core_type = #tpu.core_type<tc>, window_params = [{transform_indices = @transform_0, window_bounds = array<i64: 1000, 128>}, {pipeline_mode = #tpu.pipeline_mode<synchronous>, transform_indices = @transform_1, window_bounds = array<i64: 128, 128>}, {pipeline_mode = #tpu.pipeline_mode<synchronous>, transform_indices = @transform_2, window_bounds = array<i64: 1, 128>}, {transform_indices = @transform_3, window_bounds = array<i64: 1000, 128>}]} {
    %get3A = arith.constant 0 : index
    %get3A_0 = arith.constant 0 : index
    %get3A_1 = vector.load %arg1[%get3A, %get3A_0] : memref<1000x128xf32, #tpu.memory_space<vmem>>, vector<1000x128xf32>
    %get3A_2 = arith.constant 0 : index
    %get3A_3 = arith.constant 0 : index
    %get3A_4 = vector.load %arg2[%get3A_2, %get3A_3] : memref<128x128xf32, #tpu.memory_space<vmem>>, vector<128x128xf32>
    %dot_general3A = arith.constant dense<0.000000e+00> : vector<1000x128xf32>
    %dot_general3A_5 = tpu.matmul %get3A_1, %get3A_4, %dot_general3A {dimension_numbers = #tpu.dot_dimension_numbers<[1], [0], [0], [1], [0, 0, 1, 1], [], []>, transpose_lhs_hint = false} : vector<1000x128xf32>, vector<128x128xf32>, vector<1000x128xf32> -> vector<1000x128xf32>
    %get3A_6 = arith.constant 0 : index
    %get3A_7 = arith.constant 0 : index
    %get3A_8 = vector.load %arg3[%get3A_6, %get3A_7] : memref<1x128xf32, #tpu.memory_space<vmem>>, vector<1x128xf32>
    %add3A = vector.broadcast %get3A_8 : vector<1x128xf32> to vector<1000x128xf32>
    %add3A_9 = arith.addf %dot_general3A_5, %add3A : vector<1000x128xf32>
    %swap3A = arith.constant 0 : index
    %swap3A_10 = arith.constant 0 : index
    %swap3A_11 = vector.load %arg4[%swap3A, %swap3A_10] : memref<1000x128xf32, #tpu.memory_space<vmem>>, vector<1000x128xf32>
    tpu.vector_store %arg4[%swap3A, %swap3A_10], %add3A_9 {strides = array<i32>} : memref<1000x128xf32, #tpu.memory_space<vmem>>, vector<1000x128xf32>,
    return
  }
  func.func @transform_0(%arg0: i32) -> (i32, i32) {
    %c0_i32 = arith.constant 0 : i32
    %c0_i32_0 = arith.constant 0 : i32
    return %arg0, %c0_i32 : i32, i32
  }
  func.func @transform_1(%arg0: i32) -> (i32, i32) {
    %c0_i32 = arith.constant 0 : i32
    %c0_i32_0 = arith.constant 0 : i32
    %c0_i32_1 = arith.constant 0 : i32
    return %c0_i32, %c0_i32_0 : i32, i32
  }
  func.func @transform_2(%arg0: i32) -> (i32, i32) {
    %c0_i32 = arith.constant 0 : i32
    %c0_i32_0 = arith.constant 0 : i32
    %c0_i32_1 = arith.constant 0 : i32
    return %c0_i32, %c0_i32_0 : i32, i32
  }
  func.func @transform_3(%arg0: i32) -> (i32, i32) {
    %c0_i32 = arith.constant 0 : i32
    %c0_i32_0 = arith.constant 0 : i32
    return %arg0, %c0_i32 : i32, i32
  }
}

module attributes {stable_mosaic.version = 14 : i64} {
  func.func @body(%arg0: i32, %arg1: memref<2x1000x128xf32, #tpu.memory_space<vmem>>, %arg2: memref<2x1000x16xf32, #tpu.memory_space<vmem>>, %arg3: memref<1000x128xf32, #tpu.memory_space<vmem>>, %arg4: memref<2x1000x128xf32, #tpu.memory_space<vmem>>, %arg5: memref<2x1000x16xf32, #tpu.memory_space<vmem>>, %arg6: memref<1000x128xf32, #tpu.memory_space<vmem>>, %arg7: memref<128x128xf32, #tpu.memory_space<vmem>>, %arg8: memref<128x64xf32, #tpu.memory_space<vmem>>, %arg9: memref<128x64xf32, #tpu.memory_space<vmem>>, %arg10: memref<1x64xf32, #tpu.memory_space<vmem>>, %arg11: memref<1000x128xf32, #tpu.memory_space<vmem>>, %arg12: memref<1000x128xf32, #tpu.memory_space<vmem>>) attributes {dimension_semantics = [#tpu.dimension_semantics<arbitrary>], iteration_bounds = array<i64: 5>, scalar_prefetch = 0 : i64, scratch_operands = 0 : i64, tpu.core_type = #tpu.core_type<tc>, window_params = [{transform_indices = @transform_0, window_bounds = array<i64: 2, 1000, 128>}, {transform_indices = @transform_1, window_bounds = array<i64: 2, 1000, 16>}, {transform_indices = @transform_2, window_bounds = array<i64: 1000, 128>}, {transform_indices = @transform_3, window_bounds = array<i64: 2, 1000, 128>}, {transform_indices = @transform_4, window_bounds = array<i64: 2, 1000, 16>}, {transform_indices = @transform_5, window_bounds = array<i64: 1000, 128>}, {pipeline_mode = #tpu.pipeline_mode<synchronous>, transform_indices = @transform_6, window_bounds = array<i64: 128, 128>}, {pipeline_mode = #tpu.pipeline_mode<synchronous>, transform_indices = @transform_7, window_bounds = array<i64: 128, 64>}, {pipeline_mode = #tpu.pipeline_mode<synchronous>, transform_indices = @transform_8, window_bounds = array<i64: 128, 64>}, {pipeline_mode = #tpu.pipeline_mode<synchronous>, transform_indices = @transform_9, window_bounds = array<i64: 1, 64>}, {transform_indices = @transform_10, window_bounds = array<i64: 1000, 128>}, {transform_indices = @transform_11, window_bounds = array<i64: 1000, 128>}]} {
    %get3A = arith.constant 0 : index
    %get3A_0 = arith.constant 0 : index
    %get3A_1 = arith.constant 0 : index
    %get3A_2 = vector.load %arg2[%get3A, %get3A_0, %get3A_1] : memref<2x1000x16xf32, #tpu.memory_space<vmem>>, vector<1x1000x1xf32>
    %get3A_3 = vector.shape_cast %get3A_2 : vector<1x1000x1xf32> to vector<1000x1xf32>
    %get3A_4 = arith.constant 1 : index
    %get3A_5 = arith.constant 0 : index
    %get3A_6 = arith.constant 0 : index
    %get3A_7 = vector.load %arg2[%get3A_4, %get3A_5, %get3A_6] : memref<2x1000x16xf32, #tpu.memory_space<vmem>>, vector<1x1000x1xf32>
    %get3A_8 = vector.shape_cast %get3A_7 : vector<1x1000x1xf32> to vector<1000x1xf32>
    %add3A = arith.addf %get3A_3, %get3A_8 : vector<1000x1xf32>
    %max3A = arith.constant 1.000000e+00 : f32
    %max3A_9 = vector.broadcast %max3A : f32 to vector<1000x1xf32>
    %max3A_10 = arith.maximumf %add3A, %max3A_9 : vector<1000x1xf32>
    %get3A_11 = arith.constant 0 : index
    %get3A_12 = arith.constant 0 : index
    %get3A_13 = arith.constant 0 : index
    %get3A_14 = vector.load %arg1[%get3A_11, %get3A_12, %get3A_13] : memref<2x1000x128xf32, #tpu.memory_space<vmem>>, vector<1x1000x128xf32>
    %get3A_15 = vector.shape_cast %get3A_14 : vector<1x1000x128xf32> to vector<1000x128xf32>
    %get3A_16 = arith.constant 1 : index
    %get3A_17 = arith.constant 0 : index
    %get3A_18 = arith.constant 0 : index
    %get3A_19 = vector.load %arg1[%get3A_16, %get3A_17, %get3A_18] : memref<2x1000x128xf32, #tpu.memory_space<vmem>>, vector<1x1000x128xf32>
    %get3A_20 = vector.shape_cast %get3A_19 : vector<1x1000x128xf32> to vector<1000x128xf32>
    %add3A_21 = arith.addf %get3A_15, %get3A_20 : vector<1000x128xf32>
    %div3A = vector.broadcast %max3A_10 : vector<1000x1xf32> to vector<1000x128xf32>
    %div3A_22 = arith.divf %add3A_21, %div3A : vector<1000x128xf32>
    %get3A_23 = arith.constant 0 : index
    %get3A_24 = arith.constant 0 : index
    %get3A_25 = vector.load %arg7[%get3A_23, %get3A_24] : memref<128x128xf32, #tpu.memory_space<vmem>>, vector<128x128xf32>
    %dot_general3A = arith.constant dense<0.000000e+00> : vector<1000x128xf32>
    %dot_general3A_26 = tpu.matmul %div3A_22, %get3A_25, %dot_general3A {dimension_numbers = #tpu.dot_dimension_numbers<[1], [0], [0], [1], [0, 0, 1, 1], [], []>, transpose_lhs_hint = false} : vector<1000x128xf32>, vector<128x128xf32>, vector<1000x128xf32> -> vector<1000x128xf32>
    %get3A_27 = arith.constant 0 : index
    %get3A_28 = arith.constant 0 : index
    %get3A_29 = vector.load %arg3[%get3A_27, %get3A_28] : memref<1000x128xf32, #tpu.memory_space<vmem>>, vector<1000x128xf32>
    %add3A_30 = arith.addf %dot_general3A_26, %get3A_29 : vector<1000x128xf32>
    %max3A_31 = arith.constant 0.000000e+00 : f32
    %max3A_32 = vector.broadcast %max3A_31 : f32 to vector<1000x128xf32>
    %max3A_33 = arith.maximumf %add3A_30, %max3A_32 : vector<1000x128xf32>
    %get3A_34 = arith.constant 0 : index
    %get3A_35 = arith.constant 0 : index
    %get3A_36 = arith.constant 0 : index
    %get3A_37 = vector.load %arg5[%get3A_34, %get3A_35, %get3A_36] : memref<2x1000x16xf32, #tpu.memory_space<vmem>>, vector<1x1000x1xf32>
    %get3A_38 = vector.shape_cast %get3A_37 : vector<1x1000x1xf32> to vector<1000x1xf32>
    %get3A_39 = arith.constant 1 : index
    %get3A_40 = arith.constant 0 : index
    %get3A_41 = arith.constant 0 : index
    %get3A_42 = vector.load %arg5[%get3A_39, %get3A_40, %get3A_41] : memref<2x1000x16xf32, #tpu.memory_space<vmem>>, vector<1x1000x1xf32>
    %get3A_43 = vector.shape_cast %get3A_42 : vector<1x1000x1xf32> to vector<1000x1xf32>
    %add3A_44 = arith.addf %get3A_38, %get3A_43 : vector<1000x1xf32>
    %max3A_45 = arith.constant 1.000000e+00 : f32
    %max3A_46 = vector.broadcast %max3A_45 : f32 to vector<1000x1xf32>
    %max3A_47 = arith.maximumf %add3A_44, %max3A_46 : vector<1000x1xf32>
    %get3A_48 = arith.constant 0 : index
    %get3A_49 = arith.constant 0 : index
    %get3A_50 = arith.constant 0 : index
    %get3A_51 = vector.load %arg4[%get3A_48, %get3A_49, %get3A_50] : memref<2x1000x128xf32, #tpu.memory_space<vmem>>, vector<1x1000x128xf32>
    %get3A_52 = vector.shape_cast %get3A_51 : vector<1x1000x128xf32> to vector<1000x128xf32>
    %get3A_53 = arith.constant 1 : index
    %get3A_54 = arith.constant 0 : index
    %get3A_55 = arith.constant 0 : index
    %get3A_56 = vector.load %arg4[%get3A_53, %get3A_54, %get3A_55] : memref<2x1000x128xf32, #tpu.memory_space<vmem>>, vector<1x1000x128xf32>
    %get3A_57 = vector.shape_cast %get3A_56 : vector<1x1000x128xf32> to vector<1000x128xf32>
    %add3A_58 = arith.addf %get3A_52, %get3A_57 : vector<1000x128xf32>
    %div3A_59 = vector.broadcast %max3A_47 : vector<1000x1xf32> to vector<1000x128xf32>
    %div3A_60 = arith.divf %add3A_58, %div3A_59 : vector<1000x128xf32>
    %get3A_61 = arith.constant 0 : index
    %get3A_62 = arith.constant 0 : index
    %get3A_63 = vector.load %arg7[%get3A_61, %get3A_62] : memref<128x128xf32, #tpu.memory_space<vmem>>, vector<128x128xf32>
    %dot_general3A_64 = arith.constant dense<0.000000e+00> : vector<1000x128xf32>
    %dot_general3A_65 = tpu.matmul %div3A_60, %get3A_63, %dot_general3A_64 {dimension_numbers = #tpu.dot_dimension_numbers<[1], [0], [0], [1], [0, 0, 1, 1], [], []>, transpose_lhs_hint = false} : vector<1000x128xf32>, vector<128x128xf32>, vector<1000x128xf32> -> vector<1000x128xf32>
    %get3A_66 = arith.constant 0 : index
    %get3A_67 = arith.constant 0 : index
    %get3A_68 = vector.load %arg6[%get3A_66, %get3A_67] : memref<1000x128xf32, #tpu.memory_space<vmem>>, vector<1000x128xf32>
    %add3A_69 = arith.addf %dot_general3A_65, %get3A_68 : vector<1000x128xf32>
    %max3A_70 = arith.constant 0.000000e+00 : f32
    %max3A_71 = vector.broadcast %max3A_70 : f32 to vector<1000x128xf32>
    %max3A_72 = arith.maximumf %add3A_69, %max3A_71 : vector<1000x128xf32>
    %get3A_73 = arith.constant 0 : index
    %get3A_74 = arith.constant 0 : index
    %get3A_75 = vector.load %arg8[%get3A_73, %get3A_74] : memref<128x64xf32, #tpu.memory_space<vmem>>, vector<128x64xf32>
    %dot_general3A_76 = arith.constant dense<0.000000e+00> : vector<1000x64xf32>
    %dot_general3A_77 = tpu.matmul %max3A_33, %get3A_75, %dot_general3A_76 {dimension_numbers = #tpu.dot_dimension_numbers<[1], [0], [0], [1], [0, 0, 1, 1], [], []>, transpose_lhs_hint = false} : vector<1000x128xf32>, vector<128x64xf32>, vector<1000x64xf32> -> vector<1000x64xf32>
    %get3A_78 = arith.constant 0 : index
    %get3A_79 = arith.constant 0 : index
    %get3A_80 = vector.load %arg8[%get3A_78, %get3A_79] : memref<128x64xf32, #tpu.memory_space<vmem>>, vector<128x64xf32>
    %dot_general3A_81 = arith.constant dense<0.000000e+00> : vector<1000x64xf32>
    %dot_general3A_82 = tpu.matmul %max3A_72, %get3A_80, %dot_general3A_81 {dimension_numbers = #tpu.dot_dimension_numbers<[1], [0], [0], [1], [0, 0, 1, 1], [], []>, transpose_lhs_hint = false} : vector<1000x128xf32>, vector<128x64xf32>, vector<1000x64xf32> -> vector<1000x64xf32>
    %concatenate3A = tpu.concatenate %dot_general3A_77, %dot_general3A_82 in 1 : vector<1000x64xf32>, vector<1000x64xf32> -> vector<1000x128xf32>
    %swap3A = arith.constant 0 : index
    %swap3A_83 = arith.constant 0 : index
    %swap3A_84 = vector.load %arg11[%swap3A, %swap3A_83] : memref<1000x128xf32, #tpu.memory_space<vmem>>, vector<1000x128xf32>
    tpu.vector_store %arg11[%swap3A, %swap3A_83], %concatenate3A {strides = array<i32>} : memref<1000x128xf32, #tpu.memory_space<vmem>>, vector<1000x128xf32>,
    %get3A_85 = arith.constant 0 : index
    %get3A_86 = arith.constant 0 : index
    %get3A_87 = vector.load %arg9[%get3A_85, %get3A_86] : memref<128x64xf32, #tpu.memory_space<vmem>>, vector<128x64xf32>
    %dot_general3A_88 = arith.constant dense<0.000000e+00> : vector<1000x64xf32>
    %dot_general3A_89 = tpu.matmul %max3A_33, %get3A_87, %dot_general3A_88 {dimension_numbers = #tpu.dot_dimension_numbers<[1], [0], [0], [1], [0, 0, 1, 1], [], []>, transpose_lhs_hint = false} : vector<1000x128xf32>, vector<128x64xf32>, vector<1000x64xf32> -> vector<1000x64xf32>
    %get3A_90 = arith.constant 0 : index
    %get3A_91 = arith.constant 0 : index
    %get3A_92 = vector.load %arg10[%get3A_90, %get3A_91] : memref<1x64xf32, #tpu.memory_space<vmem>>, vector<1x64xf32>
    %add3A_93 = vector.broadcast %get3A_92 : vector<1x64xf32> to vector<1000x64xf32>
    %add3A_94 = arith.addf %dot_general3A_89, %add3A_93 : vector<1000x64xf32>
    %get3A_95 = arith.constant 0 : index
    %get3A_96 = arith.constant 0 : index
    %get3A_97 = vector.load %arg9[%get3A_95, %get3A_96] : memref<128x64xf32, #tpu.memory_space<vmem>>, vector<128x64xf32>
    %dot_general3A_98 = arith.constant dense<0.000000e+00> : vector<1000x64xf32>
    %dot_general3A_99 = tpu.matmul %max3A_72, %get3A_97, %dot_general3A_98 {dimension_numbers = #tpu.dot_dimension_numbers<[1], [0], [0], [1], [0, 0, 1, 1], [], []>, transpose_lhs_hint = false} : vector<1000x128xf32>, vector<128x64xf32>, vector<1000x64xf32> -> vector<1000x64xf32>
    %get3A_100 = arith.constant 0 : index
    %get3A_101 = arith.constant 0 : index
    %get3A_102 = vector.load %arg10[%get3A_100, %get3A_101] : memref<1x64xf32, #tpu.memory_space<vmem>>, vector<1x64xf32>
    %add3A_103 = vector.broadcast %get3A_102 : vector<1x64xf32> to vector<1000x64xf32>
    %add3A_104 = arith.addf %dot_general3A_99, %add3A_103 : vector<1000x64xf32>
    %concatenate3A_105 = tpu.concatenate %add3A_94, %add3A_104 in 1 : vector<1000x64xf32>, vector<1000x64xf32> -> vector<1000x128xf32>
    %swap3A_106 = arith.constant 0 : index
    %swap3A_107 = arith.constant 0 : index
    %swap3A_108 = vector.load %arg12[%swap3A_106, %swap3A_107] : memref<1000x128xf32, #tpu.memory_space<vmem>>, vector<1000x128xf32>
    tpu.vector_store %arg12[%swap3A_106, %swap3A_107], %concatenate3A_105 {strides = array<i32>} : memref<1000x128xf32, #tpu.memory_space<vmem>>, vector<1000x128xf32>,
    return
  }
  func.func @transform_0(%arg0: i32) -> (i32, i32, i32) {
    %c0_i32 = arith.constant 0 : i32
    %c0_i32_0 = arith.constant 0 : i32
    %c0_i32_1 = arith.constant 0 : i32
    return %c0_i32, %arg0, %c0_i32_0 : i32, i32, i32
  }
  func.func @transform_1(%arg0: i32) -> (i32, i32, i32) {
    %c0_i32 = arith.constant 0 : i32
    %c0_i32_0 = arith.constant 0 : i32
    %c0_i32_1 = arith.constant 0 : i32
    return %c0_i32, %arg0, %c0_i32_0 : i32, i32, i32
  }
  func.func @transform_2(%arg0: i32) -> (i32, i32) {
    %c0_i32 = arith.constant 0 : i32
    %c0_i32_0 = arith.constant 0 : i32
    return %arg0, %c0_i32 : i32, i32
  }
  func.func @transform_3(%arg0: i32) -> (i32, i32, i32) {
    %add3A = arith.constant 5 : i32
    %add3A_0 = arith.addi %arg0, %add3A : i32
    %c0_i32 = arith.constant 0 : i32
    %c0_i32_1 = arith.constant 0 : i32
    %c0_i32_2 = arith.constant 0 : i32
    return %c0_i32, %add3A_0, %c0_i32_1 : i32, i32, i32
  }
  func.func @transform_4(%arg0: i32) -> (i32, i32, i32) {
    %add3A = arith.constant 5 : i32
    %add3A_0 = arith.addi %arg0, %add3A : i32
    %c0_i32 = arith.constant 0 : i32
    %c0_i32_1 = arith.constant 0 : i32
    %c0_i32_2 = arith.constant 0 : i32
    return %c0_i32, %add3A_0, %c0_i32_1 : i32, i32, i32
  }
  func.func @transform_5(%arg0: i32) -> (i32, i32) {
    %add3A = arith.constant 5 : i32
    %add3A_0 = arith.addi %arg0, %add3A : i32
    %c0_i32 = arith.constant 0 : i32
    %c0_i32_1 = arith.constant 0 : i32
    return %add3A_0, %c0_i32 : i32, i32
  }
  func.func @transform_6(%arg0: i32) -> (i32, i32) {
    %c0_i32 = arith.constant 0 : i32
    %c0_i32_0 = arith.constant 0 : i32
    %c0_i32_1 = arith.constant 0 : i32
    return %c0_i32, %c0_i32_0 : i32, i32
  }
  func.func @transform_7(%arg0: i32) -> (i32, i32) {
    %c0_i32 = arith.constant 0 : i32
    %c0_i32_0 = arith.constant 0 : i32
    %c0_i32_1 = arith.constant 0 : i32
    return %c0_i32, %c0_i32_0 : i32, i32
  }
  func.func @transform_8(%arg0: i32) -> (i32, i32) {
    %c0_i32 = arith.constant 0 : i32
    %c0_i32_0 = arith.constant 0 : i32
    %c0_i32_1 = arith.constant 0 : i32
    return %c0_i32, %c0_i32_0 : i32, i32
  }
  func.func @transform_9(%arg0: i32) -> (i32, i32) {
    %c0_i32 = arith.constant 0 : i32
    %c0_i32_0 = arith.constant 0 : i32
    %c0_i32_1 = arith.constant 0 : i32
    return %c0_i32, %c0_i32_0 : i32, i32
  }
  func.func @transform_10(%arg0: i32) -> (i32, i32) {
    %c0_i32 = arith.constant 0 : i32
    %c0_i32_0 = arith.constant 0 : i32
    return %arg0, %c0_i32 : i32, i32
  }
  func.func @transform_11(%arg0: i32) -> (i32, i32) {
    %c0_i32 = arith.constant 0 : i32
    %c0_i32_0 = arith.constant 0 : i32
    return %arg0, %c0_i32 : i32, i32
  }
}

module attributes {stable_mosaic.version = 14 : i64} {
  func.func @body(%arg0: i32, %arg1: memref<2x1000x128xf32, #tpu.memory_space<vmem>>, %arg2: memref<2x1000x16xf32, #tpu.memory_space<vmem>>, %arg3: memref<2x1000x16xf32, #tpu.memory_space<vmem>>, %arg4: memref<1000x128xf32, #tpu.memory_space<vmem>>, %arg5: memref<1000x64xf32, #tpu.memory_space<vmem>>, %arg6: memref<1000x64xf32, #tpu.memory_space<vmem>>) attributes {dimension_semantics = [#tpu.dimension_semantics<arbitrary>], iteration_bounds = array<i64: 5>, scalar_prefetch = 0 : i64, scratch_operands = 0 : i64, tpu.core_type = #tpu.core_type<tc>, window_params = [{transform_indices = @transform_0, window_bounds = array<i64: 2, 1000, 128>}, {transform_indices = @transform_1, window_bounds = array<i64: 2, 1000, 16>}, {transform_indices = @transform_2, window_bounds = array<i64: 2, 1000, 16>}, {transform_indices = @transform_3, window_bounds = array<i64: 1000, 128>}, {transform_indices = @transform_4, window_bounds = array<i64: 1000, 64>}, {transform_indices = @transform_5, window_bounds = array<i64: 1000, 64>}]} {
    %get3A = arith.constant 0 : index
    %get3A_0 = arith.constant 0 : index
    %get3A_1 = arith.constant 0 : index
    %get3A_2 = vector.load %arg1[%get3A, %get3A_0, %get3A_1] : memref<2x1000x128xf32, #tpu.memory_space<vmem>>, vector<1x1000x64xf32>
    %get3A_3 = vector.shape_cast %get3A_2 : vector<1x1000x64xf32> to vector<1000x64xf32>
    %get3A_4 = arith.constant 1 : index
    %get3A_5 = arith.constant 0 : index
    %get3A_6 = arith.constant 0 : index
    %get3A_7 = vector.load %arg1[%get3A_4, %get3A_5, %get3A_6] : memref<2x1000x128xf32, #tpu.memory_space<vmem>>, vector<1x1000x64xf32>
    %get3A_8 = vector.shape_cast %get3A_7 : vector<1x1000x64xf32> to vector<1000x64xf32>
    %add3A = arith.addf %get3A_3, %get3A_8 : vector<1000x64xf32>
    %get3A_9 = arith.constant 0 : index
    %get3A_10 = arith.constant 0 : index
    %get3A_11 = arith.constant 64 : index
    %get3A_12 = vector.load %arg1[%get3A_9, %get3A_10, %get3A_11] : memref<2x1000x128xf32, #tpu.memory_space<vmem>>, vector<1x1000x64xf32>
    %get3A_13 = vector.shape_cast %get3A_12 : vector<1x1000x64xf32> to vector<1000x64xf32>
    %get3A_14 = arith.constant 1 : index
    %get3A_15 = arith.constant 0 : index
    %get3A_16 = arith.constant 64 : index
    %get3A_17 = vector.load %arg1[%get3A_14, %get3A_15, %get3A_16] : memref<2x1000x128xf32, #tpu.memory_space<vmem>>, vector<1x1000x64xf32>
    %get3A_18 = vector.shape_cast %get3A_17 : vector<1x1000x64xf32> to vector<1000x64xf32>
    %add3A_19 = arith.addf %get3A_13, %get3A_18 : vector<1000x64xf32>
    %get3A_20 = arith.constant 0 : index
    %get3A_21 = arith.constant 0 : index
    %get3A_22 = arith.constant 0 : index
    %get3A_23 = vector.load %arg2[%get3A_20, %get3A_21, %get3A_22] : memref<2x1000x16xf32, #tpu.memory_space<vmem>>, vector<1x1000x1xf32>
    %get3A_24 = vector.shape_cast %get3A_23 : vector<1x1000x1xf32> to vector<1000x1xf32>
    %get3A_25 = arith.constant 1 : index
    %get3A_26 = arith.constant 0 : index
    %get3A_27 = arith.constant 0 : index
    %get3A_28 = vector.load %arg2[%get3A_25, %get3A_26, %get3A_27] : memref<2x1000x16xf32, #tpu.memory_space<vmem>>, vector<1x1000x1xf32>
    %get3A_29 = vector.shape_cast %get3A_28 : vector<1x1000x1xf32> to vector<1000x1xf32>
    %add3A_30 = arith.addf %get3A_24, %get3A_29 : vector<1000x1xf32>
    %max3A = arith.constant 1.000000e+00 : f32
    %max3A_31 = vector.broadcast %max3A : f32 to vector<1000x1xf32>
    %max3A_32 = arith.maximumf %add3A_30, %max3A_31 : vector<1000x1xf32>
    %get3A_33 = arith.constant 0 : index
    %get3A_34 = arith.constant 0 : index
    %get3A_35 = arith.constant 0 : index
    %get3A_36 = vector.load %arg3[%get3A_33, %get3A_34, %get3A_35] : memref<2x1000x16xf32, #tpu.memory_space<vmem>>, vector<1x1000x1xf32>
    %get3A_37 = vector.shape_cast %get3A_36 : vector<1x1000x1xf32> to vector<1000x1xf32>
    %get3A_38 = arith.constant 1 : index
    %get3A_39 = arith.constant 0 : index
    %get3A_40 = arith.constant 0 : index
    %get3A_41 = vector.load %arg3[%get3A_38, %get3A_39, %get3A_40] : memref<2x1000x16xf32, #tpu.memory_space<vmem>>, vector<1x1000x1xf32>
    %get3A_42 = vector.shape_cast %get3A_41 : vector<1x1000x1xf32> to vector<1000x1xf32>
    %add3A_43 = arith.addf %get3A_37, %get3A_42 : vector<1000x1xf32>
    %max3A_44 = arith.constant 1.000000e+00 : f32
    %max3A_45 = vector.broadcast %max3A_44 : f32 to vector<1000x1xf32>
    %max3A_46 = arith.maximumf %add3A_43, %max3A_45 : vector<1000x1xf32>
    %div3A = vector.broadcast %max3A_32 : vector<1000x1xf32> to vector<1000x64xf32>
    %div3A_47 = arith.divf %add3A, %div3A : vector<1000x64xf32>
    %get3A_48 = arith.constant 0 : index
    %get3A_49 = arith.constant 0 : index
    %get3A_50 = vector.load %arg4[%get3A_48, %get3A_49] : memref<1000x128xf32, #tpu.memory_space<vmem>>, vector<1000x64xf32>
    %add3A_51 = arith.addf %div3A_47, %get3A_50 : vector<1000x64xf32>
    %reduce_max3A = arith.constant dense<0xFF800000> : vector<1000xf32>
    %reduce_max3A_52 = vector.multi_reduction <maximumf>, %add3A_51, %reduce_max3A [1] : vector<1000x64xf32> to vector<1000xf32>
    %broadcast_in_dim3A = vector.shape_cast %reduce_max3A_52 : vector<1000xf32> to vector<1000x1xf32>
    %sub3A = vector.broadcast %broadcast_in_dim3A : vector<1000x1xf32> to vector<1000x64xf32>
    %sub3A_53 = arith.subf %add3A_51, %sub3A : vector<1000x64xf32>
    %exp3A = math.exp %sub3A_53 : vector<1000x64xf32>
    %sub3A_54 = vector.broadcast %broadcast_in_dim3A : vector<1000x1xf32> to vector<1000x64xf32>
    %sub3A_55 = arith.subf %add3A_51, %sub3A_54 : vector<1000x64xf32>
    %reduce_sum3A = arith.constant dense<0.000000e+00> : vector<1000xf32>
    %reduce_sum3A_56 = vector.multi_reduction <add>, %exp3A, %reduce_sum3A [1] : vector<1000x64xf32> to vector<1000xf32>
    %broadcast_in_dim3A_57 = vector.shape_cast %reduce_sum3A_56 : vector<1000xf32> to vector<1000x1xf32>
    %log3A = math.log %broadcast_in_dim3A_57 : vector<1000x1xf32>
    %sub3A_58 = vector.broadcast %log3A : vector<1000x1xf32> to vector<1000x64xf32>
    %sub3A_59 = arith.subf %sub3A_55, %sub3A_58 : vector<1000x64xf32>
    %swap3A = arith.constant 0 : index
    %swap3A_60 = arith.constant 0 : index
    %swap3A_61 = vector.load %arg5[%swap3A, %swap3A_60] : memref<1000x64xf32, #tpu.memory_space<vmem>>, vector<1000x64xf32>
    tpu.vector_store %arg5[%swap3A, %swap3A_60], %sub3A_59 {strides = array<i32>} : memref<1000x64xf32, #tpu.memory_space<vmem>>, vector<1000x64xf32>,
    %div3A_62 = vector.broadcast %max3A_46 : vector<1000x1xf32> to vector<1000x64xf32>
    %div3A_63 = arith.divf %add3A_19, %div3A_62 : vector<1000x64xf32>
    %get3A_64 = arith.constant 0 : index
    %get3A_65 = arith.constant 64 : index
    %get3A_66 = vector.load %arg4[%get3A_64, %get3A_65] : memref<1000x128xf32, #tpu.memory_space<vmem>>, vector<1000x64xf32>
    %add3A_67 = arith.addf %div3A_63, %get3A_66 : vector<1000x64xf32>
    %reduce_max3A_68 = arith.constant dense<0xFF800000> : vector<1000xf32>
    %reduce_max3A_69 = vector.multi_reduction <maximumf>, %add3A_67, %reduce_max3A_68 [1] : vector<1000x64xf32> to vector<1000xf32>
    %broadcast_in_dim3A_70 = vector.shape_cast %reduce_max3A_69 : vector<1000xf32> to vector<1000x1xf32>
    %sub3A_71 = vector.broadcast %broadcast_in_dim3A_70 : vector<1000x1xf32> to vector<1000x64xf32>
    %sub3A_72 = arith.subf %add3A_67, %sub3A_71 : vector<1000x64xf32>
    %exp3A_73 = math.exp %sub3A_72 : vector<1000x64xf32>
    %sub3A_74 = vector.broadcast %broadcast_in_dim3A_70 : vector<1000x1xf32> to vector<1000x64xf32>
    %sub3A_75 = arith.subf %add3A_67, %sub3A_74 : vector<1000x64xf32>
    %reduce_sum3A_76 = arith.constant dense<0.000000e+00> : vector<1000xf32>
    %reduce_sum3A_77 = vector.multi_reduction <add>, %exp3A_73, %reduce_sum3A_76 [1] : vector<1000x64xf32> to vector<1000xf32>
    %broadcast_in_dim3A_78 = vector.shape_cast %reduce_sum3A_77 : vector<1000xf32> to vector<1000x1xf32>
    %log3A_79 = math.log %broadcast_in_dim3A_78 : vector<1000x1xf32>
    %sub3A_80 = vector.broadcast %log3A_79 : vector<1000x1xf32> to vector<1000x64xf32>
    %sub3A_81 = arith.subf %sub3A_75, %sub3A_80 : vector<1000x64xf32>
    %swap3A_82 = arith.constant 0 : index
    %swap3A_83 = arith.constant 0 : index
    %swap3A_84 = vector.load %arg6[%swap3A_82, %swap3A_83] : memref<1000x64xf32, #tpu.memory_space<vmem>>, vector<1000x64xf32>
    tpu.vector_store %arg6[%swap3A_82, %swap3A_83], %sub3A_81 {strides = array<i32>} : memref<1000x64xf32, #tpu.memory_space<vmem>>, vector<1000x64xf32>,
    return
  }
  func.func @transform_0(%arg0: i32) -> (i32, i32, i32) {
    %c0_i32 = arith.constant 0 : i32
    %c0_i32_0 = arith.constant 0 : i32
    %c0_i32_1 = arith.constant 0 : i32
    return %c0_i32, %arg0, %c0_i32_0 : i32, i32, i32
  }
  func.func @transform_1(%arg0: i32) -> (i32, i32, i32) {
    %c0_i32 = arith.constant 0 : i32
    %c0_i32_0 = arith.constant 0 : i32
    %c0_i32_1 = arith.constant 0 : i32
    return %c0_i32, %arg0, %c0_i32_0 : i32, i32, i32
  }
  func.func @transform_2(%arg0: i32) -> (i32, i32, i32) {
    %add3A = arith.constant 5 : i32
    %add3A_0 = arith.addi %arg0, %add3A : i32
    %c0_i32 = arith.constant 0 : i32
    %c0_i32_1 = arith.constant 0 : i32
    %c0_i32_2 = arith.constant 0 : i32
    return %c0_i32, %add3A_0, %c0_i32_1 : i32, i32, i32
  }
  func.func @transform_3(%arg0: i32) -> (i32, i32) {
    %c0_i32 = arith.constant 0 : i32
    %c0_i32_0 = arith.constant 0 : i32
    return %arg0, %c0_i32 : i32, i32
  }
  func.func @transform_4(%arg0: i32) -> (i32, i32) {
    %c0_i32 = arith.constant 0 : i32
    %c0_i32_0 = arith.constant 0 : i32
    return %arg0, %c0_i32 : i32, i32
  }
  func.func @transform_5(%arg0: i32) -> (i32, i32) {
    %c0_i32 = arith.constant 0 : i32
    %c0_i32_0 = arith.constant 0 : i32
    return %arg0, %c0_i32 : i32, i32
  }
}

</mosaic_0001>

<sc_bundles>
// kernel: kernel.11.cloned.1.call-start
scs
__scs_entry_jumppad:
0x0: {  	(pc) =	sbr.rel $0x88, $3  }
0x1: {  	(tag) =	ssettag $0x0;
	lr =	simm.s32 $0x1  }
0x2: {  	[smem:$0x3F99] =	sst lr;
	_ =	strace $0xD0000000  }
0x3: {  	_ = 	snop  }
0x4: {  	_ = 	snop  }
0x5: {  	_ = 	snop  }
0x6: {  	_ = 	snop  }
0x7: {  	_ = 	snop  }
__scs_overlays_trampoline_lowered:
0x8: {  	[smem:$0x3FA8] =	sst s0  }
0x9: {  	[smem:$0x3FA9] =	sst s1  }
0xa: {  	[smem:$0x3FAA] =	sst s2  }
0xb: {  	[smem:$0x3FAB] =	sst s3  }
0xc: {  	[smem:$0x3FAC] =	sst s4  }
0xd: {  	[smem:$0x3FAD] =	sst s5  }
0xe: {  	[smem:$0x3FAE] =	sst s6  }
0xf: {  	[smem:$0x3FAF] =	sst s7  }
0x10: {  	[smem:$0x3FB0] =	sst s8  }
0x11: {  	[smem:$0x3FB1] =	sst s9;
	s0 =	simm.s32 @!p0 $0x0  }
0x12: {  	s1 =	sld [smem:$0x3F97];
	s0 =	simm.s32 @p0 $0x1  }
0x13: {  	[smem:$0x3FB2] =	sst s0;
	s0 =	simm.s32 @!p1 $0x0  }
0x14: {  	s2 =	sld [smem:$0x3F96];
	s0 =	simm.s32 @p1 $0x1  }
0x15: {  	[smem:$0x3FB3] =	sst s0;
	s0 =	simm.s32 @!p2 $0x0  }
0x16: {  	s3 =	sld [smem:$0x3FDB];
	s0 =	simm.s32 @p2 $0x1  }
0x17: {  	s4 =	simm.s32 $0x1BF5;
	[smem:$0x3FB5] =	sst s0  }
0x18: {  	s0 =	sld [smem:$0x3F98];
	_ =	swait.ge [sflag:s4], $0x0  }
0x19: {  	s7 =	sld [smem:$0x3F99]  }
0x1a: {  	s8 =	sadd.s32 $0xFFFFE003, lr  }
0x1b: {  	s9 =	sadd.s32 $0xFFFFFEF7, lr;
	s5 =	simm.s32 $0xFFFFFFFF;
	p2 =	slt.u32 s8, $0xFFFFF086  }
0x1c: {  	p1 =	slt.u32 s9, $0xF7A;
	s5 =	simm.s32 @!p2 $0x0  }
0x1d: {  	s5 =	simm.s32 @p1 $0x1;
	p0 =	seq.s32 s7, s2  }
0x1e: {  	s7 =	smul.u32 @!p0 $0xF7A, s2;
	p2 =	seq.s32 @!p0 s5, $0x0  }
0x1f: {  	s9 =	smul.u32 $0xF7A, s1;
	s8 =	simm.s32 @!p0 $0x1BF5;
	p2 =	por !p2, p0  }
0x20: {  	[sflag:s8] =	ssyncset.s32 @!p0 $0xFFFFF086;
	s6 =	sadd.s32 @!p0 s3, s7;
	s7 =	simm.s32 @!p0 $0x108  }
0x21: {  	s3 =	sadd.s32 s3, s9;
	s6 =	sadd.s32 @!p0 $0x88, s6;
	s7 =	simm.s32 @p2 $0x1082  }
0x22: {  	[simem:s7], [sflag:s8] =	dma.local @!p0 [hbm:s6], $0xF7A  }
0x23: {  	s9 =	sor.u32 $0xD0000000, s2;
	s6 =	simm.s32 $0x108;
	_ =	swait.ge @!p0 [sflag:s8], $0x0  }
0x24: {  	s3 =	sadd.s32 $0x88, s3;
	s6 =	simm.s32 @!p1 $0x1082;
	[sflag:s4] =	ssyncset.s32 $0xFFFFF086  }
0x25: {  	[simem:s6], [sflag:s4] =	dma.local [hbm:s3], $0xF7A  }
0x26: {  	[smem:$0x3F99] =	sst s1;
	(tag) =	ssettag s2;
	_ =	strace s9  }
0x27: {  	s1 =	sld [smem:$0x3FA9]  }
0x28: {  	s2 =	sld [smem:$0x3FAA]  }
0x29: {  	s4 =	sld [smem:$0x3FAC]  }
0x2a: {  	p0 =	seq.s32 s5, $0x0;
	s5 =	sld [smem:$0x3FAD]  }
0x2b: {  	s6 =	sld [smem:$0x3FAE]  }
0x2c: {  	s7 =	sld [smem:$0x3FAF]  }
0x2d: {  	s3 =	simm.s32 $0x108;
	s8 =	sld [smem:$0x3FB0]  }
0x2e: {  	s3 =	simm.s32 @!p0 $0x1082;
	s9 =	sld [smem:$0x3FB1]  }
0x2f: {  	lr =	sadd.s32 s0, s3;
	s0 =	sld [smem:$0x3FA8]  }
0x30: {  	s3 =	sld [smem:$0x3FAB]  }
0x31: {  	[smem:$0x3FB4] =	sst s10  }
0x32: {  	s10 =	sld [smem:$0x3FB2];
	_ =	sdelay $0x3  }
0x33: {  	p0 =	seq.s32 s10, $0x1;
	s10 =	sld [smem:$0x3FB4];
	_ =	sdelay $0x3  }
0x34: {  	[smem:$0x3FB4] =	sst s10  }
0x35: {  	s10 =	sld [smem:$0x3FB3];
	_ =	sdelay $0x3  }
0x36: {  	p1 =	seq.s32 s10, $0x1;
	s10 =	sld [smem:$0x3FB4];
	_ =	sdelay $0x3  }
0x37: {  	[smem:$0x3FB4] =	sst s10  }
0x38: {  	s10 =	sld [smem:$0x3FB5]  }
0x39: {  	_ = 	snop;
	(pc) =	sbr.ind lr, $3  }
0x3a: {  	_ = 	snop  }
0x3b: {  	_ = 	snop  }
0x3c: {  	p2 =	seq.s32 s10, $0x1;
	s10 =	sld [smem:$0x3FB4]  }
0x3d: {  	_ =	shalt  }
0x3e: {  	_ =	shalt  }
0x3f: {  	_ =	shalt  }
0x40: {  	_ =	shalt  }
0x41: {  	_ =	shalt  }
0x42: {  	_ =	shalt  }
0x43: {  	_ =	shalt  }
0x44: {  	_ =	shalt  }
0x45: {  	_ =	shalt  }
0x46: {  	_ =	shalt  }
0x47: {  	_ =	shalt  }
0x48: {  	_ =	shalt  }
0x49: {  	_ =	shalt  }
0x4a: {  	_ =	shalt  }
0x4b: {  	_ =	shalt  }
0x4c: {  	_ =	shalt  }
0x4d: {  	_ =	shalt  }
0x4e: {  	_ =	shalt  }
0x4f: {  	_ =	shalt  }
0x50: {  	_ =	shalt  }
0x51: {  	_ =	shalt  }
0x52: {  	_ =	shalt  }
0x53: {  	_ =	shalt  }
0x54: {  	_ =	shalt  }
0x55: {  	_ =	shalt  }
0x56: {  	_ =	shalt  }
0x57: {  	_ =	shalt  }
0x58: {  	_ =	shalt  }
0x59: {  	_ =	shalt  }
0x5a: {  	_ =	shalt  }
0x5b: {  	_ =	shalt  }
0x5c: {  	_ =	shalt  }
0x5d: {  	_ =	shalt  }
0x5e: {  	_ =	shalt  }
0x5f: {  	_ =	shalt  }
0x60: {  	_ =	shalt  }
0x61: {  	_ =	shalt  }
0x62: {  	_ =	shalt  }
0x63: {  	_ =	shalt  }
0x64: {  	_ =	shalt  }
0x65: {  	_ =	shalt  }
0x66: {  	_ =	shalt  }
0x67: {  	_ =	shalt  }
0x68: {  	_ =	shalt  }
0x69: {  	_ =	shalt  }
0x6a: {  	_ =	shalt  }
0x6b: {  	_ =	shalt  }
0x6c: {  	_ =	shalt  }
0x6d: {  	_ =	shalt  }
0x6e: {  	_ =	shalt  }
0x6f: {  	_ =	shalt  }
0x70: {  	_ =	shalt  }
0x71: {  	_ =	shalt  }
0x72: {  	_ =	shalt  }
0x73: {  	_ =	shalt  }
0x74: {  	_ =	shalt  }
0x75: {  	_ =	shalt  }
0x76: {  	_ =	shalt  }
0x77: {  	_ =	shalt  }
0x78: {  	_ =	shalt  }
0x79: {  	_ =	shalt  }
0x7a: {  	_ =	shalt  }
0x7b: {  	_ =	shalt  }
0x7c: {  	_ =	shalt  }
0x7d: {  	_ =	shalt  }
0x7e: {  	_ =	shalt  }
0x7f: {  	_ =	shalt  }
0x80: {  	_ =	shalt  }
0x81: {  	_ =	shalt  }
0x82: {  	_ =	shalt  }
0x83: {  	_ =	shalt  }
0x84: {  	_ =	shalt  }
0x85: {  	_ =	shalt  }
0x86: {  	_ =	shalt  }
0x87: {  	_ =	shalt  }
.Lfunc_end0:
.L_simem_size_0:
called_computation.1_lowered:
.L_overlay_start_0:
0x88: {  	s2 =	sld [smem:$0x3FD9]  }
0x89: {  	s3 =	sld [smem:$0x3FFE];
	_ =	sdelay $0x1  }
0x8a: {  	s1 =	srdreg.scid  }
0x8b: {  	s0 =	sand.u32 $0x1, s1  }
0x8c: {  	s17 =	sshll.u32 s0, $0xA;
	s2 =	sadd.s32 s3, s2  }
0x8d: {  	s2 =	sadd.s32 s2, s17  }
0x8e: {  	[smem:$0x3FC0] =	sst s2  }
0x8f: {  	_ = 	snop  }
0x90: {  	s18 =	sld [smem:$0x3FC9];
	(tm) =	ssettm $0x1  }
0x91: {  	s19 =	sld [smem:$0x3FFB];
	_ =	sdelay $0x3  }
0x92: {  	_ =	strace s19  }
0x93: {  	s2 =	sld [smem:$0x3FFC];
	_ =	sdelay $0x3  }
0x94: {  	_ =	strace s2  }
0x95: {  	s2 =	sld [smem:$0x3FFD];
	_ =	sdelay $0x3  }
0x96: {  	_ =	strace s2  }
0x97: {  	_ =	strace $0x8FFFFFFF  }
0x98: {  	s20 =	sld [smem:$0x3FDB];
	_ =	sdelay $0x1  }
0x99: {  	s4 =	simm.s32 $_scs_section_size  }
0x9a: {  	s5 =	simm.s32 $_size__tile_overlayer_lowered;
	s6 =	simm.s32 $_tile_overlayer_lowered  }
0x9b: {  	s7 =	simm.s32 $0x1BFF;
	s21 =	sshll.u32 s6, $0x1;
	s4 =	sadd.s32 s4, s20  }
0x9c: {  	s22 =	simm.s32 $0x0;
	s5 =	sshll.u32 s5, $0x1;
	s6 =	sadd.s32 s21, s4  }
0x9d: {  	[timem:s22], [sflag:s7] =	dma.local [hbm:s6], s5  }
0x9e: {  	_ =	swait.ge [sflag:s7], s5  }
0x9f: {  	s5 =	ssub.s32 $0x0, s5;
	[sflag:s7] =	ssyncset.done $0x0  }
0xa0: {  	[sflag:s7] =	ssyncadd.s32 s5;
	_ =	sdelay $0x1  }
0xa1: {  	s23 =	simm.s32 $0x1B8B  }
0xa2: {  	_ =	swait.ge [sflag:s23], $0x1  }
0xa3: {  	[sflag:s23] =	ssyncset.done $0x0  }
0xa4: {  	[sflag:s23] =	ssyncadd.s32 $0xFFFFFFFF  }
0xa5: {  	s5 =	sld [smem:$0x0]  }
0xa6: {  	s6 =	sand.u32 $0xFFFFFFFE, s1  }
0xa7: {  	p0 =	sne.s32 s1, s6  }
0xa8: {  	s6 =	sshll.u32 @p0 s6, $0xE  }
0xa9: {  	s6 =	sadd.s32 @p0 $0x11B8D, s6;
	s7 =	sshll.u32 @p0 s5, $0x11  }
0xaa: {  	s6 =	sor.u32 @p0 s7, s6  }
0xab: {  	[sflag:s6] =	ssyncadd.remote.s32 @p0 $0x1;
	_ =	sdelay $0x1  }
0xac: {  	s6 =	simm.s32 @p0 $0x1B8D  }
0xad: {  	_ =	swait.eq @p0 [sflag:s6], $0x1  }
0xae: {  	[sflag:s6] =	ssyncadd.s32 @p0 $0xFFFFFFFF  }
0xaf: {  	s7 =	sshll.u32 @!p0 s1, $0xE  }
0xb0: {  	s7 =	sor.u32 @!p0 $0x4000, s7;
	s6 =	simm.s32 @!p0 $0x1B8D  }
0xb1: {  	s5 =	sshll.u32 @!p0 s5, $0x11;
	s7 =	sadd.s32 @!p0 $0x11B8D, s7;
	_ =	swait.eq @!p0 [sflag:s6], $0x1  }
0xb2: {  	s5 =	sor.u32 @!p0 s5, s7;
	[sflag:s6] =	ssyncadd.s32 @!p0 $0xFFFFFFFF  }
0xb3: {  	s25 =	simm.s32 $0x1B8E;
	s24 =	sld [smem:$0x3FFE];
	[sflag:s5] =	ssyncadd.remote.s32 @!p0 $0x1  }
0xb4: {  	s26 =	simm.s32 $execute0_lowered;
	[smem:$0x3FD2] =	sst s25  }
0xb5: {  	s6 =	sshll.u32 s26, $0x1;
	_ =	strace $0x80000049;
	[dreg:$0x1] =	wrdreg $0xFFFFFFFF  }
0xb6: {  	s28 =	simm.s32 $_size_execute0_lowered;
	s4 =	sadd.s32 s4, s6;
	[dreg:$0x0] =	wrdreg $0x0  }
0xb7: {  	s6 =	sshll.u32 s28, $0x1;
	[dreg:$0x2] =	wrdreg s4  }
0xb8: {  	[dreg:$0x3] =	wrdreg s6  }
0xb9: {  	[dreg:$0x4] =	wrdreg $0xC0  }
0xba: {  	_ =	task [dreg:s22], $0x5FFFF  }
0xbb: {  	[dreg:$0x1] =	wrdreg $0xFFFFFFFF  }
0xbc: {  	[dreg:$0x0] =	wrdreg $0x60  }
0xbd: {  	[dreg:$0x2] =	wrdreg s18  }
0xbe: {  	[dreg:$0x3] =	wrdreg s24  }
0xbf: {  	[dreg:$0x4] =	wrdreg $0x0  }
0xc0: {  	[dreg:$0x5] =	wrdreg $0xA  }
0xc1: {  	_ =	task.clear_ibuf [dreg:s22], $0x6FFFF;
	_ =	strace $0x90000049  }
0xc2: {  	s29 =	simm.s32 $0xA;
	_ =	strace $0x8000004B  }
0xc3: {  	_ =	swait.ge [sflag:s29], $0x1  }
0xc4: {  	[sflag:s29] =	ssyncadd.s32 $0xFFFFFFFF  }
0xc5: {  	_ =	strace $0x9000004B  }
0xc6: {  	_ =	sfence  }
0xc7: {  	s30 =	sld [smem:$0x0];
	_ =	sdelay $0x2  }
0xc8: {  	s31 =	sshll.u32 s1, $0xD;
	s1 =	sshrl.u32 s1, $0x2  }
0xc9: {  	s4 =	sand.u32 $0x4000, s31;
	s1 =	sadd.s32 s1, s30  }
0xca: {  	s0 =	sor.u32 s4, s0;
	s1 =	sshll.u32 s1, $0x11  }
0xcb: {  	s0 =	sor.u32 s1, s0  }
0xcc: {  	s0 =	sadd.s32 $0x8F2B, s0  }
0xcd: {  	[sflag:s0] =	ssyncadd.remote.s32 $0x1  }
0xce: {  	_ =	sfence.sel $0xFFFF  }
0xcf: {  	[dreg:$0x0] =	wrdreg $0xFFFFFFFF;
	(pc) =	sbr.abs _section_cstart, $3  }
0xd0: {  	[dreg:$0x1] =	wrdreg $0xFFFFFFFF  }
0xd1: {  	_ =	task.clear_ibuf [dreg:s22], $0x2FFFF;
	_ =	strace $0x9FFFFFFF  }
0xd2: {  	(tm) =	ssettm $0x7FFFFFFF  }
0xd3: {  	_ =	shalt  }
tec
execute0_lowered:
.L_overlay_start_1:
0x0: {  	(tag) =	ssettag $0x1  }
0x1: {  	s0 =	rddreg [dreg:$0x0]  }
0x2: {  	s4 =	rddreg [dreg:$0x1];
	s3 =	srdreg.scid  }
0x3: {  	s1 =	stileid.u32;
	s2 =	rddreg [dreg:$0x2];
	s12 =	simm.s32 $0x139B8  }
0x4: {  	s13 =	simm.s32 $0x14108;
	s15 =	simm.s32 $0x13A20;
	s16 =	simm.s32 $0x14170  }
0x5: {  	s18 =	simm.s32 $0x13A88;
	s5 =	sand.u32 $0x1, s3;
	s3 =	simm.s32 $0x0  }
0x6: {  	s19 =	simm.s32 $0x141D8;
	s24 =	sadd.s32 $0x17800, s4;
	[smem:$0x7FF] =	sst s3  }
0x7: {  	s20 =	simm.s32 $0x13AF0;
	_ =	strace $0x8000004A;
	[smem:$0x7F5] =	sst s24  }
0x8: {  	s21 =	simm.s32 $0x14240;
	s22 =	simm.s32 $0x13B58;
	[dreg:$0x8] =	wrdreg s12  }
0x9: {  	s23 =	simm.s32 $0x142A8;
	s28 =	simm.s32 $0x14650;
	[dreg:$0x9] =	wrdreg s13  }
0xa: {  	s29 =	simm.s32 $0x13F68;
	s30 =	simm.s32 $0x146B8;
	[dreg:$0xa] =	wrdreg s15  }
0xb: {  	s31 =	simm.s32 $0x13FD0;
	s6 =	smul.u32 $0x5140, s1;
	[dreg:$0xb] =	wrdreg s16  }
0xc: {  	s8 =	sadd.s32 $0x2A00, s4;
	s11 =	smul.u32 $0x4E200, s1;
	[dreg:$0xc] =	wrdreg s18  }
0xd: {  	s4 =	sadd.s32 $0x1A000, s4;
	s14 =	smul.u32 $0x13800, s1;
	[dreg:$0xd] =	wrdreg s19  }
0xe: {  	p0 =	sne.s32 s1, $0x0;
	s7 =	smul.u32 $0x28A0, s5;
	[dreg:$0xe] =	wrdreg s20  }
0xf: {  	s25 =	ssub.s32 $0x2, s5;
	s5 =	smul.u32 $0x138800, s5;
	[dreg:$0xf] =	wrdreg s21  }
0x10: {  	s10 =	sshrl.u32 s25, $0x1;
	s26 =	sshrl.u32 s11, $0x2;
	[dreg:$0x10] =	wrdreg s22  }
0x11: {  	s11 =	sshll.u32 s1, $0x6;
	[dreg:$0x11] =	wrdreg s23;
	s13 =	simm.s32 $0x14378  }
0x12: {  	s15 =	simm.s32 $0x143E0;
	s16 =	simm.s32 $0x13CF8;
	s18 =	simm.s32 $0x13D60  }
0x13: {  	s19 =	simm.s32 $0x144B0;
	s20 =	simm.s32 $0x13DC8;
	[dreg:$0x15] =	wrdreg s13  }
0x14: {  	s21 =	simm.s32 $0x14518;
	s22 =	simm.s32 $0x13E30;
	[dreg:$0x17] =	wrdreg s15  }
0x15: {  	s23 =	simm.s32 $0x14580;
	s6 =	sadd.s32 s7, s6;
	[dreg:$0x18] =	wrdreg s16  }
0x16: {  	s7 =	ssub.s32 s25, s10;
	s10 =	simm.s32 $0x13950;
	[dreg:$0x1a] =	wrdreg s18  }
0x17: {  	s24 =	sor.u32 $0x1C07, s11;
	s17 =	sadd.s32 s14, s5;
	[dreg:$0x1b] =	wrdreg s19  }
0x18: {  	s5 =	sshrl.u32 s5, $0x3;
	s25 =	simm.s32 $0x13BC0;
	[dreg:$0x1c] =	wrdreg s20  }
0x19: {  	s11 =	simm.s32 $0x13C28;
	s13 =	simm.s32 $0x64;
	[dreg:$0x1d] =	wrdreg s21  }
0x1a: {  	s15 =	simm.s32 $0x17AC0;
	s16 =	simm.s32 $0x1ACC0;
	[dreg:$0x1e] =	wrdreg s22  }
0x1b: {  	s18 =	simm.s32 $0x4;
	s19 =	simm.s32 $0x2;
	[dreg:$0x1f] =	wrdreg s23  }
0x1c: {  	s20 =	simm.s32 $0x5;
	s21 =	simm.s32 $0x3;
	[dreg:$0x7] =	wrdreg s10  }
0x1d: {  	s22 =	simm.s32 $0x6;
	s23 =	simm.s32 $0x145E8;
	[dreg:$0x12] =	wrdreg s25  }
0x1e: {  	s9 =	sadd.s32 $0x51400, s6;
	s6 =	sshrl.u32 s6, $0x3;
	[dreg:$0x14] =	wrdreg s11  }
0x1f: {  	s10 =	smax.u32 s7, $0x1;
	s11 =	simm.s32 $0x13880;
	[smem:$0x7FD] =	sst s24  }
0x20: {  	s25 =	simm.s32 $0x13E98;
	s7 =	simm.s32 $0x147F0;
	[smem:$0x7F8] =	sst s10  }
0x21: {  	s9 =	sshrl.u32 s9, $0x3;
	s6 =	sadd.s32 s6, s8;
	[smem:$0x7FA] =	sst s25  }
0x22: {  	s10 =	simm.s32 $0x7;
	s9 =	sadd.s32 s9, s8;
	[dreg:$0x5] =	wrdreg s6  }
0x23: {  	s8 =	sadd.s32 s26, s2;
	s26 =	simm.s32 $0x14310;
	[dreg:$0x4] =	wrdreg s9  }
0x24: {  	s25 =	simm.s32 $0x0;
	s9 =	simm.s32 $0x138E8;
	[dreg:$0x13] =	wrdreg s26  }
0x25: {  	s6 =	simm.s32 $0x14788;
	s12 =	sshrl.u32 s8, $0x3;
	[dreg:$0x6] =	wrdreg s9  }
0x26: {  	s8 =	simm.s32 $0x14858;
	s9 =	sshrl.u32 s17, $0x3;
	[smem:$0x7F9] =	sst s12  }
0x27: {  	s12 =	simm.s32 $0x140A0;
	s17 =	simm.s32 $0x14448;
	s9 =	sadd.s32 s4, s9  }
0x28: {  	s4 =	sadd.s32 s4, s5;
	s5 =	sadd.s32 $0x138000, s2;
	[dreg:$0x19] =	wrdreg s17  }
0x29: {  	s17 =	simm.s32 $0x1;
	[smem:$0x7F6] =	sst s9;
	s4 =	sadd.s32 $0x27000, s4  }
0x2a: {  	s9 =	sadd.s32 s14, s2;
	s14 =	simm.s32 $0x13C90;
	[smem:$0x7F7] =	sst s4  }
0x2b: {  	s1 =	sshrl.u32 @!p0 s5, $0x3;
	[dreg:$0x16] =	wrdreg s14;
	s14 =	simm.s32 $0x148C0  }
0x2c: {  	s26 =	sshrl.u32 s9, $0x3;
	[smem:$0x7FC] =	sst s1;
	s1 =	simm.s32 $0x14720  }
0x2d: {  	s4 =	simm.s32 $0x14038;
	[smem:$0x7FB] =	sst s26;
	s26 =	simm.s32 $0x13F00  }
.LBB2_1:
0x2e: {  	s5 =	sld [smem:$0x7F5]  }
0x2f: {  	s9 =	sld [smem:$0x7F9];
	_ =	sdelay $0x1  }
0x30: {  	[smem:$0x7F4] =	sst s25  }
0x31: {  	[spmem:s9], [sflag:s24] =	dma.local [hbm:s5], $0x2710  }
0x32: {  	_ =	swait.ge [sflag:s10], $0x2710  }
0x33: {  	[sflag:s10] =	ssyncset.done $0x0  }
0x34: {  	[sflag:s10] =	ssyncadd.s32 $0xFFFFD8F0  }
0x35: {  	[bflag:$0x0] =	sbarrier.arrive $0xFFFF  }
0x36: {  	s9 =	rddreg [dreg:$0x5]  }
0x37: {  	s5 =	sadd.s32 $0x0, s9  }
0x38: {  	[tilespmem:s11], [sflag:$0x7] =	stream.linear.gather [hbm4b:s5+s3], $0x820, $0x38;
	[tilespmem:$0x1DEC0] =	vst v63  }
0x39: {  	_ =	swait.ge [sflag:s10], $0x820  }
0x3a: {  	s24 =	rddreg [dreg:$0x4];
	[sflag:s10] =	ssyncset.done $0x0  }
0x3b: {  	[sflag:s10] =	ssyncadd.s32 $0xFFFFF7E0;
	s5 =	sadd.s32 $0x0, s24  }
0x3c: {  	[tilespmem:s12], [sflag:$0x7] =	stream.linear.gather [hbm4b:s5+s3], $0x820, $0x38;
	[tilespmem:$0x1DEC0] =	vst v63  }
0x3d: {  	_ =	swait.ge [sflag:s10], $0x820  }
0x3e: {  	[sflag:s10] =	ssyncset.done $0x0  }
0x3f: {  	[sflag:s10] =	ssyncadd.s32 $0xFFFFF7E0  }
0x40: {  	[tilespmem:s14], [sflag:$0x1] =	stream.indirect.gather [hbm4b:s0+s13], $0x80, s11, s13, $0xb8;
	[tilespmem:$0x1DEC0] =	vst v63  }
0x41: {  	s25 =	rddreg [dreg:$0x6]  }
0x42: {  	[tilespmem:s15], [sflag:$0x2] =	stream.indirect.gather [hbm4b:s0+s13], $0x80, s25, s13, $0xb8;
	[tilespmem:$0x1DEC0] =	vst v63  }
0x43: {  	s9 =	rddreg [dreg:$0x7]  }
0x44: {  	[tilespmem:s16], [sflag:$0x3] =	stream.indirect.gather [hbm4b:s0+s13], $0x80, s9, s13, $0xb8;
	[tilespmem:$0x1DEC0] =	vst v63  }
0x45: {  	_ =	swait.ge [sflag:s17], $0x3200  }
0x46: {  	[sflag:s17] =	ssyncset.done $0x0  }
0x47: {  	[sflag:s17] =	ssyncadd.s32 $0xFFFFCE00  }
0x48: {  	[spmem:s2] =	stream.indirect.scatter.add.f32 [tilespmem:s14], [sflag:$0x4], $0x80, s12, s13, $0xb8;
	[tilespmem:$0x1DEC0] =	vst v63  }
0x49: {  	_ =	swait.ge [sflag:s18], $0x3200  }
0x4a: {  	[sflag:s18] =	ssyncset.done $0x0  }
0x4b: {  	s25 =	rddreg [dreg:$0x8];
	[sflag:s18] =	ssyncadd.s32 $0xFFFFCE00  }
0x4c: {  	[tilespmem:s14], [sflag:$0x1] =	stream.indirect.gather [hbm4b:s0+s13], $0x80, s25, s13, $0xb8;
	[tilespmem:$0x1DEC0] =	vst v63  }
0x4d: {  	_ =	swait.ge [sflag:s19], $0x3200  }
0x4e: {  	[sflag:s19] =	ssyncset.done $0x0  }
0x4f: {  	s9 =	rddreg [dreg:$0x9];
	[sflag:s19] =	ssyncadd.s32 $0xFFFFCE00  }
0x50: {  	[spmem:s2] =	stream.indirect.scatter.add.f32 [tilespmem:s15], [sflag:$0x5], $0x80, s9, s13, $0xb8;
	[tilespmem:$0x1DEC0] =	vst v63  }
0x51: {  	_ =	swait.ge [sflag:s20], $0x3200  }
0x52: {  	[sflag:s20] =	ssyncset.done $0x0  }
0x53: {  	s24 =	rddreg [dreg:$0xa];
	[sflag:s20] =	ssyncadd.s32 $0xFFFFCE00  }
0x54: {  	[tilespmem:s15], [sflag:$0x2] =	stream.indirect.gather [hbm4b:s0+s13], $0x80, s24, s13, $0xb8;
	[tilespmem:$0x1DEC0] =	vst v63  }
0x55: {  	_ =	swait.ge [sflag:s21], $0x3200  }
0x56: {  	[sflag:s21] =	ssyncset.done $0x0  }
0x57: {  	s25 =	rddreg [dreg:$0xb];
	[sflag:s21] =	ssyncadd.s32 $0xFFFFCE00  }
0x58: {  	[spmem:s2] =	stream.indirect.scatter.add.f32 [tilespmem:s16], [sflag:$0x6], $0x80, s25, s13, $0xb8;
	[tilespmem:$0x1DEC0] =	vst v63  }
0x59: {  	_ =	swait.ge [sflag:s22], $0x3200  }
0x5a: {  	[sflag:s22] =	ssyncset.done $0x0  }
0x5b: {  	s9 =	rddreg [dreg:$0xc];
	[sflag:s22] =	ssyncadd.s32 $0xFFFFCE00  }
0x5c: {  	[tilespmem:s16], [sflag:$0x3] =	stream.indirect.gather [hbm4b:s0+s13], $0x80, s9, s13, $0xb8;
	[tilespmem:$0x1DEC0] =	vst v63  }
0x5d: {  	_ =	swait.ge [sflag:s17], $0x3200  }
0x5e: {  	[sflag:s17] =	ssyncset.done $0x0  }
0x5f: {  	s24 =	rddreg [dreg:$0xd];
	[sflag:s17] =	ssyncadd.s32 $0xFFFFCE00  }
0x60: {  	[spmem:s2] =	stream.indirect.scatter.add.f32 [tilespmem:s14], [sflag:$0x4], $0x80, s24, s13, $0xb8;
	[tilespmem:$0x1DEC0] =	vst v63  }
0x61: {  	_ =	swait.ge [sflag:s18], $0x3200  }
0x62: {  	[sflag:s18] =	ssyncset.done $0x0  }
0x63: {  	s25 =	rddreg [dreg:$0xe];
	[sflag:s18] =	ssyncadd.s32 $0xFFFFCE00  }
0x64: {  	[tilespmem:s14], [sflag:$0x1] =	stream.indirect.gather [hbm4b:s0+s13], $0x80, s25, s13, $0xb8;
	[tilespmem:$0x1DEC0] =	vst v63  }
0x65: {  	_ =	swait.ge [sflag:s19], $0x3200  }
0x66: {  	[sflag:s19] =	ssyncset.done $0x0  }
0x67: {  	s9 =	rddreg [dreg:$0xf];
	[sflag:s19] =	ssyncadd.s32 $0xFFFFCE00  }
0x68: {  	[spmem:s2] =	stream.indirect.scatter.add.f32 [tilespmem:s15], [sflag:$0x5], $0x80, s9, s13, $0xb8;
	[tilespmem:$0x1DEC0] =	vst v63  }
0x69: {  	_ =	swait.ge [sflag:s20], $0x3200  }
0x6a: {  	[sflag:s20] =	ssyncset.done $0x0  }
0x6b: {  	s24 =	rddreg [dreg:$0x10];
	[sflag:s20] =	ssyncadd.s32 $0xFFFFCE00  }
0x6c: {  	[tilespmem:s15], [sflag:$0x2] =	stream.indirect.gather [hbm4b:s0+s13], $0x80, s24, s13, $0xb8;
	[tilespmem:$0x1DEC0] =	vst v63  }
0x6d: {  	_ =	swait.ge [sflag:s21], $0x3200  }
0x6e: {  	[sflag:s21] =	ssyncset.done $0x0  }
0x6f: {  	s25 =	rddreg [dreg:$0x11];
	[sflag:s21] =	ssyncadd.s32 $0xFFFFCE00  }
0x70: {  	[spmem:s2] =	stream.indirect.scatter.add.f32 [tilespmem:s16], [sflag:$0x6], $0x80, s25, s13, $0xb8;
	[tilespmem:$0x1DEC0] =	vst v63  }
0x71: {  	_ =	swait.ge [sflag:s22], $0x3200  }
0x72: {  	[sflag:s22] =	ssyncset.done $0x0  }
0x73: {  	s9 =	rddreg [dreg:$0x12];
	[sflag:s22] =	ssyncadd.s32 $0xFFFFCE00  }
0x74: {  	[tilespmem:s16], [sflag:$0x3] =	stream.indirect.gather [hbm4b:s0+s13], $0x80, s9, s13, $0xb8;
	[tilespmem:$0x1DEC0] =	vst v63  }
0x75: {  	_ =	swait.ge [sflag:s17], $0x3200  }
0x76: {  	[sflag:s17] =	ssyncset.done $0x0  }
0x77: {  	s24 =	rddreg [dreg:$0x13];
	[sflag:s17] =	ssyncadd.s32 $0xFFFFCE00  }
0x78: {  	[spmem:s2] =	stream.indirect.scatter.add.f32 [tilespmem:s14], [sflag:$0x4], $0x80, s24, s13, $0xb8;
	[tilespmem:$0x1DEC0] =	vst v63  }
0x79: {  	_ =	swait.ge [sflag:s18], $0x3200  }
0x7a: {  	[sflag:s18] =	ssyncset.done $0x0  }
0x7b: {  	s25 =	rddreg [dreg:$0x14];
	[sflag:s18] =	ssyncadd.s32 $0xFFFFCE00  }
0x7c: {  	[tilespmem:s14], [sflag:$0x1] =	stream.indirect.gather [hbm4b:s0+s13], $0x80, s25, s13, $0xb8;
	[tilespmem:$0x1DEC0] =	vst v63  }
0x7d: {  	_ =	swait.ge [sflag:s19], $0x3200  }
0x7e: {  	[sflag:s19] =	ssyncset.done $0x0  }
0x7f: {  	s9 =	rddreg [dreg:$0x15];
	[sflag:s19] =	ssyncadd.s32 $0xFFFFCE00  }
0x80: {  	[spmem:s2] =	stream.indirect.scatter.add.f32 [tilespmem:s15], [sflag:$0x5], $0x80, s9, s13, $0xb8;
	[tilespmem:$0x1DEC0] =	vst v63  }
0x81: {  	_ =	swait.ge [sflag:s20], $0x3200  }
0x82: {  	[sflag:s20] =	ssyncset.done $0x0  }
0x83: {  	s24 =	rddreg [dreg:$0x16];
	[sflag:s20] =	ssyncadd.s32 $0xFFFFCE00  }
0x84: {  	[tilespmem:s15], [sflag:$0x2] =	stream.indirect.gather [hbm4b:s0+s13], $0x80, s24, s13, $0xb8;
	[tilespmem:$0x1DEC0] =	vst v63  }
0x85: {  	_ =	swait.ge [sflag:s21], $0x3200  }
0x86: {  	[sflag:s21] =	ssyncset.done $0x0  }
0x87: {  	s25 =	rddreg [dreg:$0x17];
	[sflag:s21] =	ssyncadd.s32 $0xFFFFCE00  }
0x88: {  	[spmem:s2] =	stream.indirect.scatter.add.f32 [tilespmem:s16], [sflag:$0x6], $0x80, s25, s13, $0xb8;
	[tilespmem:$0x1DEC0] =	vst v63  }
0x89: {  	_ =	swait.ge [sflag:s22], $0x3200  }
0x8a: {  	[sflag:s22] =	ssyncset.done $0x0  }
0x8b: {  	s9 =	rddreg [dreg:$0x18];
	[sflag:s22] =	ssyncadd.s32 $0xFFFFCE00  }
0x8c: {  	[tilespmem:s16], [sflag:$0x3] =	stream.indirect.gather [hbm4b:s0+s13], $0x80, s9, s13, $0xb8;
	[tilespmem:$0x1DEC0] =	vst v63  }
0x8d: {  	_ =	swait.ge [sflag:s17], $0x3200  }
0x8e: {  	[sflag:s17] =	ssyncset.done $0x0  }
0x8f: {  	s24 =	rddreg [dreg:$0x19];
	[sflag:s17] =	ssyncadd.s32 $0xFFFFCE00  }
0x90: {  	[spmem:s2] =	stream.indirect.scatter.add.f32 [tilespmem:s14], [sflag:$0x4], $0x80, s24, s13, $0xb8;
	[tilespmem:$0x1DEC0] =	vst v63  }
0x91: {  	_ =	swait.ge [sflag:s18], $0x3200  }
0x92: {  	[sflag:s18] =	ssyncset.done $0x0  }
0x93: {  	s25 =	rddreg [dreg:$0x1a];
	[sflag:s18] =	ssyncadd.s32 $0xFFFFCE00  }
0x94: {  	[tilespmem:s14], [sflag:$0x1] =	stream.indirect.gather [hbm4b:s0+s13], $0x80, s25, s13, $0xb8;
	[tilespmem:$0x1DEC0] =	vst v63  }
0x95: {  	_ =	swait.ge [sflag:s19], $0x3200  }
0x96: {  	[sflag:s19] =	ssyncset.done $0x0  }
0x97: {  	s9 =	rddreg [dreg:$0x1b];
	[sflag:s19] =	ssyncadd.s32 $0xFFFFCE00  }
0x98: {  	[spmem:s2] =	stream.indirect.scatter.add.f32 [tilespmem:s15], [sflag:$0x5], $0x80, s9, s13, $0xb8;
	[tilespmem:$0x1DEC0] =	vst v63  }
0x99: {  	_ =	swait.ge [sflag:s20], $0x3200  }
0x9a: {  	[sflag:s20] =	ssyncset.done $0x0  }
0x9b: {  	s24 =	rddreg [dreg:$0x1c];
	[sflag:s20] =	ssyncadd.s32 $0xFFFFCE00  }
0x9c: {  	[tilespmem:s15], [sflag:$0x2] =	stream.indirect.gather [hbm4b:s0+s13], $0x80, s24, s13, $0xb8;
	[tilespmem:$0x1DEC0] =	vst v63  }
0x9d: {  	_ =	swait.ge [sflag:s21], $0x3200  }
0x9e: {  	[sflag:s21] =	ssyncset.done $0x0  }
0x9f: {  	s25 =	rddreg [dreg:$0x1d];
	[sflag:s21] =	ssyncadd.s32 $0xFFFFCE00  }
0xa0: {  	[spmem:s2] =	stream.indirect.scatter.add.f32 [tilespmem:s16], [sflag:$0x6], $0x80, s25, s13, $0xb8;
	[tilespmem:$0x1DEC0] =	vst v63  }
0xa1: {  	_ =	swait.ge [sflag:s22], $0x3200  }
0xa2: {  	[sflag:s22] =	ssyncset.done $0x0  }
0xa3: {  	s9 =	rddreg [dreg:$0x1e];
	[sflag:s22] =	ssyncadd.s32 $0xFFFFCE00  }
0xa4: {  	[tilespmem:s16], [sflag:$0x3] =	stream.indirect.gather [hbm4b:s0+s13], $0x80, s9, s13, $0xb8;
	[tilespmem:$0x1DEC0] =	vst v63  }
0xa5: {  	_ =	swait.ge [sflag:s17], $0x3200  }
0xa6: {  	[sflag:s17] =	ssyncset.done $0x0  }
0xa7: {  	s24 =	rddreg [dreg:$0x1f];
	[sflag:s17] =	ssyncadd.s32 $0xFFFFCE00  }
0xa8: {  	[spmem:s2] =	stream.indirect.scatter.add.f32 [tilespmem:s14], [sflag:$0x4], $0x80, s24, s13, $0xb8;
	[tilespmem:$0x1DEC0] =	vst v63  }
0xa9: {  	_ =	swait.ge [sflag:s18], $0x3200  }
0xaa: {  	s25 =	sld [smem:$0x7FA]  }
0xab: {  	[sflag:s18] =	ssyncset.done $0x0  }
0xac: {  	[sflag:s18] =	ssyncadd.s32 $0xFFFFCE00  }
0xad: {  	[tilespmem:s14], [sflag:$0x1] =	stream.indirect.gather [hbm4b:s0+s13], $0x80, s25, s13, $0xb8;
	[tilespmem:$0x1DEC0] =	vst v63  }
0xae: {  	_ =	swait.ge [sflag:s19], $0x3200  }
0xaf: {  	[sflag:s19] =	ssyncset.done $0x0  }
0xb0: {  	[sflag:s19] =	ssyncadd.s32 $0xFFFFCE00  }
0xb1: {  	[spmem:s2] =	stream.indirect.scatter.add.f32 [tilespmem:s15], [sflag:$0x5], $0x80, s23, s13, $0xb8;
	[tilespmem:$0x1DEC0] =	vst v63  }
0xb2: {  	_ =	swait.ge [sflag:s20], $0x3200  }
0xb3: {  	[sflag:s20] =	ssyncset.done $0x0  }
0xb4: {  	[sflag:s20] =	ssyncadd.s32 $0xFFFFCE00  }
0xb5: {  	[tilespmem:s15], [sflag:$0x2] =	stream.indirect.gather [hbm4b:s0+s13], $0x80, s26, s13, $0xb8;
	[tilespmem:$0x1DEC0] =	vst v63  }
0xb6: {  	_ =	swait.ge [sflag:s21], $0x3200  }
0xb7: {  	[sflag:s21] =	ssyncset.done $0x0  }
0xb8: {  	[sflag:s21] =	ssyncadd.s32 $0xFFFFCE00  }
0xb9: {  	[spmem:s2] =	stream.indirect.scatter.add.f32 [tilespmem:s16], [sflag:$0x6], $0x80, s28, s13, $0xb8;
	[tilespmem:$0x1DEC0] =	vst v63  }
0xba: {  	_ =	swait.ge [sflag:s22], $0x3200  }
0xbb: {  	[sflag:s22] =	ssyncset.done $0x0  }
0xbc: {  	[sflag:s22] =	ssyncadd.s32 $0xFFFFCE00  }
0xbd: {  	[tilespmem:s16], [sflag:$0x3] =	stream.indirect.gather [hbm4b:s0+s13], $0x80, s29, s13, $0xb8;
	[tilespmem:$0x1DEC0] =	vst v63  }
0xbe: {  	_ =	swait.ge [sflag:s17], $0x3200  }
0xbf: {  	[sflag:s17] =	ssyncset.done $0x0  }
0xc0: {  	[sflag:s17] =	ssyncadd.s32 $0xFFFFCE00  }
0xc1: {  	[spmem:s2] =	stream.indirect.scatter.add.f32 [tilespmem:s14], [sflag:$0x4], $0x80, s30, s13, $0xb8;
	[tilespmem:$0x1DEC0] =	vst v63  }
0xc2: {  	_ =	swait.ge [sflag:s18], $0x3200  }
0xc3: {  	[sflag:s18] =	ssyncset.done $0x0  }
0xc4: {  	[sflag:s18] =	ssyncadd.s32 $0xFFFFCE00  }
0xc5: {  	[tilespmem:s14], [sflag:$0x1] =	stream.indirect.gather [hbm4b:s0+s13], $0x80, s31, s13, $0xb8;
	[tilespmem:$0x1DEC0] =	vst v63  }
0xc6: {  	_ =	swait.ge [sflag:s19], $0x3200  }
0xc7: {  	[sflag:s19] =	ssyncset.done $0x0  }
0xc8: {  	[sflag:s19] =	ssyncadd.s32 $0xFFFFCE00  }
0xc9: {  	[spmem:s2] =	stream.indirect.scatter.add.f32 [tilespmem:s15], [sflag:$0x5], $0x80, s1, s13, $0xb8;
	[tilespmem:$0x1DEC0] =	vst v63  }
0xca: {  	_ =	swait.ge [sflag:s20], $0x3200  }
0xcb: {  	[sflag:s20] =	ssyncset.done $0x0  }
0xcc: {  	[sflag:s20] =	ssyncadd.s32 $0xFFFFCE00  }
0xcd: {  	[tilespmem:s15], [sflag:$0x2] =	stream.indirect.gather [hbm4b:s0+s13], $0x80, s4, s13, $0xb8;
	[tilespmem:$0x1DEC0] =	vst v63  }
0xce: {  	_ =	swait.ge [sflag:s21], $0x3200  }
0xcf: {  	[sflag:s21] =	ssyncset.done $0x0  }
0xd0: {  	[sflag:s21] =	ssyncadd.s32 $0xFFFFCE00  }
0xd1: {  	[spmem:s2] =	stream.indirect.scatter.add.f32 [tilespmem:s16], [sflag:$0x6], $0x80, s6, s13, $0xb8;
	[tilespmem:$0x1DEC0] =	vst v63  }
0xd2: {  	_ =	swait.ge [sflag:s17], $0x3200  }
0xd3: {  	[sflag:s17] =	ssyncset.done $0x0  }
0xd4: {  	[sflag:s17] =	ssyncadd.s32 $0xFFFFCE00  }
0xd5: {  	[spmem:s2] =	stream.indirect.scatter.add.f32 [tilespmem:s14], [sflag:$0x4], $0x80, s7, s13, $0xb8;
	[tilespmem:$0x1DEC0] =	vst v63  }
0xd6: {  	_ =	swait.ge [sflag:s19], $0x3200  }
0xd7: {  	[sflag:s19] =	ssyncset.done $0x0  }
0xd8: {  	[sflag:s19] =	ssyncadd.s32 $0xFFFFCE00  }
0xd9: {  	[spmem:s2] =	stream.indirect.scatter.add.f32 [tilespmem:s15], [sflag:$0x5], $0x80, s8, s13, $0xb8;
	[tilespmem:$0x1DEC0] =	vst v63  }
0xda: {  	_ =	swait.ge [sflag:s18], $0x3200  }
0xdb: {  	[sflag:s18] =	ssyncset.done $0x0  }
0xdc: {  	[sflag:s18] =	ssyncadd.s32 $0xFFFFCE00  }
0xdd: {  	_ =	swait.ge [sflag:s20], $0x3200  }
0xde: {  	[sflag:s20] =	ssyncset.done $0x0  }
0xdf: {  	[sflag:s20] =	ssyncadd.s32 $0xFFFFCE00  }
0xe0: {  	s24 =	simm.s32 $0x104;
	_ =	swait.ge [sflag:s22], $0x3200  }
0xe1: {  	s25 =	simm.s32 $0x208;
	s5 =	rddreg [dreg:$0x5];
	[sflag:s22] =	ssyncset.done $0x0  }
.LBB2_2:
0xe2: {  	[sflag:s22] =	ssyncadd.s32 $0xFFFFCE00;
	s5 =	sadd.s32 s24, s5  }
0xe3: {  	[tilespmem:s11], [sflag:$0x7] =	stream.linear.gather [hbm4b:s5+s3], $0x820, $0x38;
	[tilespmem:$0x1DEC0] =	vst v63  }
0xe4: {  	_ =	swait.ge [sflag:s10], $0x820  }
0xe5: {  	s5 =	rddreg [dreg:$0x4];
	[sflag:s10] =	ssyncset.done $0x0  }
0xe6: {  	[sflag:s10] =	ssyncadd.s32 $0xFFFFF7E0;
	s5 =	sadd.s32 s24, s5  }
0xe7: {  	[tilespmem:s12], [sflag:$0x7] =	stream.linear.gather [hbm4b:s5+s3], $0x820, $0x38;
	[tilespmem:$0x1DEC0] =	vst v63  }
0xe8: {  	_ =	swait.ge [sflag:s10], $0x820  }
0xe9: {  	[sflag:s10] =	ssyncset.done $0x0  }
0xea: {  	[sflag:s10] =	ssyncadd.s32 $0xFFFFF7E0  }
0xeb: {  	[tilespmem:s14], [sflag:$0x1] =	stream.indirect.gather [hbm4b:s0+s13], $0x80, s11, s13, $0xb8;
	[tilespmem:$0x1DEC0] =	vst v63  }
0xec: {  	s9 =	smov.u32 s25;
	s5 =	rddreg [dreg:$0x6]  }
0xed: {  	[tilespmem:s15], [sflag:$0x2] =	stream.indirect.gather [hbm4b:s0+s13], $0x80, s5, s13, $0xb8;
	[tilespmem:$0x1DEC0] =	vst v63  }
0xee: {  	s24 =	smov.u32 s9;
	s9 =	rddreg [dreg:$0x7]  }
0xef: {  	[tilespmem:s16], [sflag:$0x3] =	stream.indirect.gather [hbm4b:s0+s13], $0x80, s9, s13, $0xb8;
	[tilespmem:$0x1DEC0] =	vst v63  }
0xf0: {  	_ =	swait.ge [sflag:s17], $0x3200  }
0xf1: {  	[sflag:s17] =	ssyncset.done $0x0  }
0xf2: {  	[sflag:s17] =	ssyncadd.s32 $0xFFFFCE00  }
0xf3: {  	[spmem:s2] =	stream.indirect.scatter.add.f32 [tilespmem:s14], [sflag:$0x4], $0x80, s12, s13, $0xb8;
	[tilespmem:$0x1DEC0] =	vst v63  }
0xf4: {  	_ =	swait.ge [sflag:s18], $0x3200  }
0xf5: {  	[sflag:s18] =	ssyncset.done $0x0  }
0xf6: {  	s9 =	rddreg [dreg:$0x8];
	[sflag:s18] =	ssyncadd.s32 $0xFFFFCE00  }
0xf7: {  	[tilespmem:s14], [sflag:$0x1] =	stream.indirect.gather [hbm4b:s0+s13], $0x80, s9, s13, $0xb8;
	[tilespmem:$0x1DEC0] =	vst v63  }
0xf8: {  	_ =	swait.ge [sflag:s19], $0x3200  }
0xf9: {  	[sflag:s19] =	ssyncset.done $0x0  }
0xfa: {  	s9 =	rddreg [dreg:$0x9];
	[sflag:s19] =	ssyncadd.s32 $0xFFFFCE00  }
0xfb: {  	[spmem:s2] =	stream.indirect.scatter.add.f32 [tilespmem:s15], [sflag:$0x5], $0x80, s9, s13, $0xb8;
	[tilespmem:$0x1DEC0] =	vst v63  }
0xfc: {  	_ =	swait.ge [sflag:s20], $0x3200  }
0xfd: {  	[sflag:s20] =	ssyncset.done $0x0  }
0xfe: {  	s9 =	rddreg [dreg:$0xa];
	[sflag:s20] =	ssyncadd.s32 $0xFFFFCE00  }
0xff: {  	[tilespmem:s15], [sflag:$0x2] =	stream.indirect.gather [hbm4b:s0+s13], $0x80, s9, s13, $0xb8;
	[tilespmem:$0x1DEC0] =	vst v63  }
0x100: {  	_ =	swait.ge [sflag:s21], $0x3200  }
0x101: {  	[sflag:s21] =	ssyncset.done $0x0  }
0x102: {  	s9 =	rddreg [dreg:$0xb];
	[sflag:s21] =	ssyncadd.s32 $0xFFFFCE00  }
0x103: {  	[spmem:s2] =	stream.indirect.scatter.add.f32 [tilespmem:s16], [sflag:$0x6], $0x80, s9, s13, $0xb8;
	[tilespmem:$0x1DEC0] =	vst v63  }
0x104: {  	_ =	swait.ge [sflag:s22], $0x3200  }
0x105: {  	[sflag:s22] =	ssyncset.done $0x0  }
0x106: {  	s9 =	rddreg [dreg:$0xc];
	[sflag:s22] =	ssyncadd.s32 $0xFFFFCE00  }
0x107: {  	[tilespmem:s16], [sflag:$0x3] =	stream.indirect.gather [hbm4b:s0+s13], $0x80, s9, s13, $0xb8;
	[tilespmem:$0x1DEC0] =	vst v63  }
0x108: {  	_ =	swait.ge [sflag:s17], $0x3200  }
0x109: {  	[sflag:s17] =	ssyncset.done $0x0  }
0x10a: {  	s9 =	rddreg [dreg:$0xd];
	[sflag:s17] =	ssyncadd.s32 $0xFFFFCE00  }
0x10b: {  	[spmem:s2] =	stream.indirect.scatter.add.f32 [tilespmem:s14], [sflag:$0x4], $0x80, s9, s13, $0xb8;
	[tilespmem:$0x1DEC0] =	vst v63  }
0x10c: {  	_ =	swait.ge [sflag:s18], $0x3200  }
0x10d: {  	[sflag:s18] =	ssyncset.done $0x0  }
0x10e: {  	s9 =	rddreg [dreg:$0xe];
	[sflag:s18] =	ssyncadd.s32 $0xFFFFCE00  }
0x10f: {  	[tilespmem:s14], [sflag:$0x1] =	stream.indirect.gather [hbm4b:s0+s13], $0x80, s9, s13, $0xb8;
	[tilespmem:$0x1DEC0] =	vst v63  }
0x110: {  	_ =	swait.ge [sflag:s19], $0x3200  }
0x111: {  	[sflag:s19] =	ssyncset.done $0x0  }
0x112: {  	s9 =	rddreg [dreg:$0xf];
	[sflag:s19] =	ssyncadd.s32 $0xFFFFCE00  }
0x113: {  	[spmem:s2] =	stream.indirect.scatter.add.f32 [tilespmem:s15], [sflag:$0x5], $0x80, s9, s13, $0xb8;
	[tilespmem:$0x1DEC0] =	vst v63  }
0x114: {  	_ =	swait.ge [sflag:s20], $0x3200  }
0x115: {  	[sflag:s20] =	ssyncset.done $0x0  }
0x116: {  	s9 =	rddreg [dreg:$0x10];
	[sflag:s20] =	ssyncadd.s32 $0xFFFFCE00  }
0x117: {  	[tilespmem:s15], [sflag:$0x2] =	stream.indirect.gather [hbm4b:s0+s13], $0x80, s9, s13, $0xb8;
	[tilespmem:$0x1DEC0] =	vst v63  }
0x118: {  	_ =	swait.ge [sflag:s21], $0x3200  }
0x119: {  	[sflag:s21] =	ssyncset.done $0x0  }
0x11a: {  	s9 =	rddreg [dreg:$0x11];
	[sflag:s21] =	ssyncadd.s32 $0xFFFFCE00  }
0x11b: {  	[spmem:s2] =	stream.indirect.scatter.add.f32 [tilespmem:s16], [sflag:$0x6], $0x80, s9, s13, $0xb8;
	[tilespmem:$0x1DEC0] =	vst v63  }
0x11c: {  	_ =	swait.ge [sflag:s22], $0x3200  }
0x11d: {  	[sflag:s22] =	ssyncset.done $0x0  }
0x11e: {  	s9 =	rddreg [dreg:$0x12];
	[sflag:s22] =	ssyncadd.s32 $0xFFFFCE00  }
0x11f: {  	[tilespmem:s16], [sflag:$0x3] =	stream.indirect.gather [hbm4b:s0+s13], $0x80, s9, s13, $0xb8;
	[tilespmem:$0x1DEC0] =	vst v63  }
0x120: {  	_ =	swait.ge [sflag:s17], $0x3200  }
0x121: {  	[sflag:s17] =	ssyncset.done $0x0  }
0x122: {  	s9 =	rddreg [dreg:$0x13];
	[sflag:s17] =	ssyncadd.s32 $0xFFFFCE00  }
0x123: {  	[spmem:s2] =	stream.indirect.scatter.add.f32 [tilespmem:s14], [sflag:$0x4], $0x80, s9, s13, $0xb8;
	[tilespmem:$0x1DEC0] =	vst v63  }
0x124: {  	_ =	swait.ge [sflag:s18], $0x3200  }
0x125: {  	[sflag:s18] =	ssyncset.done $0x0  }
0x126: {  	s9 =	rddreg [dreg:$0x14];
	[sflag:s18] =	ssyncadd.s32 $0xFFFFCE00  }
0x127: {  	[tilespmem:s14], [sflag:$0x1] =	stream.indirect.gather [hbm4b:s0+s13], $0x80, s9, s13, $0xb8;
	[tilespmem:$0x1DEC0] =	vst v63  }
0x128: {  	_ =	swait.ge [sflag:s19], $0x3200  }
0x129: {  	[sflag:s19] =	ssyncset.done $0x0  }
0x12a: {  	s9 =	rddreg [dreg:$0x15];
	[sflag:s19] =	ssyncadd.s32 $0xFFFFCE00  }
0x12b: {  	[spmem:s2] =	stream.indirect.scatter.add.f32 [tilespmem:s15], [sflag:$0x5], $0x80, s9, s13, $0xb8;
	[tilespmem:$0x1DEC0] =	vst v63  }
0x12c: {  	_ =	swait.ge [sflag:s20], $0x3200  }
0x12d: {  	[sflag:s20] =	ssyncset.done $0x0  }
0x12e: {  	s9 =	rddreg [dreg:$0x16];
	[sflag:s20] =	ssyncadd.s32 $0xFFFFCE00  }
0x12f: {  	[tilespmem:s15], [sflag:$0x2] =	stream.indirect.gather [hbm4b:s0+s13], $0x80, s9, s13, $0xb8;
	[tilespmem:$0x1DEC0] =	vst v63  }
0x130: {  	_ =	swait.ge [sflag:s21], $0x3200  }
0x131: {  	[sflag:s21] =	ssyncset.done $0x0  }
0x132: {  	s9 =	rddreg [dreg:$0x17];
	[sflag:s21] =	ssyncadd.s32 $0xFFFFCE00  }
0x133: {  	[spmem:s2] =	stream.indirect.scatter.add.f32 [tilespmem:s16], [sflag:$0x6], $0x80, s9, s13, $0xb8;
	[tilespmem:$0x1DEC0] =	vst v63  }
0x134: {  	_ =	swait.ge [sflag:s22], $0x3200  }
0x135: {  	[sflag:s22] =	ssyncset.done $0x0  }
0x136: {  	s9 =	rddreg [dreg:$0x18];
	[sflag:s22] =	ssyncadd.s32 $0xFFFFCE00  }
0x137: {  	[tilespmem:s16], [sflag:$0x3] =	stream.indirect.gather [hbm4b:s0+s13], $0x80, s9, s13, $0xb8;
	[tilespmem:$0x1DEC0] =	vst v63  }
0x138: {  	_ =	swait.ge [sflag:s17], $0x3200  }
0x139: {  	[sflag:s17] =	ssyncset.done $0x0  }
0x13a: {  	s9 =	rddreg [dreg:$0x19];
	[sflag:s17] =	ssyncadd.s32 $0xFFFFCE00  }
0x13b: {  	[spmem:s2] =	stream.indirect.scatter.add.f32 [tilespmem:s14], [sflag:$0x4], $0x80, s9, s13, $0xb8;
	[tilespmem:$0x1DEC0] =	vst v63  }
0x13c: {  	_ =	swait.ge [sflag:s18], $0x3200  }
0x13d: {  	[sflag:s18] =	ssyncset.done $0x0  }
0x13e: {  	s9 =	rddreg [dreg:$0x1a];
	[sflag:s18] =	ssyncadd.s32 $0xFFFFCE00  }
0x13f: {  	[tilespmem:s14], [sflag:$0x1] =	stream.indirect.gather [hbm4b:s0+s13], $0x80, s9, s13, $0xb8;
	[tilespmem:$0x1DEC0] =	vst v63  }
0x140: {  	_ =	swait.ge [sflag:s19], $0x3200  }
0x141: {  	[sflag:s19] =	ssyncset.done $0x0  }
0x142: {  	s9 =	rddreg [dreg:$0x1b];
	[sflag:s19] =	ssyncadd.s32 $0xFFFFCE00  }
0x143: {  	[spmem:s2] =	stream.indirect.scatter.add.f32 [tilespmem:s15], [sflag:$0x5], $0x80, s9, s13, $0xb8;
	[tilespmem:$0x1DEC0] =	vst v63  }
0x144: {  	_ =	swait.ge [sflag:s20], $0x3200  }
0x145: {  	[sflag:s20] =	ssyncset.done $0x0  }
0x146: {  	s9 =	rddreg [dreg:$0x1c];
	[sflag:s20] =	ssyncadd.s32 $0xFFFFCE00  }
0x147: {  	[tilespmem:s15], [sflag:$0x2] =	stream.indirect.gather [hbm4b:s0+s13], $0x80, s9, s13, $0xb8;
	[tilespmem:$0x1DEC0] =	vst v63  }
0x148: {  	_ =	swait.ge [sflag:s21], $0x3200  }
0x149: {  	[sflag:s21] =	ssyncset.done $0x0  }
0x14a: {  	s9 =	rddreg [dreg:$0x1d];
	[sflag:s21] =	ssyncadd.s32 $0xFFFFCE00  }
0x14b: {  	[spmem:s2] =	stream.indirect.scatter.add.f32 [tilespmem:s16], [sflag:$0x6], $0x80, s9, s13, $0xb8;
	[tilespmem:$0x1DEC0] =	vst v63  }
0x14c: {  	_ =	swait.ge [sflag:s22], $0x3200  }
0x14d: {  	[sflag:s22] =	ssyncset.done $0x0  }
0x14e: {  	s9 =	rddreg [dreg:$0x1e];
	[sflag:s22] =	ssyncadd.s32 $0xFFFFCE00  }
0x14f: {  	[tilespmem:s16], [sflag:$0x3] =	stream.indirect.gather [hbm4b:s0+s13], $0x80, s9, s13, $0xb8;
	[tilespmem:$0x1DEC0] =	vst v63  }
0x150: {  	_ =	swait.ge [sflag:s17], $0x3200  }
0x151: {  	[sflag:s17] =	ssyncset.done $0x0  }
0x152: {  	s9 =	rddreg [dreg:$0x1f];
	[sflag:s17] =	ssyncadd.s32 $0xFFFFCE00  }
0x153: {  	[spmem:s2] =	stream.indirect.scatter.add.f32 [tilespmem:s14], [sflag:$0x4], $0x80, s9, s13, $0xb8;
	[tilespmem:$0x1DEC0] =	vst v63  }
0x154: {  	_ =	swait.ge [sflag:s18], $0x3200  }
0x155: {  	s9 =	sld [smem:$0x7FA]  }
0x156: {  	[sflag:s18] =	ssyncset.done $0x0  }
0x157: {  	[sflag:s18] =	ssyncadd.s32 $0xFFFFCE00  }
0x158: {  	[tilespmem:s14], [sflag:$0x1] =	stream.indirect.gather [hbm4b:s0+s13], $0x80, s9, s13, $0xb8;
	[tilespmem:$0x1DEC0] =	vst v63  }
0x159: {  	_ =	swait.ge [sflag:s19], $0x3200  }
0x15a: {  	[sflag:s19] =	ssyncset.done $0x0  }
0x15b: {  	[sflag:s19] =	ssyncadd.s32 $0xFFFFCE00  }
0x15c: {  	[spmem:s2] =	stream.indirect.scatter.add.f32 [tilespmem:s15], [sflag:$0x5], $0x80, s23, s13, $0xb8;
	[tilespmem:$0x1DEC0] =	vst v63  }
0x15d: {  	_ =	swait.ge [sflag:s20], $0x3200  }
0x15e: {  	[sflag:s20] =	ssyncset.done $0x0  }
0x15f: {  	[sflag:s20] =	ssyncadd.s32 $0xFFFFCE00  }
0x160: {  	[tilespmem:s15], [sflag:$0x2] =	stream.indirect.gather [hbm4b:s0+s13], $0x80, s26, s13, $0xb8;
	[tilespmem:$0x1DEC0] =	vst v63  }
0x161: {  	_ =	swait.ge [sflag:s21], $0x3200  }
0x162: {  	[sflag:s21] =	ssyncset.done $0x0  }
0x163: {  	[sflag:s21] =	ssyncadd.s32 $0xFFFFCE00  }
0x164: {  	[spmem:s2] =	stream.indirect.scatter.add.f32 [tilespmem:s16], [sflag:$0x6], $0x80, s28, s13, $0xb8;
	[tilespmem:$0x1DEC0] =	vst v63  }
0x165: {  	_ =	swait.ge [sflag:s22], $0x3200  }
0x166: {  	[sflag:s22] =	ssyncset.done $0x0  }
0x167: {  	[sflag:s22] =	ssyncadd.s32 $0xFFFFCE00  }
0x168: {  	[tilespmem:s16], [sflag:$0x3] =	stream.indirect.gather [hbm4b:s0+s13], $0x80, s29, s13, $0xb8;
	[tilespmem:$0x1DEC0] =	vst v63  }
0x169: {  	_ =	swait.ge [sflag:s17], $0x3200  }
0x16a: {  	[sflag:s17] =	ssyncset.done $0x0  }
0x16b: {  	[sflag:s17] =	ssyncadd.s32 $0xFFFFCE00  }
0x16c: {  	[spmem:s2] =	stream.indirect.scatter.add.f32 [tilespmem:s14], [sflag:$0x4], $0x80, s30, s13, $0xb8;
	[tilespmem:$0x1DEC0] =	vst v63  }
0x16d: {  	_ =	swait.ge [sflag:s18], $0x3200  }
0x16e: {  	[sflag:s18] =	ssyncset.done $0x0  }
0x16f: {  	[sflag:s18] =	ssyncadd.s32 $0xFFFFCE00  }
0x170: {  	[tilespmem:s14], [sflag:$0x1] =	stream.indirect.gather [hbm4b:s0+s13], $0x80, s31, s13, $0xb8;
	[tilespmem:$0x1DEC0] =	vst v63  }
0x171: {  	_ =	swait.ge [sflag:s19], $0x3200  }
0x172: {  	[sflag:s19] =	ssyncset.done $0x0  }
0x173: {  	[sflag:s19] =	ssyncadd.s32 $0xFFFFCE00  }
0x174: {  	[spmem:s2] =	stream.indirect.scatter.add.f32 [tilespmem:s15], [sflag:$0x5], $0x80, s1, s13, $0xb8;
	[tilespmem:$0x1DEC0] =	vst v63  }
0x175: {  	_ =	swait.ge [sflag:s20], $0x3200  }
0x176: {  	[sflag:s20] =	ssyncset.done $0x0  }
0x177: {  	[sflag:s20] =	ssyncadd.s32 $0xFFFFCE00  }
0x178: {  	[tilespmem:s15], [sflag:$0x2] =	stream.indirect.gather [hbm4b:s0+s13], $0x80, s4, s13, $0xb8;
	[tilespmem:$0x1DEC0] =	vst v63  }
0x179: {  	_ =	swait.ge [sflag:s21], $0x3200  }
0x17a: {  	[sflag:s21] =	ssyncset.done $0x0  }
0x17b: {  	[sflag:s21] =	ssyncadd.s32 $0xFFFFCE00  }
0x17c: {  	[spmem:s2] =	stream.indirect.scatter.add.f32 [tilespmem:s16], [sflag:$0x6], $0x80, s6, s13, $0xb8;
	[tilespmem:$0x1DEC0] =	vst v63  }
0x17d: {  	_ =	swait.ge [sflag:s17], $0x3200  }
0x17e: {  	[sflag:s17] =	ssyncset.done $0x0  }
0x17f: {  	[sflag:s17] =	ssyncadd.s32 $0xFFFFCE00  }
0x180: {  	[spmem:s2] =	stream.indirect.scatter.add.f32 [tilespmem:s14], [sflag:$0x4], $0x80, s7, s13, $0xb8;
	[tilespmem:$0x1DEC0] =	vst v63  }
0x181: {  	_ =	swait.ge [sflag:s19], $0x3200  }
0x182: {  	[sflag:s19] =	ssyncset.done $0x0  }
0x183: {  	[sflag:s19] =	ssyncadd.s32 $0xFFFFCE00  }
0x184: {  	[spmem:s2] =	stream.indirect.scatter.add.f32 [tilespmem:s15], [sflag:$0x5], $0x80, s8, s13, $0xb8;
	[tilespmem:$0x1DEC0] =	vst v63  }
0x185: {  	_ =	swait.ge [sflag:s18], $0x3200  }
0x186: {  	[sflag:s18] =	ssyncset.done $0x0  }
0x187: {  	p1 =	sne.s32 s25, $0x410;
	[sflag:s18] =	ssyncadd.s32 $0xFFFFCE00  }
.Ltmp0:
0x188: {  	_ =	swait.ge [sflag:s20], $0x3200;
	(pc) =	sbr.rel @p1 .LBB2_2-.Ltmp0, $4  }
0x189: {  	[sflag:s20] =	ssyncset.done $0x0  }
0x18a: {  	[sflag:s20] =	ssyncadd.s32 $0xFFFFCE00  }
0x18b: {  	_ =	swait.ge [sflag:s22], $0x3200  }
0x18c: {  	s25 =	sadd.s32 $0x104, s25;
	s5 =	rddreg [dreg:$0x5];
	[sflag:s22] =	ssyncset.done $0x0  }
0x18d: {  	[sflag:s22] =	ssyncadd.s32 $0xFFFFCE00;
	s5 =	sadd.s32 s24, s5  }
0x18e: {  	[tilespmem:s11], [sflag:$0x7] =	stream.linear.gather [hbm4b:s5+s3], $0x820, $0x38;
	[tilespmem:$0x1DEC0] =	vst v63  }
0x18f: {  	_ =	swait.ge [sflag:s10], $0x820  }
0x190: {  	s9 =	rddreg [dreg:$0x4];
	[sflag:s10] =	ssyncset.done $0x0  }
0x191: {  	[sflag:s10] =	ssyncadd.s32 $0xFFFFF7E0;
	s5 =	sadd.s32 s24, s9  }
0x192: {  	[tilespmem:s12], [sflag:$0x7] =	stream.linear.gather [hbm4b:s5+s3], $0x820, $0x38;
	[tilespmem:$0x1DEC0] =	vst v63  }
0x193: {  	_ =	swait.ge [sflag:s10], $0x820  }
0x194: {  	[sflag:s10] =	ssyncset.done $0x0  }
0x195: {  	[sflag:s10] =	ssyncadd.s32 $0xFFFFF7E0  }
0x196: {  	[tilespmem:s14], [sflag:$0x1] =	stream.indirect.gather [hbm4b:s0+s13], $0x80, s11, s13, $0xb8;
	[tilespmem:$0x1DEC0] =	vst v63  }
0x197: {  	s24 =	rddreg [dreg:$0x6]  }
0x198: {  	[tilespmem:s15], [sflag:$0x2] =	stream.indirect.gather [hbm4b:s0+s13], $0x80, s24, s13, $0xb8;
	[tilespmem:$0x1DEC0] =	vst v63  }
0x199: {  	s9 =	rddreg [dreg:$0x7]  }
0x19a: {  	[tilespmem:s16], [sflag:$0x3] =	stream.indirect.gather [hbm4b:s0+s13], $0x80, s9, s13, $0xb8;
	[tilespmem:$0x1DEC0] =	vst v63  }
0x19b: {  	_ =	swait.ge [sflag:s17], $0x3200  }
0x19c: {  	[sflag:s17] =	ssyncset.done $0x0  }
0x19d: {  	[sflag:s17] =	ssyncadd.s32 $0xFFFFCE00  }
0x19e: {  	[spmem:s2] =	stream.indirect.scatter.add.f32 [tilespmem:s14], [sflag:$0x4], $0x80, s12, s13, $0xb8;
	[tilespmem:$0x1DEC0] =	vst v63  }
0x19f: {  	_ =	swait.ge [sflag:s18], $0x3200  }
0x1a0: {  	[sflag:s18] =	ssyncset.done $0x0  }
0x1a1: {  	s25 =	rddreg [dreg:$0x8];
	[sflag:s18] =	ssyncadd.s32 $0xFFFFCE00  }
0x1a2: {  	[tilespmem:s14], [sflag:$0x1] =	stream.indirect.gather [hbm4b:s0+s13], $0x80, s25, s13, $0xb8;
	[tilespmem:$0x1DEC0] =	vst v63  }
0x1a3: {  	_ =	swait.ge [sflag:s19], $0x3200  }
0x1a4: {  	[sflag:s19] =	ssyncset.done $0x0  }
0x1a5: {  	s9 =	rddreg [dreg:$0x9];
	[sflag:s19] =	ssyncadd.s32 $0xFFFFCE00  }
0x1a6: {  	[spmem:s2] =	stream.indirect.scatter.add.f32 [tilespmem:s15], [sflag:$0x5], $0x80, s9, s13, $0xb8;
	[tilespmem:$0x1DEC0] =	vst v63  }
0x1a7: {  	_ =	swait.ge [sflag:s20], $0x3200  }
0x1a8: {  	[sflag:s20] =	ssyncset.done $0x0  }
0x1a9: {  	s24 =	rddreg [dreg:$0xa];
	[sflag:s20] =	ssyncadd.s32 $0xFFFFCE00  }
0x1aa: {  	[tilespmem:s15], [sflag:$0x2] =	stream.indirect.gather [hbm4b:s0+s13], $0x80, s24, s13, $0xb8;
	[tilespmem:$0x1DEC0] =	vst v63  }
0x1ab: {  	_ =	swait.ge [sflag:s21], $0x3200  }
0x1ac: {  	[sflag:s21] =	ssyncset.done $0x0  }
0x1ad: {  	s25 =	rddreg [dreg:$0xb];
	[sflag:s21] =	ssyncadd.s32 $0xFFFFCE00  }
0x1ae: {  	[spmem:s2] =	stream.indirect.scatter.add.f32 [tilespmem:s16], [sflag:$0x6], $0x80, s25, s13, $0xb8;
	[tilespmem:$0x1DEC0] =	vst v63  }
0x1af: {  	_ =	swait.ge [sflag:s22], $0x3200  }
0x1b0: {  	[sflag:s22] =	ssyncset.done $0x0  }
0x1b1: {  	s9 =	rddreg [dreg:$0xc];
	[sflag:s22] =	ssyncadd.s32 $0xFFFFCE00  }
0x1b2: {  	[tilespmem:s16], [sflag:$0x3] =	stream.indirect.gather [hbm4b:s0+s13], $0x80, s9, s13, $0xb8;
	[tilespmem:$0x1DEC0] =	vst v63  }
0x1b3: {  	_ =	swait.ge [sflag:s17], $0x3200  }
0x1b4: {  	[sflag:s17] =	ssyncset.done $0x0  }
0x1b5: {  	s24 =	rddreg [dreg:$0xd];
	[sflag:s17] =	ssyncadd.s32 $0xFFFFCE00  }
0x1b6: {  	[spmem:s2] =	stream.indirect.scatter.add.f32 [tilespmem:s14], [sflag:$0x4], $0x80, s24, s13, $0xb8;
	[tilespmem:$0x1DEC0] =	vst v63  }
0x1b7: {  	_ =	swait.ge [sflag:s18], $0x3200  }
0x1b8: {  	[sflag:s18] =	ssyncset.done $0x0  }
0x1b9: {  	s25 =	rddreg [dreg:$0xe];
	[sflag:s18] =	ssyncadd.s32 $0xFFFFCE00  }
0x1ba: {  	[tilespmem:s14], [sflag:$0x1] =	stream.indirect.gather [hbm4b:s0+s13], $0x80, s25, s13, $0xb8;
	[tilespmem:$0x1DEC0] =	vst v63  }
0x1bb: {  	_ =	swait.ge [sflag:s19], $0x3200  }
0x1bc: {  	[sflag:s19] =	ssyncset.done $0x0  }
0x1bd: {  	s9 =	rddreg [dreg:$0xf];
	[sflag:s19] =	ssyncadd.s32 $0xFFFFCE00  }
0x1be: {  	[spmem:s2] =	stream.indirect.scatter.add.f32 [tilespmem:s15], [sflag:$0x5], $0x80, s9, s13, $0xb8;
	[tilespmem:$0x1DEC0] =	vst v63  }
0x1bf: {  	_ =	swait.ge [sflag:s20], $0x3200  }
0x1c0: {  	[sflag:s20] =	ssyncset.done $0x0  }
0x1c1: {  	s24 =	rddreg [dreg:$0x10];
	[sflag:s20] =	ssyncadd.s32 $0xFFFFCE00  }
0x1c2: {  	[tilespmem:s15], [sflag:$0x2] =	stream.indirect.gather [hbm4b:s0+s13], $0x80, s24, s13, $0xb8;
	[tilespmem:$0x1DEC0] =	vst v63  }
0x1c3: {  	_ =	swait.ge [sflag:s21], $0x3200  }
0x1c4: {  	[sflag:s21] =	ssyncset.done $0x0  }
0x1c5: {  	s25 =	rddreg [dreg:$0x11];
	[sflag:s21] =	ssyncadd.s32 $0xFFFFCE00  }
0x1c6: {  	[spmem:s2] =	stream.indirect.scatter.add.f32 [tilespmem:s16], [sflag:$0x6], $0x80, s25, s13, $0xb8;
	[tilespmem:$0x1DEC0] =	vst v63  }
0x1c7: {  	_ =	swait.ge [sflag:s22], $0x3200  }
0x1c8: {  	[sflag:s22] =	ssyncset.done $0x0  }
0x1c9: {  	s9 =	rddreg [dreg:$0x12];
	[sflag:s22] =	ssyncadd.s32 $0xFFFFCE00  }
0x1ca: {  	[tilespmem:s16], [sflag:$0x3] =	stream.indirect.gather [hbm4b:s0+s13], $0x80, s9, s13, $0xb8;
	[tilespmem:$0x1DEC0] =	vst v63  }
0x1cb: {  	_ =	swait.ge [sflag:s17], $0x3200  }
0x1cc: {  	[sflag:s17] =	ssyncset.done $0x0  }
0x1cd: {  	s24 =	rddreg [dreg:$0x13];
	[sflag:s17] =	ssyncadd.s32 $0xFFFFCE00  }
0x1ce: {  	[spmem:s2] =	stream.indirect.scatter.add.f32 [tilespmem:s14], [sflag:$0x4], $0x80, s24, s13, $0xb8;
	[tilespmem:$0x1DEC0] =	vst v63  }
0x1cf: {  	_ =	swait.ge [sflag:s18], $0x3200  }
0x1d0: {  	[sflag:s18] =	ssyncset.done $0x0  }
0x1d1: {  	s25 =	rddreg [dreg:$0x14];
	[sflag:s18] =	ssyncadd.s32 $0xFFFFCE00  }
0x1d2: {  	[tilespmem:s14], [sflag:$0x1] =	stream.indirect.gather [hbm4b:s0+s13], $0x80, s25, s13, $0xb8;
	[tilespmem:$0x1DEC0] =	vst v63  }
0x1d3: {  	_ =	swait.ge [sflag:s19], $0x3200  }
0x1d4: {  	[sflag:s19] =	ssyncset.done $0x0  }
0x1d5: {  	s9 =	rddreg [dreg:$0x15];
	[sflag:s19] =	ssyncadd.s32 $0xFFFFCE00  }
0x1d6: {  	[spmem:s2] =	stream.indirect.scatter.add.f32 [tilespmem:s15], [sflag:$0x5], $0x80, s9, s13, $0xb8;
	[tilespmem:$0x1DEC0] =	vst v63  }
0x1d7: {  	_ =	swait.ge [sflag:s20], $0x3200  }
0x1d8: {  	[sflag:s20] =	ssyncset.done $0x0  }
0x1d9: {  	s24 =	rddreg [dreg:$0x16];
	[sflag:s20] =	ssyncadd.s32 $0xFFFFCE00  }
0x1da: {  	[tilespmem:s15], [sflag:$0x2] =	stream.indirect.gather [hbm4b:s0+s13], $0x80, s24, s13, $0xb8;
	[tilespmem:$0x1DEC0] =	vst v63  }
0x1db: {  	_ =	swait.ge [sflag:s21], $0x3200  }
0x1dc: {  	[sflag:s21] =	ssyncset.done $0x0  }
0x1dd: {  	s25 =	rddreg [dreg:$0x17];
	[sflag:s21] =	ssyncadd.s32 $0xFFFFCE00  }
0x1de: {  	[spmem:s2] =	stream.indirect.scatter.add.f32 [tilespmem:s16], [sflag:$0x6], $0x80, s25, s13, $0xb8;
	[tilespmem:$0x1DEC0] =	vst v63  }
0x1df: {  	_ =	swait.ge [sflag:s22], $0x3200  }
0x1e0: {  	[sflag:s22] =	ssyncset.done $0x0  }
0x1e1: {  	s9 =	rddreg [dreg:$0x18];
	[sflag:s22] =	ssyncadd.s32 $0xFFFFCE00  }
0x1e2: {  	[tilespmem:s16], [sflag:$0x3] =	stream.indirect.gather [hbm4b:s0+s13], $0x80, s9, s13, $0xb8;
	[tilespmem:$0x1DEC0] =	vst v63  }
0x1e3: {  	_ =	swait.ge [sflag:s17], $0x3200  }
0x1e4: {  	[sflag:s17] =	ssyncset.done $0x0  }
0x1e5: {  	s24 =	rddreg [dreg:$0x19];
	[sflag:s17] =	ssyncadd.s32 $0xFFFFCE00  }
0x1e6: {  	[spmem:s2] =	stream.indirect.scatter.add.f32 [tilespmem:s14], [sflag:$0x4], $0x80, s24, s13, $0xb8;
	[tilespmem:$0x1DEC0] =	vst v63  }
0x1e7: {  	_ =	swait.ge [sflag:s18], $0x3200  }
0x1e8: {  	[sflag:s18] =	ssyncset.done $0x0  }
0x1e9: {  	s25 =	rddreg [dreg:$0x1a];
	[sflag:s18] =	ssyncadd.s32 $0xFFFFCE00  }
0x1ea: {  	[tilespmem:s14], [sflag:$0x1] =	stream.indirect.gather [hbm4b:s0+s13], $0x80, s25, s13, $0xb8;
	[tilespmem:$0x1DEC0] =	vst v63  }
0x1eb: {  	_ =	swait.ge [sflag:s19], $0x3200  }
0x1ec: {  	[sflag:s19] =	ssyncset.done $0x0  }
0x1ed: {  	s9 =	rddreg [dreg:$0x1b];
	[sflag:s19] =	ssyncadd.s32 $0xFFFFCE00  }
0x1ee: {  	[spmem:s2] =	stream.indirect.scatter.add.f32 [tilespmem:s15], [sflag:$0x5], $0x80, s9, s13, $0xb8;
	[tilespmem:$0x1DEC0] =	vst v63  }
0x1ef: {  	_ =	swait.ge [sflag:s20], $0x3200  }
0x1f0: {  	[sflag:s20] =	ssyncset.done $0x0  }
0x1f1: {  	s24 =	rddreg [dreg:$0x1c];
	[sflag:s20] =	ssyncadd.s32 $0xFFFFCE00  }
0x1f2: {  	[tilespmem:s15], [sflag:$0x2] =	stream.indirect.gather [hbm4b:s0+s13], $0x80, s24, s13, $0xb8;
	[tilespmem:$0x1DEC0] =	vst v63  }
0x1f3: {  	_ =	swait.ge [sflag:s21], $0x3200  }
0x1f4: {  	[sflag:s21] =	ssyncset.done $0x0  }
0x1f5: {  	s25 =	rddreg [dreg:$0x1d];
	[sflag:s21] =	ssyncadd.s32 $0xFFFFCE00  }
0x1f6: {  	[spmem:s2] =	stream.indirect.scatter.add.f32 [tilespmem:s16], [sflag:$0x6], $0x80, s25, s13, $0xb8;
	[tilespmem:$0x1DEC0] =	vst v63  }
0x1f7: {  	_ =	swait.ge [sflag:s22], $0x3200  }
0x1f8: {  	[sflag:s22] =	ssyncset.done $0x0  }
0x1f9: {  	s9 =	rddreg [dreg:$0x1e];
	[sflag:s22] =	ssyncadd.s32 $0xFFFFCE00  }
0x1fa: {  	[tilespmem:s16], [sflag:$0x3] =	stream.indirect.gather [hbm4b:s0+s13], $0x80, s9, s13, $0xb8;
	[tilespmem:$0x1DEC0] =	vst v63  }
0x1fb: {  	_ =	swait.ge [sflag:s17], $0x3200  }
0x1fc: {  	[sflag:s17] =	ssyncset.done $0x0  }
0x1fd: {  	s24 =	rddreg [dreg:$0x1f];
	[sflag:s17] =	ssyncadd.s32 $0xFFFFCE00  }
0x1fe: {  	[spmem:s2] =	stream.indirect.scatter.add.f32 [tilespmem:s14], [sflag:$0x4], $0x80, s24, s13, $0xb8;
	[tilespmem:$0x1DEC0] =	vst v63  }
0x1ff: {  	_ =	swait.ge [sflag:s18], $0x3200  }
0x200: {  	s25 =	sld [smem:$0x7FA]  }
0x201: {  	[sflag:s18] =	ssyncset.done $0x0  }
0x202: {  	[sflag:s18] =	ssyncadd.s32 $0xFFFFCE00  }
0x203: {  	[tilespmem:s14], [sflag:$0x1] =	stream.indirect.gather [hbm4b:s0+s13], $0x80, s25, s13, $0xb8;
	[tilespmem:$0x1DEC0] =	vst v63  }
0x204: {  	_ =	swait.ge [sflag:s19], $0x3200  }
0x205: {  	[sflag:s19] =	ssyncset.done $0x0  }
0x206: {  	[sflag:s19] =	ssyncadd.s32 $0xFFFFCE00  }
0x207: {  	[spmem:s2] =	stream.indirect.scatter.add.f32 [tilespmem:s15], [sflag:$0x5], $0x80, s23, s13, $0xb8;
	[tilespmem:$0x1DEC0] =	vst v63  }
0x208: {  	_ =	swait.ge [sflag:s20], $0x3200  }
0x209: {  	[sflag:s20] =	ssyncset.done $0x0  }
0x20a: {  	[sflag:s20] =	ssyncadd.s32 $0xFFFFCE00  }
0x20b: {  	[tilespmem:s15], [sflag:$0x2] =	stream.indirect.gather [hbm4b:s0+s13], $0x80, s26, s13, $0xb8;
	[tilespmem:$0x1DEC0] =	vst v63  }
0x20c: {  	_ =	swait.ge [sflag:s21], $0x3200  }
0x20d: {  	[sflag:s21] =	ssyncset.done $0x0  }
0x20e: {  	[sflag:s21] =	ssyncadd.s32 $0xFFFFCE00  }
0x20f: {  	[spmem:s2] =	stream.indirect.scatter.add.f32 [tilespmem:s16], [sflag:$0x6], $0x80, s28, s13, $0xb8;
	[tilespmem:$0x1DEC0] =	vst v63  }
0x210: {  	_ =	swait.ge [sflag:s22], $0x3200  }
0x211: {  	[sflag:s22] =	ssyncset.done $0x0  }
0x212: {  	[sflag:s22] =	ssyncadd.s32 $0xFFFFCE00  }
0x213: {  	[tilespmem:s16], [sflag:$0x3] =	stream.indirect.gather [hbm4b:s0+s13], $0x80, s29, s13, $0xb8;
	[tilespmem:$0x1DEC0] =	vst v63  }
0x214: {  	_ =	swait.ge [sflag:s17], $0x3200  }
0x215: {  	[sflag:s17] =	ssyncset.done $0x0  }
0x216: {  	[sflag:s17] =	ssyncadd.s32 $0xFFFFCE00  }
0x217: {  	[spmem:s2] =	stream.indirect.scatter.add.f32 [tilespmem:s14], [sflag:$0x4], $0x80, s30, s13, $0xb8;
	[tilespmem:$0x1DEC0] =	vst v63  }
0x218: {  	_ =	swait.ge [sflag:s18], $0x3200  }
0x219: {  	[sflag:s18] =	ssyncset.done $0x0  }
0x21a: {  	[sflag:s18] =	ssyncadd.s32 $0xFFFFCE00  }
0x21b: {  	[tilespmem:s14], [sflag:$0x1] =	stream.indirect.gather [hbm4b:s0+s13], $0x80, s31, s13, $0xb8;
	[tilespmem:$0x1DEC0] =	vst v63  }
0x21c: {  	_ =	swait.ge [sflag:s19], $0x3200  }
0x21d: {  	[sflag:s19] =	ssyncset.done $0x0  }
0x21e: {  	[sflag:s19] =	ssyncadd.s32 $0xFFFFCE00  }
0x21f: {  	[spmem:s2] =	stream.indirect.scatter.add.f32 [tilespmem:s15], [sflag:$0x5], $0x80, s1, s13, $0xb8;
	[tilespmem:$0x1DEC0] =	vst v63  }
0x220: {  	_ =	swait.ge [sflag:s20], $0x3200  }
0x221: {  	[sflag:s20] =	ssyncset.done $0x0  }
0x222: {  	[sflag:s20] =	ssyncadd.s32 $0xFFFFCE00  }
0x223: {  	[tilespmem:s15], [sflag:$0x2] =	stream.indirect.gather [hbm4b:s0+s13], $0x80, s4, s13, $0xb8;
	[tilespmem:$0x1DEC0] =	vst v63  }
0x224: {  	_ =	swait.ge [sflag:s21], $0x3200  }
0x225: {  	[sflag:s21] =	ssyncset.done $0x0  }
0x226: {  	[sflag:s21] =	ssyncadd.s32 $0xFFFFCE00  }
0x227: {  	[spmem:s2] =	stream.indirect.scatter.add.f32 [tilespmem:s16], [sflag:$0x6], $0x80, s6, s13, $0xb8;
	[tilespmem:$0x1DEC0] =	vst v63  }
0x228: {  	_ =	swait.ge [sflag:s17], $0x3200  }
0x229: {  	[sflag:s17] =	ssyncset.done $0x0  }
0x22a: {  	[sflag:s17] =	ssyncadd.s32 $0xFFFFCE00  }
0x22b: {  	[spmem:s2] =	stream.indirect.scatter.add.f32 [tilespmem:s14], [sflag:$0x4], $0x80, s7, s13, $0xb8;
	[tilespmem:$0x1DEC0] =	vst v63  }
0x22c: {  	_ =	swait.ge [sflag:s19], $0x3200  }
0x22d: {  	[sflag:s19] =	ssyncset.done $0x0  }
0x22e: {  	[sflag:s19] =	ssyncadd.s32 $0xFFFFCE00  }
0x22f: {  	[spmem:s2] =	stream.indirect.scatter.add.f32 [tilespmem:s15], [sflag:$0x5], $0x80, s8, s13, $0xb8;
	[tilespmem:$0x1DEC0] =	vst v63  }
0x230: {  	_ =	swait.ge [sflag:s18], $0x3200  }
0x231: {  	[sflag:s18] =	ssyncset.done $0x0  }
0x232: {  	[sflag:s18] =	ssyncadd.s32 $0xFFFFCE00  }
0x233: {  	_ =	swait.ge [sflag:s20], $0x3200  }
0x234: {  	[sflag:s20] =	ssyncset.done $0x0  }
0x235: {  	[sflag:s20] =	ssyncadd.s32 $0xFFFFCE00  }
0x236: {  	_ =	swait.ge [sflag:s22], $0x3200  }
0x237: {  	[sflag:s22] =	ssyncset.done $0x0  }
0x238: {  	[sflag:s22] =	ssyncadd.s32 $0xFFFFCE00  }
0x239: {  	[bflag:$0x0] =	sbarrier.arrive $0xFFFF  }
0x23a: {  	s24 =	sld [smem:$0x7FD]  }
0x23b: {  	s9 =	sld [smem:$0x7F6]  }
0x23c: {  	s25 =	sld [smem:$0x7FB];
	_ =	sdelay $0x2  }
0x23d: {  	[hbm:s9], [sflag:s24] =	dma.local [spmem:s25], $0x2700  }
0x23e: {  	_ =	swait.ge [sflag:s10], $0x2700  }
0x23f: {  	s5 =	sld [smem:$0x7F7]  }
0x240: {  	s9 =	sld [smem:$0x7FC]  }
0x241: {  	[sflag:s10] =	ssyncset.done $0x0  }
0x242: {  	[sflag:s10] =	ssyncadd.s32 $0xFFFFD900  }
0x243: {  	[hbm:s5], [sflag:s24] =	dma.local @!p0 [spmem:s9], $0x100  }
0x244: {  	s5 =	simm.s32 @!p0 $0x7  }
0x245: {  	_ =	swait.ge @!p0 [sflag:s5], $0x100  }
0x246: {  	s25 =	sld [smem:$0x7F4]  }
0x247: {  	s9 =	sld [smem:$0x7F8];
	_ =	sdelay $0x1  }
0x248: {  	s25 =	sadd.s32 $0x1, s25  }
0x249: {  	p1 =	sne.s32 s25, s9  }
.Ltmp1:
0x24a: {  	_ = 	snop;
	(pc) =	sbr.rel @p1 .LBB2_1-.Ltmp1, $3  }
0x24b: {  	_ =	sdelay $0x1  }
0x24c: {  	[sflag:s5] =	ssyncset.done @!p0 $0x0  }
0x24d: {  	[sflag:s5] =	ssyncadd.s32 @!p0 $0xFFFFFF00  }
0x24e: {  	_ =	sfence.sel $0x180000  }
0x24f: {  	[bflag:$0x0] =	sbarrier.arrive $0xFFFF  }
0x250: {  	_ =	strace $0x9000004A  }
0x251: {  	[bflag:$0x2] =	sbarrier.arrive $0xFFFF  }
0x252: {  	s0 =	rddreg [dreg:$0x3]  }
0x253: {  	s0 =	sadd.s32 @!p0 $0x100000, s0  }
0x254: {  	[sflag:s0] =	ssyncadd.tile.s32 @!p0 $0x1;
	_ =	shalt  }
.Lfunc_end2:
_tile_overlayer_lowered:
.L_overlay_start_2:
0x255: {  	(tag) =	ssettag $0x2  }
0x256: {  	s0 =	rddreg [dreg:$0x0];
	s2 =	stileid.u32  }
0x257: {  	s1 =	rddreg [dreg:$0x1];
	p0 =	sne.s32 s2, $0x0  }
0x258: {  	s3 =	rddreg [dreg:$0x2];
	[bflag:$0x3] =	sbarrier.arrive $0xFFFF;
	s2 =	simm.s32 @!p0 $0x1C07  }
0x259: {  	[timem:s3], [sflag:s2] =	dma.local @!p0 [hbm:s0], s1  }
0x25a: {  	s0 =	simm.s32 @!p0 $0x7  }
0x25b: {  	_ =	swait.ge @!p0 [sflag:s0], s1  }
0x25c: {  	s1 =	ssub.s32 @!p0 $0x0, s1;
	[sflag:s0] =	ssyncset.done @!p0 $0x0  }
0x25d: {  	[sflag:s0] =	ssyncadd.s32 @!p0 s1  }
0x25e: {  	[bflag:$0x3] =	sbarrier.arrive $0xFFFF  }
0x25f: {  	_ =	shalt  }

// kernel: kernel.14.cloned.1.call-start
scs
__scs_entry_jumppad:
0x0: {  	(pc) =	sbr.rel $0x88, $3  }
0x1: {  	(tag) =	ssettag $0x0;
	lr =	simm.s32 $0x1  }
0x2: {  	[smem:$0x3F99] =	sst lr;
	_ =	strace $0xD0000000  }
0x3: {  	_ = 	snop  }
0x4: {  	_ = 	snop  }
0x5: {  	_ = 	snop  }
0x6: {  	_ = 	snop  }
0x7: {  	_ = 	snop  }
__scs_overlays_trampoline_lowered:
0x8: {  	[smem:$0x3FA8] =	sst s0  }
0x9: {  	[smem:$0x3FA9] =	sst s1  }
0xa: {  	[smem:$0x3FAA] =	sst s2  }
0xb: {  	[smem:$0x3FAB] =	sst s3  }
0xc: {  	[smem:$0x3FAC] =	sst s4  }
0xd: {  	[smem:$0x3FAD] =	sst s5  }
0xe: {  	[smem:$0x3FAE] =	sst s6  }
0xf: {  	[smem:$0x3FAF] =	sst s7  }
0x10: {  	[smem:$0x3FB0] =	sst s8  }
0x11: {  	[smem:$0x3FB1] =	sst s9;
	s0 =	simm.s32 @!p0 $0x0  }
0x12: {  	s1 =	sld [smem:$0x3F97];
	s0 =	simm.s32 @p0 $0x1  }
0x13: {  	[smem:$0x3FB2] =	sst s0;
	s0 =	simm.s32 @!p1 $0x0  }
0x14: {  	s2 =	sld [smem:$0x3F96];
	s0 =	simm.s32 @p1 $0x1  }
0x15: {  	[smem:$0x3FB3] =	sst s0;
	s0 =	simm.s32 @!p2 $0x0  }
0x16: {  	s3 =	sld [smem:$0x3FDB];
	s0 =	simm.s32 @p2 $0x1  }
0x17: {  	s4 =	simm.s32 $0x1BF5;
	[smem:$0x3FB5] =	sst s0  }
0x18: {  	s0 =	sld [smem:$0x3F98];
	_ =	swait.ge [sflag:s4], $0x0  }
0x19: {  	s7 =	sld [smem:$0x3F99]  }
0x1a: {  	s8 =	sadd.s32 $0xFFFFE003, lr  }
0x1b: {  	s9 =	sadd.s32 $0xFFFFFEF7, lr;
	s5 =	simm.s32 $0xFFFFFFFF;
	p2 =	slt.u32 s8, $0xFFFFF086  }
0x1c: {  	p1 =	slt.u32 s9, $0xF7A;
	s5 =	simm.s32 @!p2 $0x0  }
0x1d: {  	s5 =	simm.s32 @p1 $0x1;
	p0 =	seq.s32 s7, s2  }
0x1e: {  	s7 =	smul.u32 @!p0 $0xF7A, s2;
	p2 =	seq.s32 @!p0 s5, $0x0  }
0x1f: {  	s9 =	smul.u32 $0xF7A, s1;
	s8 =	simm.s32 @!p0 $0x1BF5;
	p2 =	por !p2, p0  }
0x20: {  	[sflag:s8] =	ssyncset.s32 @!p0 $0xFFFFF086;
	s6 =	sadd.s32 @!p0 s3, s7;
	s7 =	simm.s32 @!p0 $0x108  }
0x21: {  	s3 =	sadd.s32 s3, s9;
	s6 =	sadd.s32 @!p0 $0x88, s6;
	s7 =	simm.s32 @p2 $0x1082  }
0x22: {  	[simem:s7], [sflag:s8] =	dma.local @!p0 [hbm:s6], $0xF7A  }
0x23: {  	s9 =	sor.u32 $0xD0000000, s2;
	s6 =	simm.s32 $0x108;
	_ =	swait.ge @!p0 [sflag:s8], $0x0  }
0x24: {  	s3 =	sadd.s32 $0x88, s3;
	s6 =	simm.s32 @!p1 $0x1082;
	[sflag:s4] =	ssyncset.s32 $0xFFFFF086  }
0x25: {  	[simem:s6], [sflag:s4] =	dma.local [hbm:s3], $0xF7A  }
0x26: {  	[smem:$0x3F99] =	sst s1;
	(tag) =	ssettag s2;
	_ =	strace s9  }
0x27: {  	s1 =	sld [smem:$0x3FA9]  }
0x28: {  	s2 =	sld [smem:$0x3FAA]  }
0x29: {  	s4 =	sld [smem:$0x3FAC]  }
0x2a: {  	p0 =	seq.s32 s5, $0x0;
	s5 =	sld [smem:$0x3FAD]  }
0x2b: {  	s6 =	sld [smem:$0x3FAE]  }
0x2c: {  	s7 =	sld [smem:$0x3FAF]  }
0x2d: {  	s3 =	simm.s32 $0x108;
	s8 =	sld [smem:$0x3FB0]  }
0x2e: {  	s3 =	simm.s32 @!p0 $0x1082;
	s9 =	sld [smem:$0x3FB1]  }
0x2f: {  	lr =	sadd.s32 s0, s3;
	s0 =	sld [smem:$0x3FA8]  }
0x30: {  	s3 =	sld [smem:$0x3FAB]  }
0x31: {  	[smem:$0x3FB4] =	sst s10  }
0x32: {  	s10 =	sld [smem:$0x3FB2];
	_ =	sdelay $0x3  }
0x33: {  	p0 =	seq.s32 s10, $0x1;
	s10 =	sld [smem:$0x3FB4];
	_ =	sdelay $0x3  }
0x34: {  	[smem:$0x3FB4] =	sst s10  }
0x35: {  	s10 =	sld [smem:$0x3FB3];
	_ =	sdelay $0x3  }
0x36: {  	p1 =	seq.s32 s10, $0x1;
	s10 =	sld [smem:$0x3FB4];
	_ =	sdelay $0x3  }
0x37: {  	[smem:$0x3FB4] =	sst s10  }
0x38: {  	s10 =	sld [smem:$0x3FB5]  }
0x39: {  	_ = 	snop;
	(pc) =	sbr.ind lr, $3  }
0x3a: {  	_ = 	snop  }
0x3b: {  	_ = 	snop  }
0x3c: {  	p2 =	seq.s32 s10, $0x1;
	s10 =	sld [smem:$0x3FB4]  }
0x3d: {  	_ =	shalt  }
0x3e: {  	_ =	shalt  }
0x3f: {  	_ =	shalt  }
0x40: {  	_ =	shalt  }
0x41: {  	_ =	shalt  }
0x42: {  	_ =	shalt  }
0x43: {  	_ =	shalt  }
0x44: {  	_ =	shalt  }
0x45: {  	_ =	shalt  }
0x46: {  	_ =	shalt  }
0x47: {  	_ =	shalt  }
0x48: {  	_ =	shalt  }
0x49: {  	_ =	shalt  }
0x4a: {  	_ =	shalt  }
0x4b: {  	_ =	shalt  }
0x4c: {  	_ =	shalt  }
0x4d: {  	_ =	shalt  }
0x4e: {  	_ =	shalt  }
0x4f: {  	_ =	shalt  }
0x50: {  	_ =	shalt  }
0x51: {  	_ =	shalt  }
0x52: {  	_ =	shalt  }
0x53: {  	_ =	shalt  }
0x54: {  	_ =	shalt  }
0x55: {  	_ =	shalt  }
0x56: {  	_ =	shalt  }
0x57: {  	_ =	shalt  }
0x58: {  	_ =	shalt  }
0x59: {  	_ =	shalt  }
0x5a: {  	_ =	shalt  }
0x5b: {  	_ =	shalt  }
0x5c: {  	_ =	shalt  }
0x5d: {  	_ =	shalt  }
0x5e: {  	_ =	shalt  }
0x5f: {  	_ =	shalt  }
0x60: {  	_ =	shalt  }
0x61: {  	_ =	shalt  }
0x62: {  	_ =	shalt  }
0x63: {  	_ =	shalt  }
0x64: {  	_ =	shalt  }
0x65: {  	_ =	shalt  }
0x66: {  	_ =	shalt  }
0x67: {  	_ =	shalt  }
0x68: {  	_ =	shalt  }
0x69: {  	_ =	shalt  }
0x6a: {  	_ =	shalt  }
0x6b: {  	_ =	shalt  }
0x6c: {  	_ =	shalt  }
0x6d: {  	_ =	shalt  }
0x6e: {  	_ =	shalt  }
0x6f: {  	_ =	shalt  }
0x70: {  	_ =	shalt  }
0x71: {  	_ =	shalt  }
0x72: {  	_ =	shalt  }
0x73: {  	_ =	shalt  }
0x74: {  	_ =	shalt  }
0x75: {  	_ =	shalt  }
0x76: {  	_ =	shalt  }
0x77: {  	_ =	shalt  }
0x78: {  	_ =	shalt  }
0x79: {  	_ =	shalt  }
0x7a: {  	_ =	shalt  }
0x7b: {  	_ =	shalt  }
0x7c: {  	_ =	shalt  }
0x7d: {  	_ =	shalt  }
0x7e: {  	_ =	shalt  }
0x7f: {  	_ =	shalt  }
0x80: {  	_ =	shalt  }
0x81: {  	_ =	shalt  }
0x82: {  	_ =	shalt  }
0x83: {  	_ =	shalt  }
0x84: {  	_ =	shalt  }
0x85: {  	_ =	shalt  }
0x86: {  	_ =	shalt  }
0x87: {  	_ =	shalt  }
.Lfunc_end0:
.L_simem_size_0:
called_computation.2_lowered:
.L_overlay_start_0:
0x88: {  	s2 =	sld [smem:$0x3FD9]  }
0x89: {  	s3 =	sld [smem:$0x3FFE];
	_ =	sdelay $0x1  }
0x8a: {  	s1 =	srdreg.scid  }
0x8b: {  	s0 =	sand.u32 $0x1, s1  }
0x8c: {  	s17 =	sshll.u32 s0, $0xA;
	s2 =	sadd.s32 s3, s2  }
0x8d: {  	s2 =	sadd.s32 s2, s17  }
0x8e: {  	[smem:$0x3FC0] =	sst s2  }
0x8f: {  	_ = 	snop  }
0x90: {  	s2 =	sld [smem:$0x3FD0];
	(tm) =	ssettm $0x1  }
0x91: {  	s18 =	sld [smem:$0x3FFB];
	_ =	sdelay $0x3  }
0x92: {  	_ =	strace s18  }
0x93: {  	s3 =	sld [smem:$0x3FFC];
	_ =	sdelay $0x3  }
0x94: {  	_ =	strace s3  }
0x95: {  	s3 =	sld [smem:$0x3FFD];
	_ =	sdelay $0x3  }
0x96: {  	_ =	strace s3  }
0x97: {  	_ =	strace $0x8FFFFFFF  }
0x98: {  	s19 =	sld [smem:$0x3FDB];
	_ =	sdelay $0x1  }
0x99: {  	s4 =	simm.s32 $_scs_section_size  }
0x9a: {  	s5 =	simm.s32 $_size__tile_overlayer_lowered;
	s6 =	simm.s32 $_tile_overlayer_lowered  }
0x9b: {  	s22 =	simm.s32 $0x1BFF;
	s21 =	sshll.u32 s6, $0x1;
	s3 =	sadd.s32 s4, s19  }
0x9c: {  	s7 =	simm.s32 $0x0;
	s20 =	sshll.u32 s5, $0x1;
	s5 =	sadd.s32 s21, s3  }
0x9d: {  	[timem:s7], [sflag:s22] =	dma.local [hbm:s5], s20  }
0x9e: {  	_ =	swait.ge [sflag:s22], s20  }
0x9f: {  	s4 =	ssub.s32 $0x0, s20;
	[sflag:s22] =	ssyncset.done $0x0  }
0xa0: {  	[sflag:s22] =	ssyncadd.s32 s4;
	_ =	sdelay $0x1  }
0xa1: {  	s23 =	simm.s32 $0x1B8B  }
0xa2: {  	_ =	swait.ge [sflag:s23], $0x1  }
0xa3: {  	[sflag:s23] =	ssyncset.done $0x0  }
0xa4: {  	s25 =	simm.s32 $0x1B8E;
	s24 =	sld [smem:$0x3FFE];
	[sflag:s23] =	ssyncadd.s32 $0xFFFFFFFF  }
0xa5: {  	s26 =	simm.s32 $execute0_lowered;
	[smem:$0x3FD2] =	sst s25  }
0xa6: {  	s5 =	sshll.u32 s26, $0x1;
	_ =	strace $0x8000004C;
	[dreg:$0x1] =	wrdreg $0xFFFFFFFF  }
0xa7: {  	s28 =	simm.s32 $_size_execute0_lowered;
	s3 =	sadd.s32 s3, s5;
	[dreg:$0x0] =	wrdreg $0x0  }
0xa8: {  	s5 =	sshll.u32 s28, $0x1;
	[dreg:$0x2] =	wrdreg s3  }
0xa9: {  	[dreg:$0x3] =	wrdreg s5  }
0xaa: {  	[dreg:$0x4] =	wrdreg $0xC0  }
0xab: {  	_ =	task [dreg:s7], $0x5FFFF  }
0xac: {  	[dreg:$0x1] =	wrdreg $0xFFFFFFFF  }
0xad: {  	[dreg:$0x0] =	wrdreg $0x60  }
0xae: {  	[dreg:$0x2] =	wrdreg s2  }
0xaf: {  	[dreg:$0x3] =	wrdreg s24  }
0xb0: {  	[dreg:$0x4] =	wrdreg $0x0  }
0xb1: {  	[dreg:$0x5] =	wrdreg $0x9  }
0xb2: {  	_ =	task.clear_ibuf [dreg:s7], $0x6FFFF;
	_ =	strace $0x9000004C  }
0xb3: {  	s29 =	simm.s32 $0x9;
	_ =	strace $0x8000004E  }
0xb4: {  	_ =	swait.ge [sflag:s29], $0x1  }
0xb5: {  	[sflag:s29] =	ssyncadd.s32 $0xFFFFFFFF  }
0xb6: {  	_ =	strace $0x9000004E  }
0xb7: {  	_ =	sfence  }
0xb8: {  	s30 =	sld [smem:$0x0];
	_ =	sdelay $0x2  }
0xb9: {  	s31 =	sshll.u32 s1, $0xD;
	s1 =	sshrl.u32 s1, $0x2  }
0xba: {  	s3 =	sand.u32 $0x4000, s31;
	s1 =	sadd.s32 s1, s30  }
0xbb: {  	s0 =	sor.u32 s3, s0;
	s1 =	sshll.u32 s1, $0x11  }
0xbc: {  	s0 =	sor.u32 s1, s0  }
0xbd: {  	s0 =	sadd.s32 $0x8F2B, s0  }
0xbe: {  	[sflag:s0] =	ssyncadd.remote.s32 $0x1  }
0xbf: {  	_ =	sfence.sel $0xFFFF  }
0xc0: {  	[dreg:$0x0] =	wrdreg $0xFFFFFFFF;
	(pc) =	sbr.abs _section_cstart, $3  }
0xc1: {  	[dreg:$0x1] =	wrdreg $0xFFFFFFFF  }
0xc2: {  	_ =	task.clear_ibuf [dreg:s7], $0x2FFFF;
	_ =	strace $0x9FFFFFFF  }
0xc3: {  	(tm) =	ssettm $0x7FFFFFFF  }
tec
execute0_lowered:
.L_overlay_start_1:
0x0: {  	(tag) =	ssettag $0x1  }
0x1: {  	s1 =	srdreg.scid;
	s0 =	stileid.u32  }
0x2: {  	s4 =	sand.u32 $0x1, s1;
	s3 =	smul.u32 $0x5140, s0  }
0x3: {  	s6 =	rddreg [dreg:$0x1];
	s5 =	smul.u32 $0x28A0, s4  }
0x4: {  	s2 =	rddreg [dreg:$0x2]  }
0x5: {  	s1 =	rddreg [dreg:$0x0];
	s5 =	sadd.s32 s5, s3;
	s3 =	simm.s32 $0x0  }
0x6: {  	s16 =	simm.s32 $0x9CA8;
	[smem:$0x7FF] =	sst s3  }
0x7: {  	s17 =	simm.s32 $0x9D10;
	_ =	strace $0x8000004D;
	[dreg:$0x6] =	wrdreg s16  }
0x8: {  	s19 =	sadd.s32 $0x2A00, s6;
	[dreg:$0x7] =	wrdreg s17  }
0x9: {  	s18 =	simm.s32 $0x9D78;
	[smem:$0x7EC] =	sst s19  }
0xa: {  	s20 =	simm.s32 $0x9DE0;
	[dreg:$0x8] =	wrdreg s18  }
0xb: {  	s21 =	simm.s32 $0x9E48;
	[dreg:$0x9] =	wrdreg s20  }
0xc: {  	s23 =	simm.s32 $0x9EB0;
	[dreg:$0xa] =	wrdreg s21  }
0xd: {  	s25 =	simm.s32 $0xA4C8;
	[dreg:$0xb] =	wrdreg s23  }
0xe: {  	s26 =	simm.s32 $0x9F18;
	s10 =	simm.s32 $0x9F80;
	[dreg:$0xc] =	wrdreg s25  }
0xf: {  	s11 =	simm.s32 $0xA598;
	s13 =	simm.s32 $0x9FE8;
	[dreg:$0xd] =	wrdreg s26  }
0x10: {  	s14 =	simm.s32 $0xA600;
	s15 =	simm.s32 $0xA050;
	[dreg:$0xf] =	wrdreg s10  }
0x11: {  	s28 =	simm.s32 $0x9;
	s29 =	simm.s32 $0x4;
	[dreg:$0x10] =	wrdreg s11  }
0x12: {  	s30 =	simm.s32 $0xA;
	s8 =	sadd.s32 $0x68200, s6;
	[dreg:$0x11] =	wrdreg s13  }
0x13: {  	s7 =	sadd.s32 $0x51400, s5;
	s5 =	sshrl.u32 s5, $0x3;
	[dreg:$0x12] =	wrdreg s14  }
0x14: {  	s31 =	simm.s32 $0x5;
	s5 =	sadd.s32 s5, s8;
	[dreg:$0x13] =	wrdreg s15  }
0x15: {  	s6 =	sadd.s32 $0x3E00, s6;
	s16 =	simm.s32 $0xA668;
	[dreg:$0x5] =	wrdreg s5  }
0x16: {  	s9 =	smul.u32 $0x27100, s0;
	s18 =	simm.s32 $0xA0B8;
	[dreg:$0x14] =	wrdreg s16  }
0x17: {  	s12 =	sshll.u32 s0, $0x6;
	s19 =	simm.s32 $0xA6D0;
	[dreg:$0x15] =	wrdreg s18  }
0x18: {  	p0 =	sne.s32 s0, $0x0;
	s20 =	simm.s32 $0xA120;
	[dreg:$0x16] =	wrdreg s19  }
0x19: {  	s22 =	ssub.s32 $0x2, s4;
	s21 =	simm.s32 $0xA738;
	[dreg:$0x17] =	wrdreg s20  }
0x1a: {  	s4 =	smul.u32 $0x9C400, s4;
	s23 =	simm.s32 $0xA7A0;
	[dreg:$0x18] =	wrdreg s21  }
0x1b: {  	s24 =	sshrl.u32 s22, $0x1;
	s25 =	simm.s32 $0xA1F0;
	[dreg:$0x1a] =	wrdreg s23  }
0x1c: {  	s9 =	sshrl.u32 s9, $0x2;
	s26 =	simm.s32 $0xA808;
	[dreg:$0x1b] =	wrdreg s25  }
0x1d: {  	s7 =	sshrl.u32 s7, $0x3;
	s11 =	simm.s32 $0xA258;
	[dreg:$0x1c] =	wrdreg s26  }
0x1e: {  	s10 =	smul.u32 $0x9C00, s0;
	s13 =	simm.s32 $0xA870;
	[dreg:$0x1d] =	wrdreg s11  }
0x1f: {  	s14 =	simm.s32 $0xA2C0;
	s15 =	simm.s32 $0xA8D8;
	[dreg:$0x1e] =	wrdreg s13  }
0x20: {  	s7 =	sadd.s32 s7, s8;
	s8 =	simm.s32 $0xA530;
	[dreg:$0x1f] =	wrdreg s14  }
0x21: {  	s5 =	sadd.s32 $0x9C000, s2;
	s11 =	simm.s32 $0x9C40;
	[smem:$0x7F1] =	sst s15  }
0x22: {  	s16 =	simm.s32 $0xA328;
	s13 =	simm.s32 $0x64;
	s14 =	simm.s32 $0xAC80  }
0x23: {  	s18 =	simm.s32 $0xA390;
	s15 =	simm.s32 $0xC580;
	[dreg:$0x4] =	wrdreg s7  }
0x24: {  	s19 =	simm.s32 $0xA9A8;
	s20 =	simm.s32 $0xA3F8;
	[dreg:$0xe] =	wrdreg s8  }
0x25: {  	s21 =	simm.s32 $0xAA10;
	s23 =	simm.s32 $0xAAE0;
	[smem:$0x7F2] =	sst s16  }
0x26: {  	s25 =	simm.s32 $0xAB48;
	s7 =	ssub.s32 s22, s24;
	[smem:$0x7F4] =	sst s18  }
0x27: {  	s8 =	sadd.s32 s9, s2;
	s24 =	sor.u32 $0x1C0D, s12;
	[smem:$0x7F5] =	sst s19  }
0x28: {  	s17 =	sadd.s32 s10, s4;
	s4 =	sshrl.u32 s4, $0x3;
	[smem:$0x7F6] =	sst s20  }
0x29: {  	s22 =	simm.s32 $0xA188;
	s16 =	simm.s32 $0xDE80;
	[smem:$0x7F7] =	sst s21  }
0x2a: {  	s18 =	simm.s32 $0x11080;
	s19 =	simm.s32 $0x12980;
	[smem:$0x7F9] =	sst s23  }
0x2b: {  	s20 =	simm.s32 $0x1;
	s21 =	simm.s32 $0x7;
	[smem:$0x7FA] =	sst s25  }
0x2c: {  	s23 =	simm.s32 $0x8;
	s0 =	sshrl.u32 @!p0 s5, $0x3;
	s25 =	simm.s32 $0x0  }
0x2d: {  	s9 =	sshrl.u32 s17, $0x3;
	s4 =	sadd.s32 s6, s4;
	[dreg:$0x19] =	wrdreg s22  }
0x2e: {  	s12 =	sshrl.u32 s8, $0x3;
	s17 =	simm.s32 $0xA940;
	[smem:$0x7FC] =	sst s0  }
0x2f: {  	s22 =	simm.s32 $0xAA78;
	s0 =	simm.s32 $0xB;
	[smem:$0x7FD] =	sst s24  }
0x30: {  	s8 =	simm.s32 $0xAC18;
	s9 =	sadd.s32 s6, s9;
	[smem:$0x7F0] =	sst s12  }
0x31: {  	s4 =	sadd.s32 $0x13800, s4;
	s12 =	simm.s32 $0xA460;
	[smem:$0x7F3] =	sst s17  }
0x32: {  	s17 =	simm.s32 $0xF780;
	[smem:$0x7F8] =	sst s22;
	s22 =	simm.s32 $0x2  }
0x33: {  	s6 =	simm.s32 $0xC;
	[smem:$0x7ED] =	sst s9;
	s9 =	sadd.s32 s10, s2  }
0x34: {  	[smem:$0x7EE] =	sst s4;
	s10 =	smax.u32 s7, $0x1;
	s4 =	simm.s32 $0x6  }
0x35: {  	s7 =	simm.s32 $0xABB0;
	[smem:$0x7EF] =	sst s10;
	s26 =	sshrl.u32 s9, $0x3  }
0x36: {  	s10 =	simm.s32 $0xD;
	[smem:$0x7FB] =	sst s26;
	s26 =	simm.s32 $0x3  }
.LBB2_1:
0x37: {  	s5 =	sld [smem:$0x7EC]  }
0x38: {  	s9 =	sld [smem:$0x7F0];
	_ =	sdelay $0x1  }
0x39: {  	[smem:$0x7EB] =	sst s25  }
0x3a: {  	[spmem:s9], [sflag:s24] =	dma.local [hbm:s5], $0x1388  }
0x3b: {  	_ =	swait.ge [sflag:s10], $0x1388  }
0x3c: {  	[sflag:s10] =	ssyncset.done $0x0  }
0x3d: {  	[sflag:s10] =	ssyncadd.s32 $0xFFFFEC78  }
0x3e: {  	[bflag:$0x0] =	sbarrier.arrive $0xFFFF  }
0x3f: {  	s25 =	rddreg [dreg:$0x5]  }
0x40: {  	s5 =	sadd.s32 $0x0, s25  }
0x41: {  	[tilespmem:s11], [sflag:$0xD] =	stream.linear.gather [hbm4b:s5+s3], $0x820, $0x38;
	[tilespmem:$0x14280] =	vst v63  }
0x42: {  	_ =	swait.ge [sflag:s10], $0x820  }
0x43: {  	s9 =	rddreg [dreg:$0x4];
	[sflag:s10] =	ssyncset.done $0x0  }
0x44: {  	[sflag:s10] =	ssyncadd.s32 $0xFFFFF7E0;
	s5 =	sadd.s32 $0x0, s9  }
0x45: {  	[tilespmem:s12], [sflag:$0xD] =	stream.linear.gather [hbm4b:s5+s3], $0x820, $0x38;
	[tilespmem:$0x14280] =	vst v63  }
0x46: {  	_ =	swait.ge [sflag:s10], $0x820  }
0x47: {  	[sflag:s10] =	ssyncset.done $0x0  }
0x48: {  	[sflag:s10] =	ssyncadd.s32 $0xFFFFF7E0  }
0x49: {  	[tilespmem:s14], [sflag:$0x1] =	stream.indirect.gather [hbm4b:s1+s13], $0x40, s11, s13, $0xb8;
	[tilespmem:$0x14280] =	vst v63  }
0x4a: {  	s24 =	rddreg [dreg:$0x6]  }
0x4b: {  	[tilespmem:s15], [sflag:$0x2] =	stream.indirect.gather [hbm4b:s1+s13], $0x40, s24, s13, $0xb8;
	[tilespmem:$0x14280] =	vst v63  }
0x4c: {  	s25 =	rddreg [dreg:$0x7]  }
0x4d: {  	[tilespmem:s16], [sflag:$0x3] =	stream.indirect.gather [hbm4b:s1+s13], $0x40, s25, s13, $0xb8;
	[tilespmem:$0x14280] =	vst v63  }
0x4e: {  	s9 =	rddreg [dreg:$0x8]  }
0x4f: {  	[tilespmem:s17], [sflag:$0x4] =	stream.indirect.gather [hbm4b:s1+s13], $0x40, s9, s13, $0xb8;
	[tilespmem:$0x14280] =	vst v63  }
0x50: {  	s25 =	rddreg [dreg:$0x9]  }
0x51: {  	[tilespmem:s18], [sflag:$0x5] =	stream.indirect.gather [hbm4b:s1+s13], $0x40, s25, s13, $0xb8;
	[tilespmem:$0x14280] =	vst v63  }
0x52: {  	s9 =	rddreg [dreg:$0xa]  }
0x53: {  	[tilespmem:s19], [sflag:$0x6] =	stream.indirect.gather [hbm4b:s1+s13], $0x40, s9, s13, $0xb8;
	[tilespmem:$0x14280] =	vst v63  }
0x54: {  	_ =	swait.ge [sflag:s20], $0x1900  }
0x55: {  	[sflag:s20] =	ssyncset.done $0x0  }
0x56: {  	[sflag:s20] =	ssyncadd.s32 $0xFFFFE700  }
0x57: {  	[spmem:s2] =	stream.indirect.scatter.add.f32 [tilespmem:s14], [sflag:$0x7], $0x40, s12, s13, $0xb8;
	[tilespmem:$0x14280] =	vst v63  }
0x58: {  	_ =	swait.ge [sflag:s21], $0x1900  }
0x59: {  	[sflag:s21] =	ssyncset.done $0x0  }
0x5a: {  	s25 =	rddreg [dreg:$0xb];
	[sflag:s21] =	ssyncadd.s32 $0xFFFFE700  }
0x5b: {  	[tilespmem:s14], [sflag:$0x1] =	stream.indirect.gather [hbm4b:s1+s13], $0x40, s25, s13, $0xb8;
	[tilespmem:$0x14280] =	vst v63  }
0x5c: {  	_ =	swait.ge [sflag:s22], $0x1900  }
0x5d: {  	[sflag:s22] =	ssyncset.done $0x0  }
0x5e: {  	s9 =	rddreg [dreg:$0xc];
	[sflag:s22] =	ssyncadd.s32 $0xFFFFE700  }
0x5f: {  	[spmem:s2] =	stream.indirect.scatter.add.f32 [tilespmem:s15], [sflag:$0x8], $0x40, s9, s13, $0xb8;
	[tilespmem:$0x14280] =	vst v63  }
0x60: {  	_ =	swait.ge [sflag:s23], $0x1900  }
0x61: {  	[sflag:s23] =	ssyncset.done $0x0  }
0x62: {  	s24 =	rddreg [dreg:$0xd];
	[sflag:s23] =	ssyncadd.s32 $0xFFFFE700  }
0x63: {  	[tilespmem:s15], [sflag:$0x2] =	stream.indirect.gather [hbm4b:s1+s13], $0x40, s24, s13, $0xb8;
	[tilespmem:$0x14280] =	vst v63  }
0x64: {  	_ =	swait.ge [sflag:s26], $0x1900  }
0x65: {  	[sflag:s26] =	ssyncset.done $0x0  }
0x66: {  	s25 =	rddreg [dreg:$0xe];
	[sflag:s26] =	ssyncadd.s32 $0xFFFFE700  }
0x67: {  	[spmem:s2] =	stream.indirect.scatter.add.f32 [tilespmem:s16], [sflag:$0x9], $0x40, s25, s13, $0xb8;
	[tilespmem:$0x14280] =	vst v63  }
0x68: {  	_ =	swait.ge [sflag:s28], $0x1900  }
0x69: {  	[sflag:s28] =	ssyncset.done $0x0  }
0x6a: {  	s9 =	rddreg [dreg:$0xf];
	[sflag:s28] =	ssyncadd.s32 $0xFFFFE700  }
0x6b: {  	[tilespmem:s16], [sflag:$0x3] =	stream.indirect.gather [hbm4b:s1+s13], $0x40, s9, s13, $0xb8;
	[tilespmem:$0x14280] =	vst v63  }
0x6c: {  	_ =	swait.ge [sflag:s29], $0x1900  }
0x6d: {  	[sflag:s29] =	ssyncset.done $0x0  }
0x6e: {  	s24 =	rddreg [dreg:$0x10];
	[sflag:s29] =	ssyncadd.s32 $0xFFFFE700  }
0x6f: {  	[spmem:s2] =	stream.indirect.scatter.add.f32 [tilespmem:s17], [sflag:$0xA], $0x40, s24, s13, $0xb8;
	[tilespmem:$0x14280] =	vst v63  }
0x70: {  	_ =	swait.ge [sflag:s30], $0x1900  }
0x71: {  	[sflag:s30] =	ssyncset.done $0x0  }
0x72: {  	s25 =	rddreg [dreg:$0x11];
	[sflag:s30] =	ssyncadd.s32 $0xFFFFE700  }
0x73: {  	[tilespmem:s17], [sflag:$0x4] =	stream.indirect.gather [hbm4b:s1+s13], $0x40, s25, s13, $0xb8;
	[tilespmem:$0x14280] =	vst v63  }
0x74: {  	_ =	swait.ge [sflag:s31], $0x1900  }
0x75: {  	[sflag:s31] =	ssyncset.done $0x0  }
0x76: {  	s9 =	rddreg [dreg:$0x12];
	[sflag:s31] =	ssyncadd.s32 $0xFFFFE700  }
0x77: {  	[spmem:s2] =	stream.indirect.scatter.add.f32 [tilespmem:s18], [sflag:$0xB], $0x40, s9, s13, $0xb8;
	[tilespmem:$0x14280] =	vst v63  }
0x78: {  	_ =	swait.ge [sflag:s0], $0x1900  }
0x79: {  	[sflag:s0] =	ssyncset.done $0x0  }
0x7a: {  	s24 =	rddreg [dreg:$0x13];
	[sflag:s0] =	ssyncadd.s32 $0xFFFFE700  }
0x7b: {  	[tilespmem:s18], [sflag:$0x5] =	stream.indirect.gather [hbm4b:s1+s13], $0x40, s24, s13, $0xb8;
	[tilespmem:$0x14280] =	vst v63  }
0x7c: {  	_ =	swait.ge [sflag:s4], $0x1900  }
0x7d: {  	[sflag:s4] =	ssyncset.done $0x0  }
0x7e: {  	s25 =	rddreg [dreg:$0x14];
	[sflag:s4] =	ssyncadd.s32 $0xFFFFE700  }
0x7f: {  	[spmem:s2] =	stream.indirect.scatter.add.f32 [tilespmem:s19], [sflag:$0xC], $0x40, s25, s13, $0xb8;
	[tilespmem:$0x14280] =	vst v63  }
0x80: {  	_ =	swait.ge [sflag:s6], $0x1900  }
0x81: {  	[sflag:s6] =	ssyncset.done $0x0  }
0x82: {  	s9 =	rddreg [dreg:$0x15];
	[sflag:s6] =	ssyncadd.s32 $0xFFFFE700  }
0x83: {  	[tilespmem:s19], [sflag:$0x6] =	stream.indirect.gather [hbm4b:s1+s13], $0x40, s9, s13, $0xb8;
	[tilespmem:$0x14280] =	vst v63  }
0x84: {  	_ =	swait.ge [sflag:s20], $0x1900  }
0x85: {  	[sflag:s20] =	ssyncset.done $0x0  }
0x86: {  	s24 =	rddreg [dreg:$0x16];
	[sflag:s20] =	ssyncadd.s32 $0xFFFFE700  }
0x87: {  	[spmem:s2] =	stream.indirect.scatter.add.f32 [tilespmem:s14], [sflag:$0x7], $0x40, s24, s13, $0xb8;
	[tilespmem:$0x14280] =	vst v63  }
0x88: {  	_ =	swait.ge [sflag:s21], $0x1900  }
0x89: {  	[sflag:s21] =	ssyncset.done $0x0  }
0x8a: {  	s25 =	rddreg [dreg:$0x17];
	[sflag:s21] =	ssyncadd.s32 $0xFFFFE700  }
0x8b: {  	[tilespmem:s14], [sflag:$0x1] =	stream.indirect.gather [hbm4b:s1+s13], $0x40, s25, s13, $0xb8;
	[tilespmem:$0x14280] =	vst v63  }
0x8c: {  	_ =	swait.ge [sflag:s22], $0x1900  }
0x8d: {  	[sflag:s22] =	ssyncset.done $0x0  }
0x8e: {  	s9 =	rddreg [dreg:$0x18];
	[sflag:s22] =	ssyncadd.s32 $0xFFFFE700  }
0x8f: {  	[spmem:s2] =	stream.indirect.scatter.add.f32 [tilespmem:s15], [sflag:$0x8], $0x40, s9, s13, $0xb8;
	[tilespmem:$0x14280] =	vst v63  }
0x90: {  	_ =	swait.ge [sflag:s23], $0x1900  }
0x91: {  	[sflag:s23] =	ssyncset.done $0x0  }
0x92: {  	s24 =	rddreg [dreg:$0x19];
	[sflag:s23] =	ssyncadd.s32 $0xFFFFE700  }
0x93: {  	[tilespmem:s15], [sflag:$0x2] =	stream.indirect.gather [hbm4b:s1+s13], $0x40, s24, s13, $0xb8;
	[tilespmem:$0x14280] =	vst v63  }
0x94: {  	_ =	swait.ge [sflag:s26], $0x1900  }
0x95: {  	[sflag:s26] =	ssyncset.done $0x0  }
0x96: {  	s25 =	rddreg [dreg:$0x1a];
	[sflag:s26] =	ssyncadd.s32 $0xFFFFE700  }
0x97: {  	[spmem:s2] =	stream.indirect.scatter.add.f32 [tilespmem:s16], [sflag:$0x9], $0x40, s25, s13, $0xb8;
	[tilespmem:$0x14280] =	vst v63  }
0x98: {  	_ =	swait.ge [sflag:s28], $0x1900  }
0x99: {  	[sflag:s28] =	ssyncset.done $0x0  }
0x9a: {  	s9 =	rddreg [dreg:$0x1b];
	[sflag:s28] =	ssyncadd.s32 $0xFFFFE700  }
0x9b: {  	[tilespmem:s16], [sflag:$0x3] =	stream.indirect.gather [hbm4b:s1+s13], $0x40, s9, s13, $0xb8;
	[tilespmem:$0x14280] =	vst v63  }
0x9c: {  	_ =	swait.ge [sflag:s29], $0x1900  }
0x9d: {  	[sflag:s29] =	ssyncset.done $0x0  }
0x9e: {  	s24 =	rddreg [dreg:$0x1c];
	[sflag:s29] =	ssyncadd.s32 $0xFFFFE700  }
0x9f: {  	[spmem:s2] =	stream.indirect.scatter.add.f32 [tilespmem:s17], [sflag:$0xA], $0x40, s24, s13, $0xb8;
	[tilespmem:$0x14280] =	vst v63  }
0xa0: {  	_ =	swait.ge [sflag:s30], $0x1900  }
0xa1: {  	[sflag:s30] =	ssyncset.done $0x0  }
0xa2: {  	s25 =	rddreg [dreg:$0x1d];
	[sflag:s30] =	ssyncadd.s32 $0xFFFFE700  }
0xa3: {  	[tilespmem:s17], [sflag:$0x4] =	stream.indirect.gather [hbm4b:s1+s13], $0x40, s25, s13, $0xb8;
	[tilespmem:$0x14280] =	vst v63  }
0xa4: {  	_ =	swait.ge [sflag:s31], $0x1900  }
0xa5: {  	[sflag:s31] =	ssyncset.done $0x0  }
0xa6: {  	s9 =	rddreg [dreg:$0x1e];
	[sflag:s31] =	ssyncadd.s32 $0xFFFFE700  }
0xa7: {  	[spmem:s2] =	stream.indirect.scatter.add.f32 [tilespmem:s18], [sflag:$0xB], $0x40, s9, s13, $0xb8;
	[tilespmem:$0x14280] =	vst v63  }
0xa8: {  	_ =	swait.ge [sflag:s0], $0x1900  }
0xa9: {  	[sflag:s0] =	ssyncset.done $0x0  }
0xaa: {  	s24 =	rddreg [dreg:$0x1f];
	[sflag:s0] =	ssyncadd.s32 $0xFFFFE700  }
0xab: {  	[tilespmem:s18], [sflag:$0x5] =	stream.indirect.gather [hbm4b:s1+s13], $0x40, s24, s13, $0xb8;
	[tilespmem:$0x14280] =	vst v63  }
0xac: {  	_ =	swait.ge [sflag:s4], $0x1900  }
0xad: {  	s25 =	sld [smem:$0x7F1]  }
0xae: {  	[sflag:s4] =	ssyncset.done $0x0  }
0xaf: {  	[sflag:s4] =	ssyncadd.s32 $0xFFFFE700  }
0xb0: {  	[spmem:s2] =	stream.indirect.scatter.add.f32 [tilespmem:s19], [sflag:$0xC], $0x40, s25, s13, $0xb8;
	[tilespmem:$0x14280] =	vst v63  }
0xb1: {  	_ =	swait.ge [sflag:s6], $0x1900  }
0xb2: {  	s9 =	sld [smem:$0x7F2]  }
0xb3: {  	[sflag:s6] =	ssyncset.done $0x0  }
0xb4: {  	[sflag:s6] =	ssyncadd.s32 $0xFFFFE700  }
0xb5: {  	[tilespmem:s19], [sflag:$0x6] =	stream.indirect.gather [hbm4b:s1+s13], $0x40, s9, s13, $0xb8;
	[tilespmem:$0x14280] =	vst v63  }
0xb6: {  	_ =	swait.ge [sflag:s20], $0x1900  }
0xb7: {  	s24 =	sld [smem:$0x7F3]  }
0xb8: {  	[sflag:s20] =	ssyncset.done $0x0  }
0xb9: {  	[sflag:s20] =	ssyncadd.s32 $0xFFFFE700  }
0xba: {  	[spmem:s2] =	stream.indirect.scatter.add.f32 [tilespmem:s14], [sflag:$0x7], $0x40, s24, s13, $0xb8;
	[tilespmem:$0x14280] =	vst v63  }
0xbb: {  	_ =	swait.ge [sflag:s21], $0x1900  }
0xbc: {  	s25 =	sld [smem:$0x7F4]  }
0xbd: {  	[sflag:s21] =	ssyncset.done $0x0  }
0xbe: {  	[sflag:s21] =	ssyncadd.s32 $0xFFFFE700  }
0xbf: {  	[tilespmem:s14], [sflag:$0x1] =	stream.indirect.gather [hbm4b:s1+s13], $0x40, s25, s13, $0xb8;
	[tilespmem:$0x14280] =	vst v63  }
0xc0: {  	_ =	swait.ge [sflag:s22], $0x1900  }
0xc1: {  	s9 =	sld [smem:$0x7F5]  }
0xc2: {  	[sflag:s22] =	ssyncset.done $0x0  }
0xc3: {  	[sflag:s22] =	ssyncadd.s32 $0xFFFFE700  }
0xc4: {  	[spmem:s2] =	stream.indirect.scatter.add.f32 [tilespmem:s15], [sflag:$0x8], $0x40, s9, s13, $0xb8;
	[tilespmem:$0x14280] =	vst v63  }
0xc5: {  	_ =	swait.ge [sflag:s23], $0x1900  }
0xc6: {  	s24 =	sld [smem:$0x7F6]  }
0xc7: {  	[sflag:s23] =	ssyncset.done $0x0  }
0xc8: {  	[sflag:s23] =	ssyncadd.s32 $0xFFFFE700  }
0xc9: {  	[tilespmem:s15], [sflag:$0x2] =	stream.indirect.gather [hbm4b:s1+s13], $0x40, s24, s13, $0xb8;
	[tilespmem:$0x14280] =	vst v63  }
0xca: {  	_ =	swait.ge [sflag:s26], $0x1900  }
0xcb: {  	s25 =	sld [smem:$0x7F7]  }
0xcc: {  	[sflag:s26] =	ssyncset.done $0x0  }
0xcd: {  	[sflag:s26] =	ssyncadd.s32 $0xFFFFE700  }
0xce: {  	[spmem:s2] =	stream.indirect.scatter.add.f32 [tilespmem:s16], [sflag:$0x9], $0x40, s25, s13, $0xb8;
	[tilespmem:$0x14280] =	vst v63  }
0xcf: {  	_ =	swait.ge [sflag:s29], $0x1900  }
0xd0: {  	s9 =	sld [smem:$0x7F8]  }
0xd1: {  	[sflag:s29] =	ssyncset.done $0x0  }
0xd2: {  	[sflag:s29] =	ssyncadd.s32 $0xFFFFE700  }
0xd3: {  	[spmem:s2] =	stream.indirect.scatter.add.f32 [tilespmem:s17], [sflag:$0xA], $0x40, s9, s13, $0xb8;
	[tilespmem:$0x14280] =	vst v63  }
0xd4: {  	_ =	swait.ge [sflag:s31], $0x1900  }
0xd5: {  	s24 =	sld [smem:$0x7F9]  }
0xd6: {  	[sflag:s31] =	ssyncset.done $0x0  }
0xd7: {  	[sflag:s31] =	ssyncadd.s32 $0xFFFFE700  }
0xd8: {  	[spmem:s2] =	stream.indirect.scatter.add.f32 [tilespmem:s18], [sflag:$0xB], $0x40, s24, s13, $0xb8;
	[tilespmem:$0x14280] =	vst v63  }
0xd9: {  	_ =	swait.ge [sflag:s4], $0x1900  }
0xda: {  	s25 =	sld [smem:$0x7FA]  }
0xdb: {  	[sflag:s4] =	ssyncset.done $0x0  }
0xdc: {  	[sflag:s4] =	ssyncadd.s32 $0xFFFFE700  }
0xdd: {  	[spmem:s2] =	stream.indirect.scatter.add.f32 [tilespmem:s19], [sflag:$0xC], $0x40, s25, s13, $0xb8;
	[tilespmem:$0x14280] =	vst v63  }
0xde: {  	_ =	swait.ge [sflag:s20], $0x1900  }
0xdf: {  	[sflag:s20] =	ssyncset.done $0x0  }
0xe0: {  	[sflag:s20] =	ssyncadd.s32 $0xFFFFE700  }
0xe1: {  	[spmem:s2] =	stream.indirect.scatter.add.f32 [tilespmem:s14], [sflag:$0x7], $0x40, s7, s13, $0xb8;
	[tilespmem:$0x14280] =	vst v63  }
0xe2: {  	_ =	swait.ge [sflag:s22], $0x1900  }
0xe3: {  	[sflag:s22] =	ssyncset.done $0x0  }
0xe4: {  	[sflag:s22] =	ssyncadd.s32 $0xFFFFE700  }
0xe5: {  	[spmem:s2] =	stream.indirect.scatter.add.f32 [tilespmem:s15], [sflag:$0x8], $0x40, s8, s13, $0xb8;
	[tilespmem:$0x14280] =	vst v63  }
0xe6: {  	_ =	swait.ge [sflag:s21], $0x1900  }
0xe7: {  	[sflag:s21] =	ssyncset.done $0x0  }
0xe8: {  	[sflag:s21] =	ssyncadd.s32 $0xFFFFE700  }
0xe9: {  	_ =	swait.ge [sflag:s23], $0x1900  }
0xea: {  	[sflag:s23] =	ssyncset.done $0x0  }
0xeb: {  	[sflag:s23] =	ssyncadd.s32 $0xFFFFE700  }
0xec: {  	_ =	swait.ge [sflag:s28], $0x1900  }
0xed: {  	[sflag:s28] =	ssyncset.done $0x0  }
0xee: {  	[sflag:s28] =	ssyncadd.s32 $0xFFFFE700  }
0xef: {  	_ =	swait.ge [sflag:s30], $0x1900  }
0xf0: {  	[sflag:s30] =	ssyncset.done $0x0  }
0xf1: {  	[sflag:s30] =	ssyncadd.s32 $0xFFFFE700  }
0xf2: {  	_ =	swait.ge [sflag:s0], $0x1900  }
0xf3: {  	[sflag:s0] =	ssyncset.done $0x0  }
0xf4: {  	[sflag:s0] =	ssyncadd.s32 $0xFFFFE700  }
0xf5: {  	s24 =	simm.s32 $0x104;
	_ =	swait.ge [sflag:s6], $0x1900  }
0xf6: {  	s25 =	simm.s32 $0x208;
	s5 =	rddreg [dreg:$0x5];
	[sflag:s6] =	ssyncset.done $0x0  }
.LBB2_2:
0xf7: {  	[sflag:s6] =	ssyncadd.s32 $0xFFFFE700;
	s5 =	sadd.s32 s24, s5  }
0xf8: {  	[tilespmem:s11], [sflag:$0xD] =	stream.linear.gather [hbm4b:s5+s3], $0x820, $0x38;
	[tilespmem:$0x14280] =	vst v63  }
0xf9: {  	_ =	swait.ge [sflag:s10], $0x820  }
0xfa: {  	s5 =	rddreg [dreg:$0x4];
	[sflag:s10] =	ssyncset.done $0x0  }
0xfb: {  	[sflag:s10] =	ssyncadd.s32 $0xFFFFF7E0;
	s5 =	sadd.s32 s24, s5  }
0xfc: {  	[tilespmem:s12], [sflag:$0xD] =	stream.linear.gather [hbm4b:s5+s3], $0x820, $0x38;
	[tilespmem:$0x14280] =	vst v63  }
0xfd: {  	_ =	swait.ge [sflag:s10], $0x820  }
0xfe: {  	[sflag:s10] =	ssyncset.done $0x0  }
0xff: {  	[sflag:s10] =	ssyncadd.s32 $0xFFFFF7E0  }
0x100: {  	[tilespmem:s14], [sflag:$0x1] =	stream.indirect.gather [hbm4b:s1+s13], $0x40, s11, s13, $0xb8;
	[tilespmem:$0x14280] =	vst v63  }
0x101: {  	s9 =	smov.u32 s25;
	s5 =	rddreg [dreg:$0x6]  }
0x102: {  	[tilespmem:s15], [sflag:$0x2] =	stream.indirect.gather [hbm4b:s1+s13], $0x40, s5, s13, $0xb8;
	[tilespmem:$0x14280] =	vst v63  }
0x103: {  	s24 =	smov.u32 s9;
	s9 =	rddreg [dreg:$0x7]  }
0x104: {  	[tilespmem:s16], [sflag:$0x3] =	stream.indirect.gather [hbm4b:s1+s13], $0x40, s9, s13, $0xb8;
	[tilespmem:$0x14280] =	vst v63  }
0x105: {  	s5 =	rddreg [dreg:$0x8]  }
0x106: {  	[tilespmem:s17], [sflag:$0x4] =	stream.indirect.gather [hbm4b:s1+s13], $0x40, s5, s13, $0xb8;
	[tilespmem:$0x14280] =	vst v63  }
0x107: {  	s9 =	rddreg [dreg:$0x9]  }
0x108: {  	[tilespmem:s18], [sflag:$0x5] =	stream.indirect.gather [hbm4b:s1+s13], $0x40, s9, s13, $0xb8;
	[tilespmem:$0x14280] =	vst v63  }
0x109: {  	s5 =	rddreg [dreg:$0xa]  }
0x10a: {  	[tilespmem:s19], [sflag:$0x6] =	stream.indirect.gather [hbm4b:s1+s13], $0x40, s5, s13, $0xb8;
	[tilespmem:$0x14280] =	vst v63  }
0x10b: {  	_ =	swait.ge [sflag:s20], $0x1900  }
0x10c: {  	[sflag:s20] =	ssyncset.done $0x0  }
0x10d: {  	[sflag:s20] =	ssyncadd.s32 $0xFFFFE700  }
0x10e: {  	[spmem:s2] =	stream.indirect.scatter.add.f32 [tilespmem:s14], [sflag:$0x7], $0x40, s12, s13, $0xb8;
	[tilespmem:$0x14280] =	vst v63  }
0x10f: {  	_ =	swait.ge [sflag:s21], $0x1900  }
0x110: {  	[sflag:s21] =	ssyncset.done $0x0  }
0x111: {  	s9 =	rddreg [dreg:$0xb];
	[sflag:s21] =	ssyncadd.s32 $0xFFFFE700  }
0x112: {  	[tilespmem:s14], [sflag:$0x1] =	stream.indirect.gather [hbm4b:s1+s13], $0x40, s9, s13, $0xb8;
	[tilespmem:$0x14280] =	vst v63  }
0x113: {  	_ =	swait.ge [sflag:s22], $0x1900  }
0x114: {  	[sflag:s22] =	ssyncset.done $0x0  }
0x115: {  	s9 =	rddreg [dreg:$0xc];
	[sflag:s22] =	ssyncadd.s32 $0xFFFFE700  }
0x116: {  	[spmem:s2] =	stream.indirect.scatter.add.f32 [tilespmem:s15], [sflag:$0x8], $0x40, s9, s13, $0xb8;
	[tilespmem:$0x14280] =	vst v63  }
0x117: {  	_ =	swait.ge [sflag:s23], $0x1900  }
0x118: {  	[sflag:s23] =	ssyncset.done $0x0  }
0x119: {  	s9 =	rddreg [dreg:$0xd];
	[sflag:s23] =	ssyncadd.s32 $0xFFFFE700  }
0x11a: {  	[tilespmem:s15], [sflag:$0x2] =	stream.indirect.gather [hbm4b:s1+s13], $0x40, s9, s13, $0xb8;
	[tilespmem:$0x14280] =	vst v63  }
0x11b: {  	_ =	swait.ge [sflag:s26], $0x1900  }
0x11c: {  	[sflag:s26] =	ssyncset.done $0x0  }
0x11d: {  	s9 =	rddreg [dreg:$0xe];
	[sflag:s26] =	ssyncadd.s32 $0xFFFFE700  }
0x11e: {  	[spmem:s2] =	stream.indirect.scatter.add.f32 [tilespmem:s16], [sflag:$0x9], $0x40, s9, s13, $0xb8;
	[tilespmem:$0x14280] =	vst v63  }
0x11f: {  	_ =	swait.ge [sflag:s28], $0x1900  }
0x120: {  	[sflag:s28] =	ssyncset.done $0x0  }
0x121: {  	s9 =	rddreg [dreg:$0xf];
	[sflag:s28] =	ssyncadd.s32 $0xFFFFE700  }
0x122: {  	[tilespmem:s16], [sflag:$0x3] =	stream.indirect.gather [hbm4b:s1+s13], $0x40, s9, s13, $0xb8;
	[tilespmem:$0x14280] =	vst v63  }
0x123: {  	_ =	swait.ge [sflag:s29], $0x1900  }
0x124: {  	[sflag:s29] =	ssyncset.done $0x0  }
0x125: {  	s9 =	rddreg [dreg:$0x10];
	[sflag:s29] =	ssyncadd.s32 $0xFFFFE700  }
0x126: {  	[spmem:s2] =	stream.indirect.scatter.add.f32 [tilespmem:s17], [sflag:$0xA], $0x40, s9, s13, $0xb8;
	[tilespmem:$0x14280] =	vst v63  }
0x127: {  	_ =	swait.ge [sflag:s30], $0x1900  }
0x128: {  	[sflag:s30] =	ssyncset.done $0x0  }
0x129: {  	s9 =	rddreg [dreg:$0x11];
	[sflag:s30] =	ssyncadd.s32 $0xFFFFE700  }
0x12a: {  	[tilespmem:s17], [sflag:$0x4] =	stream.indirect.gather [hbm4b:s1+s13], $0x40, s9, s13, $0xb8;
	[tilespmem:$0x14280] =	vst v63  }
0x12b: {  	_ =	swait.ge [sflag:s31], $0x1900  }
0x12c: {  	[sflag:s31] =	ssyncset.done $0x0  }
0x12d: {  	s9 =	rddreg [dreg:$0x12];
	[sflag:s31] =	ssyncadd.s32 $0xFFFFE700  }
0x12e: {  	[spmem:s2] =	stream.indirect.scatter.add.f32 [tilespmem:s18], [sflag:$0xB], $0x40, s9, s13, $0xb8;
	[tilespmem:$0x14280] =	vst v63  }
0x12f: {  	_ =	swait.ge [sflag:s0], $0x1900  }
0x130: {  	[sflag:s0] =	ssyncset.done $0x0  }
0x131: {  	s9 =	rddreg [dreg:$0x13];
	[sflag:s0] =	ssyncadd.s32 $0xFFFFE700  }
0x132: {  	[tilespmem:s18], [sflag:$0x5] =	stream.indirect.gather [hbm4b:s1+s13], $0x40, s9, s13, $0xb8;
	[tilespmem:$0x14280] =	vst v63  }
0x133: {  	_ =	swait.ge [sflag:s4], $0x1900  }
0x134: {  	[sflag:s4] =	ssyncset.done $0x0  }
0x135: {  	s9 =	rddreg [dreg:$0x14];
	[sflag:s4] =	ssyncadd.s32 $0xFFFFE700  }
0x136: {  	[spmem:s2] =	stream.indirect.scatter.add.f32 [tilespmem:s19], [sflag:$0xC], $0x40, s9, s13, $0xb8;
	[tilespmem:$0x14280] =	vst v63  }
0x137: {  	_ =	swait.ge [sflag:s6], $0x1900  }
0x138: {  	[sflag:s6] =	ssyncset.done $0x0  }
0x139: {  	s9 =	rddreg [dreg:$0x15];
	[sflag:s6] =	ssyncadd.s32 $0xFFFFE700  }
0x13a: {  	[tilespmem:s19], [sflag:$0x6] =	stream.indirect.gather [hbm4b:s1+s13], $0x40, s9, s13, $0xb8;
	[tilespmem:$0x14280] =	vst v63  }
0x13b: {  	_ =	swait.ge [sflag:s20], $0x1900  }
0x13c: {  	[sflag:s20] =	ssyncset.done $0x0  }
0x13d: {  	s9 =	rddreg [dreg:$0x16];
	[sflag:s20] =	ssyncadd.s32 $0xFFFFE700  }
0x13e: {  	[spmem:s2] =	stream.indirect.scatter.add.f32 [tilespmem:s14], [sflag:$0x7], $0x40, s9, s13, $0xb8;
	[tilespmem:$0x14280] =	vst v63  }
0x13f: {  	_ =	swait.ge [sflag:s21], $0x1900  }
0x140: {  	[sflag:s21] =	ssyncset.done $0x0  }
0x141: {  	s9 =	rddreg [dreg:$0x17];
	[sflag:s21] =	ssyncadd.s32 $0xFFFFE700  }
0x142: {  	[tilespmem:s14], [sflag:$0x1] =	stream.indirect.gather [hbm4b:s1+s13], $0x40, s9, s13, $0xb8;
	[tilespmem:$0x14280] =	vst v63  }
0x143: {  	_ =	swait.ge [sflag:s22], $0x1900  }
0x144: {  	[sflag:s22] =	ssyncset.done $0x0  }
0x145: {  	s9 =	rddreg [dreg:$0x18];
	[sflag:s22] =	ssyncadd.s32 $0xFFFFE700  }
0x146: {  	[spmem:s2] =	stream.indirect.scatter.add.f32 [tilespmem:s15], [sflag:$0x8], $0x40, s9, s13, $0xb8;
	[tilespmem:$0x14280] =	vst v63  }
0x147: {  	_ =	swait.ge [sflag:s23], $0x1900  }
0x148: {  	[sflag:s23] =	ssyncset.done $0x0  }
0x149: {  	s9 =	rddreg [dreg:$0x19];
	[sflag:s23] =	ssyncadd.s32 $0xFFFFE700  }
0x14a: {  	[tilespmem:s15], [sflag:$0x2] =	stream.indirect.gather [hbm4b:s1+s13], $0x40, s9, s13, $0xb8;
	[tilespmem:$0x14280] =	vst v63  }
0x14b: {  	_ =	swait.ge [sflag:s26], $0x1900  }
0x14c: {  	[sflag:s26] =	ssyncset.done $0x0  }
0x14d: {  	s9 =	rddreg [dreg:$0x1a];
	[sflag:s26] =	ssyncadd.s32 $0xFFFFE700  }
0x14e: {  	[spmem:s2] =	stream.indirect.scatter.add.f32 [tilespmem:s16], [sflag:$0x9], $0x40, s9, s13, $0xb8;
	[tilespmem:$0x14280] =	vst v63  }
0x14f: {  	_ =	swait.ge [sflag:s28], $0x1900  }
0x150: {  	[sflag:s28] =	ssyncset.done $0x0  }
0x151: {  	s9 =	rddreg [dreg:$0x1b];
	[sflag:s28] =	ssyncadd.s32 $0xFFFFE700  }
0x152: {  	[tilespmem:s16], [sflag:$0x3] =	stream.indirect.gather [hbm4b:s1+s13], $0x40, s9, s13, $0xb8;
	[tilespmem:$0x14280] =	vst v63  }
0x153: {  	_ =	swait.ge [sflag:s29], $0x1900  }
0x154: {  	[sflag:s29] =	ssyncset.done $0x0  }
0x155: {  	s9 =	rddreg [dreg:$0x1c];
	[sflag:s29] =	ssyncadd.s32 $0xFFFFE700  }
0x156: {  	[spmem:s2] =	stream.indirect.scatter.add.f32 [tilespmem:s17], [sflag:$0xA], $0x40, s9, s13, $0xb8;
	[tilespmem:$0x14280] =	vst v63  }
0x157: {  	_ =	swait.ge [sflag:s30], $0x1900  }
0x158: {  	[sflag:s30] =	ssyncset.done $0x0  }
0x159: {  	s9 =	rddreg [dreg:$0x1d];
	[sflag:s30] =	ssyncadd.s32 $0xFFFFE700  }
0x15a: {  	[tilespmem:s17], [sflag:$0x4] =	stream.indirect.gather [hbm4b:s1+s13], $0x40, s9, s13, $0xb8;
	[tilespmem:$0x14280] =	vst v63  }
0x15b: {  	_ =	swait.ge [sflag:s31], $0x1900  }
0x15c: {  	[sflag:s31] =	ssyncset.done $0x0  }
0x15d: {  	s9 =	rddreg [dreg:$0x1e];
	[sflag:s31] =	ssyncadd.s32 $0xFFFFE700  }
0x15e: {  	[spmem:s2] =	stream.indirect.scatter.add.f32 [tilespmem:s18], [sflag:$0xB], $0x40, s9, s13, $0xb8;
	[tilespmem:$0x14280] =	vst v63  }
0x15f: {  	_ =	swait.ge [sflag:s0], $0x1900  }
0x160: {  	[sflag:s0] =	ssyncset.done $0x0  }
0x161: {  	s9 =	rddreg [dreg:$0x1f];
	[sflag:s0] =	ssyncadd.s32 $0xFFFFE700  }
0x162: {  	[tilespmem:s18], [sflag:$0x5] =	stream.indirect.gather [hbm4b:s1+s13], $0x40, s9, s13, $0xb8;
	[tilespmem:$0x14280] =	vst v63  }
0x163: {  	_ =	swait.ge [sflag:s4], $0x1900  }
0x164: {  	s9 =	sld [smem:$0x7F1]  }
0x165: {  	[sflag:s4] =	ssyncset.done $0x0  }
0x166: {  	[sflag:s4] =	ssyncadd.s32 $0xFFFFE700  }
0x167: {  	[spmem:s2] =	stream.indirect.scatter.add.f32 [tilespmem:s19], [sflag:$0xC], $0x40, s9, s13, $0xb8;
	[tilespmem:$0x14280] =	vst v63  }
0x168: {  	_ =	swait.ge [sflag:s6], $0x1900  }
0x169: {  	s9 =	sld [smem:$0x7F2]  }
0x16a: {  	[sflag:s6] =	ssyncset.done $0x0  }
0x16b: {  	[sflag:s6] =	ssyncadd.s32 $0xFFFFE700  }
0x16c: {  	[tilespmem:s19], [sflag:$0x6] =	stream.indirect.gather [hbm4b:s1+s13], $0x40, s9, s13, $0xb8;
	[tilespmem:$0x14280] =	vst v63  }
0x16d: {  	_ =	swait.ge [sflag:s20], $0x1900  }
0x16e: {  	s9 =	sld [smem:$0x7F3]  }
0x16f: {  	[sflag:s20] =	ssyncset.done $0x0  }
0x170: {  	[sflag:s20] =	ssyncadd.s32 $0xFFFFE700  }
0x171: {  	[spmem:s2] =	stream.indirect.scatter.add.f32 [tilespmem:s14], [sflag:$0x7], $0x40, s9, s13, $0xb8;
	[tilespmem:$0x14280] =	vst v63  }
0x172: {  	_ =	swait.ge [sflag:s21], $0x1900  }
0x173: {  	s9 =	sld [smem:$0x7F4]  }
0x174: {  	[sflag:s21] =	ssyncset.done $0x0  }
0x175: {  	[sflag:s21] =	ssyncadd.s32 $0xFFFFE700  }
0x176: {  	[tilespmem:s14], [sflag:$0x1] =	stream.indirect.gather [hbm4b:s1+s13], $0x40, s9, s13, $0xb8;
	[tilespmem:$0x14280] =	vst v63  }
0x177: {  	_ =	swait.ge [sflag:s22], $0x1900  }
0x178: {  	s9 =	sld [smem:$0x7F5]  }
0x179: {  	[sflag:s22] =	ssyncset.done $0x0  }
0x17a: {  	[sflag:s22] =	ssyncadd.s32 $0xFFFFE700  }
0x17b: {  	[spmem:s2] =	stream.indirect.scatter.add.f32 [tilespmem:s15], [sflag:$0x8], $0x40, s9, s13, $0xb8;
	[tilespmem:$0x14280] =	vst v63  }
0x17c: {  	_ =	swait.ge [sflag:s23], $0x1900  }
0x17d: {  	s9 =	sld [smem:$0x7F6]  }
0x17e: {  	[sflag:s23] =	ssyncset.done $0x0  }
0x17f: {  	[sflag:s23] =	ssyncadd.s32 $0xFFFFE700  }
0x180: {  	[tilespmem:s15], [sflag:$0x2] =	stream.indirect.gather [hbm4b:s1+s13], $0x40, s9, s13, $0xb8;
	[tilespmem:$0x14280] =	vst v63  }
0x181: {  	_ =	swait.ge [sflag:s26], $0x1900  }
0x182: {  	s9 =	sld [smem:$0x7F7]  }
0x183: {  	[sflag:s26] =	ssyncset.done $0x0  }
0x184: {  	[sflag:s26] =	ssyncadd.s32 $0xFFFFE700  }
0x185: {  	[spmem:s2] =	stream.indirect.scatter.add.f32 [tilespmem:s16], [sflag:$0x9], $0x40, s9, s13, $0xb8;
	[tilespmem:$0x14280] =	vst v63  }
0x186: {  	_ =	swait.ge [sflag:s29], $0x1900  }
0x187: {  	s9 =	sld [smem:$0x7F8]  }
0x188: {  	[sflag:s29] =	ssyncset.done $0x0  }
0x189: {  	[sflag:s29] =	ssyncadd.s32 $0xFFFFE700  }
0x18a: {  	[spmem:s2] =	stream.indirect.scatter.add.f32 [tilespmem:s17], [sflag:$0xA], $0x40, s9, s13, $0xb8;
	[tilespmem:$0x14280] =	vst v63  }
0x18b: {  	_ =	swait.ge [sflag:s31], $0x1900  }
0x18c: {  	s9 =	sld [smem:$0x7F9]  }
0x18d: {  	[sflag:s31] =	ssyncset.done $0x0  }
0x18e: {  	[sflag:s31] =	ssyncadd.s32 $0xFFFFE700  }
0x18f: {  	[spmem:s2] =	stream.indirect.scatter.add.f32 [tilespmem:s18], [sflag:$0xB], $0x40, s9, s13, $0xb8;
	[tilespmem:$0x14280] =	vst v63  }
0x190: {  	_ =	swait.ge [sflag:s4], $0x1900  }
0x191: {  	s9 =	sld [smem:$0x7FA]  }
0x192: {  	[sflag:s4] =	ssyncset.done $0x0  }
0x193: {  	[sflag:s4] =	ssyncadd.s32 $0xFFFFE700  }
0x194: {  	[spmem:s2] =	stream.indirect.scatter.add.f32 [tilespmem:s19], [sflag:$0xC], $0x40, s9, s13, $0xb8;
	[tilespmem:$0x14280] =	vst v63  }
0x195: {  	_ =	swait.ge [sflag:s20], $0x1900  }
0x196: {  	[sflag:s20] =	ssyncset.done $0x0  }
0x197: {  	[sflag:s20] =	ssyncadd.s32 $0xFFFFE700  }
0x198: {  	[spmem:s2] =	stream.indirect.scatter.add.f32 [tilespmem:s14], [sflag:$0x7], $0x40, s7, s13, $0xb8;
	[tilespmem:$0x14280] =	vst v63  }
0x199: {  	_ =	swait.ge [sflag:s22], $0x1900  }
0x19a: {  	[sflag:s22] =	ssyncset.done $0x0  }
0x19b: {  	[sflag:s22] =	ssyncadd.s32 $0xFFFFE700  }
0x19c: {  	[spmem:s2] =	stream.indirect.scatter.add.f32 [tilespmem:s15], [sflag:$0x8], $0x40, s8, s13, $0xb8;
	[tilespmem:$0x14280] =	vst v63  }
0x19d: {  	_ =	swait.ge [sflag:s21], $0x1900  }
0x19e: {  	[sflag:s21] =	ssyncset.done $0x0  }
0x19f: {  	[sflag:s21] =	ssyncadd.s32 $0xFFFFE700  }
0x1a0: {  	_ =	swait.ge [sflag:s23], $0x1900  }
0x1a1: {  	[sflag:s23] =	ssyncset.done $0x0  }
0x1a2: {  	[sflag:s23] =	ssyncadd.s32 $0xFFFFE700  }
0x1a3: {  	_ =	swait.ge [sflag:s28], $0x1900  }
0x1a4: {  	[sflag:s28] =	ssyncset.done $0x0  }
0x1a5: {  	[sflag:s28] =	ssyncadd.s32 $0xFFFFE700  }
0x1a6: {  	_ =	swait.ge [sflag:s30], $0x1900  }
0x1a7: {  	[sflag:s30] =	ssyncset.done $0x0  }
0x1a8: {  	p1 =	sne.s32 s25, $0x410;
	[sflag:s30] =	ssyncadd.s32 $0xFFFFE700  }
.Ltmp0:
0x1a9: {  	_ =	swait.ge [sflag:s0], $0x1900;
	(pc) =	sbr.rel @p1 .LBB2_2-.Ltmp0, $4  }
0x1aa: {  	[sflag:s0] =	ssyncset.done $0x0  }
0x1ab: {  	[sflag:s0] =	ssyncadd.s32 $0xFFFFE700  }
0x1ac: {  	_ =	swait.ge [sflag:s6], $0x1900  }
0x1ad: {  	s25 =	sadd.s32 $0x104, s25;
	s5 =	rddreg [dreg:$0x5];
	[sflag:s6] =	ssyncset.done $0x0  }
0x1ae: {  	[sflag:s6] =	ssyncadd.s32 $0xFFFFE700;
	s5 =	sadd.s32 s24, s5  }
0x1af: {  	[tilespmem:s11], [sflag:$0xD] =	stream.linear.gather [hbm4b:s5+s3], $0x820, $0x38;
	[tilespmem:$0x14280] =	vst v63  }
0x1b0: {  	_ =	swait.ge [sflag:s10], $0x820  }
0x1b1: {  	s9 =	rddreg [dreg:$0x4];
	[sflag:s10] =	ssyncset.done $0x0  }
0x1b2: {  	[sflag:s10] =	ssyncadd.s32 $0xFFFFF7E0;
	s5 =	sadd.s32 s24, s9  }
0x1b3: {  	[tilespmem:s12], [sflag:$0xD] =	stream.linear.gather [hbm4b:s5+s3], $0x820, $0x38;
	[tilespmem:$0x14280] =	vst v63  }
0x1b4: {  	_ =	swait.ge [sflag:s10], $0x820  }
0x1b5: {  	[sflag:s10] =	ssyncset.done $0x0  }
0x1b6: {  	[sflag:s10] =	ssyncadd.s32 $0xFFFFF7E0  }
0x1b7: {  	[tilespmem:s14], [sflag:$0x1] =	stream.indirect.gather [hbm4b:s1+s13], $0x40, s11, s13, $0xb8;
	[tilespmem:$0x14280] =	vst v63  }
0x1b8: {  	s25 =	rddreg [dreg:$0x6]  }
0x1b9: {  	[tilespmem:s15], [sflag:$0x2] =	stream.indirect.gather [hbm4b:s1+s13], $0x40, s25, s13, $0xb8;
	[tilespmem:$0x14280] =	vst v63  }
0x1ba: {  	s9 =	rddreg [dreg:$0x7]  }
0x1bb: {  	[tilespmem:s16], [sflag:$0x3] =	stream.indirect.gather [hbm4b:s1+s13], $0x40, s9, s13, $0xb8;
	[tilespmem:$0x14280] =	vst v63  }
0x1bc: {  	s24 =	rddreg [dreg:$0x8]  }
0x1bd: {  	[tilespmem:s17], [sflag:$0x4] =	stream.indirect.gather [hbm4b:s1+s13], $0x40, s24, s13, $0xb8;
	[tilespmem:$0x14280] =	vst v63  }
0x1be: {  	s25 =	rddreg [dreg:$0x9]  }
0x1bf: {  	[tilespmem:s18], [sflag:$0x5] =	stream.indirect.gather [hbm4b:s1+s13], $0x40, s25, s13, $0xb8;
	[tilespmem:$0x14280] =	vst v63  }
0x1c0: {  	s24 =	rddreg [dreg:$0xa]  }
0x1c1: {  	[tilespmem:s19], [sflag:$0x6] =	stream.indirect.gather [hbm4b:s1+s13], $0x40, s24, s13, $0xb8;
	[tilespmem:$0x14280] =	vst v63  }
0x1c2: {  	_ =	swait.ge [sflag:s20], $0x1900  }
0x1c3: {  	[sflag:s20] =	ssyncset.done $0x0  }
0x1c4: {  	[sflag:s20] =	ssyncadd.s32 $0xFFFFE700  }
0x1c5: {  	[spmem:s2] =	stream.indirect.scatter.add.f32 [tilespmem:s14], [sflag:$0x7], $0x40, s12, s13, $0xb8;
	[tilespmem:$0x14280] =	vst v63  }
0x1c6: {  	_ =	swait.ge [sflag:s21], $0x1900  }
0x1c7: {  	[sflag:s21] =	ssyncset.done $0x0  }
0x1c8: {  	s25 =	rddreg [dreg:$0xb];
	[sflag:s21] =	ssyncadd.s32 $0xFFFFE700  }
0x1c9: {  	[tilespmem:s14], [sflag:$0x1] =	stream.indirect.gather [hbm4b:s1+s13], $0x40, s25, s13, $0xb8;
	[tilespmem:$0x14280] =	vst v63  }
0x1ca: {  	_ =	swait.ge [sflag:s22], $0x1900  }
0x1cb: {  	[sflag:s22] =	ssyncset.done $0x0  }
0x1cc: {  	s9 =	rddreg [dreg:$0xc];
	[sflag:s22] =	ssyncadd.s32 $0xFFFFE700  }
0x1cd: {  	[spmem:s2] =	stream.indirect.scatter.add.f32 [tilespmem:s15], [sflag:$0x8], $0x40, s9, s13, $0xb8;
	[tilespmem:$0x14280] =	vst v63  }
0x1ce: {  	_ =	swait.ge [sflag:s23], $0x1900  }
0x1cf: {  	[sflag:s23] =	ssyncset.done $0x0  }
0x1d0: {  	s24 =	rddreg [dreg:$0xd];
	[sflag:s23] =	ssyncadd.s32 $0xFFFFE700  }
0x1d1: {  	[tilespmem:s15], [sflag:$0x2] =	stream.indirect.gather [hbm4b:s1+s13], $0x40, s24, s13, $0xb8;
	[tilespmem:$0x14280] =	vst v63  }
0x1d2: {  	_ =	swait.ge [sflag:s26], $0x1900  }
0x1d3: {  	[sflag:s26] =	ssyncset.done $0x0  }
0x1d4: {  	s25 =	rddreg [dreg:$0xe];
	[sflag:s26] =	ssyncadd.s32 $0xFFFFE700  }
0x1d5: {  	[spmem:s2] =	stream.indirect.scatter.add.f32 [tilespmem:s16], [sflag:$0x9], $0x40, s25, s13, $0xb8;
	[tilespmem:$0x14280] =	vst v63  }
0x1d6: {  	_ =	swait.ge [sflag:s28], $0x1900  }
0x1d7: {  	[sflag:s28] =	ssyncset.done $0x0  }
0x1d8: {  	s9 =	rddreg [dreg:$0xf];
	[sflag:s28] =	ssyncadd.s32 $0xFFFFE700  }
0x1d9: {  	[tilespmem:s16], [sflag:$0x3] =	stream.indirect.gather [hbm4b:s1+s13], $0x40, s9, s13, $0xb8;
	[tilespmem:$0x14280] =	vst v63  }
0x1da: {  	_ =	swait.ge [sflag:s29], $0x1900  }
0x1db: {  	[sflag:s29] =	ssyncset.done $0x0  }
0x1dc: {  	s24 =	rddreg [dreg:$0x10];
	[sflag:s29] =	ssyncadd.s32 $0xFFFFE700  }
0x1dd: {  	[spmem:s2] =	stream.indirect.scatter.add.f32 [tilespmem:s17], [sflag:$0xA], $0x40, s24, s13, $0xb8;
	[tilespmem:$0x14280] =	vst v63  }
0x1de: {  	_ =	swait.ge [sflag:s30], $0x1900  }
0x1df: {  	[sflag:s30] =	ssyncset.done $0x0  }
0x1e0: {  	s25 =	rddreg [dreg:$0x11];
	[sflag:s30] =	ssyncadd.s32 $0xFFFFE700  }
0x1e1: {  	[tilespmem:s17], [sflag:$0x4] =	stream.indirect.gather [hbm4b:s1+s13], $0x40, s25, s13, $0xb8;
	[tilespmem:$0x14280] =	vst v63  }
0x1e2: {  	_ =	swait.ge [sflag:s31], $0x1900  }
0x1e3: {  	[sflag:s31] =	ssyncset.done $0x0  }
0x1e4: {  	s9 =	rddreg [dreg:$0x12];
	[sflag:s31] =	ssyncadd.s32 $0xFFFFE700  }
0x1e5: {  	[spmem:s2] =	stream.indirect.scatter.add.f32 [tilespmem:s18], [sflag:$0xB], $0x40, s9, s13, $0xb8;
	[tilespmem:$0x14280] =	vst v63  }
0x1e6: {  	_ =	swait.ge [sflag:s0], $0x1900  }
0x1e7: {  	[sflag:s0] =	ssyncset.done $0x0  }
0x1e8: {  	s24 =	rddreg [dreg:$0x13];
	[sflag:s0] =	ssyncadd.s32 $0xFFFFE700  }
0x1e9: {  	[tilespmem:s18], [sflag:$0x5] =	stream.indirect.gather [hbm4b:s1+s13], $0x40, s24, s13, $0xb8;
	[tilespmem:$0x14280] =	vst v63  }
0x1ea: {  	_ =	swait.ge [sflag:s4], $0x1900  }
0x1eb: {  	[sflag:s4] =	ssyncset.done $0x0  }
0x1ec: {  	s25 =	rddreg [dreg:$0x14];
	[sflag:s4] =	ssyncadd.s32 $0xFFFFE700  }
0x1ed: {  	[spmem:s2] =	stream.indirect.scatter.add.f32 [tilespmem:s19], [sflag:$0xC], $0x40, s25, s13, $0xb8;
	[tilespmem:$0x14280] =	vst v63  }
0x1ee: {  	_ =	swait.ge [sflag:s6], $0x1900  }
0x1ef: {  	[sflag:s6] =	ssyncset.done $0x0  }
0x1f0: {  	s9 =	rddreg [dreg:$0x15];
	[sflag:s6] =	ssyncadd.s32 $0xFFFFE700  }
0x1f1: {  	[tilespmem:s19], [sflag:$0x6] =	stream.indirect.gather [hbm4b:s1+s13], $0x40, s9, s13, $0xb8;
	[tilespmem:$0x14280] =	vst v63  }
0x1f2: {  	_ =	swait.ge [sflag:s20], $0x1900  }
0x1f3: {  	[sflag:s20] =	ssyncset.done $0x0  }
0x1f4: {  	s24 =	rddreg [dreg:$0x16];
	[sflag:s20] =	ssyncadd.s32 $0xFFFFE700  }
0x1f5: {  	[spmem:s2] =	stream.indirect.scatter.add.f32 [tilespmem:s14], [sflag:$0x7], $0x40, s24, s13, $0xb8;
	[tilespmem:$0x14280] =	vst v63  }
0x1f6: {  	_ =	swait.ge [sflag:s21], $0x1900  }
0x1f7: {  	[sflag:s21] =	ssyncset.done $0x0  }
0x1f8: {  	s25 =	rddreg [dreg:$0x17];
	[sflag:s21] =	ssyncadd.s32 $0xFFFFE700  }
0x1f9: {  	[tilespmem:s14], [sflag:$0x1] =	stream.indirect.gather [hbm4b:s1+s13], $0x40, s25, s13, $0xb8;
	[tilespmem:$0x14280] =	vst v63  }
0x1fa: {  	_ =	swait.ge [sflag:s22], $0x1900  }
0x1fb: {  	[sflag:s22] =	ssyncset.done $0x0  }
0x1fc: {  	s9 =	rddreg [dreg:$0x18];
	[sflag:s22] =	ssyncadd.s32 $0xFFFFE700  }
0x1fd: {  	[spmem:s2] =	stream.indirect.scatter.add.f32 [tilespmem:s15], [sflag:$0x8], $0x40, s9, s13, $0xb8;
	[tilespmem:$0x14280] =	vst v63  }
0x1fe: {  	_ =	swait.ge [sflag:s23], $0x1900  }
0x1ff: {  	[sflag:s23] =	ssyncset.done $0x0  }
0x200: {  	s24 =	rddreg [dreg:$0x19];
	[sflag:s23] =	ssyncadd.s32 $0xFFFFE700  }
0x201: {  	[tilespmem:s15], [sflag:$0x2] =	stream.indirect.gather [hbm4b:s1+s13], $0x40, s24, s13, $0xb8;
	[tilespmem:$0x14280] =	vst v63  }
0x202: {  	_ =	swait.ge [sflag:s26], $0x1900  }
0x203: {  	[sflag:s26] =	ssyncset.done $0x0  }
0x204: {  	s25 =	rddreg [dreg:$0x1a];
	[sflag:s26] =	ssyncadd.s32 $0xFFFFE700  }
0x205: {  	[spmem:s2] =	stream.indirect.scatter.add.f32 [tilespmem:s16], [sflag:$0x9], $0x40, s25, s13, $0xb8;
	[tilespmem:$0x14280] =	vst v63  }
0x206: {  	_ =	swait.ge [sflag:s28], $0x1900  }
0x207: {  	[sflag:s28] =	ssyncset.done $0x0  }
0x208: {  	s9 =	rddreg [dreg:$0x1b];
	[sflag:s28] =	ssyncadd.s32 $0xFFFFE700  }
0x209: {  	[tilespmem:s16], [sflag:$0x3] =	stream.indirect.gather [hbm4b:s1+s13], $0x40, s9, s13, $0xb8;
	[tilespmem:$0x14280] =	vst v63  }
0x20a: {  	_ =	swait.ge [sflag:s29], $0x1900  }
0x20b: {  	[sflag:s29] =	ssyncset.done $0x0  }
0x20c: {  	s24 =	rddreg [dreg:$0x1c];
	[sflag:s29] =	ssyncadd.s32 $0xFFFFE700  }
0x20d: {  	[spmem:s2] =	stream.indirect.scatter.add.f32 [tilespmem:s17], [sflag:$0xA], $0x40, s24, s13, $0xb8;
	[tilespmem:$0x14280] =	vst v63  }
0x20e: {  	_ =	swait.ge [sflag:s30], $0x1900  }
0x20f: {  	[sflag:s30] =	ssyncset.done $0x0  }
0x210: {  	s25 =	rddreg [dreg:$0x1d];
	[sflag:s30] =	ssyncadd.s32 $0xFFFFE700  }
0x211: {  	[tilespmem:s17], [sflag:$0x4] =	stream.indirect.gather [hbm4b:s1+s13], $0x40, s25, s13, $0xb8;
	[tilespmem:$0x14280] =	vst v63  }
0x212: {  	_ =	swait.ge [sflag:s31], $0x1900  }
0x213: {  	[sflag:s31] =	ssyncset.done $0x0  }
0x214: {  	s9 =	rddreg [dreg:$0x1e];
	[sflag:s31] =	ssyncadd.s32 $0xFFFFE700  }
0x215: {  	[spmem:s2] =	stream.indirect.scatter.add.f32 [tilespmem:s18], [sflag:$0xB], $0x40, s9, s13, $0xb8;
	[tilespmem:$0x14280] =	vst v63  }
0x216: {  	_ =	swait.ge [sflag:s0], $0x1900  }
0x217: {  	[sflag:s0] =	ssyncset.done $0x0  }
0x218: {  	s24 =	rddreg [dreg:$0x1f];
	[sflag:s0] =	ssyncadd.s32 $0xFFFFE700  }
0x219: {  	[tilespmem:s18], [sflag:$0x5] =	stream.indirect.gather [hbm4b:s1+s13], $0x40, s24, s13, $0xb8;
	[tilespmem:$0x14280] =	vst v63  }
0x21a: {  	_ =	swait.ge [sflag:s4], $0x1900  }
0x21b: {  	s25 =	sld [smem:$0x7F1]  }
0x21c: {  	[sflag:s4] =	ssyncset.done $0x0  }
0x21d: {  	[sflag:s4] =	ssyncadd.s32 $0xFFFFE700  }
0x21e: {  	[spmem:s2] =	stream.indirect.scatter.add.f32 [tilespmem:s19], [sflag:$0xC], $0x40, s25, s13, $0xb8;
	[tilespmem:$0x14280] =	vst v63  }
0x21f: {  	_ =	swait.ge [sflag:s6], $0x1900  }
0x220: {  	s9 =	sld [smem:$0x7F2]  }
0x221: {  	[sflag:s6] =	ssyncset.done $0x0  }
0x222: {  	[sflag:s6] =	ssyncadd.s32 $0xFFFFE700  }
0x223: {  	[tilespmem:s19], [sflag:$0x6] =	stream.indirect.gather [hbm4b:s1+s13], $0x40, s9, s13, $0xb8;
	[tilespmem:$0x14280] =	vst v63  }
0x224: {  	_ =	swait.ge [sflag:s20], $0x1900  }
0x225: {  	s24 =	sld [smem:$0x7F3]  }
0x226: {  	[sflag:s20] =	ssyncset.done $0x0  }
0x227: {  	[sflag:s20] =	ssyncadd.s32 $0xFFFFE700  }
0x228: {  	[spmem:s2] =	stream.indirect.scatter.add.f32 [tilespmem:s14], [sflag:$0x7], $0x40, s24, s13, $0xb8;
	[tilespmem:$0x14280] =	vst v63  }
0x229: {  	_ =	swait.ge [sflag:s21], $0x1900  }
0x22a: {  	s25 =	sld [smem:$0x7F4]  }
0x22b: {  	[sflag:s21] =	ssyncset.done $0x0  }
0x22c: {  	[sflag:s21] =	ssyncadd.s32 $0xFFFFE700  }
0x22d: {  	[tilespmem:s14], [sflag:$0x1] =	stream.indirect.gather [hbm4b:s1+s13], $0x40, s25, s13, $0xb8;
	[tilespmem:$0x14280] =	vst v63  }
0x22e: {  	_ =	swait.ge [sflag:s22], $0x1900  }
0x22f: {  	s9 =	sld [smem:$0x7F5]  }
0x230: {  	[sflag:s22] =	ssyncset.done $0x0  }
0x231: {  	[sflag:s22] =	ssyncadd.s32 $0xFFFFE700  }
0x232: {  	[spmem:s2] =	stream.indirect.scatter.add.f32 [tilespmem:s15], [sflag:$0x8], $0x40, s9, s13, $0xb8;
	[tilespmem:$0x14280] =	vst v63  }
0x233: {  	_ =	swait.ge [sflag:s23], $0x1900  }
0x234: {  	s24 =	sld [smem:$0x7F6]  }
0x235: {  	[sflag:s23] =	ssyncset.done $0x0  }
0x236: {  	[sflag:s23] =	ssyncadd.s32 $0xFFFFE700  }
0x237: {  	[tilespmem:s15], [sflag:$0x2] =	stream.indirect.gather [hbm4b:s1+s13], $0x40, s24, s13, $0xb8;
	[tilespmem:$0x14280] =	vst v63  }
0x238: {  	_ =	swait.ge [sflag:s26], $0x1900  }
0x239: {  	s25 =	sld [smem:$0x7F7]  }
0x23a: {  	[sflag:s26] =	ssyncset.done $0x0  }
0x23b: {  	[sflag:s26] =	ssyncadd.s32 $0xFFFFE700  }
0x23c: {  	[spmem:s2] =	stream.indirect.scatter.add.f32 [tilespmem:s16], [sflag:$0x9], $0x40, s25, s13, $0xb8;
	[tilespmem:$0x14280] =	vst v63  }
0x23d: {  	_ =	swait.ge [sflag:s29], $0x1900  }
0x23e: {  	s9 =	sld [smem:$0x7F8]  }
0x23f: {  	[sflag:s29] =	ssyncset.done $0x0  }
0x240: {  	[sflag:s29] =	ssyncadd.s32 $0xFFFFE700  }
0x241: {  	[spmem:s2] =	stream.indirect.scatter.add.f32 [tilespmem:s17], [sflag:$0xA], $0x40, s9, s13, $0xb8;
	[tilespmem:$0x14280] =	vst v63  }
0x242: {  	_ =	swait.ge [sflag:s31], $0x1900  }
0x243: {  	s24 =	sld [smem:$0x7F9]  }
0x244: {  	[sflag:s31] =	ssyncset.done $0x0  }
0x245: {  	[sflag:s31] =	ssyncadd.s32 $0xFFFFE700  }
0x246: {  	[spmem:s2] =	stream.indirect.scatter.add.f32 [tilespmem:s18], [sflag:$0xB], $0x40, s24, s13, $0xb8;
	[tilespmem:$0x14280] =	vst v63  }
0x247: {  	_ =	swait.ge [sflag:s4], $0x1900  }
0x248: {  	s25 =	sld [smem:$0x7FA]  }
0x249: {  	[sflag:s4] =	ssyncset.done $0x0  }
0x24a: {  	[sflag:s4] =	ssyncadd.s32 $0xFFFFE700  }
0x24b: {  	[spmem:s2] =	stream.indirect.scatter.add.f32 [tilespmem:s19], [sflag:$0xC], $0x40, s25, s13, $0xb8;
	[tilespmem:$0x14280] =	vst v63  }
0x24c: {  	_ =	swait.ge [sflag:s20], $0x1900  }
0x24d: {  	[sflag:s20] =	ssyncset.done $0x0  }
0x24e: {  	[sflag:s20] =	ssyncadd.s32 $0xFFFFE700  }
0x24f: {  	[spmem:s2] =	stream.indirect.scatter.add.f32 [tilespmem:s14], [sflag:$0x7], $0x40, s7, s13, $0xb8;
	[tilespmem:$0x14280] =	vst v63  }
0x250: {  	_ =	swait.ge [sflag:s22], $0x1900  }
0x251: {  	[sflag:s22] =	ssyncset.done $0x0  }
0x252: {  	[sflag:s22] =	ssyncadd.s32 $0xFFFFE700  }
0x253: {  	[spmem:s2] =	stream.indirect.scatter.add.f32 [tilespmem:s15], [sflag:$0x8], $0x40, s8, s13, $0xb8;
	[tilespmem:$0x14280] =	vst v63  }
0x254: {  	_ =	swait.ge [sflag:s21], $0x1900  }
0x255: {  	[sflag:s21] =	ssyncset.done $0x0  }
0x256: {  	[sflag:s21] =	ssyncadd.s32 $0xFFFFE700  }
0x257: {  	_ =	swait.ge [sflag:s23], $0x1900  }
0x258: {  	[sflag:s23] =	ssyncset.done $0x0  }
0x259: {  	[sflag:s23] =	ssyncadd.s32 $0xFFFFE700  }
0x25a: {  	_ =	swait.ge [sflag:s28], $0x1900  }
0x25b: {  	[sflag:s28] =	ssyncset.done $0x0  }
0x25c: {  	[sflag:s28] =	ssyncadd.s32 $0xFFFFE700  }
0x25d: {  	_ =	swait.ge [sflag:s30], $0x1900  }
0x25e: {  	[sflag:s30] =	ssyncset.done $0x0  }
0x25f: {  	[sflag:s30] =	ssyncadd.s32 $0xFFFFE700  }
0x260: {  	_ =	swait.ge [sflag:s0], $0x1900  }
0x261: {  	[sflag:s0] =	ssyncset.done $0x0  }
0x262: {  	[sflag:s0] =	ssyncadd.s32 $0xFFFFE700  }
0x263: {  	_ =	swait.ge [sflag:s6], $0x1900  }
0x264: {  	[sflag:s6] =	ssyncset.done $0x0  }
0x265: {  	[sflag:s6] =	ssyncadd.s32 $0xFFFFE700  }
0x266: {  	[bflag:$0x0] =	sbarrier.arrive $0xFFFF  }
0x267: {  	s24 =	sld [smem:$0x7FD]  }
0x268: {  	s9 =	sld [smem:$0x7ED]  }
0x269: {  	s25 =	sld [smem:$0x7FB];
	_ =	sdelay $0x2  }
0x26a: {  	[hbm:s9], [sflag:s24] =	dma.local [spmem:s25], $0x1380  }
0x26b: {  	_ =	swait.ge [sflag:s10], $0x1380  }
0x26c: {  	s5 =	sld [smem:$0x7EE]  }
0x26d: {  	s9 =	sld [smem:$0x7FC]  }
0x26e: {  	[sflag:s10] =	ssyncset.done $0x0  }
0x26f: {  	[sflag:s10] =	ssyncadd.s32 $0xFFFFEC80  }
0x270: {  	[hbm:s5], [sflag:s24] =	dma.local @!p0 [spmem:s9], $0x80  }
0x271: {  	s5 =	simm.s32 @!p0 $0xD  }
0x272: {  	_ =	swait.ge @!p0 [sflag:s5], $0x80  }
0x273: {  	s25 =	sld [smem:$0x7EB]  }
0x274: {  	s9 =	sld [smem:$0x7EF];
	_ =	sdelay $0x1  }
0x275: {  	s25 =	sadd.s32 $0x1, s25  }
0x276: {  	p1 =	sne.s32 s25, s9  }
.Ltmp1:
0x277: {  	_ = 	snop;
	(pc) =	sbr.rel @p1 .LBB2_1-.Ltmp1, $3  }
0x278: {  	_ =	sdelay $0x1  }
0x279: {  	[sflag:s5] =	ssyncset.done @!p0 $0x0  }
0x27a: {  	[sflag:s5] =	ssyncadd.s32 @!p0 $0xFFFFFF80  }
0x27b: {  	_ =	sfence.sel $0x180000  }
0x27c: {  	[bflag:$0x0] =	sbarrier.arrive $0xFFFF  }
0x27d: {  	_ =	strace $0x9000004D  }
0x27e: {  	[bflag:$0x2] =	sbarrier.arrive $0xFFFF  }
0x27f: {  	s0 =	rddreg [dreg:$0x3]  }
0x280: {  	s0 =	sadd.s32 @!p0 $0x100000, s0  }
0x281: {  	[sflag:s0] =	ssyncadd.tile.s32 @!p0 $0x1;
	_ =	shalt  }
.Lfunc_end2:
_tile_overlayer_lowered:
.L_overlay_start_2:
0x282: {  	(tag) =	ssettag $0x2  }
0x283: {  	s0 =	rddreg [dreg:$0x0];
	s2 =	stileid.u32  }
0x284: {  	s1 =	rddreg [dreg:$0x1];
	p0 =	sne.s32 s2, $0x0  }
0x285: {  	s3 =	rddreg [dreg:$0x2];
	[bflag:$0x3] =	sbarrier.arrive $0xFFFF;
	s2 =	simm.s32 @!p0 $0x1C0D  }
0x286: {  	[timem:s3], [sflag:s2] =	dma.local @!p0 [hbm:s0], s1  }
0x287: {  	s0 =	simm.s32 @!p0 $0xD  }
0x288: {  	_ =	swait.ge @!p0 [sflag:s0], s1  }
0x289: {  	s1 =	ssub.s32 @!p0 $0x0, s1;
	[sflag:s0] =	ssyncset.done @!p0 $0x0  }
0x28a: {  	[sflag:s0] =	ssyncadd.s32 @!p0 s1  }
0x28b: {  	[bflag:$0x3] =	sbarrier.arrive $0xFFFF  }
0x28c: {  	_ =	shalt  }

// kernel: kernel.8.cloned.1.call-start
scs
__scs_entry_jumppad:
0x0: {  	(pc) =	sbr.rel $0x88, $3  }
0x1: {  	(tag) =	ssettag $0x0;
	lr =	simm.s32 $0x1  }
0x2: {  	[smem:$0x3F99] =	sst lr;
	_ =	strace $0xD0000000  }
0x3: {  	_ = 	snop  }
0x4: {  	_ = 	snop  }
0x5: {  	_ = 	snop  }
0x6: {  	_ = 	snop  }
0x7: {  	_ = 	snop  }
__scs_overlays_trampoline_lowered:
0x8: {  	[smem:$0x3FA8] =	sst s0  }
0x9: {  	[smem:$0x3FA9] =	sst s1  }
0xa: {  	[smem:$0x3FAA] =	sst s2  }
0xb: {  	[smem:$0x3FAB] =	sst s3  }
0xc: {  	[smem:$0x3FAC] =	sst s4  }
0xd: {  	[smem:$0x3FAD] =	sst s5  }
0xe: {  	[smem:$0x3FAE] =	sst s6  }
0xf: {  	[smem:$0x3FAF] =	sst s7  }
0x10: {  	[smem:$0x3FB0] =	sst s8  }
0x11: {  	[smem:$0x3FB1] =	sst s9;
	s0 =	simm.s32 @!p0 $0x0  }
0x12: {  	s1 =	sld [smem:$0x3F97];
	s0 =	simm.s32 @p0 $0x1  }
0x13: {  	[smem:$0x3FB2] =	sst s0;
	s0 =	simm.s32 @!p1 $0x0  }
0x14: {  	s2 =	sld [smem:$0x3F96];
	s0 =	simm.s32 @p1 $0x1  }
0x15: {  	[smem:$0x3FB3] =	sst s0;
	s0 =	simm.s32 @!p2 $0x0  }
0x16: {  	s3 =	sld [smem:$0x3FDB];
	s0 =	simm.s32 @p2 $0x1  }
0x17: {  	s4 =	simm.s32 $0x1BF5;
	[smem:$0x3FB5] =	sst s0  }
0x18: {  	s0 =	sld [smem:$0x3F98];
	_ =	swait.ge [sflag:s4], $0x0  }
0x19: {  	s7 =	sld [smem:$0x3F99]  }
0x1a: {  	s8 =	sadd.s32 $0xFFFFE003, lr  }
0x1b: {  	s9 =	sadd.s32 $0xFFFFFEF7, lr;
	s5 =	simm.s32 $0xFFFFFFFF;
	p2 =	slt.u32 s8, $0xFFFFF086  }
0x1c: {  	p1 =	slt.u32 s9, $0xF7A;
	s5 =	simm.s32 @!p2 $0x0  }
0x1d: {  	s5 =	simm.s32 @p1 $0x1;
	p0 =	seq.s32 s7, s2  }
0x1e: {  	s7 =	smul.u32 @!p0 $0xF7A, s2;
	p2 =	seq.s32 @!p0 s5, $0x0  }
0x1f: {  	s9 =	smul.u32 $0xF7A, s1;
	s8 =	simm.s32 @!p0 $0x1BF5;
	p2 =	por !p2, p0  }
0x20: {  	[sflag:s8] =	ssyncset.s32 @!p0 $0xFFFFF086;
	s6 =	sadd.s32 @!p0 s3, s7;
	s7 =	simm.s32 @!p0 $0x108  }
0x21: {  	s3 =	sadd.s32 s3, s9;
	s6 =	sadd.s32 @!p0 $0x88, s6;
	s7 =	simm.s32 @p2 $0x1082  }
0x22: {  	[simem:s7], [sflag:s8] =	dma.local @!p0 [hbm:s6], $0xF7A  }
0x23: {  	s9 =	sor.u32 $0xD0000000, s2;
	s6 =	simm.s32 $0x108;
	_ =	swait.ge @!p0 [sflag:s8], $0x0  }
0x24: {  	s3 =	sadd.s32 $0x88, s3;
	s6 =	simm.s32 @!p1 $0x1082;
	[sflag:s4] =	ssyncset.s32 $0xFFFFF086  }
0x25: {  	[simem:s6], [sflag:s4] =	dma.local [hbm:s3], $0xF7A  }
0x26: {  	[smem:$0x3F99] =	sst s1;
	(tag) =	ssettag s2;
	_ =	strace s9  }
0x27: {  	s1 =	sld [smem:$0x3FA9]  }
0x28: {  	s2 =	sld [smem:$0x3FAA]  }
0x29: {  	s4 =	sld [smem:$0x3FAC]  }
0x2a: {  	p0 =	seq.s32 s5, $0x0;
	s5 =	sld [smem:$0x3FAD]  }
0x2b: {  	s6 =	sld [smem:$0x3FAE]  }
0x2c: {  	s7 =	sld [smem:$0x3FAF]  }
0x2d: {  	s3 =	simm.s32 $0x108;
	s8 =	sld [smem:$0x3FB0]  }
0x2e: {  	s3 =	simm.s32 @!p0 $0x1082;
	s9 =	sld [smem:$0x3FB1]  }
0x2f: {  	lr =	sadd.s32 s0, s3;
	s0 =	sld [smem:$0x3FA8]  }
0x30: {  	s3 =	sld [smem:$0x3FAB]  }
0x31: {  	[smem:$0x3FB4] =	sst s10  }
0x32: {  	s10 =	sld [smem:$0x3FB2];
	_ =	sdelay $0x3  }
0x33: {  	p0 =	seq.s32 s10, $0x1;
	s10 =	sld [smem:$0x3FB4];
	_ =	sdelay $0x3  }
0x34: {  	[smem:$0x3FB4] =	sst s10  }
0x35: {  	s10 =	sld [smem:$0x3FB3];
	_ =	sdelay $0x3  }
0x36: {  	p1 =	seq.s32 s10, $0x1;
	s10 =	sld [smem:$0x3FB4];
	_ =	sdelay $0x3  }
0x37: {  	[smem:$0x3FB4] =	sst s10  }
0x38: {  	s10 =	sld [smem:$0x3FB5]  }
0x39: {  	_ = 	snop;
	(pc) =	sbr.ind lr, $3  }
0x3a: {  	_ = 	snop  }
0x3b: {  	_ = 	snop  }
0x3c: {  	p2 =	seq.s32 s10, $0x1;
	s10 =	sld [smem:$0x3FB4]  }
0x3d: {  	_ =	shalt  }
0x3e: {  	_ =	shalt  }
0x3f: {  	_ =	shalt  }
0x40: {  	_ =	shalt  }
0x41: {  	_ =	shalt  }
0x42: {  	_ =	shalt  }
0x43: {  	_ =	shalt  }
0x44: {  	_ =	shalt  }
0x45: {  	_ =	shalt  }
0x46: {  	_ =	shalt  }
0x47: {  	_ =	shalt  }
0x48: {  	_ =	shalt  }
0x49: {  	_ =	shalt  }
0x4a: {  	_ =	shalt  }
0x4b: {  	_ =	shalt  }
0x4c: {  	_ =	shalt  }
0x4d: {  	_ =	shalt  }
0x4e: {  	_ =	shalt  }
0x4f: {  	_ =	shalt  }
0x50: {  	_ =	shalt  }
0x51: {  	_ =	shalt  }
0x52: {  	_ =	shalt  }
0x53: {  	_ =	shalt  }
0x54: {  	_ =	shalt  }
0x55: {  	_ =	shalt  }
0x56: {  	_ =	shalt  }
0x57: {  	_ =	shalt  }
0x58: {  	_ =	shalt  }
0x59: {  	_ =	shalt  }
0x5a: {  	_ =	shalt  }
0x5b: {  	_ =	shalt  }
0x5c: {  	_ =	shalt  }
0x5d: {  	_ =	shalt  }
0x5e: {  	_ =	shalt  }
0x5f: {  	_ =	shalt  }
0x60: {  	_ =	shalt  }
0x61: {  	_ =	shalt  }
0x62: {  	_ =	shalt  }
0x63: {  	_ =	shalt  }
0x64: {  	_ =	shalt  }
0x65: {  	_ =	shalt  }
0x66: {  	_ =	shalt  }
0x67: {  	_ =	shalt  }
0x68: {  	_ =	shalt  }
0x69: {  	_ =	shalt  }
0x6a: {  	_ =	shalt  }
0x6b: {  	_ =	shalt  }
0x6c: {  	_ =	shalt  }
0x6d: {  	_ =	shalt  }
0x6e: {  	_ =	shalt  }
0x6f: {  	_ =	shalt  }
0x70: {  	_ =	shalt  }
0x71: {  	_ =	shalt  }
0x72: {  	_ =	shalt  }
0x73: {  	_ =	shalt  }
0x74: {  	_ =	shalt  }
0x75: {  	_ =	shalt  }
0x76: {  	_ =	shalt  }
0x77: {  	_ =	shalt  }
0x78: {  	_ =	shalt  }
0x79: {  	_ =	shalt  }
0x7a: {  	_ =	shalt  }
0x7b: {  	_ =	shalt  }
0x7c: {  	_ =	shalt  }
0x7d: {  	_ =	shalt  }
0x7e: {  	_ =	shalt  }
0x7f: {  	_ =	shalt  }
0x80: {  	_ =	shalt  }
0x81: {  	_ =	shalt  }
0x82: {  	_ =	shalt  }
0x83: {  	_ =	shalt  }
0x84: {  	_ =	shalt  }
0x85: {  	_ =	shalt  }
0x86: {  	_ =	shalt  }
0x87: {  	_ =	shalt  }
.Lfunc_end0:
.L_simem_size_0:
called_computation_lowered:
.L_overlay_start_0:
0x88: {  	s2 =	sld [smem:$0x3FD9]  }
0x89: {  	s3 =	sld [smem:$0x3FFE];
	_ =	sdelay $0x1  }
0x8a: {  	s1 =	srdreg.scid  }
0x8b: {  	s0 =	sand.u32 $0x1, s1  }
0x8c: {  	s17 =	sshll.u32 s0, $0xA;
	s2 =	sadd.s32 s3, s2  }
0x8d: {  	s2 =	sadd.s32 s2, s17  }
0x8e: {  	[smem:$0x3FC0] =	sst s2  }
0x8f: {  	_ = 	snop  }
0x90: {  	s2 =	sld [smem:$0x3FD0];
	(tm) =	ssettm $0x1  }
0x91: {  	s18 =	sld [smem:$0x3FFB];
	_ =	sdelay $0x3  }
0x92: {  	_ =	strace s18  }
0x93: {  	s3 =	sld [smem:$0x3FFC];
	_ =	sdelay $0x3  }
0x94: {  	_ =	strace s3  }
0x95: {  	s3 =	sld [smem:$0x3FFD];
	_ =	sdelay $0x3  }
0x96: {  	_ =	strace s3  }
0x97: {  	_ =	strace $0x8FFFFFFF  }
0x98: {  	s19 =	sld [smem:$0x3FDB];
	_ =	sdelay $0x1  }
0x99: {  	s4 =	simm.s32 $_scs_section_size  }
0x9a: {  	s5 =	simm.s32 $_size__tile_overlayer_lowered;
	s6 =	simm.s32 $_tile_overlayer_lowered  }
0x9b: {  	s22 =	simm.s32 $0x1BFF;
	s21 =	sshll.u32 s6, $0x1;
	s3 =	sadd.s32 s4, s19  }
0x9c: {  	s7 =	simm.s32 $0x0;
	s20 =	sshll.u32 s5, $0x1;
	s5 =	sadd.s32 s21, s3  }
0x9d: {  	[timem:s7], [sflag:s22] =	dma.local [hbm:s5], s20  }
0x9e: {  	_ =	swait.ge [sflag:s22], s20  }
0x9f: {  	s4 =	ssub.s32 $0x0, s20;
	[sflag:s22] =	ssyncset.done $0x0  }
0xa0: {  	[sflag:s22] =	ssyncadd.s32 s4;
	_ =	sdelay $0x1  }
0xa1: {  	s23 =	simm.s32 $0x1B8B  }
0xa2: {  	_ =	swait.ge [sflag:s23], $0x1  }
0xa3: {  	[sflag:s23] =	ssyncset.done $0x0  }
0xa4: {  	s25 =	simm.s32 $0x1B8E;
	s24 =	sld [smem:$0x3FFE];
	[sflag:s23] =	ssyncadd.s32 $0xFFFFFFFF  }
0xa5: {  	s26 =	simm.s32 $execute0_lowered;
	[smem:$0x3FD2] =	sst s25  }
0xa6: {  	s5 =	sshll.u32 s26, $0x1;
	_ =	strace $0x80000046;
	[dreg:$0x1] =	wrdreg $0xFFFFFFFF  }
0xa7: {  	s28 =	simm.s32 $_size_execute0_lowered;
	s3 =	sadd.s32 s3, s5;
	[dreg:$0x0] =	wrdreg $0x0  }
0xa8: {  	s5 =	sshll.u32 s28, $0x1;
	[dreg:$0x2] =	wrdreg s3  }
0xa9: {  	[dreg:$0x3] =	wrdreg s5  }
0xaa: {  	[dreg:$0x4] =	wrdreg $0xC0  }
0xab: {  	_ =	task [dreg:s7], $0x5FFFF  }
0xac: {  	[dreg:$0x1] =	wrdreg $0xFFFFFFFF  }
0xad: {  	[dreg:$0x0] =	wrdreg $0x60  }
0xae: {  	[dreg:$0x2] =	wrdreg s24  }
0xaf: {  	[dreg:$0x3] =	wrdreg s2  }
0xb0: {  	[dreg:$0x4] =	wrdreg $0x0  }
0xb1: {  	[dreg:$0x5] =	wrdreg $0x9  }
0xb2: {  	_ =	task.clear_ibuf [dreg:s7], $0x6FFFF;
	_ =	strace $0x90000046  }
0xb3: {  	s29 =	simm.s32 $0x9;
	_ =	strace $0x80000048  }
0xb4: {  	_ =	swait.ge [sflag:s29], $0x1  }
0xb5: {  	[sflag:s29] =	ssyncadd.s32 $0xFFFFFFFF  }
0xb6: {  	_ =	strace $0x90000048  }
0xb7: {  	_ =	sfence  }
0xb8: {  	s30 =	sld [smem:$0x0];
	_ =	sdelay $0x2  }
0xb9: {  	s31 =	sshll.u32 s1, $0xD;
	s1 =	sshrl.u32 s1, $0x2  }
0xba: {  	s3 =	sand.u32 $0x4000, s31;
	s1 =	sadd.s32 s1, s30  }
0xbb: {  	s0 =	sor.u32 s3, s0;
	s1 =	sshll.u32 s1, $0x11  }
0xbc: {  	s0 =	sor.u32 s1, s0  }
0xbd: {  	s0 =	sadd.s32 $0x8F2B, s0  }
0xbe: {  	[sflag:s0] =	ssyncadd.remote.s32 $0x1  }
0xbf: {  	_ =	sfence.sel $0xFFFF  }
0xc0: {  	[dreg:$0x0] =	wrdreg $0xFFFFFFFF;
	(pc) =	sbr.abs _section_cstart, $3  }
0xc1: {  	[dreg:$0x1] =	wrdreg $0xFFFFFFFF  }
0xc2: {  	_ =	task.clear_ibuf [dreg:s7], $0x2FFFF;
	_ =	strace $0x9FFFFFFF  }
0xc3: {  	(tm) =	ssettm $0x7FFFFFFF  }
tec
execute0_lowered:
.L_overlay_start_1:
0x0: {  	(tag) =	ssettag $0x1  }
0x1: {  	s0 =	rddreg [dreg:$0x0];
	s1 =	srdreg.scid  }
0x2: {  	s3 =	stileid.u32;
	s4 =	rddreg [dreg:$0x1];
	s2 =	simm.s32 $0x0  }
0x3: {  	s12 =	simm.s32 $0x2710;
	s13 =	simm.s32 $0x64;
	s14 =	simm.s32 $0x2778  }
0x4: {  	s15 =	simm.s32 $0x1;
	s16 =	simm.s32 $0x27E0;
	s17 =	simm.s32 $0x2  }
0x5: {  	s18 =	simm.s32 $0x2848;
	s19 =	simm.s32 $0x28B0;
	s20 =	simm.s32 $0x2918  }
0x6: {  	s21 =	simm.s32 $0x2980;
	s28 =	simm.s32 $0x2B20;
	s29 =	simm.s32 $0x2B88  }
0x7: {  	s30 =	simm.s32 $0x2BF0;
	s31 =	simm.s32 $0x2C58;
	s6 =	smul.u32 $0x5140, s3  }
0x8: {  	s5 =	sand.u32 $0x1, s1;
	s1 =	rddreg [dreg:$0x2];
	s25 =	smul.u32 $0x9C40, s3  }
0x9: {  	[smem:$0x7FF] =	sst s2;
	s10 =	smul.u32 $0x2700, s3;
	s11 =	sadd.s32 $0x17000, s0  }
0xa: {  	s23 =	sshll.u32 s3, $0x6;
	p0 =	sne.s32 s3, $0x0;
	s3 =	simm.s32 $0x2D28  }
0xb: {  	s7 =	smul.u32 $0x28A0, s5;
	_ =	strace $0x80000047;
	s8 =	ssub.s32 $0x2, s5  }
0xc: {  	s5 =	smul.u32 $0x27100, s5;
	[dreg:$0x5] =	wrdreg s11;
	s9 =	sshrl.u32 s8, $0x1  }
0xd: {  	s11 =	sadd.s32 s10, s1;
	s6 =	sadd.s32 s7, s6;
	s26 =	ssub.s32 s8, s9  }
0xe: {  	s7 =	sshrl.u32 s25, $0x2;
	s9 =	sadd.s32 s10, s5;
	s5 =	sshrl.u32 s5, $0x3  }
0xf: {  	s25 =	sor.u32 $0x1C03, s23;
	s23 =	simm.s32 $0x2A50;
	s6 =	sadd.s32 $0x51400, s6  }
0x10: {  	s7 =	sadd.s32 s7, s1;
	s8 =	sshrl.u32 s9, $0x3;
	s5 =	sadd.s32 s4, s5  }
0x11: {  	s9 =	simm.s32 $0x3;
	[dreg:$0xa] =	wrdreg s25;
	s6 =	sshrl.u32 s6, $0x3  }
0x12: {  	s4 =	sadd.s32 s4, s8;
	s5 =	sadd.s32 $0x4E00, s5;
	s8 =	simm.s32 $0x2F30  }
0x13: {  	s24 =	sshrl.u32 s7, $0x3;
	s7 =	simm.s32 $0x2EC8;
	[dreg:$0x7] =	wrdreg s4  }
0x14: {  	s6 =	sadd.s32 s6, s0;
	s0 =	sadd.s32 $0x17200, s0;
	[dreg:$0x8] =	wrdreg s5  }
0x15: {  	s5 =	sadd.s32 $0x27000, s1;
	[dreg:$0xb] =	wrdreg s24;
	s4 =	simm.s32 $0x2D90  }
0x16: {  	[dreg:$0x6] =	wrdreg s0;
	s0 =	smax.u32 s26, $0x1;
	s22 =	sadd.s32 $0x2A00, s6  }
0x17: {  	s26 =	sshrl.u32 s11, $0x3;
	s6 =	simm.s32 $0x2E60;
	[dreg:$0x9] =	wrdreg s0  }
0x18: {  	s11 =	simm.s32 $0x0;
	[dreg:$0x4] =	wrdreg s22;
	s22 =	simm.s32 $0x29E8  }
0x19: {  	[dreg:$0xc] =	wrdreg s26;
	s0 =	sshrl.u32 @!p0 s5, $0x3;
	s26 =	simm.s32 $0x2AB8  }
0x1a: {  	s5 =	simm.s32 $0x2DF8;
	[dreg:$0xd] =	wrdreg s0;
	s0 =	simm.s32 $0x2CC0  }
.LBB2_1:
0x1b: {  	s10 =	rddreg [dreg:$0x5]  }
0x1c: {  	[tilespmem:s8], [sflag:$0x3] =	stream.linear.gather [hbm4b:s10+s2], $0x640, $0x38;
	[tilespmem:$0x3570] =	vst v63  }
0x1d: {  	_ =	swait.ge [sflag:s9], $0x640  }
0x1e: {  	[sflag:s9] =	ssyncset.done $0x0;
	s10 =	rddreg [dreg:$0x6]  }
0x1f: {  	s24 =	rddreg [dreg:$0xb];
	[sflag:s9] =	ssyncadd.s32 $0xFFFFF9C0  }
0x20: {  	[spmem:s24], [sflag:s25] =	dma.local [hbm:s10], $0x4E2  }
0x21: {  	_ =	swait.ge [sflag:s9], $0x4E2  }
0x22: {  	[sflag:s9] =	ssyncset.done $0x0  }
0x23: {  	[sflag:s9] =	ssyncadd.s32 $0xFFFFFB1E  }
0x24: {  	[bflag:$0x0] =	sbarrier.arrive $0xFFFF  }
0x25: {  	s25 =	rddreg [dreg:$0x4]  }
0x26: {  	s24 =	sadd.s32 $0x0, s25  }
0x27: {  	[tilespmem:s12], [sflag:$0x3] =	stream.linear.gather [hbm4b:s24+s2], $0x820, $0x38;
	[tilespmem:$0x3570] =	vst v63  }
0x28: {  	_ =	swait.ge [sflag:s9], $0x820  }
0x29: {  	[sflag:s9] =	ssyncset.done $0x0  }
0x2a: {  	[sflag:s9] =	ssyncadd.s32 $0xFFFFF7E0  }
0x2b: {  	[spmem:s1] =	stream.indirect.scatter.add.f32 [tilespmem:s8], [sflag:$0x1], $0x10, s12, s13, $0xb8;
	[tilespmem:$0x3570] =	vst v63  }
0x2c: {  	_ = 	snop  }
0x2d: {  	[spmem:s1] =	stream.indirect.scatter.add.f32 [tilespmem:s8], [sflag:$0x2], $0x10, s14, s13, $0xb8;
	[tilespmem:$0x3570] =	vst v63  }
0x2e: {  	_ =	swait.ge [sflag:s15], $0x640  }
0x2f: {  	[sflag:s15] =	ssyncset.done $0x0  }
0x30: {  	[sflag:s15] =	ssyncadd.s32 $0xFFFFF9C0  }
0x31: {  	[spmem:s1] =	stream.indirect.scatter.add.f32 [tilespmem:s8], [sflag:$0x1], $0x10, s16, s13, $0xb8;
	[tilespmem:$0x3570] =	vst v63  }
0x32: {  	_ =	swait.ge [sflag:s17], $0x640  }
0x33: {  	[sflag:s17] =	ssyncset.done $0x0  }
0x34: {  	[sflag:s17] =	ssyncadd.s32 $0xFFFFF9C0  }
0x35: {  	[spmem:s1] =	stream.indirect.scatter.add.f32 [tilespmem:s8], [sflag:$0x2], $0x10, s18, s13, $0xb8;
	[tilespmem:$0x3570] =	vst v63  }
0x36: {  	_ =	swait.ge [sflag:s15], $0x640  }
0x37: {  	[sflag:s15] =	ssyncset.done $0x0  }
0x38: {  	[sflag:s15] =	ssyncadd.s32 $0xFFFFF9C0  }
0x39: {  	[spmem:s1] =	stream.indirect.scatter.add.f32 [tilespmem:s8], [sflag:$0x1], $0x10, s19, s13, $0xb8;
	[tilespmem:$0x3570] =	vst v63  }
0x3a: {  	_ =	swait.ge [sflag:s17], $0x640  }
0x3b: {  	[sflag:s17] =	ssyncset.done $0x0  }
0x3c: {  	[sflag:s17] =	ssyncadd.s32 $0xFFFFF9C0  }
0x3d: {  	[spmem:s1] =	stream.indirect.scatter.add.f32 [tilespmem:s8], [sflag:$0x2], $0x10, s20, s13, $0xb8;
	[tilespmem:$0x3570] =	vst v63  }
0x3e: {  	_ =	swait.ge [sflag:s15], $0x640  }
0x3f: {  	[sflag:s15] =	ssyncset.done $0x0  }
0x40: {  	[sflag:s15] =	ssyncadd.s32 $0xFFFFF9C0  }
0x41: {  	[spmem:s1] =	stream.indirect.scatter.add.f32 [tilespmem:s8], [sflag:$0x1], $0x10, s21, s13, $0xb8;
	[tilespmem:$0x3570] =	vst v63  }
0x42: {  	_ =	swait.ge [sflag:s17], $0x640  }
0x43: {  	[sflag:s17] =	ssyncset.done $0x0  }
0x44: {  	[sflag:s17] =	ssyncadd.s32 $0xFFFFF9C0  }
0x45: {  	[spmem:s1] =	stream.indirect.scatter.add.f32 [tilespmem:s8], [sflag:$0x2], $0x10, s22, s13, $0xb8;
	[tilespmem:$0x3570] =	vst v63  }
0x46: {  	_ =	swait.ge [sflag:s15], $0x640  }
0x47: {  	[sflag:s15] =	ssyncset.done $0x0  }
0x48: {  	[sflag:s15] =	ssyncadd.s32 $0xFFFFF9C0  }
0x49: {  	[spmem:s1] =	stream.indirect.scatter.add.f32 [tilespmem:s8], [sflag:$0x1], $0x10, s23, s13, $0xb8;
	[tilespmem:$0x3570] =	vst v63  }
0x4a: {  	_ =	swait.ge [sflag:s17], $0x640  }
0x4b: {  	[sflag:s17] =	ssyncset.done $0x0  }
0x4c: {  	[sflag:s17] =	ssyncadd.s32 $0xFFFFF9C0  }
0x4d: {  	[spmem:s1] =	stream.indirect.scatter.add.f32 [tilespmem:s8], [sflag:$0x2], $0x10, s26, s13, $0xb8;
	[tilespmem:$0x3570] =	vst v63  }
0x4e: {  	_ =	swait.ge [sflag:s15], $0x640  }
0x4f: {  	[sflag:s15] =	ssyncset.done $0x0  }
0x50: {  	[sflag:s15] =	ssyncadd.s32 $0xFFFFF9C0  }
0x51: {  	[spmem:s1] =	stream.indirect.scatter.add.f32 [tilespmem:s8], [sflag:$0x1], $0x10, s28, s13, $0xb8;
	[tilespmem:$0x3570] =	vst v63  }
0x52: {  	_ =	swait.ge [sflag:s17], $0x640  }
0x53: {  	[sflag:s17] =	ssyncset.done $0x0  }
0x54: {  	[sflag:s17] =	ssyncadd.s32 $0xFFFFF9C0  }
0x55: {  	[spmem:s1] =	stream.indirect.scatter.add.f32 [tilespmem:s8], [sflag:$0x2], $0x10, s29, s13, $0xb8;
	[tilespmem:$0x3570] =	vst v63  }
0x56: {  	_ =	swait.ge [sflag:s15], $0x640  }
0x57: {  	[sflag:s15] =	ssyncset.done $0x0  }
0x58: {  	[sflag:s15] =	ssyncadd.s32 $0xFFFFF9C0  }
0x59: {  	[spmem:s1] =	stream.indirect.scatter.add.f32 [tilespmem:s8], [sflag:$0x1], $0x10, s30, s13, $0xb8;
	[tilespmem:$0x3570] =	vst v63  }
0x5a: {  	_ =	swait.ge [sflag:s17], $0x640  }
0x5b: {  	[sflag:s17] =	ssyncset.done $0x0  }
0x5c: {  	[sflag:s17] =	ssyncadd.s32 $0xFFFFF9C0  }
0x5d: {  	[spmem:s1] =	stream.indirect.scatter.add.f32 [tilespmem:s8], [sflag:$0x2], $0x10, s31, s13, $0xb8;
	[tilespmem:$0x3570] =	vst v63  }
0x5e: {  	_ =	swait.ge [sflag:s15], $0x640  }
0x5f: {  	[sflag:s15] =	ssyncset.done $0x0  }
0x60: {  	[sflag:s15] =	ssyncadd.s32 $0xFFFFF9C0  }
0x61: {  	[spmem:s1] =	stream.indirect.scatter.add.f32 [tilespmem:s8], [sflag:$0x1], $0x10, s0, s13, $0xb8;
	[tilespmem:$0x3570] =	vst v63  }
0x62: {  	_ =	swait.ge [sflag:s17], $0x640  }
0x63: {  	[sflag:s17] =	ssyncset.done $0x0  }
0x64: {  	[sflag:s17] =	ssyncadd.s32 $0xFFFFF9C0  }
0x65: {  	[spmem:s1] =	stream.indirect.scatter.add.f32 [tilespmem:s8], [sflag:$0x2], $0x10, s3, s13, $0xb8;
	[tilespmem:$0x3570] =	vst v63  }
0x66: {  	_ =	swait.ge [sflag:s15], $0x640  }
0x67: {  	[sflag:s15] =	ssyncset.done $0x0  }
0x68: {  	[sflag:s15] =	ssyncadd.s32 $0xFFFFF9C0  }
0x69: {  	[spmem:s1] =	stream.indirect.scatter.add.f32 [tilespmem:s8], [sflag:$0x1], $0x10, s4, s13, $0xb8;
	[tilespmem:$0x3570] =	vst v63  }
0x6a: {  	_ =	swait.ge [sflag:s17], $0x640  }
0x6b: {  	[sflag:s17] =	ssyncset.done $0x0  }
0x6c: {  	[sflag:s17] =	ssyncadd.s32 $0xFFFFF9C0  }
0x6d: {  	[spmem:s1] =	stream.indirect.scatter.add.f32 [tilespmem:s8], [sflag:$0x2], $0x10, s5, s13, $0xb8;
	[tilespmem:$0x3570] =	vst v63  }
0x6e: {  	_ =	swait.ge [sflag:s15], $0x640  }
0x6f: {  	[sflag:s15] =	ssyncset.done $0x0  }
0x70: {  	[sflag:s15] =	ssyncadd.s32 $0xFFFFF9C0  }
0x71: {  	[spmem:s1] =	stream.indirect.scatter.add.f32 [tilespmem:s8], [sflag:$0x1], $0x10, s6, s13, $0xb8;
	[tilespmem:$0x3570] =	vst v63  }
0x72: {  	_ =	swait.ge [sflag:s17], $0x640  }
0x73: {  	[sflag:s17] =	ssyncset.done $0x0  }
0x74: {  	[sflag:s17] =	ssyncadd.s32 $0xFFFFF9C0  }
0x75: {  	[spmem:s1] =	stream.indirect.scatter.add.f32 [tilespmem:s8], [sflag:$0x2], $0x10, s7, s13, $0xb8;
	[tilespmem:$0x3570] =	vst v63  }
0x76: {  	_ =	swait.ge [sflag:s15], $0x640  }
0x77: {  	[sflag:s15] =	ssyncset.done $0x0  }
0x78: {  	[sflag:s15] =	ssyncadd.s32 $0xFFFFF9C0  }
0x79: {  	_ =	swait.ge [sflag:s17], $0x640  }
0x7a: {  	s24 =	simm.s32 $0x104;
	[sflag:s17] =	ssyncset.done $0x0  }
.LBB2_2:
0x7b: {  	s25 =	rddreg [dreg:$0x4];
	s10 =	smov.u32 s24  }
0x7c: {  	[sflag:s17] =	ssyncadd.s32 $0xFFFFF9C0;
	s10 =	sadd.s32 s10, s25  }
0x7d: {  	[tilespmem:s12], [sflag:$0x3] =	stream.linear.gather [hbm4b:s10+s2], $0x820, $0x38;
	[tilespmem:$0x3570] =	vst v63  }
0x7e: {  	_ =	swait.ge [sflag:s9], $0x820  }
0x7f: {  	[sflag:s9] =	ssyncset.done $0x0  }
0x80: {  	[sflag:s9] =	ssyncadd.s32 $0xFFFFF7E0  }
0x81: {  	[spmem:s1] =	stream.indirect.scatter.add.f32 [tilespmem:s8], [sflag:$0x1], $0x10, s12, s13, $0xb8;
	[tilespmem:$0x3570] =	vst v63  }
0x82: {  	_ = 	snop  }
0x83: {  	[spmem:s1] =	stream.indirect.scatter.add.f32 [tilespmem:s8], [sflag:$0x2], $0x10, s14, s13, $0xb8;
	[tilespmem:$0x3570] =	vst v63  }
0x84: {  	_ =	swait.ge [sflag:s15], $0x640  }
0x85: {  	[sflag:s15] =	ssyncset.done $0x0  }
0x86: {  	[sflag:s15] =	ssyncadd.s32 $0xFFFFF9C0  }
0x87: {  	[spmem:s1] =	stream.indirect.scatter.add.f32 [tilespmem:s8], [sflag:$0x1], $0x10, s16, s13, $0xb8;
	[tilespmem:$0x3570] =	vst v63  }
0x88: {  	_ =	swait.ge [sflag:s17], $0x640  }
0x89: {  	[sflag:s17] =	ssyncset.done $0x0  }
0x8a: {  	[sflag:s17] =	ssyncadd.s32 $0xFFFFF9C0  }
0x8b: {  	[spmem:s1] =	stream.indirect.scatter.add.f32 [tilespmem:s8], [sflag:$0x2], $0x10, s18, s13, $0xb8;
	[tilespmem:$0x3570] =	vst v63  }
0x8c: {  	_ =	swait.ge [sflag:s15], $0x640  }
0x8d: {  	[sflag:s15] =	ssyncset.done $0x0  }
0x8e: {  	[sflag:s15] =	ssyncadd.s32 $0xFFFFF9C0  }
0x8f: {  	[spmem:s1] =	stream.indirect.scatter.add.f32 [tilespmem:s8], [sflag:$0x1], $0x10, s19, s13, $0xb8;
	[tilespmem:$0x3570] =	vst v63  }
0x90: {  	_ =	swait.ge [sflag:s17], $0x640  }
0x91: {  	[sflag:s17] =	ssyncset.done $0x0  }
0x92: {  	[sflag:s17] =	ssyncadd.s32 $0xFFFFF9C0  }
0x93: {  	[spmem:s1] =	stream.indirect.scatter.add.f32 [tilespmem:s8], [sflag:$0x2], $0x10, s20, s13, $0xb8;
	[tilespmem:$0x3570] =	vst v63  }
0x94: {  	_ =	swait.ge [sflag:s15], $0x640  }
0x95: {  	[sflag:s15] =	ssyncset.done $0x0  }
0x96: {  	[sflag:s15] =	ssyncadd.s32 $0xFFFFF9C0  }
0x97: {  	[spmem:s1] =	stream.indirect.scatter.add.f32 [tilespmem:s8], [sflag:$0x1], $0x10, s21, s13, $0xb8;
	[tilespmem:$0x3570] =	vst v63  }
0x98: {  	_ =	swait.ge [sflag:s17], $0x640  }
0x99: {  	[sflag:s17] =	ssyncset.done $0x0  }
0x9a: {  	[sflag:s17] =	ssyncadd.s32 $0xFFFFF9C0  }
0x9b: {  	[spmem:s1] =	stream.indirect.scatter.add.f32 [tilespmem:s8], [sflag:$0x2], $0x10, s22, s13, $0xb8;
	[tilespmem:$0x3570] =	vst v63  }
0x9c: {  	_ =	swait.ge [sflag:s15], $0x640  }
0x9d: {  	[sflag:s15] =	ssyncset.done $0x0  }
0x9e: {  	[sflag:s15] =	ssyncadd.s32 $0xFFFFF9C0  }
0x9f: {  	[spmem:s1] =	stream.indirect.scatter.add.f32 [tilespmem:s8], [sflag:$0x1], $0x10, s23, s13, $0xb8;
	[tilespmem:$0x3570] =	vst v63  }
0xa0: {  	_ =	swait.ge [sflag:s17], $0x640  }
0xa1: {  	[sflag:s17] =	ssyncset.done $0x0  }
0xa2: {  	[sflag:s17] =	ssyncadd.s32 $0xFFFFF9C0  }
0xa3: {  	[spmem:s1] =	stream.indirect.scatter.add.f32 [tilespmem:s8], [sflag:$0x2], $0x10, s26, s13, $0xb8;
	[tilespmem:$0x3570] =	vst v63  }
0xa4: {  	_ =	swait.ge [sflag:s15], $0x640  }
0xa5: {  	[sflag:s15] =	ssyncset.done $0x0  }
0xa6: {  	[sflag:s15] =	ssyncadd.s32 $0xFFFFF9C0  }
0xa7: {  	[spmem:s1] =	stream.indirect.scatter.add.f32 [tilespmem:s8], [sflag:$0x1], $0x10, s28, s13, $0xb8;
	[tilespmem:$0x3570] =	vst v63  }
0xa8: {  	_ =	swait.ge [sflag:s17], $0x640  }
0xa9: {  	[sflag:s17] =	ssyncset.done $0x0  }
0xaa: {  	[sflag:s17] =	ssyncadd.s32 $0xFFFFF9C0  }
0xab: {  	[spmem:s1] =	stream.indirect.scatter.add.f32 [tilespmem:s8], [sflag:$0x2], $0x10, s29, s13, $0xb8;
	[tilespmem:$0x3570] =	vst v63  }
0xac: {  	_ =	swait.ge [sflag:s15], $0x640  }
0xad: {  	[sflag:s15] =	ssyncset.done $0x0  }
0xae: {  	[sflag:s15] =	ssyncadd.s32 $0xFFFFF9C0  }
0xaf: {  	[spmem:s1] =	stream.indirect.scatter.add.f32 [tilespmem:s8], [sflag:$0x1], $0x10, s30, s13, $0xb8;
	[tilespmem:$0x3570] =	vst v63  }
0xb0: {  	_ =	swait.ge [sflag:s17], $0x640  }
0xb1: {  	[sflag:s17] =	ssyncset.done $0x0  }
0xb2: {  	[sflag:s17] =	ssyncadd.s32 $0xFFFFF9C0  }
0xb3: {  	[spmem:s1] =	stream.indirect.scatter.add.f32 [tilespmem:s8], [sflag:$0x2], $0x10, s31, s13, $0xb8;
	[tilespmem:$0x3570] =	vst v63  }
0xb4: {  	_ =	swait.ge [sflag:s15], $0x640  }
0xb5: {  	[sflag:s15] =	ssyncset.done $0x0  }
0xb6: {  	[sflag:s15] =	ssyncadd.s32 $0xFFFFF9C0  }
0xb7: {  	[spmem:s1] =	stream.indirect.scatter.add.f32 [tilespmem:s8], [sflag:$0x1], $0x10, s0, s13, $0xb8;
	[tilespmem:$0x3570] =	vst v63  }
0xb8: {  	_ =	swait.ge [sflag:s17], $0x640  }
0xb9: {  	[sflag:s17] =	ssyncset.done $0x0  }
0xba: {  	[sflag:s17] =	ssyncadd.s32 $0xFFFFF9C0  }
0xbb: {  	[spmem:s1] =	stream.indirect.scatter.add.f32 [tilespmem:s8], [sflag:$0x2], $0x10, s3, s13, $0xb8;
	[tilespmem:$0x3570] =	vst v63  }
0xbc: {  	_ =	swait.ge [sflag:s15], $0x640  }
0xbd: {  	[sflag:s15] =	ssyncset.done $0x0  }
0xbe: {  	[sflag:s15] =	ssyncadd.s32 $0xFFFFF9C0  }
0xbf: {  	[spmem:s1] =	stream.indirect.scatter.add.f32 [tilespmem:s8], [sflag:$0x1], $0x10, s4, s13, $0xb8;
	[tilespmem:$0x3570] =	vst v63  }
0xc0: {  	_ =	swait.ge [sflag:s17], $0x640  }
0xc1: {  	[sflag:s17] =	ssyncset.done $0x0  }
0xc2: {  	[sflag:s17] =	ssyncadd.s32 $0xFFFFF9C0  }
0xc3: {  	[spmem:s1] =	stream.indirect.scatter.add.f32 [tilespmem:s8], [sflag:$0x2], $0x10, s5, s13, $0xb8;
	[tilespmem:$0x3570] =	vst v63  }
0xc4: {  	_ =	swait.ge [sflag:s15], $0x640  }
0xc5: {  	[sflag:s15] =	ssyncset.done $0x0  }
0xc6: {  	[sflag:s15] =	ssyncadd.s32 $0xFFFFF9C0  }
0xc7: {  	[spmem:s1] =	stream.indirect.scatter.add.f32 [tilespmem:s8], [sflag:$0x1], $0x10, s6, s13, $0xb8;
	[tilespmem:$0x3570] =	vst v63  }
0xc8: {  	_ =	swait.ge [sflag:s17], $0x640  }
0xc9: {  	[sflag:s17] =	ssyncset.done $0x0  }
0xca: {  	p1 =	sne.s32 s24, $0x410;
	[sflag:s17] =	ssyncadd.s32 $0xFFFFF9C0  }
0xcb: {  	[spmem:s1] =	stream.indirect.scatter.add.f32 [tilespmem:s8], [sflag:$0x2], $0x10, s7, s13, $0xb8;
	[tilespmem:$0x3570] =	vst v63  }
.Ltmp0:
0xcc: {  	_ =	swait.ge [sflag:s15], $0x640;
	(pc) =	sbr.rel @p1 .LBB2_2-.Ltmp0, $4  }
0xcd: {  	[sflag:s15] =	ssyncset.done $0x0  }
0xce: {  	[sflag:s15] =	ssyncadd.s32 $0xFFFFF9C0  }
0xcf: {  	_ =	swait.ge [sflag:s17], $0x640  }
0xd0: {  	s24 =	sadd.s32 $0x104, s24;
	[sflag:s17] =	ssyncset.done $0x0  }
0xd1: {  	[sflag:s17] =	ssyncadd.s32 $0xFFFFF9C0  }
0xd2: {  	[bflag:$0x0] =	sbarrier.arrive $0xFFFF  }
0xd3: {  	s10 =	rddreg [dreg:$0x7]  }
0xd4: {  	s25 =	rddreg [dreg:$0xa]  }
0xd5: {  	s24 =	rddreg [dreg:$0xc]  }
0xd6: {  	[hbm:s10], [sflag:s25] =	dma.local [spmem:s24], $0x4E0  }
0xd7: {  	_ =	swait.ge [sflag:s9], $0x4E0  }
0xd8: {  	[sflag:s9] =	ssyncset.done $0x0;
	s10 =	rddreg [dreg:$0x8]  }
0xd9: {  	s24 =	rddreg [dreg:$0xd];
	[sflag:s9] =	ssyncadd.s32 $0xFFFFFB20  }
0xda: {  	[hbm:s10], [sflag:s25] =	dma.local @!p0 [spmem:s24], $0x20  }
0xdb: {  	s10 =	simm.s32 @!p0 $0x3  }
0xdc: {  	_ =	swait.ge @!p0 [sflag:s10], $0x20  }
0xdd: {  	s11 =	sadd.s32 $0x1, s11;
	s24 =	rddreg [dreg:$0x9]  }
0xde: {  	p1 =	sne.s32 s11, s24  }
.Ltmp1:
0xdf: {  	_ = 	snop;
	(pc) =	sbr.rel @p1 .LBB2_1-.Ltmp1, $3  }
0xe0: {  	_ =	sdelay $0x1  }
0xe1: {  	[sflag:s10] =	ssyncset.done @!p0 $0x0  }
0xe2: {  	[sflag:s10] =	ssyncadd.s32 @!p0 $0xFFFFFFE0  }
0xe3: {  	_ =	sfence.sel $0x180000  }
0xe4: {  	[bflag:$0x0] =	sbarrier.arrive $0xFFFF  }
0xe5: {  	_ =	strace $0x90000047  }
0xe6: {  	[bflag:$0x2] =	sbarrier.arrive $0xFFFF  }
0xe7: {  	s0 =	rddreg [dreg:$0x3]  }
0xe8: {  	s0 =	sadd.s32 @!p0 $0x100000, s0  }
0xe9: {  	[sflag:s0] =	ssyncadd.tile.s32 @!p0 $0x1;
	_ =	shalt  }
.Lfunc_end2:
_tile_overlayer_lowered:
.L_overlay_start_2:
0xea: {  	(tag) =	ssettag $0x2  }
0xeb: {  	s0 =	rddreg [dreg:$0x0];
	s2 =	stileid.u32  }
0xec: {  	s1 =	rddreg [dreg:$0x1];
	p0 =	sne.s32 s2, $0x0  }
0xed: {  	s3 =	rddreg [dreg:$0x2];
	[bflag:$0x3] =	sbarrier.arrive $0xFFFF;
	s2 =	simm.s32 @!p0 $0x1C03  }
0xee: {  	[timem:s3], [sflag:s2] =	dma.local @!p0 [hbm:s0], s1  }
0xef: {  	s0 =	simm.s32 @!p0 $0x3  }
0xf0: {  	_ =	swait.ge @!p0 [sflag:s0], s1  }
0xf1: {  	s1 =	ssub.s32 @!p0 $0x0, s1;
	[sflag:s0] =	ssyncset.done @!p0 $0x0  }
0xf2: {  	[sflag:s0] =	ssyncadd.s32 @!p0 s1  }
0xf3: {  	[bflag:$0x3] =	sbarrier.arrive $0xFFFF  }
0xf4: {  	_ =	shalt  }

</sc_bundles>
